<compile_context>
chip_gen: v7x
topology: tpu7x:2x2x1
jax: 0.10.2.dev20260603
libtpu: 0.0.44.dev20260713+nightly
codegen_flags: <defaults>
</compile_context>

<pallas_src>
import functools

import jax
import jax.numpy as jnp
from jax import lax
from jax.experimental import pallas as pl
from jax.experimental.pallas import tpu as pltpu
from jax.experimental.pallas import tpu_sc as plsc

_NC = 2
_NS = 16
_NW = _NC * _NS
_L = 16

_BLK = 25600


def _make_proj_body(d_u, d_i):
    def _proj_body(utt_ref, itt_ref, fcw_ref, pu_ref, pi_ref):
        wu = fcw_ref[:, :d_u]
        wi = fcw_ref[:, d_u:d_u + d_i]
        pu_ref[...] = jnp.dot(wu, utt_ref[...],
                              preferred_element_type=jnp.float32)[0]
        pi_ref[...] = jnp.dot(wi, itt_ref[...],
                              preferred_element_type=jnp.float32)[0]
    return _proj_body


def _project_tables(ut_t, it_t, fcw):
    d, v = ut_t.shape
    grid = (v + _BLK - 1) // _BLK
    return pl.pallas_call(
        _make_proj_body(ut_t.shape[0], it_t.shape[0]),
        grid=(grid,),
        in_specs=[
            pl.BlockSpec((d, _BLK), lambda j: (0, j)),
            pl.BlockSpec((d, _BLK), lambda j: (0, j)),
            pl.BlockSpec(fcw.shape, lambda j: (0, 0)),
        ],
        out_specs=[
            pl.BlockSpec((_BLK,), lambda j: (j,)),
            pl.BlockSpec((_BLK,), lambda j: (j,)),
        ],
        out_shape=[
            jax.ShapeDtypeStruct((v,), jnp.float32),
            jax.ShapeDtypeStruct((v,), jnp.float32),
        ],
    )(ut_t, it_t, fcw)


def _make_pf_body(woff, d_f):
    def _pf_body(ftt_ref, fcw_ref, pf_ref):
        wf = fcw_ref[:, woff:woff + d_f]
        pf_ref[...] = jnp.dot(wf, ftt_ref[...],
                              preferred_element_type=jnp.float32)[0]
    return _pf_body


def _project_feature_table(ft_t, fcw, woff):
    d, v_f = ft_t.shape
    return pl.pallas_call(
        _make_pf_body(woff, d),
        out_shape=jax.ShapeDtypeStruct((v_f,), jnp.float32),
    )(ft_t, fcw)


def _mesh():
    return plsc.VectorSubcoreMesh(
        core_axis_name="c", subcore_axis_name="s",
        num_cores=_NC, num_subcores=_NS)


def _make_sc1(b, f_len, d_s, v_f, ws_off):
    bpw = b // _NW
    n_grp = bpw // _L

    @functools.partial(
        pl.kernel,
        out_type=jax.ShapeDtypeStruct((b,), jnp.float32),
        mesh=_mesh(),
        compiler_params=pltpu.CompilerParams(
            needs_layout_passes=False, use_tc_tiling_on_sc=False),
        scratch_types=[
            pltpu.VMEM((bpw,), jnp.int32),
            pltpu.VMEM((f_len, bpw), jnp.int32),
            pltpu.VMEM((bpw,), jnp.int32),
            pltpu.VMEM((bpw, d_s), jnp.float32),
            pltpu.VMEM((v_f,), jnp.float32),
            pltpu.VMEM((d_s + _L,), jnp.float32),
            pltpu.VMEM((bpw,), jnp.float32),
            [pltpu.SemaphoreType.DMA] * 5,
            [pltpu.SemaphoreType.DMA] * 4,
        ],
    )
    def sc1(sidx, fidx_t, flen, st, pf, ws, out,
            sidx_v, fidx_v, flen_v, srows_v, pf_v, ws_v, out_v,
            sems, sems_s):
        wid = lax.axis_index("s") * _NC + lax.axis_index("c")
        base = wid * bpw

        c_stage = [
            pltpu.async_copy(sidx.at[pl.ds(base, bpw)], sidx_v, sems[0]),
            pltpu.async_copy(fidx_t.at[:, pl.ds(base, bpw)], fidx_v, sems[1]),
            pltpu.async_copy(flen.at[pl.ds(base, bpw)], flen_v, sems[2]),
            pltpu.async_copy(pf, pf_v, sems[3]),
            pltpu.async_copy(ws.at[0, pl.ds(ws_off, d_s)],
                             ws_v.at[pl.ds(0, d_s)], sems[4]),
        ]
        c_stage[0].wait()
        n_sp = len(sems_s)
        spr = bpw // n_sp
        cs = [
            pltpu.async_copy(st.at[sidx_v.at[pl.ds(k * spr, spr)]],
                             srows_v.at[pl.ds(k * spr, spr)], sems_s[k])
            for k in range(n_sp)]
        for c in c_stage[1:]:
            c.wait()

        for g in range(n_grp):
            facc = jnp.zeros((_L,), jnp.float32)
            lv = flen_v[pl.ds(g * _L, _L)].astype(jnp.float32)
            for f in range(f_len):
                idxv = fidx_v[f, pl.ds(g * _L, _L)]
                vals = plsc.load_gather(pf_v, [idxv])
                facc = facc + jnp.where(jnp.float32(f) < lv, vals, 0.0)
            out_v[pl.ds(g * _L, _L)] = facc / lv

        for c in cs:
            c.wait()

        lanes = lax.iota(jnp.int32, _L)
        ridx = [g * _L + lanes for g in range(n_grp)]
        accs = tuple(out_v[pl.ds(g * _L, _L)] for g in range(n_grp))

        def body(_, carry):
            col, *accs = carry
            wv = plsc.load_gather(ws_v, [col])
            accs = [
                a + plsc.load_gather(srows_v, [ridx[g], col]) * wv
                for g, a in enumerate(accs)]
            return (col + 1, *accs)

        carry = lax.fori_loop(
            0, d_s, body, (jnp.zeros((_L,), jnp.int32), *accs), unroll=4)
        for g in range(n_grp):
            out_v[pl.ds(g * _L, _L)] = carry[1 + g]

        pltpu.sync_copy(out_v, out.at[pl.ds(base, bpw)])

    return sc1


def _make_sc2(b):
    bpw = b // _NW
    n_grp = bpw // _L

    @functools.partial(
        pl.kernel,
        out_type=jax.ShapeDtypeStruct((b,), jnp.float32),
        mesh=_mesh(),
        compiler_params=pltpu.CompilerParams(
            needs_layout_passes=False, use_tc_tiling_on_sc=False),
        scratch_types=[
            pltpu.VMEM((bpw,), jnp.int32),
            pltpu.VMEM((bpw,), jnp.int32),
            pltpu.VMEM((bpw,), jnp.float32),
            pltpu.VMEM((bpw,), jnp.float32),
            pltpu.VMEM((bpw,), jnp.float32),
            pltpu.VMEM((_L,), jnp.float32),
            [pltpu.SemaphoreType.DMA] * 6,
        ],
    )
    def sc2(uidx, iidx, part, pu, pi, bias, out,
            uidx_v, iidx_v, part_v, uval_v, ival_v, bias_v, sems):
        wid = lax.axis_index("s") * _NC + lax.axis_index("c")
        base = wid * bpw

        cu0 = pltpu.async_copy(uidx.at[pl.ds(base, bpw)], uidx_v, sems[0])
        ci0 = pltpu.async_copy(iidx.at[pl.ds(base, bpw)], iidx_v, sems[1])
        cp = pltpu.async_copy(part.at[pl.ds(base, bpw)], part_v, sems[2])
        cb = pltpu.async_copy(bias.at[pl.ds(0, 1)], bias_v.at[pl.ds(0, 1)],
                              sems[5])
        cu0.wait()
        cu = pltpu.async_copy(pu.at[uidx_v], uval_v, sems[3])
        ci0.wait()
        ci = pltpu.async_copy(pi.at[iidx_v], ival_v, sems[4])
        cp.wait()
        cu.wait()
        ci.wait()
        cb.wait()
        bvec = plsc.load_gather(bias_v, [jnp.zeros((_L,), jnp.int32)])
        for g in range(n_grp):
            sl = pl.ds(g * _L, _L)
            part_v[sl] = part_v[sl] + uval_v[sl] + ival_v[sl] + bvec
        pltpu.sync_copy(part_v, out.at[pl.ds(base, bpw)])

    return sc2


def kernel(user, item, sentence, feature, feature_len, user_table, item_table,
           feature_table, sent_table, fc_w, fc_b):
    b = user.shape[0]
    f_len = feature.shape[1]
    d_u = user_table.shape[1]
    d_i = item_table.shape[1]
    d_s = sent_table.shape[1]
    v_f = feature_table.shape[0]

    fcw = fc_w.astype(jnp.float32)

    pf = _project_feature_table(feature_table.T, fcw, d_u + d_i + d_s)
    pu, pi = _project_tables(user_table.T, item_table.T, fcw)

    fidx_t = feature.astype(jnp.int32).T
    flen_i = feature_len.astype(jnp.int32)

    sc1 = _make_sc1(b, f_len, d_s, v_f, d_u + d_i)
    part = sc1(sentence.astype(jnp.int32), fidx_t, flen_i,
               sent_table.astype(jnp.float32), pf, fcw)
    sc2 = _make_sc2(b)
    res = sc2(user.astype(jnp.int32), item.astype(jnp.int32), part, pu, pi,
              fc_b.astype(jnp.float32))
    return res.reshape(b, 1)

# --- scband reference (transcript-rebuilt; emitter-appended) ---
"""Pipeline reference for scband-feat-sent-ext-89446988907021 (READ-ONLY COPY).

The authoritative reference and input builder live on the scoring server;
editing this copy changes nothing except your own understanding.
"""

import jax, jax.numpy as jnp
import numpy as np

B = 4096
F_LEN = 20
USER_NUM = 100000
ITEM_NUM = 100000
FEAT_NUM = 1000
SENT_NUM = 100000
D_USER = 64
D_ITEM = 64
D_FEAT = 64
D_SENT = 128


def setup_inputs(seed: int = 0) -> dict:
    key = jax.random.key(seed)
    ks = jax.random.split(key, 11)
    user = jax.random.randint(ks[0], (B,), 0, USER_NUM)
    item = jax.random.randint(ks[1], (B,), 0, ITEM_NUM)
    sentence = jax.random.randint(ks[2], (B,), 0, SENT_NUM)
    feature = jax.random.randint(ks[3], (B, F_LEN), 0, FEAT_NUM)
    # feature_len must be >= 1 to avoid division by zero (as in the torch data pipeline)
    feature_len = jax.random.randint(ks[4], (B,), 1, F_LEN + 1)
    user_table = jax.random.uniform(ks[5], (USER_NUM, D_USER), minval=-0.001, maxval=0.001, dtype=jnp.float32)
    item_table = jax.random.uniform(ks[6], (ITEM_NUM, D_ITEM), minval=-0.001, maxval=0.001, dtype=jnp.float32)
    feature_table = jax.random.normal(ks[7], (FEAT_NUM, D_FEAT), dtype=jnp.float32) * 0.02
    sent_table = jax.random.normal(ks[8], (SENT_NUM, D_SENT), dtype=jnp.float32) * 0.02
    fc_w = jax.random.uniform(ks[9], (1, D_USER + D_ITEM + D_SENT + D_FEAT), minval=-0.001, maxval=0.001, dtype=jnp.float32)
    fc_b = jnp.zeros((1,), dtype=jnp.float32)
    return {
        'user': user, 'item': item, 'sentence': sentence,
        'feature': feature, 'feature_len': feature_len,
        'user_table': user_table, 'item_table': item_table,
        'feature_table': feature_table, 'sent_table': sent_table,
        'fc_w': fc_w, 'fc_b': fc_b,
    }


def reference(user, item, sentence, feature, feature_len, user_table, item_table, feature_table, sent_table, fc_w, fc_b):
    user_embed = jnp.take(user_table, user, axis=0)
    item_embed = jnp.take(item_table, item, axis=0)
    sent_embed = jnp.take(sent_table, sentence, axis=0)
    feat_embed = jnp.take(feature_table, feature, axis=0)  # [B, F_LEN, D_FEAT]
    max_feat_length = feature.shape[1]
    mask = (jnp.arange(max_feat_length)[None, :] < feature_len[:, None]).astype(jnp.float32)
    mask = mask[:, :, None]
    feat_embed = feat_embed * mask
    feat_embed = jnp.sum(feat_embed, axis=1)
    feat_embed = feat_embed / feature_len[:, None].astype(jnp.float32)
    concat_embed = jnp.concatenate((user_embed, item_embed, sent_embed, feat_embed), axis=-1)
    output = concat_embed @ fc_w.T + fc_b
    return output

if __name__ == "__main__":
    import jax
    _d = setup_inputs()
    print(jax.jit(kernel)(*tuple(_d.values())))

</pallas_src>

<mosaic_0001>
#map = affine_map<(d0, d1) -> (0)>
#map1 = affine_map<(d0, d1) -> (0, 0)>
module attributes {stable_mosaic.version = 14 : i64} {
  func.func @sc1(%arg0: i32, %arg1: i32, %arg2: memref<4096xi32, #tpu.memory_space<hbm>>, %arg3: memref<20x4096xi32, #tpu.memory_space<hbm>>, %arg4: memref<4096xi32, #tpu.memory_space<hbm>>, %arg5: memref<100000x128xf32, #tpu.memory_space<hbm>>, %arg6: memref<1000xf32, #tpu.memory_space<hbm>>, %arg7: memref<1x320xf32, #tpu.memory_space<hbm>>, %arg8: memref<4096xf32, #tpu.memory_space<hbm>>, %arg9: memref<128xi32, #tpu.memory_space<vmem>>, %arg10: memref<20x128xi32, #tpu.memory_space<vmem>>, %arg11: memref<128xi32, #tpu.memory_space<vmem>>, %arg12: memref<128x128xf32, #tpu.memory_space<vmem>>, %arg13: memref<1000xf32, #tpu.memory_space<vmem>>, %arg14: memref<144xf32, #tpu.memory_space<vmem>>, %arg15: memref<128xf32, #tpu.memory_space<vmem>>, %arg16: memref<!tpu.dma_semaphore, #tpu.memory_space<semaphore_mem>>, %arg17: memref<!tpu.dma_semaphore, #tpu.memory_space<semaphore_mem>>, %arg18: memref<!tpu.dma_semaphore, #tpu.memory_space<semaphore_mem>>, %arg19: memref<!tpu.dma_semaphore, #tpu.memory_space<semaphore_mem>>, %arg20: memref<!tpu.dma_semaphore, #tpu.memory_space<semaphore_mem>>, %arg21: memref<!tpu.dma_semaphore, #tpu.memory_space<semaphore_mem>>, %arg22: memref<!tpu.dma_semaphore, #tpu.memory_space<semaphore_mem>>, %arg23: memref<!tpu.dma_semaphore, #tpu.memory_space<semaphore_mem>>, %arg24: memref<!tpu.dma_semaphore, #tpu.memory_space<semaphore_mem>>) attributes {dimension_semantics = [#tpu.dimension_semantics<core_parallel>, #tpu.dimension_semantics<subcore_parallel>], iteration_bounds = array<i64: 2, 16>, scalar_prefetch = 0 : i64, scratch_operands = 16 : i64, tpu.core_type = #tpu.core_type<sc_vector_subcore>, window_params = [{transform_indices = #map}, {transform_indices = #map1}, {transform_indices = #map}, {transform_indices = #map1}, {transform_indices = #map}, {transform_indices = #map1}, {transform_indices = #map}]} {
    %mul3A = arith.constant 2 : i32
    %mul3A_0 = arith.muli %arg1, %mul3A : i32
    %add3A = arith.addi %mul3A_0, %arg0 : i32
    %mul3A_1 = arith.constant 128 : i32
    %mul3A_2 = arith.muli %add3A, %mul3A_1 : i32
    %dma_start3A = tpu.memref_slice %arg2[%mul3A_2] : memref<4096xi32, #tpu.memory_space<hbm>> -> memref<128xi32, #tpu.memory_space<hbm>>
    %dma_start3A_3 = tpu.memref_slice %arg2[%mul3A_2] : memref<4096xi32, #tpu.memory_space<hbm>> -> memref<128xi32, #tpu.memory_space<hbm>>
    tpu.enqueue_dma source(%dma_start3A_3 : memref<128xi32, #tpu.memory_space<hbm>>) target(%arg9 : memref<128xi32, #tpu.memory_space<vmem>>) target_semaphore(%arg16 : memref<!tpu.dma_semaphore, #tpu.memory_space<semaphore_mem>>)
    %dma_start3A_4 = arith.constant 0 : i32
    %dma_start3A_5 = tpu.memref_slice %arg3[%dma_start3A_4, %mul3A_2] : memref<20x4096xi32, #tpu.memory_space<hbm>> -> memref<20x128xi32, #tpu.memory_space<hbm>>
    %dma_start3A_6 = arith.constant 0 : i32
    %dma_start3A_7 = tpu.memref_slice %arg3[%dma_start3A_6, %mul3A_2] : memref<20x4096xi32, #tpu.memory_space<hbm>> -> memref<20x128xi32, #tpu.memory_space<hbm>>
    tpu.enqueue_dma source(%dma_start3A_7 : memref<20x128xi32, #tpu.memory_space<hbm>>) target(%arg10 : memref<20x128xi32, #tpu.memory_space<vmem>>) target_semaphore(%arg17 : memref<!tpu.dma_semaphore, #tpu.memory_space<semaphore_mem>>)
    %dma_start3A_8 = tpu.memref_slice %arg4[%mul3A_2] : memref<4096xi32, #tpu.memory_space<hbm>> -> memref<128xi32, #tpu.memory_space<hbm>>
    %dma_start3A_9 = tpu.memref_slice %arg4[%mul3A_2] : memref<4096xi32, #tpu.memory_space<hbm>> -> memref<128xi32, #tpu.memory_space<hbm>>
    tpu.enqueue_dma source(%dma_start3A_9 : memref<128xi32, #tpu.memory_space<hbm>>) target(%arg11 : memref<128xi32, #tpu.memory_space<vmem>>) target_semaphore(%arg18 : memref<!tpu.dma_semaphore, #tpu.memory_space<semaphore_mem>>)
    tpu.enqueue_dma source(%arg6 : memref<1000xf32, #tpu.memory_space<hbm>>) target(%arg13 : memref<1000xf32, #tpu.memory_space<vmem>>) target_semaphore(%arg19 : memref<!tpu.dma_semaphore, #tpu.memory_space<semaphore_mem>>)
    %dma_start3A_10 = arith.constant 0 : i32
    %dma_start3A_11 = arith.constant 0 : i32
    %dma_start3A_12 = tpu.memref_slice %arg14[%dma_start3A_11] : memref<144xf32, #tpu.memory_space<vmem>> -> memref<128xf32, #tpu.memory_space<vmem>>
    %dma_start3A_13 = arith.constant 128 : i32
    %dma_start3A_14 = tpu.memref_slice %arg7[%dma_start3A_10, %dma_start3A_13] : memref<1x320xf32, #tpu.memory_space<hbm>> -> memref<1x128xf32, #tpu.memory_space<hbm>>
    %dma_start3A_15 = tpu.memref_squeeze %dma_start3A_14 : memref<1x128xf32, #tpu.memory_space<hbm>> -> memref<128xf32, #tpu.memory_space<hbm>>
    %dma_start3A_16 = arith.constant 0 : i32
    %dma_start3A_17 = tpu.memref_slice %arg14[%dma_start3A_16] : memref<144xf32, #tpu.memory_space<vmem>> -> memref<128xf32, #tpu.memory_space<vmem>>
    %dma_start3A_18 = arith.constant 128 : i32
    %dma_start3A_19 = tpu.memref_slice %arg7[%dma_start3A_10, %dma_start3A_18] : memref<1x320xf32, #tpu.memory_space<hbm>> -> memref<1x128xf32, #tpu.memory_space<hbm>>
    %dma_start3A_20 = tpu.memref_squeeze %dma_start3A_19 : memref<1x128xf32, #tpu.memory_space<hbm>> -> memref<128xf32, #tpu.memory_space<hbm>>
    tpu.enqueue_dma source(%dma_start3A_20 : memref<128xf32, #tpu.memory_space<hbm>>) target(%dma_start3A_17 : memref<128xf32, #tpu.memory_space<vmem>>) target_semaphore(%arg20 : memref<!tpu.dma_semaphore, #tpu.memory_space<semaphore_mem>>)
    %dma_wait3A = tpu.memref_slice %arg2[%mul3A_2] : memref<4096xi32, #tpu.memory_space<hbm>> -> memref<128xi32, #tpu.memory_space<hbm>>
    %dma_wait3A_21 = tpu.memref_slice %arg2[%mul3A_2] : memref<4096xi32, #tpu.memory_space<hbm>> -> memref<128xi32, #tpu.memory_space<hbm>>
    tpu.wait_dma2 semaphore(%arg16 : memref<!tpu.dma_semaphore, #tpu.memory_space<semaphore_mem>>) src(%dma_wait3A_21 : memref<128xi32, #tpu.memory_space<hbm>>) dst(%arg9 : memref<128xi32, #tpu.memory_space<vmem>>)
    %dma_start3A_22 = arith.constant 0 : i32
    %dma_start3A_23 = arith.constant 0 : i32
    %dma_start3A_24 = tpu.memref_slice %arg12[%dma_start3A_22, %dma_start3A_23] : memref<128x128xf32, #tpu.memory_space<vmem>> -> memref<32x128xf32, #tpu.memory_space<vmem>>
    %dma_start3A_25 = arith.constant 0 : i32
    %dma_start3A_26 = tpu.memref_slice %arg9[%dma_start3A_25] : memref<128xi32, #tpu.memory_space<vmem>> -> memref<32xi32, #tpu.memory_space<vmem>>
    %dma_start3A_27 = arith.constant 0 : i32
    %dma_start3A_28 = arith.constant 0 : i32
    %dma_start3A_29 = tpu.memref_slice %arg5[%dma_start3A_27, %dma_start3A_28] : memref<100000x128xf32, #tpu.memory_space<hbm>> -> memref<100000x128xf32, #tpu.memory_space<hbm>>
    tpu.enqueue_indirect_dma source(%dma_start3A_29 : memref<100000x128xf32, #tpu.memory_space<hbm>>) target(%dma_start3A_24 : memref<32x128xf32, #tpu.memory_space<vmem>>) offsets(%dma_start3A_26 : memref<32xi32, #tpu.memory_space<vmem>>) semaphore(%arg21 : memref<!tpu.dma_semaphore, #tpu.memory_space<semaphore_mem>>)
    %dma_start3A_30 = arith.constant 32 : i32
    %dma_start3A_31 = arith.constant 0 : i32
    %dma_start3A_32 = tpu.memref_slice %arg12[%dma_start3A_30, %dma_start3A_31] : memref<128x128xf32, #tpu.memory_space<vmem>> -> memref<32x128xf32, #tpu.memory_space<vmem>>
    %dma_start3A_33 = arith.constant 32 : i32
    %dma_start3A_34 = tpu.memref_slice %arg9[%dma_start3A_33] : memref<128xi32, #tpu.memory_space<vmem>> -> memref<32xi32, #tpu.memory_space<vmem>>
    %dma_start3A_35 = arith.constant 0 : i32
    %dma_start3A_36 = arith.constant 0 : i32
    %dma_start3A_37 = tpu.memref_slice %arg5[%dma_start3A_35, %dma_start3A_36] : memref<100000x128xf32, #tpu.memory_space<hbm>> -> memref<100000x128xf32, #tpu.memory_space<hbm>>
    tpu.enqueue_indirect_dma source(%dma_start3A_37 : memref<100000x128xf32, #tpu.memory_space<hbm>>) target(%dma_start3A_32 : memref<32x128xf32, #tpu.memory_space<vmem>>) offsets(%dma_start3A_34 : memref<32xi32, #tpu.memory_space<vmem>>) semaphore(%arg22 : memref<!tpu.dma_semaphore, #tpu.memory_space<semaphore_mem>>)
    %dma_start3A_38 = arith.constant 64 : i32
    %dma_start3A_39 = arith.constant 0 : i32
    %dma_start3A_40 = tpu.memref_slice %arg12[%dma_start3A_38, %dma_start3A_39] : memref<128x128xf32, #tpu.memory_space<vmem>> -> memref<32x128xf32, #tpu.memory_space<vmem>>
    %dma_start3A_41 = arith.constant 64 : i32
    %dma_start3A_42 = tpu.memref_slice %arg9[%dma_start3A_41] : memref<128xi32, #tpu.memory_space<vmem>> -> memref<32xi32, #tpu.memory_space<vmem>>
    %dma_start3A_43 = arith.constant 0 : i32
    %dma_start3A_44 = arith.constant 0 : i32
    %dma_start3A_45 = tpu.memref_slice %arg5[%dma_start3A_43, %dma_start3A_44] : memref<100000x128xf32, #tpu.memory_space<hbm>> -> memref<100000x128xf32, #tpu.memory_space<hbm>>
    tpu.enqueue_indirect_dma source(%dma_start3A_45 : memref<100000x128xf32, #tpu.memory_space<hbm>>) target(%dma_start3A_40 : memref<32x128xf32, #tpu.memory_space<vmem>>) offsets(%dma_start3A_42 : memref<32xi32, #tpu.memory_space<vmem>>) semaphore(%arg23 : memref<!tpu.dma_semaphore, #tpu.memory_space<semaphore_mem>>)
    %dma_start3A_46 = arith.constant 96 : i32
    %dma_start3A_47 = arith.constant 0 : i32
    %dma_start3A_48 = tpu.memref_slice %arg12[%dma_start3A_46, %dma_start3A_47] : memref<128x128xf32, #tpu.memory_space<vmem>> -> memref<32x128xf32, #tpu.memory_space<vmem>>
    %dma_start3A_49 = arith.constant 96 : i32
    %dma_start3A_50 = tpu.memref_slice %arg9[%dma_start3A_49] : memref<128xi32, #tpu.memory_space<vmem>> -> memref<32xi32, #tpu.memory_space<vmem>>
    %dma_start3A_51 = arith.constant 0 : i32
    %dma_start3A_52 = arith.constant 0 : i32
    %dma_start3A_53 = tpu.memref_slice %arg5[%dma_start3A_51, %dma_start3A_52] : memref<100000x128xf32, #tpu.memory_space<hbm>> -> memref<100000x128xf32, #tpu.memory_space<hbm>>
    tpu.enqueue_indirect_dma source(%dma_start3A_53 : memref<100000x128xf32, #tpu.memory_space<hbm>>) target(%dma_start3A_48 : memref<32x128xf32, #tpu.memory_space<vmem>>) offsets(%dma_start3A_50 : memref<32xi32, #tpu.memory_space<vmem>>) semaphore(%arg24 : memref<!tpu.dma_semaphore, #tpu.memory_space<semaphore_mem>>)
    %dma_wait3A_54 = arith.constant 0 : i32
    %dma_wait3A_55 = tpu.memref_slice %arg3[%dma_wait3A_54, %mul3A_2] : memref<20x4096xi32, #tpu.memory_space<hbm>> -> memref<20x128xi32, #tpu.memory_space<hbm>>
    %dma_wait3A_56 = arith.constant 0 : i32
    %dma_wait3A_57 = tpu.memref_slice %arg3[%dma_wait3A_56, %mul3A_2] : memref<20x4096xi32, #tpu.memory_space<hbm>> -> memref<20x128xi32, #tpu.memory_space<hbm>>
    tpu.wait_dma2 semaphore(%arg17 : memref<!tpu.dma_semaphore, #tpu.memory_space<semaphore_mem>>) src(%dma_wait3A_57 : memref<20x128xi32, #tpu.memory_space<hbm>>) dst(%arg10 : memref<20x128xi32, #tpu.memory_space<vmem>>)
    %dma_wait3A_58 = tpu.memref_slice %arg4[%mul3A_2] : memref<4096xi32, #tpu.memory_space<hbm>> -> memref<128xi32, #tpu.memory_space<hbm>>
    %dma_wait3A_59 = tpu.memref_slice %arg4[%mul3A_2] : memref<4096xi32, #tpu.memory_space<hbm>> -> memref<128xi32, #tpu.memory_space<hbm>>
    tpu.wait_dma2 semaphore(%arg18 : memref<!tpu.dma_semaphore, #tpu.memory_space<semaphore_mem>>) src(%dma_wait3A_59 : memref<128xi32, #tpu.memory_space<hbm>>) dst(%arg11 : memref<128xi32, #tpu.memory_space<vmem>>)
    tpu.wait_dma2 semaphore(%arg19 : memref<!tpu.dma_semaphore, #tpu.memory_space<semaphore_mem>>) src(%arg6 : memref<1000xf32, #tpu.memory_space<hbm>>) dst(%arg13 : memref<1000xf32, #tpu.memory_space<vmem>>)
    %dma_wait3A_60 = arith.constant 0 : i32
    %dma_wait3A_61 = arith.constant 0 : i32
    %dma_wait3A_62 = tpu.memref_slice %arg14[%dma_wait3A_61] : memref<144xf32, #tpu.memory_space<vmem>> -> memref<128xf32, #tpu.memory_space<vmem>>
    %dma_wait3A_63 = arith.constant 128 : i32
    %dma_wait3A_64 = tpu.memref_slice %arg7[%dma_wait3A_60, %dma_wait3A_63] : memref<1x320xf32, #tpu.memory_space<hbm>> -> memref<1x128xf32, #tpu.memory_space<hbm>>
    %dma_wait3A_65 = tpu.memref_squeeze %dma_wait3A_64 : memref<1x128xf32, #tpu.memory_space<hbm>> -> memref<128xf32, #tpu.memory_space<hbm>>
    %dma_wait3A_66 = arith.constant 0 : i32
    %dma_wait3A_67 = tpu.memref_slice %arg14[%dma_wait3A_66] : memref<144xf32, #tpu.memory_space<vmem>> -> memref<128xf32, #tpu.memory_space<vmem>>
    %dma_wait3A_68 = arith.constant 128 : i32
    %dma_wait3A_69 = tpu.memref_slice %arg7[%dma_wait3A_60, %dma_wait3A_68] : memref<1x320xf32, #tpu.memory_space<hbm>> -> memref<1x128xf32, #tpu.memory_space<hbm>>
    %dma_wait3A_70 = tpu.memref_squeeze %dma_wait3A_69 : memref<1x128xf32, #tpu.memory_space<hbm>> -> memref<128xf32, #tpu.memory_space<hbm>>
    tpu.wait_dma2 semaphore(%arg20 : memref<!tpu.dma_semaphore, #tpu.memory_space<semaphore_mem>>) src(%dma_wait3A_70 : memref<128xf32, #tpu.memory_space<hbm>>) dst(%dma_wait3A_67 : memref<128xf32, #tpu.memory_space<vmem>>)
    %broadcast_in_dim3A = arith.constant 0.000000e+00 : f32
    %broadcast_in_dim3A_71 = vector.broadcast %broadcast_in_dim3A : f32 to vector<16xf32>
    %get3A = arith.constant 0 : index
    %get3A_72 = tpu.vector_load %arg11[%get3A] {strides = array<i32>} : memref<128xi32, #tpu.memory_space<vmem>>, vector<16xi32>,
    %convert_element_type3A = arith.sitofp %get3A_72 : vector<16xi32> to vector<16xf32>
    %get3A_73 = arith.constant 0 : i32
    %get3A_74 = arith.index_cast %get3A_73 : i32 to index
    %get3A_75 = arith.constant 0 : index
    %get3A_76 = tpu.vector_load %arg10[%get3A_74, %get3A_75] {strides = array<i32>} : memref<20x128xi32, #tpu.memory_space<vmem>>, vector<16xi32>,
    %gather3A = tpu.vector_load_idx %arg13[%get3A_76] : memref<1000xf32, #tpu.memory_space<vmem>>[vector<16xi32>], vector<16xf32>,
    %lt3A = arith.constant 0.000000e+00 : f32
    %lt3A_77 = vector.broadcast %lt3A : f32 to vector<16xf32>
    %lt3A_78 = arith.cmpf olt, %lt3A_77, %convert_element_type3A : vector<16xf32>
    %jit3A = arith.constant 0.000000e+00 : f32
    %broadcast_in_dim3A_79 = vector.broadcast %jit3A : f32 to vector<16xf32>
    %select_n3A = arith.select %lt3A_78, %gather3A, %broadcast_in_dim3A_79 : vector<16xi1>, vector<16xf32>
    %add3A_80 = arith.addf %broadcast_in_dim3A_71, %select_n3A : vector<16xf32>
    %get3A_81 = arith.constant 1 : i32
    %get3A_82 = arith.index_cast %get3A_81 : i32 to index
    %get3A_83 = arith.constant 0 : index
    %get3A_84 = tpu.vector_load %arg10[%get3A_82, %get3A_83] {strides = array<i32>} : memref<20x128xi32, #tpu.memory_space<vmem>>, vector<16xi32>,
    %gather3A_85 = tpu.vector_load_idx %arg13[%get3A_84] : memref<1000xf32, #tpu.memory_space<vmem>>[vector<16xi32>], vector<16xf32>,
    %lt3A_86 = arith.constant 1.000000e+00 : f32
    %lt3A_87 = vector.broadcast %lt3A_86 : f32 to vector<16xf32>
    %lt3A_88 = arith.cmpf olt, %lt3A_87, %convert_element_type3A : vector<16xf32>
    %jit3A_89 = arith.constant 0.000000e+00 : f32
    %broadcast_in_dim3A_90 = vector.broadcast %jit3A_89 : f32 to vector<16xf32>
    %select_n3A_91 = arith.select %lt3A_88, %gather3A_85, %broadcast_in_dim3A_90 : vector<16xi1>, vector<16xf32>
    %add3A_92 = arith.addf %add3A_80, %select_n3A_91 : vector<16xf32>
    %get3A_93 = arith.constant 2 : i32
    %get3A_94 = arith.index_cast %get3A_93 : i32 to index
    %get3A_95 = arith.constant 0 : index
    %get3A_96 = tpu.vector_load %arg10[%get3A_94, %get3A_95] {strides = array<i32>} : memref<20x128xi32, #tpu.memory_space<vmem>>, vector<16xi32>,
    %gather3A_97 = tpu.vector_load_idx %arg13[%get3A_96] : memref<1000xf32, #tpu.memory_space<vmem>>[vector<16xi32>], vector<16xf32>,
    %lt3A_98 = arith.constant 2.000000e+00 : f32
    %lt3A_99 = vector.broadcast %lt3A_98 : f32 to vector<16xf32>
    %lt3A_100 = arith.cmpf olt, %lt3A_99, %convert_element_type3A : vector<16xf32>
    %jit3A_101 = arith.constant 0.000000e+00 : f32
    %broadcast_in_dim3A_102 = vector.broadcast %jit3A_101 : f32 to vector<16xf32>
    %select_n3A_103 = arith.select %lt3A_100, %gather3A_97, %broadcast_in_dim3A_102 : vector<16xi1>, vector<16xf32>
    %add3A_104 = arith.addf %add3A_92, %select_n3A_103 : vector<16xf32>
    %get3A_105 = arith.constant 3 : i32
    %get3A_106 = arith.index_cast %get3A_105 : i32 to index
    %get3A_107 = arith.constant 0 : index
    %get3A_108 = tpu.vector_load %arg10[%get3A_106, %get3A_107] {strides = array<i32>} : memref<20x128xi32, #tpu.memory_space<vmem>>, vector<16xi32>,
    %gather3A_109 = tpu.vector_load_idx %arg13[%get3A_108] : memref<1000xf32, #tpu.memory_space<vmem>>[vector<16xi32>], vector<16xf32>,
    %lt3A_110 = arith.constant 3.000000e+00 : f32
    %lt3A_111 = vector.broadcast %lt3A_110 : f32 to vector<16xf32>
    %lt3A_112 = arith.cmpf olt, %lt3A_111, %convert_element_type3A : vector<16xf32>
    %jit3A_113 = arith.constant 0.000000e+00 : f32
    %broadcast_in_dim3A_114 = vector.broadcast %jit3A_113 : f32 to vector<16xf32>
    %select_n3A_115 = arith.select %lt3A_112, %gather3A_109, %broadcast_in_dim3A_114 : vector<16xi1>, vector<16xf32>
    %add3A_116 = arith.addf %add3A_104, %select_n3A_115 : vector<16xf32>
    %get3A_117 = arith.constant 4 : i32
    %get3A_118 = arith.index_cast %get3A_117 : i32 to index
    %get3A_119 = arith.constant 0 : index
    %get3A_120 = tpu.vector_load %arg10[%get3A_118, %get3A_119] {strides = array<i32>} : memref<20x128xi32, #tpu.memory_space<vmem>>, vector<16xi32>,
    %gather3A_121 = tpu.vector_load_idx %arg13[%get3A_120] : memref<1000xf32, #tpu.memory_space<vmem>>[vector<16xi32>], vector<16xf32>,
    %lt3A_122 = arith.constant 4.000000e+00 : f32
    %lt3A_123 = vector.broadcast %lt3A_122 : f32 to vector<16xf32>
    %lt3A_124 = arith.cmpf olt, %lt3A_123, %convert_element_type3A : vector<16xf32>
    %jit3A_125 = arith.constant 0.000000e+00 : f32
    %broadcast_in_dim3A_126 = vector.broadcast %jit3A_125 : f32 to vector<16xf32>
    %select_n3A_127 = arith.select %lt3A_124, %gather3A_121, %broadcast_in_dim3A_126 : vector<16xi1>, vector<16xf32>
    %add3A_128 = arith.addf %add3A_116, %select_n3A_127 : vector<16xf32>
    %get3A_129 = arith.constant 5 : i32
    %get3A_130 = arith.index_cast %get3A_129 : i32 to index
    %get3A_131 = arith.constant 0 : index
    %get3A_132 = tpu.vector_load %arg10[%get3A_130, %get3A_131] {strides = array<i32>} : memref<20x128xi32, #tpu.memory_space<vmem>>, vector<16xi32>,
    %gather3A_133 = tpu.vector_load_idx %arg13[%get3A_132] : memref<1000xf32, #tpu.memory_space<vmem>>[vector<16xi32>], vector<16xf32>,
    %lt3A_134 = arith.constant 5.000000e+00 : f32
    %lt3A_135 = vector.broadcast %lt3A_134 : f32 to vector<16xf32>
    %lt3A_136 = arith.cmpf olt, %lt3A_135, %convert_element_type3A : vector<16xf32>
    %jit3A_137 = arith.constant 0.000000e+00 : f32
    %broadcast_in_dim3A_138 = vector.broadcast %jit3A_137 : f32 to vector<16xf32>
    %select_n3A_139 = arith.select %lt3A_136, %gather3A_133, %broadcast_in_dim3A_138 : vector<16xi1>, vector<16xf32>
    %add3A_140 = arith.addf %add3A_128, %select_n3A_139 : vector<16xf32>
    %get3A_141 = arith.constant 6 : i32
    %get3A_142 = arith.index_cast %get3A_141 : i32 to index
    %get3A_143 = arith.constant 0 : index
    %get3A_144 = tpu.vector_load %arg10[%get3A_142, %get3A_143] {strides = array<i32>} : memref<20x128xi32, #tpu.memory_space<vmem>>, vector<16xi32>,
    %gather3A_145 = tpu.vector_load_idx %arg13[%get3A_144] : memref<1000xf32, #tpu.memory_space<vmem>>[vector<16xi32>], vector<16xf32>,
    %lt3A_146 = arith.constant 6.000000e+00 : f32
    %lt3A_147 = vector.broadcast %lt3A_146 : f32 to vector<16xf32>
    %lt3A_148 = arith.cmpf olt, %lt3A_147, %convert_element_type3A : vector<16xf32>
    %jit3A_149 = arith.constant 0.000000e+00 : f32
    %broadcast_in_dim3A_150 = vector.broadcast %jit3A_149 : f32 to vector<16xf32>
    %select_n3A_151 = arith.select %lt3A_148, %gather3A_145, %broadcast_in_dim3A_150 : vector<16xi1>, vector<16xf32>
    %add3A_152 = arith.addf %add3A_140, %select_n3A_151 : vector<16xf32>
    %get3A_153 = arith.constant 7 : i32
    %get3A_154 = arith.index_cast %get3A_153 : i32 to index
    %get3A_155 = arith.constant 0 : index
    %get3A_156 = tpu.vector_load %arg10[%get3A_154, %get3A_155] {strides = array<i32>} : memref<20x128xi32, #tpu.memory_space<vmem>>, vector<16xi32>,
    %gather3A_157 = tpu.vector_load_idx %arg13[%get3A_156] : memref<1000xf32, #tpu.memory_space<vmem>>[vector<16xi32>], vector<16xf32>,
    %lt3A_158 = arith.constant 7.000000e+00 : f32
    %lt3A_159 = vector.broadcast %lt3A_158 : f32 to vector<16xf32>
    %lt3A_160 = arith.cmpf olt, %lt3A_159, %convert_element_type3A : vector<16xf32>
    %jit3A_161 = arith.constant 0.000000e+00 : f32
    %broadcast_in_dim3A_162 = vector.broadcast %jit3A_161 : f32 to vector<16xf32>
    %select_n3A_163 = arith.select %lt3A_160, %gather3A_157, %broadcast_in_dim3A_162 : vector<16xi1>, vector<16xf32>
    %add3A_164 = arith.addf %add3A_152, %select_n3A_163 : vector<16xf32>
    %get3A_165 = arith.constant 8 : i32
    %get3A_166 = arith.index_cast %get3A_165 : i32 to index
    %get3A_167 = arith.constant 0 : index
    %get3A_168 = tpu.vector_load %arg10[%get3A_166, %get3A_167] {strides = array<i32>} : memref<20x128xi32, #tpu.memory_space<vmem>>, vector<16xi32>,
    %gather3A_169 = tpu.vector_load_idx %arg13[%get3A_168] : memref<1000xf32, #tpu.memory_space<vmem>>[vector<16xi32>], vector<16xf32>,
    %lt3A_170 = arith.constant 8.000000e+00 : f32
    %lt3A_171 = vector.broadcast %lt3A_170 : f32 to vector<16xf32>
    %lt3A_172 = arith.cmpf olt, %lt3A_171, %convert_element_type3A : vector<16xf32>
    %jit3A_173 = arith.constant 0.000000e+00 : f32
    %broadcast_in_dim3A_174 = vector.broadcast %jit3A_173 : f32 to vector<16xf32>
    %select_n3A_175 = arith.select %lt3A_172, %gather3A_169, %broadcast_in_dim3A_174 : vector<16xi1>, vector<16xf32>
    %add3A_176 = arith.addf %add3A_164, %select_n3A_175 : vector<16xf32>
    %get3A_177 = arith.constant 9 : i32
    %get3A_178 = arith.index_cast %get3A_177 : i32 to index
    %get3A_179 = arith.constant 0 : index
    %get3A_180 = tpu.vector_load %arg10[%get3A_178, %get3A_179] {strides = array<i32>} : memref<20x128xi32, #tpu.memory_space<vmem>>, vector<16xi32>,
    %gather3A_181 = tpu.vector_load_idx %arg13[%get3A_180] : memref<1000xf32, #tpu.memory_space<vmem>>[vector<16xi32>], vector<16xf32>,
    %lt3A_182 = arith.constant 9.000000e+00 : f32
    %lt3A_183 = vector.broadcast %lt3A_182 : f32 to vector<16xf32>
    %lt3A_184 = arith.cmpf olt, %lt3A_183, %convert_element_type3A : vector<16xf32>
    %jit3A_185 = arith.constant 0.000000e+00 : f32
    %broadcast_in_dim3A_186 = vector.broadcast %jit3A_185 : f32 to vector<16xf32>
    %select_n3A_187 = arith.select %lt3A_184, %gather3A_181, %broadcast_in_dim3A_186 : vector<16xi1>, vector<16xf32>
    %add3A_188 = arith.addf %add3A_176, %select_n3A_187 : vector<16xf32>
    %get3A_189 = arith.constant 10 : i32
    %get3A_190 = arith.index_cast %get3A_189 : i32 to index
    %get3A_191 = arith.constant 0 : index
    %get3A_192 = tpu.vector_load %arg10[%get3A_190, %get3A_191] {strides = array<i32>} : memref<20x128xi32, #tpu.memory_space<vmem>>, vector<16xi32>,
    %gather3A_193 = tpu.vector_load_idx %arg13[%get3A_192] : memref<1000xf32, #tpu.memory_space<vmem>>[vector<16xi32>], vector<16xf32>,
    %lt3A_194 = arith.constant 1.000000e+01 : f32
    %lt3A_195 = vector.broadcast %lt3A_194 : f32 to vector<16xf32>
    %lt3A_196 = arith.cmpf olt, %lt3A_195, %convert_element_type3A : vector<16xf32>
    %jit3A_197 = arith.constant 0.000000e+00 : f32
    %broadcast_in_dim3A_198 = vector.broadcast %jit3A_197 : f32 to vector<16xf32>
    %select_n3A_199 = arith.select %lt3A_196, %gather3A_193, %broadcast_in_dim3A_198 : vector<16xi1>, vector<16xf32>
    %add3A_200 = arith.addf %add3A_188, %select_n3A_199 : vector<16xf32>
    %get3A_201 = arith.constant 11 : i32
    %get3A_202 = arith.index_cast %get3A_201 : i32 to index
    %get3A_203 = arith.constant 0 : index
    %get3A_204 = tpu.vector_load %arg10[%get3A_202, %get3A_203] {strides = array<i32>} : memref<20x128xi32, #tpu.memory_space<vmem>>, vector<16xi32>,
    %gather3A_205 = tpu.vector_load_idx %arg13[%get3A_204] : memref<1000xf32, #tpu.memory_space<vmem>>[vector<16xi32>], vector<16xf32>,
    %lt3A_206 = arith.constant 1.100000e+01 : f32
    %lt3A_207 = vector.broadcast %lt3A_206 : f32 to vector<16xf32>
    %lt3A_208 = arith.cmpf olt, %lt3A_207, %convert_element_type3A : vector<16xf32>
    %jit3A_209 = arith.constant 0.000000e+00 : f32
    %broadcast_in_dim3A_210 = vector.broadcast %jit3A_209 : f32 to vector<16xf32>
    %select_n3A_211 = arith.select %lt3A_208, %gather3A_205, %broadcast_in_dim3A_210 : vector<16xi1>, vector<16xf32>
    %add3A_212 = arith.addf %add3A_200, %select_n3A_211 : vector<16xf32>
    %get3A_213 = arith.constant 12 : i32
    %get3A_214 = arith.index_cast %get3A_213 : i32 to index
    %get3A_215 = arith.constant 0 : index
    %get3A_216 = tpu.vector_load %arg10[%get3A_214, %get3A_215] {strides = array<i32>} : memref<20x128xi32, #tpu.memory_space<vmem>>, vector<16xi32>,
    %gather3A_217 = tpu.vector_load_idx %arg13[%get3A_216] : memref<1000xf32, #tpu.memory_space<vmem>>[vector<16xi32>], vector<16xf32>,
    %lt3A_218 = arith.constant 1.200000e+01 : f32
    %lt3A_219 = vector.broadcast %lt3A_218 : f32 to vector<16xf32>
    %lt3A_220 = arith.cmpf olt, %lt3A_219, %convert_element_type3A : vector<16xf32>
    %jit3A_221 = arith.constant 0.000000e+00 : f32
    %broadcast_in_dim3A_222 = vector.broadcast %jit3A_221 : f32 to vector<16xf32>
    %select_n3A_223 = arith.select %lt3A_220, %gather3A_217, %broadcast_in_dim3A_222 : vector<16xi1>, vector<16xf32>
    %add3A_224 = arith.addf %add3A_212, %select_n3A_223 : vector<16xf32>
    %get3A_225 = arith.constant 13 : i32
    %get3A_226 = arith.index_cast %get3A_225 : i32 to index
    %get3A_227 = arith.constant 0 : index
    %get3A_228 = tpu.vector_load %arg10[%get3A_226, %get3A_227] {strides = array<i32>} : memref<20x128xi32, #tpu.memory_space<vmem>>, vector<16xi32>,
    %gather3A_229 = tpu.vector_load_idx %arg13[%get3A_228] : memref<1000xf32, #tpu.memory_space<vmem>>[vector<16xi32>], vector<16xf32>,
    %lt3A_230 = arith.constant 1.300000e+01 : f32
    %lt3A_231 = vector.broadcast %lt3A_230 : f32 to vector<16xf32>
    %lt3A_232 = arith.cmpf olt, %lt3A_231, %convert_element_type3A : vector<16xf32>
    %jit3A_233 = arith.constant 0.000000e+00 : f32
    %broadcast_in_dim3A_234 = vector.broadcast %jit3A_233 : f32 to vector<16xf32>
    %select_n3A_235 = arith.select %lt3A_232, %gather3A_229, %broadcast_in_dim3A_234 : vector<16xi1>, vector<16xf32>
    %add3A_236 = arith.addf %add3A_224, %select_n3A_235 : vector<16xf32>
    %get3A_237 = arith.constant 14 : i32
    %get3A_238 = arith.index_cast %get3A_237 : i32 to index
    %get3A_239 = arith.constant 0 : index
    %get3A_240 = tpu.vector_load %arg10[%get3A_238, %get3A_239] {strides = array<i32>} : memref<20x128xi32, #tpu.memory_space<vmem>>, vector<16xi32>,
    %gather3A_241 = tpu.vector_load_idx %arg13[%get3A_240] : memref<1000xf32, #tpu.memory_space<vmem>>[vector<16xi32>], vector<16xf32>,
    %lt3A_242 = arith.constant 1.400000e+01 : f32
    %lt3A_243 = vector.broadcast %lt3A_242 : f32 to vector<16xf32>
    %lt3A_244 = arith.cmpf olt, %lt3A_243, %convert_element_type3A : vector<16xf32>
    %jit3A_245 = arith.constant 0.000000e+00 : f32
    %broadcast_in_dim3A_246 = vector.broadcast %jit3A_245 : f32 to vector<16xf32>
    %select_n3A_247 = arith.select %lt3A_244, %gather3A_241, %broadcast_in_dim3A_246 : vector<16xi1>, vector<16xf32>
    %add3A_248 = arith.addf %add3A_236, %select_n3A_247 : vector<16xf32>
    %get3A_249 = arith.constant 15 : i32
    %get3A_250 = arith.index_cast %get3A_249 : i32 to index
    %get3A_251 = arith.constant 0 : index
    %get3A_252 = tpu.vector_load %arg10[%get3A_250, %get3A_251] {strides = array<i32>} : memref<20x128xi32, #tpu.memory_space<vmem>>, vector<16xi32>,
    %gather3A_253 = tpu.vector_load_idx %arg13[%get3A_252] : memref<1000xf32, #tpu.memory_space<vmem>>[vector<16xi32>], vector<16xf32>,
    %lt3A_254 = arith.constant 1.500000e+01 : f32
    %lt3A_255 = vector.broadcast %lt3A_254 : f32 to vector<16xf32>
    %lt3A_256 = arith.cmpf olt, %lt3A_255, %convert_element_type3A : vector<16xf32>
    %jit3A_257 = arith.constant 0.000000e+00 : f32
    %broadcast_in_dim3A_258 = vector.broadcast %jit3A_257 : f32 to vector<16xf32>
    %select_n3A_259 = arith.select %lt3A_256, %gather3A_253, %broadcast_in_dim3A_258 : vector<16xi1>, vector<16xf32>
    %add3A_260 = arith.addf %add3A_248, %select_n3A_259 : vector<16xf32>
    %get3A_261 = arith.constant 16 : i32
    %get3A_262 = arith.index_cast %get3A_261 : i32 to index
    %get3A_263 = arith.constant 0 : index
    %get3A_264 = tpu.vector_load %arg10[%get3A_262, %get3A_263] {strides = array<i32>} : memref<20x128xi32, #tpu.memory_space<vmem>>, vector<16xi32>,
    %gather3A_265 = tpu.vector_load_idx %arg13[%get3A_264] : memref<1000xf32, #tpu.memory_space<vmem>>[vector<16xi32>], vector<16xf32>,
    %lt3A_266 = arith.constant 1.600000e+01 : f32
    %lt3A_267 = vector.broadcast %lt3A_266 : f32 to vector<16xf32>
    %lt3A_268 = arith.cmpf olt, %lt3A_267, %convert_element_type3A : vector<16xf32>
    %jit3A_269 = arith.constant 0.000000e+00 : f32
    %broadcast_in_dim3A_270 = vector.broadcast %jit3A_269 : f32 to vector<16xf32>
    %select_n3A_271 = arith.select %lt3A_268, %gather3A_265, %broadcast_in_dim3A_270 : vector<16xi1>, vector<16xf32>
    %add3A_272 = arith.addf %add3A_260, %select_n3A_271 : vector<16xf32>
    %get3A_273 = arith.constant 17 : i32
    %get3A_274 = arith.index_cast %get3A_273 : i32 to index
    %get3A_275 = arith.constant 0 : index
    %get3A_276 = tpu.vector_load %arg10[%get3A_274, %get3A_275] {strides = array<i32>} : memref<20x128xi32, #tpu.memory_space<vmem>>, vector<16xi32>,
    %gather3A_277 = tpu.vector_load_idx %arg13[%get3A_276] : memref<1000xf32, #tpu.memory_space<vmem>>[vector<16xi32>], vector<16xf32>,
    %lt3A_278 = arith.constant 1.700000e+01 : f32
    %lt3A_279 = vector.broadcast %lt3A_278 : f32 to vector<16xf32>
    %lt3A_280 = arith.cmpf olt, %lt3A_279, %convert_element_type3A : vector<16xf32>
    %jit3A_281 = arith.constant 0.000000e+00 : f32
    %broadcast_in_dim3A_282 = vector.broadcast %jit3A_281 : f32 to vector<16xf32>
    %select_n3A_283 = arith.select %lt3A_280, %gather3A_277, %broadcast_in_dim3A_282 : vector<16xi1>, vector<16xf32>
    %add3A_284 = arith.addf %add3A_272, %select_n3A_283 : vector<16xf32>
    %get3A_285 = arith.constant 18 : i32
    %get3A_286 = arith.index_cast %get3A_285 : i32 to index
    %get3A_287 = arith.constant 0 : index
    %get3A_288 = tpu.vector_load %arg10[%get3A_286, %get3A_287] {strides = array<i32>} : memref<20x128xi32, #tpu.memory_space<vmem>>, vector<16xi32>,
    %gather3A_289 = tpu.vector_load_idx %arg13[%get3A_288] : memref<1000xf32, #tpu.memory_space<vmem>>[vector<16xi32>], vector<16xf32>,
    %lt3A_290 = arith.constant 1.800000e+01 : f32
    %lt3A_291 = vector.broadcast %lt3A_290 : f32 to vector<16xf32>
    %lt3A_292 = arith.cmpf olt, %lt3A_291, %convert_element_type3A : vector<16xf32>
    %jit3A_293 = arith.constant 0.000000e+00 : f32
    %broadcast_in_dim3A_294 = vector.broadcast %jit3A_293 : f32 to vector<16xf32>
    %select_n3A_295 = arith.select %lt3A_292, %gather3A_289, %broadcast_in_dim3A_294 : vector<16xi1>, vector<16xf32>
    %add3A_296 = arith.addf %add3A_284, %select_n3A_295 : vector<16xf32>
    %get3A_297 = arith.constant 19 : i32
    %get3A_298 = arith.index_cast %get3A_297 : i32 to index
    %get3A_299 = arith.constant 0 : index
    %get3A_300 = tpu.vector_load %arg10[%get3A_298, %get3A_299] {strides = array<i32>} : memref<20x128xi32, #tpu.memory_space<vmem>>, vector<16xi32>,
    %gather3A_301 = tpu.vector_load_idx %arg13[%get3A_300] : memref<1000xf32, #tpu.memory_space<vmem>>[vector<16xi32>], vector<16xf32>,
    %lt3A_302 = arith.constant 1.900000e+01 : f32
    %lt3A_303 = vector.broadcast %lt3A_302 : f32 to vector<16xf32>
    %lt3A_304 = arith.cmpf olt, %lt3A_303, %convert_element_type3A : vector<16xf32>
    %jit3A_305 = arith.constant 0.000000e+00 : f32
    %broadcast_in_dim3A_306 = vector.broadcast %jit3A_305 : f32 to vector<16xf32>
    %select_n3A_307 = arith.select %lt3A_304, %gather3A_301, %broadcast_in_dim3A_306 : vector<16xi1>, vector<16xf32>
    %add3A_308 = arith.addf %add3A_296, %select_n3A_307 : vector<16xf32>
    %div3A = arith.divf %add3A_308, %convert_element_type3A : vector<16xf32>
    %swap3A = arith.constant 0 : index
    %swap3A_309 = tpu.vector_load %arg15[%swap3A] {strides = array<i32>} : memref<128xf32, #tpu.memory_space<vmem>>, vector<16xf32>,
    tpu.vector_store %arg15[%swap3A], %div3A {strides = array<i32>} : memref<128xf32, #tpu.memory_space<vmem>>, vector<16xf32>,
    %broadcast_in_dim3A_310 = arith.constant 0.000000e+00 : f32
    %broadcast_in_dim3A_311 = vector.broadcast %broadcast_in_dim3A_310 : f32 to vector<16xf32>
    %get3A_312 = arith.constant 16 : index
    %get3A_313 = tpu.vector_load %arg11[%get3A_312] {strides = array<i32>} : memref<128xi32, #tpu.memory_space<vmem>>, vector<16xi32>,
    %convert_element_type3A_314 = arith.sitofp %get3A_313 : vector<16xi32> to vector<16xf32>
    %get3A_315 = arith.constant 0 : i32
    %get3A_316 = arith.index_cast %get3A_315 : i32 to index
    %get3A_317 = arith.constant 16 : index
    %get3A_318 = tpu.vector_load %arg10[%get3A_316, %get3A_317] {strides = array<i32>} : memref<20x128xi32, #tpu.memory_space<vmem>>, vector<16xi32>,
    %gather3A_319 = tpu.vector_load_idx %arg13[%get3A_318] : memref<1000xf32, #tpu.memory_space<vmem>>[vector<16xi32>], vector<16xf32>,
    %lt3A_320 = arith.constant 0.000000e+00 : f32
    %lt3A_321 = vector.broadcast %lt3A_320 : f32 to vector<16xf32>
    %lt3A_322 = arith.cmpf olt, %lt3A_321, %convert_element_type3A_314 : vector<16xf32>
    %jit3A_323 = arith.constant 0.000000e+00 : f32
    %broadcast_in_dim3A_324 = vector.broadcast %jit3A_323 : f32 to vector<16xf32>
    %select_n3A_325 = arith.select %lt3A_322, %gather3A_319, %broadcast_in_dim3A_324 : vector<16xi1>, vector<16xf32>
    %add3A_326 = arith.addf %broadcast_in_dim3A_311, %select_n3A_325 : vector<16xf32>
    %get3A_327 = arith.constant 1 : i32
    %get3A_328 = arith.index_cast %get3A_327 : i32 to index
    %get3A_329 = arith.constant 16 : index
    %get3A_330 = tpu.vector_load %arg10[%get3A_328, %get3A_329] {strides = array<i32>} : memref<20x128xi32, #tpu.memory_space<vmem>>, vector<16xi32>,
    %gather3A_331 = tpu.vector_load_idx %arg13[%get3A_330] : memref<1000xf32, #tpu.memory_space<vmem>>[vector<16xi32>], vector<16xf32>,
    %lt3A_332 = arith.constant 1.000000e+00 : f32
    %lt3A_333 = vector.broadcast %lt3A_332 : f32 to vector<16xf32>
    %lt3A_334 = arith.cmpf olt, %lt3A_333, %convert_element_type3A_314 : vector<16xf32>
    %jit3A_335 = arith.constant 0.000000e+00 : f32
    %broadcast_in_dim3A_336 = vector.broadcast %jit3A_335 : f32 to vector<16xf32>
    %select_n3A_337 = arith.select %lt3A_334, %gather3A_331, %broadcast_in_dim3A_336 : vector<16xi1>, vector<16xf32>
    %add3A_338 = arith.addf %add3A_326, %select_n3A_337 : vector<16xf32>
    %get3A_339 = arith.constant 2 : i32
    %get3A_340 = arith.index_cast %get3A_339 : i32 to index
    %get3A_341 = arith.constant 16 : index
    %get3A_342 = tpu.vector_load %arg10[%get3A_340, %get3A_341] {strides = array<i32>} : memref<20x128xi32, #tpu.memory_space<vmem>>, vector<16xi32>,
    %gather3A_343 = tpu.vector_load_idx %arg13[%get3A_342] : memref<1000xf32, #tpu.memory_space<vmem>>[vector<16xi32>], vector<16xf32>,
    %lt3A_344 = arith.constant 2.000000e+00 : f32
    %lt3A_345 = vector.broadcast %lt3A_344 : f32 to vector<16xf32>
    %lt3A_346 = arith.cmpf olt, %lt3A_345, %convert_element_type3A_314 : vector<16xf32>
    %jit3A_347 = arith.constant 0.000000e+00 : f32
    %broadcast_in_dim3A_348 = vector.broadcast %jit3A_347 : f32 to vector<16xf32>
    %select_n3A_349 = arith.select %lt3A_346, %gather3A_343, %broadcast_in_dim3A_348 : vector<16xi1>, vector<16xf32>
    %add3A_350 = arith.addf %add3A_338, %select_n3A_349 : vector<16xf32>
    %get3A_351 = arith.constant 3 : i32
    %get3A_352 = arith.index_cast %get3A_351 : i32 to index
    %get3A_353 = arith.constant 16 : index
    %get3A_354 = tpu.vector_load %arg10[%get3A_352, %get3A_353] {strides = array<i32>} : memref<20x128xi32, #tpu.memory_space<vmem>>, vector<16xi32>,
    %gather3A_355 = tpu.vector_load_idx %arg13[%get3A_354] : memref<1000xf32, #tpu.memory_space<vmem>>[vector<16xi32>], vector<16xf32>,
    %lt3A_356 = arith.constant 3.000000e+00 : f32
    %lt3A_357 = vector.broadcast %lt3A_356 : f32 to vector<16xf32>
    %lt3A_358 = arith.cmpf olt, %lt3A_357, %convert_element_type3A_314 : vector<16xf32>
    %jit3A_359 = arith.constant 0.000000e+00 : f32
    %broadcast_in_dim3A_360 = vector.broadcast %jit3A_359 : f32 to vector<16xf32>
    %select_n3A_361 = arith.select %lt3A_358, %gather3A_355, %broadcast_in_dim3A_360 : vector<16xi1>, vector<16xf32>
    %add3A_362 = arith.addf %add3A_350, %select_n3A_361 : vector<16xf32>
    %get3A_363 = arith.constant 4 : i32
    %get3A_364 = arith.index_cast %get3A_363 : i32 to index
    %get3A_365 = arith.constant 16 : index
    %get3A_366 = tpu.vector_load %arg10[%get3A_364, %get3A_365] {strides = array<i32>} : memref<20x128xi32, #tpu.memory_space<vmem>>, vector<16xi32>,
    %gather3A_367 = tpu.vector_load_idx %arg13[%get3A_366] : memref<1000xf32, #tpu.memory_space<vmem>>[vector<16xi32>], vector<16xf32>,
    %lt3A_368 = arith.constant 4.000000e+00 : f32
    %lt3A_369 = vector.broadcast %lt3A_368 : f32 to vector<16xf32>
    %lt3A_370 = arith.cmpf olt, %lt3A_369, %convert_element_type3A_314 : vector<16xf32>
    %jit3A_371 = arith.constant 0.000000e+00 : f32
    %broadcast_in_dim3A_372 = vector.broadcast %jit3A_371 : f32 to vector<16xf32>
    %select_n3A_373 = arith.select %lt3A_370, %gather3A_367, %broadcast_in_dim3A_372 : vector<16xi1>, vector<16xf32>
    %add3A_374 = arith.addf %add3A_362, %select_n3A_373 : vector<16xf32>
    %get3A_375 = arith.constant 5 : i32
    %get3A_376 = arith.index_cast %get3A_375 : i32 to index
    %get3A_377 = arith.constant 16 : index
    %get3A_378 = tpu.vector_load %arg10[%get3A_376, %get3A_377] {strides = array<i32>} : memref<20x128xi32, #tpu.memory_space<vmem>>, vector<16xi32>,
    %gather3A_379 = tpu.vector_load_idx %arg13[%get3A_378] : memref<1000xf32, #tpu.memory_space<vmem>>[vector<16xi32>], vector<16xf32>,
    %lt3A_380 = arith.constant 5.000000e+00 : f32
    %lt3A_381 = vector.broadcast %lt3A_380 : f32 to vector<16xf32>
    %lt3A_382 = arith.cmpf olt, %lt3A_381, %convert_element_type3A_314 : vector<16xf32>
    %jit3A_383 = arith.constant 0.000000e+00 : f32
    %broadcast_in_dim3A_384 = vector.broadcast %jit3A_383 : f32 to vector<16xf32>
    %select_n3A_385 = arith.select %lt3A_382, %gather3A_379, %broadcast_in_dim3A_384 : vector<16xi1>, vector<16xf32>
    %add3A_386 = arith.addf %add3A_374, %select_n3A_385 : vector<16xf32>
    %get3A_387 = arith.constant 6 : i32
    %get3A_388 = arith.index_cast %get3A_387 : i32 to index
    %get3A_389 = arith.constant 16 : index
    %get3A_390 = tpu.vector_load %arg10[%get3A_388, %get3A_389] {strides = array<i32>} : memref<20x128xi32, #tpu.memory_space<vmem>>, vector<16xi32>,
    %gather3A_391 = tpu.vector_load_idx %arg13[%get3A_390] : memref<1000xf32, #tpu.memory_space<vmem>>[vector<16xi32>], vector<16xf32>,
    %lt3A_392 = arith.constant 6.000000e+00 : f32
    %lt3A_393 = vector.broadcast %lt3A_392 : f32 to vector<16xf32>
    %lt3A_394 = arith.cmpf olt, %lt3A_393, %convert_element_type3A_314 : vector<16xf32>
    %jit3A_395 = arith.constant 0.000000e+00 : f32
    %broadcast_in_dim3A_396 = vector.broadcast %jit3A_395 : f32 to vector<16xf32>
    %select_n3A_397 = arith.select %lt3A_394, %gather3A_391, %broadcast_in_dim3A_396 : vector<16xi1>, vector<16xf32>
    %add3A_398 = arith.addf %add3A_386, %select_n3A_397 : vector<16xf32>
    %get3A_399 = arith.constant 7 : i32
    %get3A_400 = arith.index_cast %get3A_399 : i32 to index
    %get3A_401 = arith.constant 16 : index
    %get3A_402 = tpu.vector_load %arg10[%get3A_400, %get3A_401] {strides = array<i32>} : memref<20x128xi32, #tpu.memory_space<vmem>>, vector<16xi32>,
    %gather3A_403 = tpu.vector_load_idx %arg13[%get3A_402] : memref<1000xf32, #tpu.memory_space<vmem>>[vector<16xi32>], vector<16xf32>,
    %lt3A_404 = arith.constant 7.000000e+00 : f32
    %lt3A_405 = vector.broadcast %lt3A_404 : f32 to vector<16xf32>
    %lt3A_406 = arith.cmpf olt, %lt3A_405, %convert_element_type3A_314 : vector<16xf32>
    %jit3A_407 = arith.constant 0.000000e+00 : f32
    %broadcast_in_dim3A_408 = vector.broadcast %jit3A_407 : f32 to vector<16xf32>
    %select_n3A_409 = arith.select %lt3A_406, %gather3A_403, %broadcast_in_dim3A_408 : vector<16xi1>, vector<16xf32>
    %add3A_410 = arith.addf %add3A_398, %select_n3A_409 : vector<16xf32>
    %get3A_411 = arith.constant 8 : i32
    %get3A_412 = arith.index_cast %get3A_411 : i32 to index
    %get3A_413 = arith.constant 16 : index
    %get3A_414 = tpu.vector_load %arg10[%get3A_412, %get3A_413] {strides = array<i32>} : memref<20x128xi32, #tpu.memory_space<vmem>>, vector<16xi32>,
    %gather3A_415 = tpu.vector_load_idx %arg13[%get3A_414] : memref<1000xf32, #tpu.memory_space<vmem>>[vector<16xi32>], vector<16xf32>,
    %lt3A_416 = arith.constant 8.000000e+00 : f32
    %lt3A_417 = vector.broadcast %lt3A_416 : f32 to vector<16xf32>
    %lt3A_418 = arith.cmpf olt, %lt3A_417, %convert_element_type3A_314 : vector<16xf32>
    %jit3A_419 = arith.constant 0.000000e+00 : f32
    %broadcast_in_dim3A_420 = vector.broadcast %jit3A_419 : f32 to vector<16xf32>
    %select_n3A_421 = arith.select %lt3A_418, %gather3A_415, %broadcast_in_dim3A_420 : vector<16xi1>, vector<16xf32>
    %add3A_422 = arith.addf %add3A_410, %select_n3A_421 : vector<16xf32>
    %get3A_423 = arith.constant 9 : i32
    %get3A_424 = arith.index_cast %get3A_423 : i32 to index
    %get3A_425 = arith.constant 16 : index
    %get3A_426 = tpu.vector_load %arg10[%get3A_424, %get3A_425] {strides = array<i32>} : memref<20x128xi32, #tpu.memory_space<vmem>>, vector<16xi32>,
    %gather3A_427 = tpu.vector_load_idx %arg13[%get3A_426] : memref<1000xf32, #tpu.memory_space<vmem>>[vector<16xi32>], vector<16xf32>,
    %lt3A_428 = arith.constant 9.000000e+00 : f32
    %lt3A_429 = vector.broadcast %lt3A_428 : f32 to vector<16xf32>
    %lt3A_430 = arith.cmpf olt, %lt3A_429, %convert_element_type3A_314 : vector<16xf32>
    %jit3A_431 = arith.constant 0.000000e+00 : f32
    %broadcast_in_dim3A_432 = vector.broadcast %jit3A_431 : f32 to vector<16xf32>
    %select_n3A_433 = arith.select %lt3A_430, %gather3A_427, %broadcast_in_dim3A_432 : vector<16xi1>, vector<16xf32>
    %add3A_434 = arith.addf %add3A_422, %select_n3A_433 : vector<16xf32>
    %get3A_435 = arith.constant 10 : i32
    %get3A_436 = arith.index_cast %get3A_435 : i32 to index
    %get3A_437 = arith.constant 16 : index
    %get3A_438 = tpu.vector_load %arg10[%get3A_436, %get3A_437] {strides = array<i32>} : memref<20x128xi32, #tpu.memory_space<vmem>>, vector<16xi32>,
    %gather3A_439 = tpu.vector_load_idx %arg13[%get3A_438] : memref<1000xf32, #tpu.memory_space<vmem>>[vector<16xi32>], vector<16xf32>,
    %lt3A_440 = arith.constant 1.000000e+01 : f32
    %lt3A_441 = vector.broadcast %lt3A_440 : f32 to vector<16xf32>
    %lt3A_442 = arith.cmpf olt, %lt3A_441, %convert_element_type3A_314 : vector<16xf32>
    %jit3A_443 = arith.constant 0.000000e+00 : f32
    %broadcast_in_dim3A_444 = vector.broadcast %jit3A_443 : f32 to vector<16xf32>
    %select_n3A_445 = arith.select %lt3A_442, %gather3A_439, %broadcast_in_dim3A_444 : vector<16xi1>, vector<16xf32>
    %add3A_446 = arith.addf %add3A_434, %select_n3A_445 : vector<16xf32>
    %get3A_447 = arith.constant 11 : i32
    %get3A_448 = arith.index_cast %get3A_447 : i32 to index
    %get3A_449 = arith.constant 16 : index
    %get3A_450 = tpu.vector_load %arg10[%get3A_448, %get3A_449] {strides = array<i32>} : memref<20x128xi32, #tpu.memory_space<vmem>>, vector<16xi32>,
    %gather3A_451 = tpu.vector_load_idx %arg13[%get3A_450] : memref<1000xf32, #tpu.memory_space<vmem>>[vector<16xi32>], vector<16xf32>,
    %lt3A_452 = arith.constant 1.100000e+01 : f32
    %lt3A_453 = vector.broadcast %lt3A_452 : f32 to vector<16xf32>
    %lt3A_454 = arith.cmpf olt, %lt3A_453, %convert_element_type3A_314 : vector<16xf32>
    %jit3A_455 = arith.constant 0.000000e+00 : f32
    %broadcast_in_dim3A_456 = vector.broadcast %jit3A_455 : f32 to vector<16xf32>
    %select_n3A_457 = arith.select %lt3A_454, %gather3A_451, %broadcast_in_dim3A_456 : vector<16xi1>, vector<16xf32>
    %add3A_458 = arith.addf %add3A_446, %select_n3A_457 : vector<16xf32>
    %get3A_459 = arith.constant 12 : i32
    %get3A_460 = arith.index_cast %get3A_459 : i32 to index
    %get3A_461 = arith.constant 16 : index
    %get3A_462 = tpu.vector_load %arg10[%get3A_460, %get3A_461] {strides = array<i32>} : memref<20x128xi32, #tpu.memory_space<vmem>>, vector<16xi32>,
    %gather3A_463 = tpu.vector_load_idx %arg13[%get3A_462] : memref<1000xf32, #tpu.memory_space<vmem>>[vector<16xi32>], vector<16xf32>,
    %lt3A_464 = arith.constant 1.200000e+01 : f32
    %lt3A_465 = vector.broadcast %lt3A_464 : f32 to vector<16xf32>
    %lt3A_466 = arith.cmpf olt, %lt3A_465, %convert_element_type3A_314 : vector<16xf32>
    %jit3A_467 = arith.constant 0.000000e+00 : f32
    %broadcast_in_dim3A_468 = vector.broadcast %jit3A_467 : f32 to vector<16xf32>
    %select_n3A_469 = arith.select %lt3A_466, %gather3A_463, %broadcast_in_dim3A_468 : vector<16xi1>, vector<16xf32>
    %add3A_470 = arith.addf %add3A_458, %select_n3A_469 : vector<16xf32>
    %get3A_471 = arith.constant 13 : i32
    %get3A_472 = arith.index_cast %get3A_471 : i32 to index
    %get3A_473 = arith.constant 16 : index
    %get3A_474 = tpu.vector_load %arg10[%get3A_472, %get3A_473] {strides = array<i32>} : memref<20x128xi32, #tpu.memory_space<vmem>>, vector<16xi32>,
    %gather3A_475 = tpu.vector_load_idx %arg13[%get3A_474] : memref<1000xf32, #tpu.memory_space<vmem>>[vector<16xi32>], vector<16xf32>,
    %lt3A_476 = arith.constant 1.300000e+01 : f32
    %lt3A_477 = vector.broadcast %lt3A_476 : f32 to vector<16xf32>
    %lt3A_478 = arith.cmpf olt, %lt3A_477, %convert_element_type3A_314 : vector<16xf32>
    %jit3A_479 = arith.constant 0.000000e+00 : f32
    %broadcast_in_dim3A_480 = vector.broadcast %jit3A_479 : f32 to vector<16xf32>
    %select_n3A_481 = arith.select %lt3A_478, %gather3A_475, %broadcast_in_dim3A_480 : vector<16xi1>, vector<16xf32>
    %add3A_482 = arith.addf %add3A_470, %select_n3A_481 : vector<16xf32>
    %get3A_483 = arith.constant 14 : i32
    %get3A_484 = arith.index_cast %get3A_483 : i32 to index
    %get3A_485 = arith.constant 16 : index
    %get3A_486 = tpu.vector_load %arg10[%get3A_484, %get3A_485] {strides = array<i32>} : memref<20x128xi32, #tpu.memory_space<vmem>>, vector<16xi32>,
    %gather3A_487 = tpu.vector_load_idx %arg13[%get3A_486] : memref<1000xf32, #tpu.memory_space<vmem>>[vector<16xi32>], vector<16xf32>,
    %lt3A_488 = arith.constant 1.400000e+01 : f32
    %lt3A_489 = vector.broadcast %lt3A_488 : f32 to vector<16xf32>
    %lt3A_490 = arith.cmpf olt, %lt3A_489, %convert_element_type3A_314 : vector<16xf32>
    %jit3A_491 = arith.constant 0.000000e+00 : f32
    %broadcast_in_dim3A_492 = vector.broadcast %jit3A_491 : f32 to vector<16xf32>
    %select_n3A_493 = arith.select %lt3A_490, %gather3A_487, %broadcast_in_dim3A_492 : vector<16xi1>, vector<16xf32>
    %add3A_494 = arith.addf %add3A_482, %select_n3A_493 : vector<16xf32>
    %get3A_495 = arith.constant 15 : i32
    %get3A_496 = arith.index_cast %get3A_495 : i32 to index
    %get3A_497 = arith.constant 16 : index
    %get3A_498 = tpu.vector_load %arg10[%get3A_496, %get3A_497] {strides = array<i32>} : memref<20x128xi32, #tpu.memory_space<vmem>>, vector<16xi32>,
    %gather3A_499 = tpu.vector_load_idx %arg13[%get3A_498] : memref<1000xf32, #tpu.memory_space<vmem>>[vector<16xi32>], vector<16xf32>,
    %lt3A_500 = arith.constant 1.500000e+01 : f32
    %lt3A_501 = vector.broadcast %lt3A_500 : f32 to vector<16xf32>
    %lt3A_502 = arith.cmpf olt, %lt3A_501, %convert_element_type3A_314 : vector<16xf32>
    %jit3A_503 = arith.constant 0.000000e+00 : f32
    %broadcast_in_dim3A_504 = vector.broadcast %jit3A_503 : f32 to vector<16xf32>
    %select_n3A_505 = arith.select %lt3A_502, %gather3A_499, %broadcast_in_dim3A_504 : vector<16xi1>, vector<16xf32>
    %add3A_506 = arith.addf %add3A_494, %select_n3A_505 : vector<16xf32>
    %get3A_507 = arith.constant 16 : i32
    %get3A_508 = arith.index_cast %get3A_507 : i32 to index
    %get3A_509 = arith.constant 16 : index
    %get3A_510 = tpu.vector_load %arg10[%get3A_508, %get3A_509] {strides = array<i32>} : memref<20x128xi32, #tpu.memory_space<vmem>>, vector<16xi32>,
    %gather3A_511 = tpu.vector_load_idx %arg13[%get3A_510] : memref<1000xf32, #tpu.memory_space<vmem>>[vector<16xi32>], vector<16xf32>,
    %lt3A_512 = arith.constant 1.600000e+01 : f32
    %lt3A_513 = vector.broadcast %lt3A_512 : f32 to vector<16xf32>
    %lt3A_514 = arith.cmpf olt, %lt3A_513, %convert_element_type3A_314 : vector<16xf32>
    %jit3A_515 = arith.constant 0.000000e+00 : f32
    %broadcast_in_dim3A_516 = vector.broadcast %jit3A_515 : f32 to vector<16xf32>
    %select_n3A_517 = arith.select %lt3A_514, %gather3A_511, %broadcast_in_dim3A_516 : vector<16xi1>, vector<16xf32>
    %add3A_518 = arith.addf %add3A_506, %select_n3A_517 : vector<16xf32>
    %get3A_519 = arith.constant 17 : i32
    %get3A_520 = arith.index_cast %get3A_519 : i32 to index
    %get3A_521 = arith.constant 16 : index
    %get3A_522 = tpu.vector_load %arg10[%get3A_520, %get3A_521] {strides = array<i32>} : memref<20x128xi32, #tpu.memory_space<vmem>>, vector<16xi32>,
    %gather3A_523 = tpu.vector_load_idx %arg13[%get3A_522] : memref<1000xf32, #tpu.memory_space<vmem>>[vector<16xi32>], vector<16xf32>,
    %lt3A_524 = arith.constant 1.700000e+01 : f32
    %lt3A_525 = vector.broadcast %lt3A_524 : f32 to vector<16xf32>
    %lt3A_526 = arith.cmpf olt, %lt3A_525, %convert_element_type3A_314 : vector<16xf32>
    %jit3A_527 = arith.constant 0.000000e+00 : f32
    %broadcast_in_dim3A_528 = vector.broadcast %jit3A_527 : f32 to vector<16xf32>
    %select_n3A_529 = arith.select %lt3A_526, %gather3A_523, %broadcast_in_dim3A_528 : vector<16xi1>, vector<16xf32>
    %add3A_530 = arith.addf %add3A_518, %select_n3A_529 : vector<16xf32>
    %get3A_531 = arith.constant 18 : i32
    %get3A_532 = arith.index_cast %get3A_531 : i32 to index
    %get3A_533 = arith.constant 16 : index
    %get3A_534 = tpu.vector_load %arg10[%get3A_532, %get3A_533] {strides = array<i32>} : memref<20x128xi32, #tpu.memory_space<vmem>>, vector<16xi32>,
    %gather3A_535 = tpu.vector_load_idx %arg13[%get3A_534] : memref<1000xf32, #tpu.memory_space<vmem>>[vector<16xi32>], vector<16xf32>,
    %lt3A_536 = arith.constant 1.800000e+01 : f32
    %lt3A_537 = vector.broadcast %lt3A_536 : f32 to vector<16xf32>
    %lt3A_538 = arith.cmpf olt, %lt3A_537, %convert_element_type3A_314 : vector<16xf32>
    %jit3A_539 = arith.constant 0.000000e+00 : f32
    %broadcast_in_dim3A_540 = vector.broadcast %jit3A_539 : f32 to vector<16xf32>
    %select_n3A_541 = arith.select %lt3A_538, %gather3A_535, %broadcast_in_dim3A_540 : vector<16xi1>, vector<16xf32>
    %add3A_542 = arith.addf %add3A_530, %select_n3A_541 : vector<16xf32>
    %get3A_543 = arith.constant 19 : i32
    %get3A_544 = arith.index_cast %get3A_543 : i32 to index
    %get3A_545 = arith.constant 16 : index
    %get3A_546 = tpu.vector_load %arg10[%get3A_544, %get3A_545] {strides = array<i32>} : memref<20x128xi32, #tpu.memory_space<vmem>>, vector<16xi32>,
    %gather3A_547 = tpu.vector_load_idx %arg13[%get3A_546] : memref<1000xf32, #tpu.memory_space<vmem>>[vector<16xi32>], vector<16xf32>,
    %lt3A_548 = arith.constant 1.900000e+01 : f32
    %lt3A_549 = vector.broadcast %lt3A_548 : f32 to vector<16xf32>
    %lt3A_550 = arith.cmpf olt, %lt3A_549, %convert_element_type3A_314 : vector<16xf32>
    %jit3A_551 = arith.constant 0.000000e+00 : f32
    %broadcast_in_dim3A_552 = vector.broadcast %jit3A_551 : f32 to vector<16xf32>
    %select_n3A_553 = arith.select %lt3A_550, %gather3A_547, %broadcast_in_dim3A_552 : vector<16xi1>, vector<16xf32>
    %add3A_554 = arith.addf %add3A_542, %select_n3A_553 : vector<16xf32>
    %div3A_555 = arith.divf %add3A_554, %convert_element_type3A_314 : vector<16xf32>
    %swap3A_556 = arith.constant 16 : index
    %swap3A_557 = tpu.vector_load %arg15[%swap3A_556] {strides = array<i32>} : memref<128xf32, #tpu.memory_space<vmem>>, vector<16xf32>,
    tpu.vector_store %arg15[%swap3A_556], %div3A_555 {strides = array<i32>} : memref<128xf32, #tpu.memory_space<vmem>>, vector<16xf32>,
    %broadcast_in_dim3A_558 = arith.constant 0.000000e+00 : f32
    %broadcast_in_dim3A_559 = vector.broadcast %broadcast_in_dim3A_558 : f32 to vector<16xf32>
    %get3A_560 = arith.constant 32 : index
    %get3A_561 = tpu.vector_load %arg11[%get3A_560] {strides = array<i32>} : memref<128xi32, #tpu.memory_space<vmem>>, vector<16xi32>,
    %convert_element_type3A_562 = arith.sitofp %get3A_561 : vector<16xi32> to vector<16xf32>
    %get3A_563 = arith.constant 0 : i32
    %get3A_564 = arith.index_cast %get3A_563 : i32 to index
    %get3A_565 = arith.constant 32 : index
    %get3A_566 = tpu.vector_load %arg10[%get3A_564, %get3A_565] {strides = array<i32>} : memref<20x128xi32, #tpu.memory_space<vmem>>, vector<16xi32>,
    %gather3A_567 = tpu.vector_load_idx %arg13[%get3A_566] : memref<1000xf32, #tpu.memory_space<vmem>>[vector<16xi32>], vector<16xf32>,
    %lt3A_568 = arith.constant 0.000000e+00 : f32
    %lt3A_569 = vector.broadcast %lt3A_568 : f32 to vector<16xf32>
    %lt3A_570 = arith.cmpf olt, %lt3A_569, %convert_element_type3A_562 : vector<16xf32>
    %jit3A_571 = arith.constant 0.000000e+00 : f32
    %broadcast_in_dim3A_572 = vector.broadcast %jit3A_571 : f32 to vector<16xf32>
    %select_n3A_573 = arith.select %lt3A_570, %gather3A_567, %broadcast_in_dim3A_572 : vector<16xi1>, vector<16xf32>
    %add3A_574 = arith.addf %broadcast_in_dim3A_559, %select_n3A_573 : vector<16xf32>
    %get3A_575 = arith.constant 1 : i32
    %get3A_576 = arith.index_cast %get3A_575 : i32 to index
    %get3A_577 = arith.constant 32 : index
    %get3A_578 = tpu.vector_load %arg10[%get3A_576, %get3A_577] {strides = array<i32>} : memref<20x128xi32, #tpu.memory_space<vmem>>, vector<16xi32>,
    %gather3A_579 = tpu.vector_load_idx %arg13[%get3A_578] : memref<1000xf32, #tpu.memory_space<vmem>>[vector<16xi32>], vector<16xf32>,
    %lt3A_580 = arith.constant 1.000000e+00 : f32
    %lt3A_581 = vector.broadcast %lt3A_580 : f32 to vector<16xf32>
    %lt3A_582 = arith.cmpf olt, %lt3A_581, %convert_element_type3A_562 : vector<16xf32>
    %jit3A_583 = arith.constant 0.000000e+00 : f32
    %broadcast_in_dim3A_584 = vector.broadcast %jit3A_583 : f32 to vector<16xf32>
    %select_n3A_585 = arith.select %lt3A_582, %gather3A_579, %broadcast_in_dim3A_584 : vector<16xi1>, vector<16xf32>
    %add3A_586 = arith.addf %add3A_574, %select_n3A_585 : vector<16xf32>
    %get3A_587 = arith.constant 2 : i32
    %get3A_588 = arith.index_cast %get3A_587 : i32 to index
    %get3A_589 = arith.constant 32 : index
    %get3A_590 = tpu.vector_load %arg10[%get3A_588, %get3A_589] {strides = array<i32>} : memref<20x128xi32, #tpu.memory_space<vmem>>, vector<16xi32>,
    %gather3A_591 = tpu.vector_load_idx %arg13[%get3A_590] : memref<1000xf32, #tpu.memory_space<vmem>>[vector<16xi32>], vector<16xf32>,
    %lt3A_592 = arith.constant 2.000000e+00 : f32
    %lt3A_593 = vector.broadcast %lt3A_592 : f32 to vector<16xf32>
    %lt3A_594 = arith.cmpf olt, %lt3A_593, %convert_element_type3A_562 : vector<16xf32>
    %jit3A_595 = arith.constant 0.000000e+00 : f32
    %broadcast_in_dim3A_596 = vector.broadcast %jit3A_595 : f32 to vector<16xf32>
    %select_n3A_597 = arith.select %lt3A_594, %gather3A_591, %broadcast_in_dim3A_596 : vector<16xi1>, vector<16xf32>
    %add3A_598 = arith.addf %add3A_586, %select_n3A_597 : vector<16xf32>
    %get3A_599 = arith.constant 3 : i32
    %get3A_600 = arith.index_cast %get3A_599 : i32 to index
    %get3A_601 = arith.constant 32 : index
    %get3A_602 = tpu.vector_load %arg10[%get3A_600, %get3A_601] {strides = array<i32>} : memref<20x128xi32, #tpu.memory_space<vmem>>, vector<16xi32>,
    %gather3A_603 = tpu.vector_load_idx %arg13[%get3A_602] : memref<1000xf32, #tpu.memory_space<vmem>>[vector<16xi32>], vector<16xf32>,
    %lt3A_604 = arith.constant 3.000000e+00 : f32
    %lt3A_605 = vector.broadcast %lt3A_604 : f32 to vector<16xf32>
    %lt3A_606 = arith.cmpf olt, %lt3A_605, %convert_element_type3A_562 : vector<16xf32>
    %jit3A_607 = arith.constant 0.000000e+00 : f32
    %broadcast_in_dim3A_608 = vector.broadcast %jit3A_607 : f32 to vector<16xf32>
    %select_n3A_609 = arith.select %lt3A_606, %gather3A_603, %broadcast_in_dim3A_608 : vector<16xi1>, vector<16xf32>
    %add3A_610 = arith.addf %add3A_598, %select_n3A_609 : vector<16xf32>
    %get3A_611 = arith.constant 4 : i32
    %get3A_612 = arith.index_cast %get3A_611 : i32 to index
    %get3A_613 = arith.constant 32 : index
    %get3A_614 = tpu.vector_load %arg10[%get3A_612, %get3A_613] {strides = array<i32>} : memref<20x128xi32, #tpu.memory_space<vmem>>, vector<16xi32>,
    %gather3A_615 = tpu.vector_load_idx %arg13[%get3A_614] : memref<1000xf32, #tpu.memory_space<vmem>>[vector<16xi32>], vector<16xf32>,
    %lt3A_616 = arith.constant 4.000000e+00 : f32
    %lt3A_617 = vector.broadcast %lt3A_616 : f32 to vector<16xf32>
    %lt3A_618 = arith.cmpf olt, %lt3A_617, %convert_element_type3A_562 : vector<16xf32>
    %jit3A_619 = arith.constant 0.000000e+00 : f32
    %broadcast_in_dim3A_620 = vector.broadcast %jit3A_619 : f32 to vector<16xf32>
    %select_n3A_621 = arith.select %lt3A_618, %gather3A_615, %broadcast_in_dim3A_620 : vector<16xi1>, vector<16xf32>
    %add3A_622 = arith.addf %add3A_610, %select_n3A_621 : vector<16xf32>
    %get3A_623 = arith.constant 5 : i32
    %get3A_624 = arith.index_cast %get3A_623 : i32 to index
    %get3A_625 = arith.constant 32 : index
    %get3A_626 = tpu.vector_load %arg10[%get3A_624, %get3A_625] {strides = array<i32>} : memref<20x128xi32, #tpu.memory_space<vmem>>, vector<16xi32>,
    %gather3A_627 = tpu.vector_load_idx %arg13[%get3A_626] : memref<1000xf32, #tpu.memory_space<vmem>>[vector<16xi32>], vector<16xf32>,
    %lt3A_628 = arith.constant 5.000000e+00 : f32
    %lt3A_629 = vector.broadcast %lt3A_628 : f32 to vector<16xf32>
    %lt3A_630 = arith.cmpf olt, %lt3A_629, %convert_element_type3A_562 : vector<16xf32>
    %jit3A_631 = arith.constant 0.000000e+00 : f32
    %broadcast_in_dim3A_632 = vector.broadcast %jit3A_631 : f32 to vector<16xf32>
    %select_n3A_633 = arith.select %lt3A_630, %gather3A_627, %broadcast_in_dim3A_632 : vector<16xi1>, vector<16xf32>
    %add3A_634 = arith.addf %add3A_622, %select_n3A_633 : vector<16xf32>
    %get3A_635 = arith.constant 6 : i32
    %get3A_636 = arith.index_cast %get3A_635 : i32 to index
    %get3A_637 = arith.constant 32 : index
    %get3A_638 = tpu.vector_load %arg10[%get3A_636, %get3A_637] {strides = array<i32>} : memref<20x128xi32, #tpu.memory_space<vmem>>, vector<16xi32>,
    %gather3A_639 = tpu.vector_load_idx %arg13[%get3A_638] : memref<1000xf32, #tpu.memory_space<vmem>>[vector<16xi32>], vector<16xf32>,
    %lt3A_640 = arith.constant 6.000000e+00 : f32
    %lt3A_641 = vector.broadcast %lt3A_640 : f32 to vector<16xf32>
    %lt3A_642 = arith.cmpf olt, %lt3A_641, %convert_element_type3A_562 : vector<16xf32>
    %jit3A_643 = arith.constant 0.000000e+00 : f32
    %broadcast_in_dim3A_644 = vector.broadcast %jit3A_643 : f32 to vector<16xf32>
    %select_n3A_645 = arith.select %lt3A_642, %gather3A_639, %broadcast_in_dim3A_644 : vector<16xi1>, vector<16xf32>
    %add3A_646 = arith.addf %add3A_634, %select_n3A_645 : vector<16xf32>
    %get3A_647 = arith.constant 7 : i32
    %get3A_648 = arith.index_cast %get3A_647 : i32 to index
    %get3A_649 = arith.constant 32 : index
    %get3A_650 = tpu.vector_load %arg10[%get3A_648, %get3A_649] {strides = array<i32>} : memref<20x128xi32, #tpu.memory_space<vmem>>, vector<16xi32>,
    %gather3A_651 = tpu.vector_load_idx %arg13[%get3A_650] : memref<1000xf32, #tpu.memory_space<vmem>>[vector<16xi32>], vector<16xf32>,
    %lt3A_652 = arith.constant 7.000000e+00 : f32
    %lt3A_653 = vector.broadcast %lt3A_652 : f32 to vector<16xf32>
    %lt3A_654 = arith.cmpf olt, %lt3A_653, %convert_element_type3A_562 : vector<16xf32>
    %jit3A_655 = arith.constant 0.000000e+00 : f32
    %broadcast_in_dim3A_656 = vector.broadcast %jit3A_655 : f32 to vector<16xf32>
    %select_n3A_657 = arith.select %lt3A_654, %gather3A_651, %broadcast_in_dim3A_656 : vector<16xi1>, vector<16xf32>
    %add3A_658 = arith.addf %add3A_646, %select_n3A_657 : vector<16xf32>
    %get3A_659 = arith.constant 8 : i32
    %get3A_660 = arith.index_cast %get3A_659 : i32 to index
    %get3A_661 = arith.constant 32 : index
    %get3A_662 = tpu.vector_load %arg10[%get3A_660, %get3A_661] {strides = array<i32>} : memref<20x128xi32, #tpu.memory_space<vmem>>, vector<16xi32>,
    %gather3A_663 = tpu.vector_load_idx %arg13[%get3A_662] : memref<1000xf32, #tpu.memory_space<vmem>>[vector<16xi32>], vector<16xf32>,
    %lt3A_664 = arith.constant 8.000000e+00 : f32
    %lt3A_665 = vector.broadcast %lt3A_664 : f32 to vector<16xf32>
    %lt3A_666 = arith.cmpf olt, %lt3A_665, %convert_element_type3A_562 : vector<16xf32>
    %jit3A_667 = arith.constant 0.000000e+00 : f32
    %broadcast_in_dim3A_668 = vector.broadcast %jit3A_667 : f32 to vector<16xf32>
    %select_n3A_669 = arith.select %lt3A_666, %gather3A_663, %broadcast_in_dim3A_668 : vector<16xi1>, vector<16xf32>
    %add3A_670 = arith.addf %add3A_658, %select_n3A_669 : vector<16xf32>
    %get3A_671 = arith.constant 9 : i32
    %get3A_672 = arith.index_cast %get3A_671 : i32 to index
    %get3A_673 = arith.constant 32 : index
    %get3A_674 = tpu.vector_load %arg10[%get3A_672, %get3A_673] {strides = array<i32>} : memref<20x128xi32, #tpu.memory_space<vmem>>, vector<16xi32>,
    %gather3A_675 = tpu.vector_load_idx %arg13[%get3A_674] : memref<1000xf32, #tpu.memory_space<vmem>>[vector<16xi32>], vector<16xf32>,
    %lt3A_676 = arith.constant 9.000000e+00 : f32
    %lt3A_677 = vector.broadcast %lt3A_676 : f32 to vector<16xf32>
    %lt3A_678 = arith.cmpf olt, %lt3A_677, %convert_element_type3A_562 : vector<16xf32>
    %jit3A_679 = arith.constant 0.000000e+00 : f32
    %broadcast_in_dim3A_680 = vector.broadcast %jit3A_679 : f32 to vector<16xf32>
    %select_n3A_681 = arith.select %lt3A_678, %gather3A_675, %broadcast_in_dim3A_680 : vector<16xi1>, vector<16xf32>
    %add3A_682 = arith.addf %add3A_670, %select_n3A_681 : vector<16xf32>
    %get3A_683 = arith.constant 10 : i32
    %get3A_684 = arith.index_cast %get3A_683 : i32 to index
    %get3A_685 = arith.constant 32 : index
    %get3A_686 = tpu.vector_load %arg10[%get3A_684, %get3A_685] {strides = array<i32>} : memref<20x128xi32, #tpu.memory_space<vmem>>, vector<16xi32>,
    %gather3A_687 = tpu.vector_load_idx %arg13[%get3A_686] : memref<1000xf32, #tpu.memory_space<vmem>>[vector<16xi32>], vector<16xf32>,
    %lt3A_688 = arith.constant 1.000000e+01 : f32
    %lt3A_689 = vector.broadcast %lt3A_688 : f32 to vector<16xf32>
    %lt3A_690 = arith.cmpf olt, %lt3A_689, %convert_element_type3A_562 : vector<16xf32>
    %jit3A_691 = arith.constant 0.000000e+00 : f32
    %broadcast_in_dim3A_692 = vector.broadcast %jit3A_691 : f32 to vector<16xf32>
    %select_n3A_693 = arith.select %lt3A_690, %gather3A_687, %broadcast_in_dim3A_692 : vector<16xi1>, vector<16xf32>
    %add3A_694 = arith.addf %add3A_682, %select_n3A_693 : vector<16xf32>
    %get3A_695 = arith.constant 11 : i32
    %get3A_696 = arith.index_cast %get3A_695 : i32 to index
    %get3A_697 = arith.constant 32 : index
    %get3A_698 = tpu.vector_load %arg10[%get3A_696, %get3A_697] {strides = array<i32>} : memref<20x128xi32, #tpu.memory_space<vmem>>, vector<16xi32>,
    %gather3A_699 = tpu.vector_load_idx %arg13[%get3A_698] : memref<1000xf32, #tpu.memory_space<vmem>>[vector<16xi32>], vector<16xf32>,
    %lt3A_700 = arith.constant 1.100000e+01 : f32
    %lt3A_701 = vector.broadcast %lt3A_700 : f32 to vector<16xf32>
    %lt3A_702 = arith.cmpf olt, %lt3A_701, %convert_element_type3A_562 : vector<16xf32>
    %jit3A_703 = arith.constant 0.000000e+00 : f32
    %broadcast_in_dim3A_704 = vector.broadcast %jit3A_703 : f32 to vector<16xf32>
    %select_n3A_705 = arith.select %lt3A_702, %gather3A_699, %broadcast_in_dim3A_704 : vector<16xi1>, vector<16xf32>
    %add3A_706 = arith.addf %add3A_694, %select_n3A_705 : vector<16xf32>
    %get3A_707 = arith.constant 12 : i32
    %get3A_708 = arith.index_cast %get3A_707 : i32 to index
    %get3A_709 = arith.constant 32 : index
    %get3A_710 = tpu.vector_load %arg10[%get3A_708, %get3A_709] {strides = array<i32>} : memref<20x128xi32, #tpu.memory_space<vmem>>, vector<16xi32>,
    %gather3A_711 = tpu.vector_load_idx %arg13[%get3A_710] : memref<1000xf32, #tpu.memory_space<vmem>>[vector<16xi32>], vector<16xf32>,
    %lt3A_712 = arith.constant 1.200000e+01 : f32
    %lt3A_713 = vector.broadcast %lt3A_712 : f32 to vector<16xf32>
    %lt3A_714 = arith.cmpf olt, %lt3A_713, %convert_element_type3A_562 : vector<16xf32>
    %jit3A_715 = arith.constant 0.000000e+00 : f32
    %broadcast_in_dim3A_716 = vector.broadcast %jit3A_715 : f32 to vector<16xf32>
    %select_n3A_717 = arith.select %lt3A_714, %gather3A_711, %broadcast_in_dim3A_716 : vector<16xi1>, vector<16xf32>
    %add3A_718 = arith.addf %add3A_706, %select_n3A_717 : vector<16xf32>
    %get3A_719 = arith.constant 13 : i32
    %get3A_720 = arith.index_cast %get3A_719 : i32 to index
    %get3A_721 = arith.constant 32 : index
    %get3A_722 = tpu.vector_load %arg10[%get3A_720, %get3A_721] {strides = array<i32>} : memref<20x128xi32, #tpu.memory_space<vmem>>, vector<16xi32>,
    %gather3A_723 = tpu.vector_load_idx %arg13[%get3A_722] : memref<1000xf32, #tpu.memory_space<vmem>>[vector<16xi32>], vector<16xf32>,
    %lt3A_724 = arith.constant 1.300000e+01 : f32
    %lt3A_725 = vector.broadcast %lt3A_724 : f32 to vector<16xf32>
    %lt3A_726 = arith.cmpf olt, %lt3A_725, %convert_element_type3A_562 : vector<16xf32>
    %jit3A_727 = arith.constant 0.000000e+00 : f32
    %broadcast_in_dim3A_728 = vector.broadcast %jit3A_727 : f32 to vector<16xf32>
    %select_n3A_729 = arith.select %lt3A_726, %gather3A_723, %broadcast_in_dim3A_728 : vector<16xi1>, vector<16xf32>
    %add3A_730 = arith.addf %add3A_718, %select_n3A_729 : vector<16xf32>
    %get3A_731 = arith.constant 14 : i32
    %get3A_732 = arith.index_cast %get3A_731 : i32 to index
    %get3A_733 = arith.constant 32 : index
    %get3A_734 = tpu.vector_load %arg10[%get3A_732, %get3A_733] {strides = array<i32>} : memref<20x128xi32, #tpu.memory_space<vmem>>, vector<16xi32>,
    %gather3A_735 = tpu.vector_load_idx %arg13[%get3A_734] : memref<1000xf32, #tpu.memory_space<vmem>>[vector<16xi32>], vector<16xf32>,
    %lt3A_736 = arith.constant 1.400000e+01 : f32
    %lt3A_737 = vector.broadcast %lt3A_736 : f32 to vector<16xf32>
    %lt3A_738 = arith.cmpf olt, %lt3A_737, %convert_element_type3A_562 : vector<16xf32>
    %jit3A_739 = arith.constant 0.000000e+00 : f32
    %broadcast_in_dim3A_740 = vector.broadcast %jit3A_739 : f32 to vector<16xf32>
    %select_n3A_741 = arith.select %lt3A_738, %gather3A_735, %broadcast_in_dim3A_740 : vector<16xi1>, vector<16xf32>
    %add3A_742 = arith.addf %add3A_730, %select_n3A_741 : vector<16xf32>
    %get3A_743 = arith.constant 15 : i32
    %get3A_744 = arith.index_cast %get3A_743 : i32 to index
    %get3A_745 = arith.constant 32 : index
    %get3A_746 = tpu.vector_load %arg10[%get3A_744, %get3A_745] {strides = array<i32>} : memref<20x128xi32, #tpu.memory_space<vmem>>, vector<16xi32>,
    %gather3A_747 = tpu.vector_load_idx %arg13[%get3A_746] : memref<1000xf32, #tpu.memory_space<vmem>>[vector<16xi32>], vector<16xf32>,
    %lt3A_748 = arith.constant 1.500000e+01 : f32
    %lt3A_749 = vector.broadcast %lt3A_748 : f32 to vector<16xf32>
    %lt3A_750 = arith.cmpf olt, %lt3A_749, %convert_element_type3A_562 : vector<16xf32>
    %jit3A_751 = arith.constant 0.000000e+00 : f32
    %broadcast_in_dim3A_752 = vector.broadcast %jit3A_751 : f32 to vector<16xf32>
    %select_n3A_753 = arith.select %lt3A_750, %gather3A_747, %broadcast_in_dim3A_752 : vector<16xi1>, vector<16xf32>
    %add3A_754 = arith.addf %add3A_742, %select_n3A_753 : vector<16xf32>
    %get3A_755 = arith.constant 16 : i32
    %get3A_756 = arith.index_cast %get3A_755 : i32 to index
    %get3A_757 = arith.constant 32 : index
    %get3A_758 = tpu.vector_load %arg10[%get3A_756, %get3A_757] {strides = array<i32>} : memref<20x128xi32, #tpu.memory_space<vmem>>, vector<16xi32>,
    %gather3A_759 = tpu.vector_load_idx %arg13[%get3A_758] : memref<1000xf32, #tpu.memory_space<vmem>>[vector<16xi32>], vector<16xf32>,
    %lt3A_760 = arith.constant 1.600000e+01 : f32
    %lt3A_761 = vector.broadcast %lt3A_760 : f32 to vector<16xf32>
    %lt3A_762 = arith.cmpf olt, %lt3A_761, %convert_element_type3A_562 : vector<16xf32>
    %jit3A_763 = arith.constant 0.000000e+00 : f32
    %broadcast_in_dim3A_764 = vector.broadcast %jit3A_763 : f32 to vector<16xf32>
    %select_n3A_765 = arith.select %lt3A_762, %gather3A_759, %broadcast_in_dim3A_764 : vector<16xi1>, vector<16xf32>
    %add3A_766 = arith.addf %add3A_754, %select_n3A_765 : vector<16xf32>
    %get3A_767 = arith.constant 17 : i32
    %get3A_768 = arith.index_cast %get3A_767 : i32 to index
    %get3A_769 = arith.constant 32 : index
    %get3A_770 = tpu.vector_load %arg10[%get3A_768, %get3A_769] {strides = array<i32>} : memref<20x128xi32, #tpu.memory_space<vmem>>, vector<16xi32>,
    %gather3A_771 = tpu.vector_load_idx %arg13[%get3A_770] : memref<1000xf32, #tpu.memory_space<vmem>>[vector<16xi32>], vector<16xf32>,
    %lt3A_772 = arith.constant 1.700000e+01 : f32
    %lt3A_773 = vector.broadcast %lt3A_772 : f32 to vector<16xf32>
    %lt3A_774 = arith.cmpf olt, %lt3A_773, %convert_element_type3A_562 : vector<16xf32>
    %jit3A_775 = arith.constant 0.000000e+00 : f32
    %broadcast_in_dim3A_776 = vector.broadcast %jit3A_775 : f32 to vector<16xf32>
    %select_n3A_777 = arith.select %lt3A_774, %gather3A_771, %broadcast_in_dim3A_776 : vector<16xi1>, vector<16xf32>
    %add3A_778 = arith.addf %add3A_766, %select_n3A_777 : vector<16xf32>
    %get3A_779 = arith.constant 18 : i32
    %get3A_780 = arith.index_cast %get3A_779 : i32 to index
    %get3A_781 = arith.constant 32 : index
    %get3A_782 = tpu.vector_load %arg10[%get3A_780, %get3A_781] {strides = array<i32>} : memref<20x128xi32, #tpu.memory_space<vmem>>, vector<16xi32>,
    %gather3A_783 = tpu.vector_load_idx %arg13[%get3A_782] : memref<1000xf32, #tpu.memory_space<vmem>>[vector<16xi32>], vector<16xf32>,
    %lt3A_784 = arith.constant 1.800000e+01 : f32
    %lt3A_785 = vector.broadcast %lt3A_784 : f32 to vector<16xf32>
    %lt3A_786 = arith.cmpf olt, %lt3A_785, %convert_element_type3A_562 : vector<16xf32>
    %jit3A_787 = arith.constant 0.000000e+00 : f32
    %broadcast_in_dim3A_788 = vector.broadcast %jit3A_787 : f32 to vector<16xf32>
    %select_n3A_789 = arith.select %lt3A_786, %gather3A_783, %broadcast_in_dim3A_788 : vector<16xi1>, vector<16xf32>
    %add3A_790 = arith.addf %add3A_778, %select_n3A_789 : vector<16xf32>
    %get3A_791 = arith.constant 19 : i32
    %get3A_792 = arith.index_cast %get3A_791 : i32 to index
    %get3A_793 = arith.constant 32 : index
    %get3A_794 = tpu.vector_load %arg10[%get3A_792, %get3A_793] {strides = array<i32>} : memref<20x128xi32, #tpu.memory_space<vmem>>, vector<16xi32>,
    %gather3A_795 = tpu.vector_load_idx %arg13[%get3A_794] : memref<1000xf32, #tpu.memory_space<vmem>>[vector<16xi32>], vector<16xf32>,
    %lt3A_796 = arith.constant 1.900000e+01 : f32
    %lt3A_797 = vector.broadcast %lt3A_796 : f32 to vector<16xf32>
    %lt3A_798 = arith.cmpf olt, %lt3A_797, %convert_element_type3A_562 : vector<16xf32>
    %jit3A_799 = arith.constant 0.000000e+00 : f32
    %broadcast_in_dim3A_800 = vector.broadcast %jit3A_799 : f32 to vector<16xf32>
    %select_n3A_801 = arith.select %lt3A_798, %gather3A_795, %broadcast_in_dim3A_800 : vector<16xi1>, vector<16xf32>
    %add3A_802 = arith.addf %add3A_790, %select_n3A_801 : vector<16xf32>
    %div3A_803 = arith.divf %add3A_802, %convert_element_type3A_562 : vector<16xf32>
    %swap3A_804 = arith.constant 32 : index
    %swap3A_805 = tpu.vector_load %arg15[%swap3A_804] {strides = array<i32>} : memref<128xf32, #tpu.memory_space<vmem>>, vector<16xf32>,
    tpu.vector_store %arg15[%swap3A_804], %div3A_803 {strides = array<i32>} : memref<128xf32, #tpu.memory_space<vmem>>, vector<16xf32>,
    %broadcast_in_dim3A_806 = arith.constant 0.000000e+00 : f32
    %broadcast_in_dim3A_807 = vector.broadcast %broadcast_in_dim3A_806 : f32 to vector<16xf32>
    %get3A_808 = arith.constant 48 : index
    %get3A_809 = tpu.vector_load %arg11[%get3A_808] {strides = array<i32>} : memref<128xi32, #tpu.memory_space<vmem>>, vector<16xi32>,
    %convert_element_type3A_810 = arith.sitofp %get3A_809 : vector<16xi32> to vector<16xf32>
    %get3A_811 = arith.constant 0 : i32
    %get3A_812 = arith.index_cast %get3A_811 : i32 to index
    %get3A_813 = arith.constant 48 : index
    %get3A_814 = tpu.vector_load %arg10[%get3A_812, %get3A_813] {strides = array<i32>} : memref<20x128xi32, #tpu.memory_space<vmem>>, vector<16xi32>,
    %gather3A_815 = tpu.vector_load_idx %arg13[%get3A_814] : memref<1000xf32, #tpu.memory_space<vmem>>[vector<16xi32>], vector<16xf32>,
    %lt3A_816 = arith.constant 0.000000e+00 : f32
    %lt3A_817 = vector.broadcast %lt3A_816 : f32 to vector<16xf32>
    %lt3A_818 = arith.cmpf olt, %lt3A_817, %convert_element_type3A_810 : vector<16xf32>
    %jit3A_819 = arith.constant 0.000000e+00 : f32
    %broadcast_in_dim3A_820 = vector.broadcast %jit3A_819 : f32 to vector<16xf32>
    %select_n3A_821 = arith.select %lt3A_818, %gather3A_815, %broadcast_in_dim3A_820 : vector<16xi1>, vector<16xf32>
    %add3A_822 = arith.addf %broadcast_in_dim3A_807, %select_n3A_821 : vector<16xf32>
    %get3A_823 = arith.constant 1 : i32
    %get3A_824 = arith.index_cast %get3A_823 : i32 to index
    %get3A_825 = arith.constant 48 : index
    %get3A_826 = tpu.vector_load %arg10[%get3A_824, %get3A_825] {strides = array<i32>} : memref<20x128xi32, #tpu.memory_space<vmem>>, vector<16xi32>,
    %gather3A_827 = tpu.vector_load_idx %arg13[%get3A_826] : memref<1000xf32, #tpu.memory_space<vmem>>[vector<16xi32>], vector<16xf32>,
    %lt3A_828 = arith.constant 1.000000e+00 : f32
    %lt3A_829 = vector.broadcast %lt3A_828 : f32 to vector<16xf32>
    %lt3A_830 = arith.cmpf olt, %lt3A_829, %convert_element_type3A_810 : vector<16xf32>
    %jit3A_831 = arith.constant 0.000000e+00 : f32
    %broadcast_in_dim3A_832 = vector.broadcast %jit3A_831 : f32 to vector<16xf32>
    %select_n3A_833 = arith.select %lt3A_830, %gather3A_827, %broadcast_in_dim3A_832 : vector<16xi1>, vector<16xf32>
    %add3A_834 = arith.addf %add3A_822, %select_n3A_833 : vector<16xf32>
    %get3A_835 = arith.constant 2 : i32
    %get3A_836 = arith.index_cast %get3A_835 : i32 to index
    %get3A_837 = arith.constant 48 : index
    %get3A_838 = tpu.vector_load %arg10[%get3A_836, %get3A_837] {strides = array<i32>} : memref<20x128xi32, #tpu.memory_space<vmem>>, vector<16xi32>,
    %gather3A_839 = tpu.vector_load_idx %arg13[%get3A_838] : memref<1000xf32, #tpu.memory_space<vmem>>[vector<16xi32>], vector<16xf32>,
    %lt3A_840 = arith.constant 2.000000e+00 : f32
    %lt3A_841 = vector.broadcast %lt3A_840 : f32 to vector<16xf32>
    %lt3A_842 = arith.cmpf olt, %lt3A_841, %convert_element_type3A_810 : vector<16xf32>
    %jit3A_843 = arith.constant 0.000000e+00 : f32
    %broadcast_in_dim3A_844 = vector.broadcast %jit3A_843 : f32 to vector<16xf32>
    %select_n3A_845 = arith.select %lt3A_842, %gather3A_839, %broadcast_in_dim3A_844 : vector<16xi1>, vector<16xf32>
    %add3A_846 = arith.addf %add3A_834, %select_n3A_845 : vector<16xf32>
    %get3A_847 = arith.constant 3 : i32
    %get3A_848 = arith.index_cast %get3A_847 : i32 to index
    %get3A_849 = arith.constant 48 : index
    %get3A_850 = tpu.vector_load %arg10[%get3A_848, %get3A_849] {strides = array<i32>} : memref<20x128xi32, #tpu.memory_space<vmem>>, vector<16xi32>,
    %gather3A_851 = tpu.vector_load_idx %arg13[%get3A_850] : memref<1000xf32, #tpu.memory_space<vmem>>[vector<16xi32>], vector<16xf32>,
    %lt3A_852 = arith.constant 3.000000e+00 : f32
    %lt3A_853 = vector.broadcast %lt3A_852 : f32 to vector<16xf32>
    %lt3A_854 = arith.cmpf olt, %lt3A_853, %convert_element_type3A_810 : vector<16xf32>
    %jit3A_855 = arith.constant 0.000000e+00 : f32
    %broadcast_in_dim3A_856 = vector.broadcast %jit3A_855 : f32 to vector<16xf32>
    %select_n3A_857 = arith.select %lt3A_854, %gather3A_851, %broadcast_in_dim3A_856 : vector<16xi1>, vector<16xf32>
    %add3A_858 = arith.addf %add3A_846, %select_n3A_857 : vector<16xf32>
    %get3A_859 = arith.constant 4 : i32
    %get3A_860 = arith.index_cast %get3A_859 : i32 to index
    %get3A_861 = arith.constant 48 : index
    %get3A_862 = tpu.vector_load %arg10[%get3A_860, %get3A_861] {strides = array<i32>} : memref<20x128xi32, #tpu.memory_space<vmem>>, vector<16xi32>,
    %gather3A_863 = tpu.vector_load_idx %arg13[%get3A_862] : memref<1000xf32, #tpu.memory_space<vmem>>[vector<16xi32>], vector<16xf32>,
    %lt3A_864 = arith.constant 4.000000e+00 : f32
    %lt3A_865 = vector.broadcast %lt3A_864 : f32 to vector<16xf32>
    %lt3A_866 = arith.cmpf olt, %lt3A_865, %convert_element_type3A_810 : vector<16xf32>
    %jit3A_867 = arith.constant 0.000000e+00 : f32
    %broadcast_in_dim3A_868 = vector.broadcast %jit3A_867 : f32 to vector<16xf32>
    %select_n3A_869 = arith.select %lt3A_866, %gather3A_863, %broadcast_in_dim3A_868 : vector<16xi1>, vector<16xf32>
    %add3A_870 = arith.addf %add3A_858, %select_n3A_869 : vector<16xf32>
    %get3A_871 = arith.constant 5 : i32
    %get3A_872 = arith.index_cast %get3A_871 : i32 to index
    %get3A_873 = arith.constant 48 : index
    %get3A_874 = tpu.vector_load %arg10[%get3A_872, %get3A_873] {strides = array<i32>} : memref<20x128xi32, #tpu.memory_space<vmem>>, vector<16xi32>,
    %gather3A_875 = tpu.vector_load_idx %arg13[%get3A_874] : memref<1000xf32, #tpu.memory_space<vmem>>[vector<16xi32>], vector<16xf32>,
    %lt3A_876 = arith.constant 5.000000e+00 : f32
    %lt3A_877 = vector.broadcast %lt3A_876 : f32 to vector<16xf32>
    %lt3A_878 = arith.cmpf olt, %lt3A_877, %convert_element_type3A_810 : vector<16xf32>
    %jit3A_879 = arith.constant 0.000000e+00 : f32
    %broadcast_in_dim3A_880 = vector.broadcast %jit3A_879 : f32 to vector<16xf32>
    %select_n3A_881 = arith.select %lt3A_878, %gather3A_875, %broadcast_in_dim3A_880 : vector<16xi1>, vector<16xf32>
    %add3A_882 = arith.addf %add3A_870, %select_n3A_881 : vector<16xf32>
    %get3A_883 = arith.constant 6 : i32
    %get3A_884 = arith.index_cast %get3A_883 : i32 to index
    %get3A_885 = arith.constant 48 : index
    %get3A_886 = tpu.vector_load %arg10[%get3A_884, %get3A_885] {strides = array<i32>} : memref<20x128xi32, #tpu.memory_space<vmem>>, vector<16xi32>,
    %gather3A_887 = tpu.vector_load_idx %arg13[%get3A_886] : memref<1000xf32, #tpu.memory_space<vmem>>[vector<16xi32>], vector<16xf32>,
    %lt3A_888 = arith.constant 6.000000e+00 : f32
    %lt3A_889 = vector.broadcast %lt3A_888 : f32 to vector<16xf32>
    %lt3A_890 = arith.cmpf olt, %lt3A_889, %convert_element_type3A_810 : vector<16xf32>
    %jit3A_891 = arith.constant 0.000000e+00 : f32
    %broadcast_in_dim3A_892 = vector.broadcast %jit3A_891 : f32 to vector<16xf32>
    %select_n3A_893 = arith.select %lt3A_890, %gather3A_887, %broadcast_in_dim3A_892 : vector<16xi1>, vector<16xf32>
    %add3A_894 = arith.addf %add3A_882, %select_n3A_893 : vector<16xf32>
    %get3A_895 = arith.constant 7 : i32
    %get3A_896 = arith.index_cast %get3A_895 : i32 to index
    %get3A_897 = arith.constant 48 : index
    %get3A_898 = tpu.vector_load %arg10[%get3A_896, %get3A_897] {strides = array<i32>} : memref<20x128xi32, #tpu.memory_space<vmem>>, vector<16xi32>,
    %gather3A_899 = tpu.vector_load_idx %arg13[%get3A_898] : memref<1000xf32, #tpu.memory_space<vmem>>[vector<16xi32>], vector<16xf32>,
    %lt3A_900 = arith.constant 7.000000e+00 : f32
    %lt3A_901 = vector.broadcast %lt3A_900 : f32 to vector<16xf32>
    %lt3A_902 = arith.cmpf olt, %lt3A_901, %convert_element_type3A_810 : vector<16xf32>
    %jit3A_903 = arith.constant 0.000000e+00 : f32
    %broadcast_in_dim3A_904 = vector.broadcast %jit3A_903 : f32 to vector<16xf32>
    %select_n3A_905 = arith.select %lt3A_902, %gather3A_899, %broadcast_in_dim3A_904 : vector<16xi1>, vector<16xf32>
    %add3A_906 = arith.addf %add3A_894, %select_n3A_905 : vector<16xf32>
    %get3A_907 = arith.constant 8 : i32
    %get3A_908 = arith.index_cast %get3A_907 : i32 to index
    %get3A_909 = arith.constant 48 : index
    %get3A_910 = tpu.vector_load %arg10[%get3A_908, %get3A_909] {strides = array<i32>} : memref<20x128xi32, #tpu.memory_space<vmem>>, vector<16xi32>,
    %gather3A_911 = tpu.vector_load_idx %arg13[%get3A_910] : memref<1000xf32, #tpu.memory_space<vmem>>[vector<16xi32>], vector<16xf32>,
    %lt3A_912 = arith.constant 8.000000e+00 : f32
    %lt3A_913 = vector.broadcast %lt3A_912 : f32 to vector<16xf32>
    %lt3A_914 = arith.cmpf olt, %lt3A_913, %convert_element_type3A_810 : vector<16xf32>
    %jit3A_915 = arith.constant 0.000000e+00 : f32
    %broadcast_in_dim3A_916 = vector.broadcast %jit3A_915 : f32 to vector<16xf32>
    %select_n3A_917 = arith.select %lt3A_914, %gather3A_911, %broadcast_in_dim3A_916 : vector<16xi1>, vector<16xf32>
    %add3A_918 = arith.addf %add3A_906, %select_n3A_917 : vector<16xf32>
    %get3A_919 = arith.constant 9 : i32
    %get3A_920 = arith.index_cast %get3A_919 : i32 to index
    %get3A_921 = arith.constant 48 : index
    %get3A_922 = tpu.vector_load %arg10[%get3A_920, %get3A_921] {strides = array<i32>} : memref<20x128xi32, #tpu.memory_space<vmem>>, vector<16xi32>,
    %gather3A_923 = tpu.vector_load_idx %arg13[%get3A_922] : memref<1000xf32, #tpu.memory_space<vmem>>[vector<16xi32>], vector<16xf32>,
    %lt3A_924 = arith.constant 9.000000e+00 : f32
    %lt3A_925 = vector.broadcast %lt3A_924 : f32 to vector<16xf32>
    %lt3A_926 = arith.cmpf olt, %lt3A_925, %convert_element_type3A_810 : vector<16xf32>
    %jit3A_927 = arith.constant 0.000000e+00 : f32
    %broadcast_in_dim3A_928 = vector.broadcast %jit3A_927 : f32 to vector<16xf32>
    %select_n3A_929 = arith.select %lt3A_926, %gather3A_923, %broadcast_in_dim3A_928 : vector<16xi1>, vector<16xf32>
    %add3A_930 = arith.addf %add3A_918, %select_n3A_929 : vector<16xf32>
    %get3A_931 = arith.constant 10 : i32
    %get3A_932 = arith.index_cast %get3A_931 : i32 to index
    %get3A_933 = arith.constant 48 : index
    %get3A_934 = tpu.vector_load %arg10[%get3A_932, %get3A_933] {strides = array<i32>} : memref<20x128xi32, #tpu.memory_space<vmem>>, vector<16xi32>,
    %gather3A_935 = tpu.vector_load_idx %arg13[%get3A_934] : memref<1000xf32, #tpu.memory_space<vmem>>[vector<16xi32>], vector<16xf32>,
    %lt3A_936 = arith.constant 1.000000e+01 : f32
    %lt3A_937 = vector.broadcast %lt3A_936 : f32 to vector<16xf32>
    %lt3A_938 = arith.cmpf olt, %lt3A_937, %convert_element_type3A_810 : vector<16xf32>
    %jit3A_939 = arith.constant 0.000000e+00 : f32
    %broadcast_in_dim3A_940 = vector.broadcast %jit3A_939 : f32 to vector<16xf32>
    %select_n3A_941 = arith.select %lt3A_938, %gather3A_935, %broadcast_in_dim3A_940 : vector<16xi1>, vector<16xf32>
    %add3A_942 = arith.addf %add3A_930, %select_n3A_941 : vector<16xf32>
    %get3A_943 = arith.constant 11 : i32
    %get3A_944 = arith.index_cast %get3A_943 : i32 to index
    %get3A_945 = arith.constant 48 : index
    %get3A_946 = tpu.vector_load %arg10[%get3A_944, %get3A_945] {strides = array<i32>} : memref<20x128xi32, #tpu.memory_space<vmem>>, vector<16xi32>,
    %gather3A_947 = tpu.vector_load_idx %arg13[%get3A_946] : memref<1000xf32, #tpu.memory_space<vmem>>[vector<16xi32>], vector<16xf32>,
    %lt3A_948 = arith.constant 1.100000e+01 : f32
    %lt3A_949 = vector.broadcast %lt3A_948 : f32 to vector<16xf32>
    %lt3A_950 = arith.cmpf olt, %lt3A_949, %convert_element_type3A_810 : vector<16xf32>
    %jit3A_951 = arith.constant 0.000000e+00 : f32
    %broadcast_in_dim3A_952 = vector.broadcast %jit3A_951 : f32 to vector<16xf32>
    %select_n3A_953 = arith.select %lt3A_950, %gather3A_947, %broadcast_in_dim3A_952 : vector<16xi1>, vector<16xf32>
    %add3A_954 = arith.addf %add3A_942, %select_n3A_953 : vector<16xf32>
    %get3A_955 = arith.constant 12 : i32
    %get3A_956 = arith.index_cast %get3A_955 : i32 to index
    %get3A_957 = arith.constant 48 : index
    %get3A_958 = tpu.vector_load %arg10[%get3A_956, %get3A_957] {strides = array<i32>} : memref<20x128xi32, #tpu.memory_space<vmem>>, vector<16xi32>,
    %gather3A_959 = tpu.vector_load_idx %arg13[%get3A_958] : memref<1000xf32, #tpu.memory_space<vmem>>[vector<16xi32>], vector<16xf32>,
    %lt3A_960 = arith.constant 1.200000e+01 : f32
    %lt3A_961 = vector.broadcast %lt3A_960 : f32 to vector<16xf32>
    %lt3A_962 = arith.cmpf olt, %lt3A_961, %convert_element_type3A_810 : vector<16xf32>
    %jit3A_963 = arith.constant 0.000000e+00 : f32
    %broadcast_in_dim3A_964 = vector.broadcast %jit3A_963 : f32 to vector<16xf32>
    %select_n3A_965 = arith.select %lt3A_962, %gather3A_959, %broadcast_in_dim3A_964 : vector<16xi1>, vector<16xf32>
    %add3A_966 = arith.addf %add3A_954, %select_n3A_965 : vector<16xf32>
    %get3A_967 = arith.constant 13 : i32
    %get3A_968 = arith.index_cast %get3A_967 : i32 to index
    %get3A_969 = arith.constant 48 : index
    %get3A_970 = tpu.vector_load %arg10[%get3A_968, %get3A_969] {strides = array<i32>} : memref<20x128xi32, #tpu.memory_space<vmem>>, vector<16xi32>,
    %gather3A_971 = tpu.vector_load_idx %arg13[%get3A_970] : memref<1000xf32, #tpu.memory_space<vmem>>[vector<16xi32>], vector<16xf32>,
    %lt3A_972 = arith.constant 1.300000e+01 : f32
    %lt3A_973 = vector.broadcast %lt3A_972 : f32 to vector<16xf32>
    %lt3A_974 = arith.cmpf olt, %lt3A_973, %convert_element_type3A_810 : vector<16xf32>
    %jit3A_975 = arith.constant 0.000000e+00 : f32
    %broadcast_in_dim3A_976 = vector.broadcast %jit3A_975 : f32 to vector<16xf32>
    %select_n3A_977 = arith.select %lt3A_974, %gather3A_971, %broadcast_in_dim3A_976 : vector<16xi1>, vector<16xf32>
    %add3A_978 = arith.addf %add3A_966, %select_n3A_977 : vector<16xf32>
    %get3A_979 = arith.constant 14 : i32
    %get3A_980 = arith.index_cast %get3A_979 : i32 to index
    %get3A_981 = arith.constant 48 : index
    %get3A_982 = tpu.vector_load %arg10[%get3A_980, %get3A_981] {strides = array<i32>} : memref<20x128xi32, #tpu.memory_space<vmem>>, vector<16xi32>,
    %gather3A_983 = tpu.vector_load_idx %arg13[%get3A_982] : memref<1000xf32, #tpu.memory_space<vmem>>[vector<16xi32>], vector<16xf32>,
    %lt3A_984 = arith.constant 1.400000e+01 : f32
    %lt3A_985 = vector.broadcast %lt3A_984 : f32 to vector<16xf32>
    %lt3A_986 = arith.cmpf olt, %lt3A_985, %convert_element_type3A_810 : vector<16xf32>
    %jit3A_987 = arith.constant 0.000000e+00 : f32
    %broadcast_in_dim3A_988 = vector.broadcast %jit3A_987 : f32 to vector<16xf32>
    %select_n3A_989 = arith.select %lt3A_986, %gather3A_983, %broadcast_in_dim3A_988 : vector<16xi1>, vector<16xf32>
    %add3A_990 = arith.addf %add3A_978, %select_n3A_989 : vector<16xf32>
    %get3A_991 = arith.constant 15 : i32
    %get3A_992 = arith.index_cast %get3A_991 : i32 to index
    %get3A_993 = arith.constant 48 : index
    %get3A_994 = tpu.vector_load %arg10[%get3A_992, %get3A_993] {strides = array<i32>} : memref<20x128xi32, #tpu.memory_space<vmem>>, vector<16xi32>,
    %gather3A_995 = tpu.vector_load_idx %arg13[%get3A_994] : memref<1000xf32, #tpu.memory_space<vmem>>[vector<16xi32>], vector<16xf32>,
    %lt3A_996 = arith.constant 1.500000e+01 : f32
    %lt3A_997 = vector.broadcast %lt3A_996 : f32 to vector<16xf32>
    %lt3A_998 = arith.cmpf olt, %lt3A_997, %convert_element_type3A_810 : vector<16xf32>
    %jit3A_999 = arith.constant 0.000000e+00 : f32
    %broadcast_in_dim3A_1000 = vector.broadcast %jit3A_999 : f32 to vector<16xf32>
    %select_n3A_1001 = arith.select %lt3A_998, %gather3A_995, %broadcast_in_dim3A_1000 : vector<16xi1>, vector<16xf32>
    %add3A_1002 = arith.addf %add3A_990, %select_n3A_1001 : vector<16xf32>
    %get3A_1003 = arith.constant 16 : i32
    %get3A_1004 = arith.index_cast %get3A_1003 : i32 to index
    %get3A_1005 = arith.constant 48 : index
    %get3A_1006 = tpu.vector_load %arg10[%get3A_1004, %get3A_1005] {strides = array<i32>} : memref<20x128xi32, #tpu.memory_space<vmem>>, vector<16xi32>,
    %gather3A_1007 = tpu.vector_load_idx %arg13[%get3A_1006] : memref<1000xf32, #tpu.memory_space<vmem>>[vector<16xi32>], vector<16xf32>,
    %lt3A_1008 = arith.constant 1.600000e+01 : f32
    %lt3A_1009 = vector.broadcast %lt3A_1008 : f32 to vector<16xf32>
    %lt3A_1010 = arith.cmpf olt, %lt3A_1009, %convert_element_type3A_810 : vector<16xf32>
    %jit3A_1011 = arith.constant 0.000000e+00 : f32
    %broadcast_in_dim3A_1012 = vector.broadcast %jit3A_1011 : f32 to vector<16xf32>
    %select_n3A_1013 = arith.select %lt3A_1010, %gather3A_1007, %broadcast_in_dim3A_1012 : vector<16xi1>, vector<16xf32>
    %add3A_1014 = arith.addf %add3A_1002, %select_n3A_1013 : vector<16xf32>
    %get3A_1015 = arith.constant 17 : i32
    %get3A_1016 = arith.index_cast %get3A_1015 : i32 to index
    %get3A_1017 = arith.constant 48 : index
    %get3A_1018 = tpu.vector_load %arg10[%get3A_1016, %get3A_1017] {strides = array<i32>} : memref<20x128xi32, #tpu.memory_space<vmem>>, vector<16xi32>,
    %gather3A_1019 = tpu.vector_load_idx %arg13[%get3A_1018] : memref<1000xf32, #tpu.memory_space<vmem>>[vector<16xi32>], vector<16xf32>,
    %lt3A_1020 = arith.constant 1.700000e+01 : f32
    %lt3A_1021 = vector.broadcast %lt3A_1020 : f32 to vector<16xf32>
    %lt3A_1022 = arith.cmpf olt, %lt3A_1021, %convert_element_type3A_810 : vector<16xf32>
    %jit3A_1023 = arith.constant 0.000000e+00 : f32
    %broadcast_in_dim3A_1024 = vector.broadcast %jit3A_1023 : f32 to vector<16xf32>
    %select_n3A_1025 = arith.select %lt3A_1022, %gather3A_1019, %broadcast_in_dim3A_1024 : vector<16xi1>, vector<16xf32>
    %add3A_1026 = arith.addf %add3A_1014, %select_n3A_1025 : vector<16xf32>
    %get3A_1027 = arith.constant 18 : i32
    %get3A_1028 = arith.index_cast %get3A_1027 : i32 to index
    %get3A_1029 = arith.constant 48 : index
    %get3A_1030 = tpu.vector_load %arg10[%get3A_1028, %get3A_1029] {strides = array<i32>} : memref<20x128xi32, #tpu.memory_space<vmem>>, vector<16xi32>,
    %gather3A_1031 = tpu.vector_load_idx %arg13[%get3A_1030] : memref<1000xf32, #tpu.memory_space<vmem>>[vector<16xi32>], vector<16xf32>,
    %lt3A_1032 = arith.constant 1.800000e+01 : f32
    %lt3A_1033 = vector.broadcast %lt3A_1032 : f32 to vector<16xf32>
    %lt3A_1034 = arith.cmpf olt, %lt3A_1033, %convert_element_type3A_810 : vector<16xf32>
    %jit3A_1035 = arith.constant 0.000000e+00 : f32
    %broadcast_in_dim3A_1036 = vector.broadcast %jit3A_1035 : f32 to vector<16xf32>
    %select_n3A_1037 = arith.select %lt3A_1034, %gather3A_1031, %broadcast_in_dim3A_1036 : vector<16xi1>, vector<16xf32>
    %add3A_1038 = arith.addf %add3A_1026, %select_n3A_1037 : vector<16xf32>
    %get3A_1039 = arith.constant 19 : i32
    %get3A_1040 = arith.index_cast %get3A_1039 : i32 to index
    %get3A_1041 = arith.constant 48 : index
    %get3A_1042 = tpu.vector_load %arg10[%get3A_1040, %get3A_1041] {strides = array<i32>} : memref<20x128xi32, #tpu.memory_space<vmem>>, vector<16xi32>,
    %gather3A_1043 = tpu.vector_load_idx %arg13[%get3A_1042] : memref<1000xf32, #tpu.memory_space<vmem>>[vector<16xi32>], vector<16xf32>,
    %lt3A_1044 = arith.constant 1.900000e+01 : f32
    %lt3A_1045 = vector.broadcast %lt3A_1044 : f32 to vector<16xf32>
    %lt3A_1046 = arith.cmpf olt, %lt3A_1045, %convert_element_type3A_810 : vector<16xf32>
    %jit3A_1047 = arith.constant 0.000000e+00 : f32
    %broadcast_in_dim3A_1048 = vector.broadcast %jit3A_1047 : f32 to vector<16xf32>
    %select_n3A_1049 = arith.select %lt3A_1046, %gather3A_1043, %broadcast_in_dim3A_1048 : vector<16xi1>, vector<16xf32>
    %add3A_1050 = arith.addf %add3A_1038, %select_n3A_1049 : vector<16xf32>
    %div3A_1051 = arith.divf %add3A_1050, %convert_element_type3A_810 : vector<16xf32>
    %swap3A_1052 = arith.constant 48 : index
    %swap3A_1053 = tpu.vector_load %arg15[%swap3A_1052] {strides = array<i32>} : memref<128xf32, #tpu.memory_space<vmem>>, vector<16xf32>,
    tpu.vector_store %arg15[%swap3A_1052], %div3A_1051 {strides = array<i32>} : memref<128xf32, #tpu.memory_space<vmem>>, vector<16xf32>,
    %broadcast_in_dim3A_1054 = arith.constant 0.000000e+00 : f32
    %broadcast_in_dim3A_1055 = vector.broadcast %broadcast_in_dim3A_1054 : f32 to vector<16xf32>
    %get3A_1056 = arith.constant 64 : index
    %get3A_1057 = tpu.vector_load %arg11[%get3A_1056] {strides = array<i32>} : memref<128xi32, #tpu.memory_space<vmem>>, vector<16xi32>,
    %convert_element_type3A_1058 = arith.sitofp %get3A_1057 : vector<16xi32> to vector<16xf32>
    %get3A_1059 = arith.constant 0 : i32
    %get3A_1060 = arith.index_cast %get3A_1059 : i32 to index
    %get3A_1061 = arith.constant 64 : index
    %get3A_1062 = tpu.vector_load %arg10[%get3A_1060, %get3A_1061] {strides = array<i32>} : memref<20x128xi32, #tpu.memory_space<vmem>>, vector<16xi32>,
    %gather3A_1063 = tpu.vector_load_idx %arg13[%get3A_1062] : memref<1000xf32, #tpu.memory_space<vmem>>[vector<16xi32>], vector<16xf32>,
    %lt3A_1064 = arith.constant 0.000000e+00 : f32
    %lt3A_1065 = vector.broadcast %lt3A_1064 : f32 to vector<16xf32>
    %lt3A_1066 = arith.cmpf olt, %lt3A_1065, %convert_element_type3A_1058 : vector<16xf32>
    %jit3A_1067 = arith.constant 0.000000e+00 : f32
    %broadcast_in_dim3A_1068 = vector.broadcast %jit3A_1067 : f32 to vector<16xf32>
    %select_n3A_1069 = arith.select %lt3A_1066, %gather3A_1063, %broadcast_in_dim3A_1068 : vector<16xi1>, vector<16xf32>
    %add3A_1070 = arith.addf %broadcast_in_dim3A_1055, %select_n3A_1069 : vector<16xf32>
    %get3A_1071 = arith.constant 1 : i32
    %get3A_1072 = arith.index_cast %get3A_1071 : i32 to index
    %get3A_1073 = arith.constant 64 : index
    %get3A_1074 = tpu.vector_load %arg10[%get3A_1072, %get3A_1073] {strides = array<i32>} : memref<20x128xi32, #tpu.memory_space<vmem>>, vector<16xi32>,
    %gather3A_1075 = tpu.vector_load_idx %arg13[%get3A_1074] : memref<1000xf32, #tpu.memory_space<vmem>>[vector<16xi32>], vector<16xf32>,
    %lt3A_1076 = arith.constant 1.000000e+00 : f32
    %lt3A_1077 = vector.broadcast %lt3A_1076 : f32 to vector<16xf32>
    %lt3A_1078 = arith.cmpf olt, %lt3A_1077, %convert_element_type3A_1058 : vector<16xf32>
    %jit3A_1079 = arith.constant 0.000000e+00 : f32
    %broadcast_in_dim3A_1080 = vector.broadcast %jit3A_1079 : f32 to vector<16xf32>
    %select_n3A_1081 = arith.select %lt3A_1078, %gather3A_1075, %broadcast_in_dim3A_1080 : vector<16xi1>, vector<16xf32>
    %add3A_1082 = arith.addf %add3A_1070, %select_n3A_1081 : vector<16xf32>
    %get3A_1083 = arith.constant 2 : i32
    %get3A_1084 = arith.index_cast %get3A_1083 : i32 to index
    %get3A_1085 = arith.constant 64 : index
    %get3A_1086 = tpu.vector_load %arg10[%get3A_1084, %get3A_1085] {strides = array<i32>} : memref<20x128xi32, #tpu.memory_space<vmem>>, vector<16xi32>,
    %gather3A_1087 = tpu.vector_load_idx %arg13[%get3A_1086] : memref<1000xf32, #tpu.memory_space<vmem>>[vector<16xi32>], vector<16xf32>,
    %lt3A_1088 = arith.constant 2.000000e+00 : f32
    %lt3A_1089 = vector.broadcast %lt3A_1088 : f32 to vector<16xf32>
    %lt3A_1090 = arith.cmpf olt, %lt3A_1089, %convert_element_type3A_1058 : vector<16xf32>
    %jit3A_1091 = arith.constant 0.000000e+00 : f32
    %broadcast_in_dim3A_1092 = vector.broadcast %jit3A_1091 : f32 to vector<16xf32>
    %select_n3A_1093 = arith.select %lt3A_1090, %gather3A_1087, %broadcast_in_dim3A_1092 : vector<16xi1>, vector<16xf32>
    %add3A_1094 = arith.addf %add3A_1082, %select_n3A_1093 : vector<16xf32>
    %get3A_1095 = arith.constant 3 : i32
    %get3A_1096 = arith.index_cast %get3A_1095 : i32 to index
    %get3A_1097 = arith.constant 64 : index
    %get3A_1098 = tpu.vector_load %arg10[%get3A_1096, %get3A_1097] {strides = array<i32>} : memref<20x128xi32, #tpu.memory_space<vmem>>, vector<16xi32>,
    %gather3A_1099 = tpu.vector_load_idx %arg13[%get3A_1098] : memref<1000xf32, #tpu.memory_space<vmem>>[vector<16xi32>], vector<16xf32>,
    %lt3A_1100 = arith.constant 3.000000e+00 : f32
    %lt3A_1101 = vector.broadcast %lt3A_1100 : f32 to vector<16xf32>
    %lt3A_1102 = arith.cmpf olt, %lt3A_1101, %convert_element_type3A_1058 : vector<16xf32>
    %jit3A_1103 = arith.constant 0.000000e+00 : f32
    %broadcast_in_dim3A_1104 = vector.broadcast %jit3A_1103 : f32 to vector<16xf32>
    %select_n3A_1105 = arith.select %lt3A_1102, %gather3A_1099, %broadcast_in_dim3A_1104 : vector<16xi1>, vector<16xf32>
    %add3A_1106 = arith.addf %add3A_1094, %select_n3A_1105 : vector<16xf32>
    %get3A_1107 = arith.constant 4 : i32
    %get3A_1108 = arith.index_cast %get3A_1107 : i32 to index
    %get3A_1109 = arith.constant 64 : index
    %get3A_1110 = tpu.vector_load %arg10[%get3A_1108, %get3A_1109] {strides = array<i32>} : memref<20x128xi32, #tpu.memory_space<vmem>>, vector<16xi32>,
    %gather3A_1111 = tpu.vector_load_idx %arg13[%get3A_1110] : memref<1000xf32, #tpu.memory_space<vmem>>[vector<16xi32>], vector<16xf32>,
    %lt3A_1112 = arith.constant 4.000000e+00 : f32
    %lt3A_1113 = vector.broadcast %lt3A_1112 : f32 to vector<16xf32>
    %lt3A_1114 = arith.cmpf olt, %lt3A_1113, %convert_element_type3A_1058 : vector<16xf32>
    %jit3A_1115 = arith.constant 0.000000e+00 : f32
    %broadcast_in_dim3A_1116 = vector.broadcast %jit3A_1115 : f32 to vector<16xf32>
    %select_n3A_1117 = arith.select %lt3A_1114, %gather3A_1111, %broadcast_in_dim3A_1116 : vector<16xi1>, vector<16xf32>
    %add3A_1118 = arith.addf %add3A_1106, %select_n3A_1117 : vector<16xf32>
    %get3A_1119 = arith.constant 5 : i32
    %get3A_1120 = arith.index_cast %get3A_1119 : i32 to index
    %get3A_1121 = arith.constant 64 : index
    %get3A_1122 = tpu.vector_load %arg10[%get3A_1120, %get3A_1121] {strides = array<i32>} : memref<20x128xi32, #tpu.memory_space<vmem>>, vector<16xi32>,
    %gather3A_1123 = tpu.vector_load_idx %arg13[%get3A_1122] : memref<1000xf32, #tpu.memory_space<vmem>>[vector<16xi32>], vector<16xf32>,
    %lt3A_1124 = arith.constant 5.000000e+00 : f32
    %lt3A_1125 = vector.broadcast %lt3A_1124 : f32 to vector<16xf32>
    %lt3A_1126 = arith.cmpf olt, %lt3A_1125, %convert_element_type3A_1058 : vector<16xf32>
    %jit3A_1127 = arith.constant 0.000000e+00 : f32
    %broadcast_in_dim3A_1128 = vector.broadcast %jit3A_1127 : f32 to vector<16xf32>
    %select_n3A_1129 = arith.select %lt3A_1126, %gather3A_1123, %broadcast_in_dim3A_1128 : vector<16xi1>, vector<16xf32>
    %add3A_1130 = arith.addf %add3A_1118, %select_n3A_1129 : vector<16xf32>
    %get3A_1131 = arith.constant 6 : i32
    %get3A_1132 = arith.index_cast %get3A_1131 : i32 to index
    %get3A_1133 = arith.constant 64 : index
    %get3A_1134 = tpu.vector_load %arg10[%get3A_1132, %get3A_1133] {strides = array<i32>} : memref<20x128xi32, #tpu.memory_space<vmem>>, vector<16xi32>,
    %gather3A_1135 = tpu.vector_load_idx %arg13[%get3A_1134] : memref<1000xf32, #tpu.memory_space<vmem>>[vector<16xi32>], vector<16xf32>,
    %lt3A_1136 = arith.constant 6.000000e+00 : f32
    %lt3A_1137 = vector.broadcast %lt3A_1136 : f32 to vector<16xf32>
    %lt3A_1138 = arith.cmpf olt, %lt3A_1137, %convert_element_type3A_1058 : vector<16xf32>
    %jit3A_1139 = arith.constant 0.000000e+00 : f32
    %broadcast_in_dim3A_1140 = vector.broadcast %jit3A_1139 : f32 to vector<16xf32>
    %select_n3A_1141 = arith.select %lt3A_1138, %gather3A_1135, %broadcast_in_dim3A_1140 : vector<16xi1>, vector<16xf32>
    %add3A_1142 = arith.addf %add3A_1130, %select_n3A_1141 : vector<16xf32>
    %get3A_1143 = arith.constant 7 : i32
    %get3A_1144 = arith.index_cast %get3A_1143 : i32 to index
    %get3A_1145 = arith.constant 64 : index
    %get3A_1146 = tpu.vector_load %arg10[%get3A_1144, %get3A_1145] {strides = array<i32>} : memref<20x128xi32, #tpu.memory_space<vmem>>, vector<16xi32>,
    %gather3A_1147 = tpu.vector_load_idx %arg13[%get3A_1146] : memref<1000xf32, #tpu.memory_space<vmem>>[vector<16xi32>], vector<16xf32>,
    %lt3A_1148 = arith.constant 7.000000e+00 : f32
    %lt3A_1149 = vector.broadcast %lt3A_1148 : f32 to vector<16xf32>
    %lt3A_1150 = arith.cmpf olt, %lt3A_1149, %convert_element_type3A_1058 : vector<16xf32>
    %jit3A_1151 = arith.constant 0.000000e+00 : f32
    %broadcast_in_dim3A_1152 = vector.broadcast %jit3A_1151 : f32 to vector<16xf32>
    %select_n3A_1153 = arith.select %lt3A_1150, %gather3A_1147, %broadcast_in_dim3A_1152 : vector<16xi1>, vector<16xf32>
    %add3A_1154 = arith.addf %add3A_1142, %select_n3A_1153 : vector<16xf32>
    %get3A_1155 = arith.constant 8 : i32
    %get3A_1156 = arith.index_cast %get3A_1155 : i32 to index
    %get3A_1157 = arith.constant 64 : index
    %get3A_1158 = tpu.vector_load %arg10[%get3A_1156, %get3A_1157] {strides = array<i32>} : memref<20x128xi32, #tpu.memory_space<vmem>>, vector<16xi32>,
    %gather3A_1159 = tpu.vector_load_idx %arg13[%get3A_1158] : memref<1000xf32, #tpu.memory_space<vmem>>[vector<16xi32>], vector<16xf32>,
    %lt3A_1160 = arith.constant 8.000000e+00 : f32
    %lt3A_1161 = vector.broadcast %lt3A_1160 : f32 to vector<16xf32>
    %lt3A_1162 = arith.cmpf olt, %lt3A_1161, %convert_element_type3A_1058 : vector<16xf32>
    %jit3A_1163 = arith.constant 0.000000e+00 : f32
    %broadcast_in_dim3A_1164 = vector.broadcast %jit3A_1163 : f32 to vector<16xf32>
    %select_n3A_1165 = arith.select %lt3A_1162, %gather3A_1159, %broadcast_in_dim3A_1164 : vector<16xi1>, vector<16xf32>
    %add3A_1166 = arith.addf %add3A_1154, %select_n3A_1165 : vector<16xf32>
    %get3A_1167 = arith.constant 9 : i32
    %get3A_1168 = arith.index_cast %get3A_1167 : i32 to index
    %get3A_1169 = arith.constant 64 : index
    %get3A_1170 = tpu.vector_load %arg10[%get3A_1168, %get3A_1169] {strides = array<i32>} : memref<20x128xi32, #tpu.memory_space<vmem>>, vector<16xi32>,
    %gather3A_1171 = tpu.vector_load_idx %arg13[%get3A_1170] : memref<1000xf32, #tpu.memory_space<vmem>>[vector<16xi32>], vector<16xf32>,
    %lt3A_1172 = arith.constant 9.000000e+00 : f32
    %lt3A_1173 = vector.broadcast %lt3A_1172 : f32 to vector<16xf32>
    %lt3A_1174 = arith.cmpf olt, %lt3A_1173, %convert_element_type3A_1058 : vector<16xf32>
    %jit3A_1175 = arith.constant 0.000000e+00 : f32
    %broadcast_in_dim3A_1176 = vector.broadcast %jit3A_1175 : f32 to vector<16xf32>
    %select_n3A_1177 = arith.select %lt3A_1174, %gather3A_1171, %broadcast_in_dim3A_1176 : vector<16xi1>, vector<16xf32>
    %add3A_1178 = arith.addf %add3A_1166, %select_n3A_1177 : vector<16xf32>
    %get3A_1179 = arith.constant 10 : i32
    %get3A_1180 = arith.index_cast %get3A_1179 : i32 to index
    %get3A_1181 = arith.constant 64 : index
    %get3A_1182 = tpu.vector_load %arg10[%get3A_1180, %get3A_1181] {strides = array<i32>} : memref<20x128xi32, #tpu.memory_space<vmem>>, vector<16xi32>,
    %gather3A_1183 = tpu.vector_load_idx %arg13[%get3A_1182] : memref<1000xf32, #tpu.memory_space<vmem>>[vector<16xi32>], vector<16xf32>,
    %lt3A_1184 = arith.constant 1.000000e+01 : f32
    %lt3A_1185 = vector.broadcast %lt3A_1184 : f32 to vector<16xf32>
    %lt3A_1186 = arith.cmpf olt, %lt3A_1185, %convert_element_type3A_1058 : vector<16xf32>
    %jit3A_1187 = arith.constant 0.000000e+00 : f32
    %broadcast_in_dim3A_1188 = vector.broadcast %jit3A_1187 : f32 to vector<16xf32>
    %select_n3A_1189 = arith.select %lt3A_1186, %gather3A_1183, %broadcast_in_dim3A_1188 : vector<16xi1>, vector<16xf32>
    %add3A_1190 = arith.addf %add3A_1178, %select_n3A_1189 : vector<16xf32>
    %get3A_1191 = arith.constant 11 : i32
    %get3A_1192 = arith.index_cast %get3A_1191 : i32 to index
    %get3A_1193 = arith.constant 64 : index
    %get3A_1194 = tpu.vector_load %arg10[%get3A_1192, %get3A_1193] {strides = array<i32>} : memref<20x128xi32, #tpu.memory_space<vmem>>, vector<16xi32>,
    %gather3A_1195 = tpu.vector_load_idx %arg13[%get3A_1194] : memref<1000xf32, #tpu.memory_space<vmem>>[vector<16xi32>], vector<16xf32>,
    %lt3A_1196 = arith.constant 1.100000e+01 : f32
    %lt3A_1197 = vector.broadcast %lt3A_1196 : f32 to vector<16xf32>
    %lt3A_1198 = arith.cmpf olt, %lt3A_1197, %convert_element_type3A_1058 : vector<16xf32>
    %jit3A_1199 = arith.constant 0.000000e+00 : f32
    %broadcast_in_dim3A_1200 = vector.broadcast %jit3A_1199 : f32 to vector<16xf32>
    %select_n3A_1201 = arith.select %lt3A_1198, %gather3A_1195, %broadcast_in_dim3A_1200 : vector<16xi1>, vector<16xf32>
    %add3A_1202 = arith.addf %add3A_1190, %select_n3A_1201 : vector<16xf32>
    %get3A_1203 = arith.constant 12 : i32
    %get3A_1204 = arith.index_cast %get3A_1203 : i32 to index
    %get3A_1205 = arith.constant 64 : index
    %get3A_1206 = tpu.vector_load %arg10[%get3A_1204, %get3A_1205] {strides = array<i32>} : memref<20x128xi32, #tpu.memory_space<vmem>>, vector<16xi32>,
    %gather3A_1207 = tpu.vector_load_idx %arg13[%get3A_1206] : memref<1000xf32, #tpu.memory_space<vmem>>[vector<16xi32>], vector<16xf32>,
    %lt3A_1208 = arith.constant 1.200000e+01 : f32
    %lt3A_1209 = vector.broadcast %lt3A_1208 : f32 to vector<16xf32>
    %lt3A_1210 = arith.cmpf olt, %lt3A_1209, %convert_element_type3A_1058 : vector<16xf32>
    %jit3A_1211 = arith.constant 0.000000e+00 : f32
    %broadcast_in_dim3A_1212 = vector.broadcast %jit3A_1211 : f32 to vector<16xf32>
    %select_n3A_1213 = arith.select %lt3A_1210, %gather3A_1207, %broadcast_in_dim3A_1212 : vector<16xi1>, vector<16xf32>
    %add3A_1214 = arith.addf %add3A_1202, %select_n3A_1213 : vector<16xf32>
    %get3A_1215 = arith.constant 13 : i32
    %get3A_1216 = arith.index_cast %get3A_1215 : i32 to index
    %get3A_1217 = arith.constant 64 : index
    %get3A_1218 = tpu.vector_load %arg10[%get3A_1216, %get3A_1217] {strides = array<i32>} : memref<20x128xi32, #tpu.memory_space<vmem>>, vector<16xi32>,
    %gather3A_1219 = tpu.vector_load_idx %arg13[%get3A_1218] : memref<1000xf32, #tpu.memory_space<vmem>>[vector<16xi32>], vector<16xf32>,
    %lt3A_1220 = arith.constant 1.300000e+01 : f32
    %lt3A_1221 = vector.broadcast %lt3A_1220 : f32 to vector<16xf32>
    %lt3A_1222 = arith.cmpf olt, %lt3A_1221, %convert_element_type3A_1058 : vector<16xf32>
    %jit3A_1223 = arith.constant 0.000000e+00 : f32
    %broadcast_in_dim3A_1224 = vector.broadcast %jit3A_1223 : f32 to vector<16xf32>
    %select_n3A_1225 = arith.select %lt3A_1222, %gather3A_1219, %broadcast_in_dim3A_1224 : vector<16xi1>, vector<16xf32>
    %add3A_1226 = arith.addf %add3A_1214, %select_n3A_1225 : vector<16xf32>
    %get3A_1227 = arith.constant 14 : i32
    %get3A_1228 = arith.index_cast %get3A_1227 : i32 to index
    %get3A_1229 = arith.constant 64 : index
    %get3A_1230 = tpu.vector_load %arg10[%get3A_1228, %get3A_1229] {strides = array<i32>} : memref<20x128xi32, #tpu.memory_space<vmem>>, vector<16xi32>,
    %gather3A_1231 = tpu.vector_load_idx %arg13[%get3A_1230] : memref<1000xf32, #tpu.memory_space<vmem>>[vector<16xi32>], vector<16xf32>,
    %lt3A_1232 = arith.constant 1.400000e+01 : f32
    %lt3A_1233 = vector.broadcast %lt3A_1232 : f32 to vector<16xf32>
    %lt3A_1234 = arith.cmpf olt, %lt3A_1233, %convert_element_type3A_1058 : vector<16xf32>
    %jit3A_1235 = arith.constant 0.000000e+00 : f32
    %broadcast_in_dim3A_1236 = vector.broadcast %jit3A_1235 : f32 to vector<16xf32>
    %select_n3A_1237 = arith.select %lt3A_1234, %gather3A_1231, %broadcast_in_dim3A_1236 : vector<16xi1>, vector<16xf32>
    %add3A_1238 = arith.addf %add3A_1226, %select_n3A_1237 : vector<16xf32>
    %get3A_1239 = arith.constant 15 : i32
    %get3A_1240 = arith.index_cast %get3A_1239 : i32 to index
    %get3A_1241 = arith.constant 64 : index
    %get3A_1242 = tpu.vector_load %arg10[%get3A_1240, %get3A_1241] {strides = array<i32>} : memref<20x128xi32, #tpu.memory_space<vmem>>, vector<16xi32>,
    %gather3A_1243 = tpu.vector_load_idx %arg13[%get3A_1242] : memref<1000xf32, #tpu.memory_space<vmem>>[vector<16xi32>], vector<16xf32>,
    %lt3A_1244 = arith.constant 1.500000e+01 : f32
    %lt3A_1245 = vector.broadcast %lt3A_1244 : f32 to vector<16xf32>
    %lt3A_1246 = arith.cmpf olt, %lt3A_1245, %convert_element_type3A_1058 : vector<16xf32>
    %jit3A_1247 = arith.constant 0.000000e+00 : f32
    %broadcast_in_dim3A_1248 = vector.broadcast %jit3A_1247 : f32 to vector<16xf32>
    %select_n3A_1249 = arith.select %lt3A_1246, %gather3A_1243, %broadcast_in_dim3A_1248 : vector<16xi1>, vector<16xf32>
    %add3A_1250 = arith.addf %add3A_1238, %select_n3A_1249 : vector<16xf32>
    %get3A_1251 = arith.constant 16 : i32
    %get3A_1252 = arith.index_cast %get3A_1251 : i32 to index
    %get3A_1253 = arith.constant 64 : index
    %get3A_1254 = tpu.vector_load %arg10[%get3A_1252, %get3A_1253] {strides = array<i32>} : memref<20x128xi32, #tpu.memory_space<vmem>>, vector<16xi32>,
    %gather3A_1255 = tpu.vector_load_idx %arg13[%get3A_1254] : memref<1000xf32, #tpu.memory_space<vmem>>[vector<16xi32>], vector<16xf32>,
    %lt3A_1256 = arith.constant 1.600000e+01 : f32
    %lt3A_1257 = vector.broadcast %lt3A_1256 : f32 to vector<16xf32>
    %lt3A_1258 = arith.cmpf olt, %lt3A_1257, %convert_element_type3A_1058 : vector<16xf32>
    %jit3A_1259 = arith.constant 0.000000e+00 : f32
    %broadcast_in_dim3A_1260 = vector.broadcast %jit3A_1259 : f32 to vector<16xf32>
    %select_n3A_1261 = arith.select %lt3A_1258, %gather3A_1255, %broadcast_in_dim3A_1260 : vector<16xi1>, vector<16xf32>
    %add3A_1262 = arith.addf %add3A_1250, %select_n3A_1261 : vector<16xf32>
    %get3A_1263 = arith.constant 17 : i32
    %get3A_1264 = arith.index_cast %get3A_1263 : i32 to index
    %get3A_1265 = arith.constant 64 : index
    %get3A_1266 = tpu.vector_load %arg10[%get3A_1264, %get3A_1265] {strides = array<i32>} : memref<20x128xi32, #tpu.memory_space<vmem>>, vector<16xi32>,
    %gather3A_1267 = tpu.vector_load_idx %arg13[%get3A_1266] : memref<1000xf32, #tpu.memory_space<vmem>>[vector<16xi32>], vector<16xf32>,
    %lt3A_1268 = arith.constant 1.700000e+01 : f32
    %lt3A_1269 = vector.broadcast %lt3A_1268 : f32 to vector<16xf32>
    %lt3A_1270 = arith.cmpf olt, %lt3A_1269, %convert_element_type3A_1058 : vector<16xf32>
    %jit3A_1271 = arith.constant 0.000000e+00 : f32
    %broadcast_in_dim3A_1272 = vector.broadcast %jit3A_1271 : f32 to vector<16xf32>
    %select_n3A_1273 = arith.select %lt3A_1270, %gather3A_1267, %broadcast_in_dim3A_1272 : vector<16xi1>, vector<16xf32>
    %add3A_1274 = arith.addf %add3A_1262, %select_n3A_1273 : vector<16xf32>
    %get3A_1275 = arith.constant 18 : i32
    %get3A_1276 = arith.index_cast %get3A_1275 : i32 to index
    %get3A_1277 = arith.constant 64 : index
    %get3A_1278 = tpu.vector_load %arg10[%get3A_1276, %get3A_1277] {strides = array<i32>} : memref<20x128xi32, #tpu.memory_space<vmem>>, vector<16xi32>,
    %gather3A_1279 = tpu.vector_load_idx %arg13[%get3A_1278] : memref<1000xf32, #tpu.memory_space<vmem>>[vector<16xi32>], vector<16xf32>,
    %lt3A_1280 = arith.constant 1.800000e+01 : f32
    %lt3A_1281 = vector.broadcast %lt3A_1280 : f32 to vector<16xf32>
    %lt3A_1282 = arith.cmpf olt, %lt3A_1281, %convert_element_type3A_1058 : vector<16xf32>
    %jit3A_1283 = arith.constant 0.000000e+00 : f32
    %broadcast_in_dim3A_1284 = vector.broadcast %jit3A_1283 : f32 to vector<16xf32>
    %select_n3A_1285 = arith.select %lt3A_1282, %gather3A_1279, %broadcast_in_dim3A_1284 : vector<16xi1>, vector<16xf32>
    %add3A_1286 = arith.addf %add3A_1274, %select_n3A_1285 : vector<16xf32>
    %get3A_1287 = arith.constant 19 : i32
    %get3A_1288 = arith.index_cast %get3A_1287 : i32 to index
    %get3A_1289 = arith.constant 64 : index
    %get3A_1290 = tpu.vector_load %arg10[%get3A_1288, %get3A_1289] {strides = array<i32>} : memref<20x128xi32, #tpu.memory_space<vmem>>, vector<16xi32>,
    %gather3A_1291 = tpu.vector_load_idx %arg13[%get3A_1290] : memref<1000xf32, #tpu.memory_space<vmem>>[vector<16xi32>], vector<16xf32>,
    %lt3A_1292 = arith.constant 1.900000e+01 : f32
    %lt3A_1293 = vector.broadcast %lt3A_1292 : f32 to vector<16xf32>
    %lt3A_1294 = arith.cmpf olt, %lt3A_1293, %convert_element_type3A_1058 : vector<16xf32>
    %jit3A_1295 = arith.constant 0.000000e+00 : f32
    %broadcast_in_dim3A_1296 = vector.broadcast %jit3A_1295 : f32 to vector<16xf32>
    %select_n3A_1297 = arith.select %lt3A_1294, %gather3A_1291, %broadcast_in_dim3A_1296 : vector<16xi1>, vector<16xf32>
    %add3A_1298 = arith.addf %add3A_1286, %select_n3A_1297 : vector<16xf32>
    %div3A_1299 = arith.divf %add3A_1298, %convert_element_type3A_1058 : vector<16xf32>
    %swap3A_1300 = arith.constant 64 : index
    %swap3A_1301 = tpu.vector_load %arg15[%swap3A_1300] {strides = array<i32>} : memref<128xf32, #tpu.memory_space<vmem>>, vector<16xf32>,
    tpu.vector_store %arg15[%swap3A_1300], %div3A_1299 {strides = array<i32>} : memref<128xf32, #tpu.memory_space<vmem>>, vector<16xf32>,
    %broadcast_in_dim3A_1302 = arith.constant 0.000000e+00 : f32
    %broadcast_in_dim3A_1303 = vector.broadcast %broadcast_in_dim3A_1302 : f32 to vector<16xf32>
    %get3A_1304 = arith.constant 80 : index
    %get3A_1305 = tpu.vector_load %arg11[%get3A_1304] {strides = array<i32>} : memref<128xi32, #tpu.memory_space<vmem>>, vector<16xi32>,
    %convert_element_type3A_1306 = arith.sitofp %get3A_1305 : vector<16xi32> to vector<16xf32>
    %get3A_1307 = arith.constant 0 : i32
    %get3A_1308 = arith.index_cast %get3A_1307 : i32 to index
    %get3A_1309 = arith.constant 80 : index
    %get3A_1310 = tpu.vector_load %arg10[%get3A_1308, %get3A_1309] {strides = array<i32>} : memref<20x128xi32, #tpu.memory_space<vmem>>, vector<16xi32>,
    %gather3A_1311 = tpu.vector_load_idx %arg13[%get3A_1310] : memref<1000xf32, #tpu.memory_space<vmem>>[vector<16xi32>], vector<16xf32>,
    %lt3A_1312 = arith.constant 0.000000e+00 : f32
    %lt3A_1313 = vector.broadcast %lt3A_1312 : f32 to vector<16xf32>
    %lt3A_1314 = arith.cmpf olt, %lt3A_1313, %convert_element_type3A_1306 : vector<16xf32>
    %jit3A_1315 = arith.constant 0.000000e+00 : f32
    %broadcast_in_dim3A_1316 = vector.broadcast %jit3A_1315 : f32 to vector<16xf32>
    %select_n3A_1317 = arith.select %lt3A_1314, %gather3A_1311, %broadcast_in_dim3A_1316 : vector<16xi1>, vector<16xf32>
    %add3A_1318 = arith.addf %broadcast_in_dim3A_1303, %select_n3A_1317 : vector<16xf32>
    %get3A_1319 = arith.constant 1 : i32
    %get3A_1320 = arith.index_cast %get3A_1319 : i32 to index
    %get3A_1321 = arith.constant 80 : index
    %get3A_1322 = tpu.vector_load %arg10[%get3A_1320, %get3A_1321] {strides = array<i32>} : memref<20x128xi32, #tpu.memory_space<vmem>>, vector<16xi32>,
    %gather3A_1323 = tpu.vector_load_idx %arg13[%get3A_1322] : memref<1000xf32, #tpu.memory_space<vmem>>[vector<16xi32>], vector<16xf32>,
    %lt3A_1324 = arith.constant 1.000000e+00 : f32
    %lt3A_1325 = vector.broadcast %lt3A_1324 : f32 to vector<16xf32>
    %lt3A_1326 = arith.cmpf olt, %lt3A_1325, %convert_element_type3A_1306 : vector<16xf32>
    %jit3A_1327 = arith.constant 0.000000e+00 : f32
    %broadcast_in_dim3A_1328 = vector.broadcast %jit3A_1327 : f32 to vector<16xf32>
    %select_n3A_1329 = arith.select %lt3A_1326, %gather3A_1323, %broadcast_in_dim3A_1328 : vector<16xi1>, vector<16xf32>
    %add3A_1330 = arith.addf %add3A_1318, %select_n3A_1329 : vector<16xf32>
    %get3A_1331 = arith.constant 2 : i32
    %get3A_1332 = arith.index_cast %get3A_1331 : i32 to index
    %get3A_1333 = arith.constant 80 : index
    %get3A_1334 = tpu.vector_load %arg10[%get3A_1332, %get3A_1333] {strides = array<i32>} : memref<20x128xi32, #tpu.memory_space<vmem>>, vector<16xi32>,
    %gather3A_1335 = tpu.vector_load_idx %arg13[%get3A_1334] : memref<1000xf32, #tpu.memory_space<vmem>>[vector<16xi32>], vector<16xf32>,
    %lt3A_1336 = arith.constant 2.000000e+00 : f32
    %lt3A_1337 = vector.broadcast %lt3A_1336 : f32 to vector<16xf32>
    %lt3A_1338 = arith.cmpf olt, %lt3A_1337, %convert_element_type3A_1306 : vector<16xf32>
    %jit3A_1339 = arith.constant 0.000000e+00 : f32
    %broadcast_in_dim3A_1340 = vector.broadcast %jit3A_1339 : f32 to vector<16xf32>
    %select_n3A_1341 = arith.select %lt3A_1338, %gather3A_1335, %broadcast_in_dim3A_1340 : vector<16xi1>, vector<16xf32>
    %add3A_1342 = arith.addf %add3A_1330, %select_n3A_1341 : vector<16xf32>
    %get3A_1343 = arith.constant 3 : i32
    %get3A_1344 = arith.index_cast %get3A_1343 : i32 to index
    %get3A_1345 = arith.constant 80 : index
    %get3A_1346 = tpu.vector_load %arg10[%get3A_1344, %get3A_1345] {strides = array<i32>} : memref<20x128xi32, #tpu.memory_space<vmem>>, vector<16xi32>,
    %gather3A_1347 = tpu.vector_load_idx %arg13[%get3A_1346] : memref<1000xf32, #tpu.memory_space<vmem>>[vector<16xi32>], vector<16xf32>,
    %lt3A_1348 = arith.constant 3.000000e+00 : f32
    %lt3A_1349 = vector.broadcast %lt3A_1348 : f32 to vector<16xf32>
    %lt3A_1350 = arith.cmpf olt, %lt3A_1349, %convert_element_type3A_1306 : vector<16xf32>
    %jit3A_1351 = arith.constant 0.000000e+00 : f32
    %broadcast_in_dim3A_1352 = vector.broadcast %jit3A_1351 : f32 to vector<16xf32>
    %select_n3A_1353 = arith.select %lt3A_1350, %gather3A_1347, %broadcast_in_dim3A_1352 : vector<16xi1>, vector<16xf32>
    %add3A_1354 = arith.addf %add3A_1342, %select_n3A_1353 : vector<16xf32>
    %get3A_1355 = arith.constant 4 : i32
    %get3A_1356 = arith.index_cast %get3A_1355 : i32 to index
    %get3A_1357 = arith.constant 80 : index
    %get3A_1358 = tpu.vector_load %arg10[%get3A_1356, %get3A_1357] {strides = array<i32>} : memref<20x128xi32, #tpu.memory_space<vmem>>, vector<16xi32>,
    %gather3A_1359 = tpu.vector_load_idx %arg13[%get3A_1358] : memref<1000xf32, #tpu.memory_space<vmem>>[vector<16xi32>], vector<16xf32>,
    %lt3A_1360 = arith.constant 4.000000e+00 : f32
    %lt3A_1361 = vector.broadcast %lt3A_1360 : f32 to vector<16xf32>
    %lt3A_1362 = arith.cmpf olt, %lt3A_1361, %convert_element_type3A_1306 : vector<16xf32>
    %jit3A_1363 = arith.constant 0.000000e+00 : f32
    %broadcast_in_dim3A_1364 = vector.broadcast %jit3A_1363 : f32 to vector<16xf32>
    %select_n3A_1365 = arith.select %lt3A_1362, %gather3A_1359, %broadcast_in_dim3A_1364 : vector<16xi1>, vector<16xf32>
    %add3A_1366 = arith.addf %add3A_1354, %select_n3A_1365 : vector<16xf32>
    %get3A_1367 = arith.constant 5 : i32
    %get3A_1368 = arith.index_cast %get3A_1367 : i32 to index
    %get3A_1369 = arith.constant 80 : index
    %get3A_1370 = tpu.vector_load %arg10[%get3A_1368, %get3A_1369] {strides = array<i32>} : memref<20x128xi32, #tpu.memory_space<vmem>>, vector<16xi32>,
    %gather3A_1371 = tpu.vector_load_idx %arg13[%get3A_1370] : memref<1000xf32, #tpu.memory_space<vmem>>[vector<16xi32>], vector<16xf32>,
    %lt3A_1372 = arith.constant 5.000000e+00 : f32
    %lt3A_1373 = vector.broadcast %lt3A_1372 : f32 to vector<16xf32>
    %lt3A_1374 = arith.cmpf olt, %lt3A_1373, %convert_element_type3A_1306 : vector<16xf32>
    %jit3A_1375 = arith.constant 0.000000e+00 : f32
    %broadcast_in_dim3A_1376 = vector.broadcast %jit3A_1375 : f32 to vector<16xf32>
    %select_n3A_1377 = arith.select %lt3A_1374, %gather3A_1371, %broadcast_in_dim3A_1376 : vector<16xi1>, vector<16xf32>
    %add3A_1378 = arith.addf %add3A_1366, %select_n3A_1377 : vector<16xf32>
    %get3A_1379 = arith.constant 6 : i32
    %get3A_1380 = arith.index_cast %get3A_1379 : i32 to index
    %get3A_1381 = arith.constant 80 : index
    %get3A_1382 = tpu.vector_load %arg10[%get3A_1380, %get3A_1381] {strides = array<i32>} : memref<20x128xi32, #tpu.memory_space<vmem>>, vector<16xi32>,
    %gather3A_1383 = tpu.vector_load_idx %arg13[%get3A_1382] : memref<1000xf32, #tpu.memory_space<vmem>>[vector<16xi32>], vector<16xf32>,
    %lt3A_1384 = arith.constant 6.000000e+00 : f32
    %lt3A_1385 = vector.broadcast %lt3A_1384 : f32 to vector<16xf32>
    %lt3A_1386 = arith.cmpf olt, %lt3A_1385, %convert_element_type3A_1306 : vector<16xf32>
    %jit3A_1387 = arith.constant 0.000000e+00 : f32
    %broadcast_in_dim3A_1388 = vector.broadcast %jit3A_1387 : f32 to vector<16xf32>
    %select_n3A_1389 = arith.select %lt3A_1386, %gather3A_1383, %broadcast_in_dim3A_1388 : vector<16xi1>, vector<16xf32>
    %add3A_1390 = arith.addf %add3A_1378, %select_n3A_1389 : vector<16xf32>
    %get3A_1391 = arith.constant 7 : i32
    %get3A_1392 = arith.index_cast %get3A_1391 : i32 to index
    %get3A_1393 = arith.constant 80 : index
    %get3A_1394 = tpu.vector_load %arg10[%get3A_1392, %get3A_1393] {strides = array<i32>} : memref<20x128xi32, #tpu.memory_space<vmem>>, vector<16xi32>,
    %gather3A_1395 = tpu.vector_load_idx %arg13[%get3A_1394] : memref<1000xf32, #tpu.memory_space<vmem>>[vector<16xi32>], vector<16xf32>,
    %lt3A_1396 = arith.constant 7.000000e+00 : f32
    %lt3A_1397 = vector.broadcast %lt3A_1396 : f32 to vector<16xf32>
    %lt3A_1398 = arith.cmpf olt, %lt3A_1397, %convert_element_type3A_1306 : vector<16xf32>
    %jit3A_1399 = arith.constant 0.000000e+00 : f32
    %broadcast_in_dim3A_1400 = vector.broadcast %jit3A_1399 : f32 to vector<16xf32>
    %select_n3A_1401 = arith.select %lt3A_1398, %gather3A_1395, %broadcast_in_dim3A_1400 : vector<16xi1>, vector<16xf32>
    %add3A_1402 = arith.addf %add3A_1390, %select_n3A_1401 : vector<16xf32>
    %get3A_1403 = arith.constant 8 : i32
    %get3A_1404 = arith.index_cast %get3A_1403 : i32 to index
    %get3A_1405 = arith.constant 80 : index
    %get3A_1406 = tpu.vector_load %arg10[%get3A_1404, %get3A_1405] {strides = array<i32>} : memref<20x128xi32, #tpu.memory_space<vmem>>, vector<16xi32>,
    %gather3A_1407 = tpu.vector_load_idx %arg13[%get3A_1406] : memref<1000xf32, #tpu.memory_space<vmem>>[vector<16xi32>], vector<16xf32>,
    %lt3A_1408 = arith.constant 8.000000e+00 : f32
    %lt3A_1409 = vector.broadcast %lt3A_1408 : f32 to vector<16xf32>
    %lt3A_1410 = arith.cmpf olt, %lt3A_1409, %convert_element_type3A_1306 : vector<16xf32>
    %jit3A_1411 = arith.constant 0.000000e+00 : f32
    %broadcast_in_dim3A_1412 = vector.broadcast %jit3A_1411 : f32 to vector<16xf32>
    %select_n3A_1413 = arith.select %lt3A_1410, %gather3A_1407, %broadcast_in_dim3A_1412 : vector<16xi1>, vector<16xf32>
    %add3A_1414 = arith.addf %add3A_1402, %select_n3A_1413 : vector<16xf32>
    %get3A_1415 = arith.constant 9 : i32
    %get3A_1416 = arith.index_cast %get3A_1415 : i32 to index
    %get3A_1417 = arith.constant 80 : index
    %get3A_1418 = tpu.vector_load %arg10[%get3A_1416, %get3A_1417] {strides = array<i32>} : memref<20x128xi32, #tpu.memory_space<vmem>>, vector<16xi32>,
    %gather3A_1419 = tpu.vector_load_idx %arg13[%get3A_1418] : memref<1000xf32, #tpu.memory_space<vmem>>[vector<16xi32>], vector<16xf32>,
    %lt3A_1420 = arith.constant 9.000000e+00 : f32
    %lt3A_1421 = vector.broadcast %lt3A_1420 : f32 to vector<16xf32>
    %lt3A_1422 = arith.cmpf olt, %lt3A_1421, %convert_element_type3A_1306 : vector<16xf32>
    %jit3A_1423 = arith.constant 0.000000e+00 : f32
    %broadcast_in_dim3A_1424 = vector.broadcast %jit3A_1423 : f32 to vector<16xf32>
    %select_n3A_1425 = arith.select %lt3A_1422, %gather3A_1419, %broadcast_in_dim3A_1424 : vector<16xi1>, vector<16xf32>
    %add3A_1426 = arith.addf %add3A_1414, %select_n3A_1425 : vector<16xf32>
    %get3A_1427 = arith.constant 10 : i32
    %get3A_1428 = arith.index_cast %get3A_1427 : i32 to index
    %get3A_1429 = arith.constant 80 : index
    %get3A_1430 = tpu.vector_load %arg10[%get3A_1428, %get3A_1429] {strides = array<i32>} : memref<20x128xi32, #tpu.memory_space<vmem>>, vector<16xi32>,
    %gather3A_1431 = tpu.vector_load_idx %arg13[%get3A_1430] : memref<1000xf32, #tpu.memory_space<vmem>>[vector<16xi32>], vector<16xf32>,
    %lt3A_1432 = arith.constant 1.000000e+01 : f32
    %lt3A_1433 = vector.broadcast %lt3A_1432 : f32 to vector<16xf32>
    %lt3A_1434 = arith.cmpf olt, %lt3A_1433, %convert_element_type3A_1306 : vector<16xf32>
    %jit3A_1435 = arith.constant 0.000000e+00 : f32
    %broadcast_in_dim3A_1436 = vector.broadcast %jit3A_1435 : f32 to vector<16xf32>
    %select_n3A_1437 = arith.select %lt3A_1434, %gather3A_1431, %broadcast_in_dim3A_1436 : vector<16xi1>, vector<16xf32>
    %add3A_1438 = arith.addf %add3A_1426, %select_n3A_1437 : vector<16xf32>
    %get3A_1439 = arith.constant 11 : i32
    %get3A_1440 = arith.index_cast %get3A_1439 : i32 to index
    %get3A_1441 = arith.constant 80 : index
    %get3A_1442 = tpu.vector_load %arg10[%get3A_1440, %get3A_1441] {strides = array<i32>} : memref<20x128xi32, #tpu.memory_space<vmem>>, vector<16xi32>,
    %gather3A_1443 = tpu.vector_load_idx %arg13[%get3A_1442] : memref<1000xf32, #tpu.memory_space<vmem>>[vector<16xi32>], vector<16xf32>,
    %lt3A_1444 = arith.constant 1.100000e+01 : f32
    %lt3A_1445 = vector.broadcast %lt3A_1444 : f32 to vector<16xf32>
    %lt3A_1446 = arith.cmpf olt, %lt3A_1445, %convert_element_type3A_1306 : vector<16xf32>
    %jit3A_1447 = arith.constant 0.000000e+00 : f32
    %broadcast_in_dim3A_1448 = vector.broadcast %jit3A_1447 : f32 to vector<16xf32>
    %select_n3A_1449 = arith.select %lt3A_1446, %gather3A_1443, %broadcast_in_dim3A_1448 : vector<16xi1>, vector<16xf32>
    %add3A_1450 = arith.addf %add3A_1438, %select_n3A_1449 : vector<16xf32>
    %get3A_1451 = arith.constant 12 : i32
    %get3A_1452 = arith.index_cast %get3A_1451 : i32 to index
    %get3A_1453 = arith.constant 80 : index
    %get3A_1454 = tpu.vector_load %arg10[%get3A_1452, %get3A_1453] {strides = array<i32>} : memref<20x128xi32, #tpu.memory_space<vmem>>, vector<16xi32>,
    %gather3A_1455 = tpu.vector_load_idx %arg13[%get3A_1454] : memref<1000xf32, #tpu.memory_space<vmem>>[vector<16xi32>], vector<16xf32>,
    %lt3A_1456 = arith.constant 1.200000e+01 : f32
    %lt3A_1457 = vector.broadcast %lt3A_1456 : f32 to vector<16xf32>
    %lt3A_1458 = arith.cmpf olt, %lt3A_1457, %convert_element_type3A_1306 : vector<16xf32>
    %jit3A_1459 = arith.constant 0.000000e+00 : f32
    %broadcast_in_dim3A_1460 = vector.broadcast %jit3A_1459 : f32 to vector<16xf32>
    %select_n3A_1461 = arith.select %lt3A_1458, %gather3A_1455, %broadcast_in_dim3A_1460 : vector<16xi1>, vector<16xf32>
    %add3A_1462 = arith.addf %add3A_1450, %select_n3A_1461 : vector<16xf32>
    %get3A_1463 = arith.constant 13 : i32
    %get3A_1464 = arith.index_cast %get3A_1463 : i32 to index
    %get3A_1465 = arith.constant 80 : index
    %get3A_1466 = tpu.vector_load %arg10[%get3A_1464, %get3A_1465] {strides = array<i32>} : memref<20x128xi32, #tpu.memory_space<vmem>>, vector<16xi32>,
    %gather3A_1467 = tpu.vector_load_idx %arg13[%get3A_1466] : memref<1000xf32, #tpu.memory_space<vmem>>[vector<16xi32>], vector<16xf32>,
    %lt3A_1468 = arith.constant 1.300000e+01 : f32
    %lt3A_1469 = vector.broadcast %lt3A_1468 : f32 to vector<16xf32>
    %lt3A_1470 = arith.cmpf olt, %lt3A_1469, %convert_element_type3A_1306 : vector<16xf32>
    %jit3A_1471 = arith.constant 0.000000e+00 : f32
    %broadcast_in_dim3A_1472 = vector.broadcast %jit3A_1471 : f32 to vector<16xf32>
    %select_n3A_1473 = arith.select %lt3A_1470, %gather3A_1467, %broadcast_in_dim3A_1472 : vector<16xi1>, vector<16xf32>
    %add3A_1474 = arith.addf %add3A_1462, %select_n3A_1473 : vector<16xf32>
    %get3A_1475 = arith.constant 14 : i32
    %get3A_1476 = arith.index_cast %get3A_1475 : i32 to index
    %get3A_1477 = arith.constant 80 : index
    %get3A_1478 = tpu.vector_load %arg10[%get3A_1476, %get3A_1477] {strides = array<i32>} : memref<20x128xi32, #tpu.memory_space<vmem>>, vector<16xi32>,
    %gather3A_1479 = tpu.vector_load_idx %arg13[%get3A_1478] : memref<1000xf32, #tpu.memory_space<vmem>>[vector<16xi32>], vector<16xf32>,
    %lt3A_1480 = arith.constant 1.400000e+01 : f32
    %lt3A_1481 = vector.broadcast %lt3A_1480 : f32 to vector<16xf32>
    %lt3A_1482 = arith.cmpf olt, %lt3A_1481, %convert_element_type3A_1306 : vector<16xf32>
    %jit3A_1483 = arith.constant 0.000000e+00 : f32
    %broadcast_in_dim3A_1484 = vector.broadcast %jit3A_1483 : f32 to vector<16xf32>
    %select_n3A_1485 = arith.select %lt3A_1482, %gather3A_1479, %broadcast_in_dim3A_1484 : vector<16xi1>, vector<16xf32>
    %add3A_1486 = arith.addf %add3A_1474, %select_n3A_1485 : vector<16xf32>
    %get3A_1487 = arith.constant 15 : i32
    %get3A_1488 = arith.index_cast %get3A_1487 : i32 to index
    %get3A_1489 = arith.constant 80 : index
    %get3A_1490 = tpu.vector_load %arg10[%get3A_1488, %get3A_1489] {strides = array<i32>} : memref<20x128xi32, #tpu.memory_space<vmem>>, vector<16xi32>,
    %gather3A_1491 = tpu.vector_load_idx %arg13[%get3A_1490] : memref<1000xf32, #tpu.memory_space<vmem>>[vector<16xi32>], vector<16xf32>,
    %lt3A_1492 = arith.constant 1.500000e+01 : f32
    %lt3A_1493 = vector.broadcast %lt3A_1492 : f32 to vector<16xf32>
    %lt3A_1494 = arith.cmpf olt, %lt3A_1493, %convert_element_type3A_1306 : vector<16xf32>
    %jit3A_1495 = arith.constant 0.000000e+00 : f32
    %broadcast_in_dim3A_1496 = vector.broadcast %jit3A_1495 : f32 to vector<16xf32>
    %select_n3A_1497 = arith.select %lt3A_1494, %gather3A_1491, %broadcast_in_dim3A_1496 : vector<16xi1>, vector<16xf32>
    %add3A_1498 = arith.addf %add3A_1486, %select_n3A_1497 : vector<16xf32>
    %get3A_1499 = arith.constant 16 : i32
    %get3A_1500 = arith.index_cast %get3A_1499 : i32 to index
    %get3A_1501 = arith.constant 80 : index
    %get3A_1502 = tpu.vector_load %arg10[%get3A_1500, %get3A_1501] {strides = array<i32>} : memref<20x128xi32, #tpu.memory_space<vmem>>, vector<16xi32>,
    %gather3A_1503 = tpu.vector_load_idx %arg13[%get3A_1502] : memref<1000xf32, #tpu.memory_space<vmem>>[vector<16xi32>], vector<16xf32>,
    %lt3A_1504 = arith.constant 1.600000e+01 : f32
    %lt3A_1505 = vector.broadcast %lt3A_1504 : f32 to vector<16xf32>
    %lt3A_1506 = arith.cmpf olt, %lt3A_1505, %convert_element_type3A_1306 : vector<16xf32>
    %jit3A_1507 = arith.constant 0.000000e+00 : f32
    %broadcast_in_dim3A_1508 = vector.broadcast %jit3A_1507 : f32 to vector<16xf32>
    %select_n3A_1509 = arith.select %lt3A_1506, %gather3A_1503, %broadcast_in_dim3A_1508 : vector<16xi1>, vector<16xf32>
    %add3A_1510 = arith.addf %add3A_1498, %select_n3A_1509 : vector<16xf32>
    %get3A_1511 = arith.constant 17 : i32
    %get3A_1512 = arith.index_cast %get3A_1511 : i32 to index
    %get3A_1513 = arith.constant 80 : index
    %get3A_1514 = tpu.vector_load %arg10[%get3A_1512, %get3A_1513] {strides = array<i32>} : memref<20x128xi32, #tpu.memory_space<vmem>>, vector<16xi32>,
    %gather3A_1515 = tpu.vector_load_idx %arg13[%get3A_1514] : memref<1000xf32, #tpu.memory_space<vmem>>[vector<16xi32>], vector<16xf32>,
    %lt3A_1516 = arith.constant 1.700000e+01 : f32
    %lt3A_1517 = vector.broadcast %lt3A_1516 : f32 to vector<16xf32>
    %lt3A_1518 = arith.cmpf olt, %lt3A_1517, %convert_element_type3A_1306 : vector<16xf32>
    %jit3A_1519 = arith.constant 0.000000e+00 : f32
    %broadcast_in_dim3A_1520 = vector.broadcast %jit3A_1519 : f32 to vector<16xf32>
    %select_n3A_1521 = arith.select %lt3A_1518, %gather3A_1515, %broadcast_in_dim3A_1520 : vector<16xi1>, vector<16xf32>
    %add3A_1522 = arith.addf %add3A_1510, %select_n3A_1521 : vector<16xf32>
    %get3A_1523 = arith.constant 18 : i32
    %get3A_1524 = arith.index_cast %get3A_1523 : i32 to index
    %get3A_1525 = arith.constant 80 : index
    %get3A_1526 = tpu.vector_load %arg10[%get3A_1524, %get3A_1525] {strides = array<i32>} : memref<20x128xi32, #tpu.memory_space<vmem>>, vector<16xi32>,
    %gather3A_1527 = tpu.vector_load_idx %arg13[%get3A_1526] : memref<1000xf32, #tpu.memory_space<vmem>>[vector<16xi32>], vector<16xf32>,
    %lt3A_1528 = arith.constant 1.800000e+01 : f32
    %lt3A_1529 = vector.broadcast %lt3A_1528 : f32 to vector<16xf32>
    %lt3A_1530 = arith.cmpf olt, %lt3A_1529, %convert_element_type3A_1306 : vector<16xf32>
    %jit3A_1531 = arith.constant 0.000000e+00 : f32
    %broadcast_in_dim3A_1532 = vector.broadcast %jit3A_1531 : f32 to vector<16xf32>
    %select_n3A_1533 = arith.select %lt3A_1530, %gather3A_1527, %broadcast_in_dim3A_1532 : vector<16xi1>, vector<16xf32>
    %add3A_1534 = arith.addf %add3A_1522, %select_n3A_1533 : vector<16xf32>
    %get3A_1535 = arith.constant 19 : i32
    %get3A_1536 = arith.index_cast %get3A_1535 : i32 to index
    %get3A_1537 = arith.constant 80 : index
    %get3A_1538 = tpu.vector_load %arg10[%get3A_1536, %get3A_1537] {strides = array<i32>} : memref<20x128xi32, #tpu.memory_space<vmem>>, vector<16xi32>,
    %gather3A_1539 = tpu.vector_load_idx %arg13[%get3A_1538] : memref<1000xf32, #tpu.memory_space<vmem>>[vector<16xi32>], vector<16xf32>,
    %lt3A_1540 = arith.constant 1.900000e+01 : f32
    %lt3A_1541 = vector.broadcast %lt3A_1540 : f32 to vector<16xf32>
    %lt3A_1542 = arith.cmpf olt, %lt3A_1541, %convert_element_type3A_1306 : vector<16xf32>
    %jit3A_1543 = arith.constant 0.000000e+00 : f32
    %broadcast_in_dim3A_1544 = vector.broadcast %jit3A_1543 : f32 to vector<16xf32>
    %select_n3A_1545 = arith.select %lt3A_1542, %gather3A_1539, %broadcast_in_dim3A_1544 : vector<16xi1>, vector<16xf32>
    %add3A_1546 = arith.addf %add3A_1534, %select_n3A_1545 : vector<16xf32>
    %div3A_1547 = arith.divf %add3A_1546, %convert_element_type3A_1306 : vector<16xf32>
    %swap3A_1548 = arith.constant 80 : index
    %swap3A_1549 = tpu.vector_load %arg15[%swap3A_1548] {strides = array<i32>} : memref<128xf32, #tpu.memory_space<vmem>>, vector<16xf32>,
    tpu.vector_store %arg15[%swap3A_1548], %div3A_1547 {strides = array<i32>} : memref<128xf32, #tpu.memory_space<vmem>>, vector<16xf32>,
    %broadcast_in_dim3A_1550 = arith.constant 0.000000e+00 : f32
    %broadcast_in_dim3A_1551 = vector.broadcast %broadcast_in_dim3A_1550 : f32 to vector<16xf32>
    %get3A_1552 = arith.constant 96 : index
    %get3A_1553 = tpu.vector_load %arg11[%get3A_1552] {strides = array<i32>} : memref<128xi32, #tpu.memory_space<vmem>>, vector<16xi32>,
    %convert_element_type3A_1554 = arith.sitofp %get3A_1553 : vector<16xi32> to vector<16xf32>
    %get3A_1555 = arith.constant 0 : i32
    %get3A_1556 = arith.index_cast %get3A_1555 : i32 to index
    %get3A_1557 = arith.constant 96 : index
    %get3A_1558 = tpu.vector_load %arg10[%get3A_1556, %get3A_1557] {strides = array<i32>} : memref<20x128xi32, #tpu.memory_space<vmem>>, vector<16xi32>,
    %gather3A_1559 = tpu.vector_load_idx %arg13[%get3A_1558] : memref<1000xf32, #tpu.memory_space<vmem>>[vector<16xi32>], vector<16xf32>,
    %lt3A_1560 = arith.constant 0.000000e+00 : f32
    %lt3A_1561 = vector.broadcast %lt3A_1560 : f32 to vector<16xf32>
    %lt3A_1562 = arith.cmpf olt, %lt3A_1561, %convert_element_type3A_1554 : vector<16xf32>
    %jit3A_1563 = arith.constant 0.000000e+00 : f32
    %broadcast_in_dim3A_1564 = vector.broadcast %jit3A_1563 : f32 to vector<16xf32>
    %select_n3A_1565 = arith.select %lt3A_1562, %gather3A_1559, %broadcast_in_dim3A_1564 : vector<16xi1>, vector<16xf32>
    %add3A_1566 = arith.addf %broadcast_in_dim3A_1551, %select_n3A_1565 : vector<16xf32>
    %get3A_1567 = arith.constant 1 : i32
    %get3A_1568 = arith.index_cast %get3A_1567 : i32 to index
    %get3A_1569 = arith.constant 96 : index
    %get3A_1570 = tpu.vector_load %arg10[%get3A_1568, %get3A_1569] {strides = array<i32>} : memref<20x128xi32, #tpu.memory_space<vmem>>, vector<16xi32>,
    %gather3A_1571 = tpu.vector_load_idx %arg13[%get3A_1570] : memref<1000xf32, #tpu.memory_space<vmem>>[vector<16xi32>], vector<16xf32>,
    %lt3A_1572 = arith.constant 1.000000e+00 : f32
    %lt3A_1573 = vector.broadcast %lt3A_1572 : f32 to vector<16xf32>
    %lt3A_1574 = arith.cmpf olt, %lt3A_1573, %convert_element_type3A_1554 : vector<16xf32>
    %jit3A_1575 = arith.constant 0.000000e+00 : f32
    %broadcast_in_dim3A_1576 = vector.broadcast %jit3A_1575 : f32 to vector<16xf32>
    %select_n3A_1577 = arith.select %lt3A_1574, %gather3A_1571, %broadcast_in_dim3A_1576 : vector<16xi1>, vector<16xf32>
    %add3A_1578 = arith.addf %add3A_1566, %select_n3A_1577 : vector<16xf32>
    %get3A_1579 = arith.constant 2 : i32
    %get3A_1580 = arith.index_cast %get3A_1579 : i32 to index
    %get3A_1581 = arith.constant 96 : index
    %get3A_1582 = tpu.vector_load %arg10[%get3A_1580, %get3A_1581] {strides = array<i32>} : memref<20x128xi32, #tpu.memory_space<vmem>>, vector<16xi32>,
    %gather3A_1583 = tpu.vector_load_idx %arg13[%get3A_1582] : memref<1000xf32, #tpu.memory_space<vmem>>[vector<16xi32>], vector<16xf32>,
    %lt3A_1584 = arith.constant 2.000000e+00 : f32
    %lt3A_1585 = vector.broadcast %lt3A_1584 : f32 to vector<16xf32>
    %lt3A_1586 = arith.cmpf olt, %lt3A_1585, %convert_element_type3A_1554 : vector<16xf32>
    %jit3A_1587 = arith.constant 0.000000e+00 : f32
    %broadcast_in_dim3A_1588 = vector.broadcast %jit3A_1587 : f32 to vector<16xf32>
    %select_n3A_1589 = arith.select %lt3A_1586, %gather3A_1583, %broadcast_in_dim3A_1588 : vector<16xi1>, vector<16xf32>
    %add3A_1590 = arith.addf %add3A_1578, %select_n3A_1589 : vector<16xf32>
    %get3A_1591 = arith.constant 3 : i32
    %get3A_1592 = arith.index_cast %get3A_1591 : i32 to index
    %get3A_1593 = arith.constant 96 : index
    %get3A_1594 = tpu.vector_load %arg10[%get3A_1592, %get3A_1593] {strides = array<i32>} : memref<20x128xi32, #tpu.memory_space<vmem>>, vector<16xi32>,
    %gather3A_1595 = tpu.vector_load_idx %arg13[%get3A_1594] : memref<1000xf32, #tpu.memory_space<vmem>>[vector<16xi32>], vector<16xf32>,
    %lt3A_1596 = arith.constant 3.000000e+00 : f32
    %lt3A_1597 = vector.broadcast %lt3A_1596 : f32 to vector<16xf32>
    %lt3A_1598 = arith.cmpf olt, %lt3A_1597, %convert_element_type3A_1554 : vector<16xf32>
    %jit3A_1599 = arith.constant 0.000000e+00 : f32
    %broadcast_in_dim3A_1600 = vector.broadcast %jit3A_1599 : f32 to vector<16xf32>
    %select_n3A_1601 = arith.select %lt3A_1598, %gather3A_1595, %broadcast_in_dim3A_1600 : vector<16xi1>, vector<16xf32>
    %add3A_1602 = arith.addf %add3A_1590, %select_n3A_1601 : vector<16xf32>
    %get3A_1603 = arith.constant 4 : i32
    %get3A_1604 = arith.index_cast %get3A_1603 : i32 to index
    %get3A_1605 = arith.constant 96 : index
    %get3A_1606 = tpu.vector_load %arg10[%get3A_1604, %get3A_1605] {strides = array<i32>} : memref<20x128xi32, #tpu.memory_space<vmem>>, vector<16xi32>,
    %gather3A_1607 = tpu.vector_load_idx %arg13[%get3A_1606] : memref<1000xf32, #tpu.memory_space<vmem>>[vector<16xi32>], vector<16xf32>,
    %lt3A_1608 = arith.constant 4.000000e+00 : f32
    %lt3A_1609 = vector.broadcast %lt3A_1608 : f32 to vector<16xf32>
    %lt3A_1610 = arith.cmpf olt, %lt3A_1609, %convert_element_type3A_1554 : vector<16xf32>
    %jit3A_1611 = arith.constant 0.000000e+00 : f32
    %broadcast_in_dim3A_1612 = vector.broadcast %jit3A_1611 : f32 to vector<16xf32>
    %select_n3A_1613 = arith.select %lt3A_1610, %gather3A_1607, %broadcast_in_dim3A_1612 : vector<16xi1>, vector<16xf32>
    %add3A_1614 = arith.addf %add3A_1602, %select_n3A_1613 : vector<16xf32>
    %get3A_1615 = arith.constant 5 : i32
    %get3A_1616 = arith.index_cast %get3A_1615 : i32 to index
    %get3A_1617 = arith.constant 96 : index
    %get3A_1618 = tpu.vector_load %arg10[%get3A_1616, %get3A_1617] {strides = array<i32>} : memref<20x128xi32, #tpu.memory_space<vmem>>, vector<16xi32>,
    %gather3A_1619 = tpu.vector_load_idx %arg13[%get3A_1618] : memref<1000xf32, #tpu.memory_space<vmem>>[vector<16xi32>], vector<16xf32>,
    %lt3A_1620 = arith.constant 5.000000e+00 : f32
    %lt3A_1621 = vector.broadcast %lt3A_1620 : f32 to vector<16xf32>
    %lt3A_1622 = arith.cmpf olt, %lt3A_1621, %convert_element_type3A_1554 : vector<16xf32>
    %jit3A_1623 = arith.constant 0.000000e+00 : f32
    %broadcast_in_dim3A_1624 = vector.broadcast %jit3A_1623 : f32 to vector<16xf32>
    %select_n3A_1625 = arith.select %lt3A_1622, %gather3A_1619, %broadcast_in_dim3A_1624 : vector<16xi1>, vector<16xf32>
    %add3A_1626 = arith.addf %add3A_1614, %select_n3A_1625 : vector<16xf32>
    %get3A_1627 = arith.constant 6 : i32
    %get3A_1628 = arith.index_cast %get3A_1627 : i32 to index
    %get3A_1629 = arith.constant 96 : index
    %get3A_1630 = tpu.vector_load %arg10[%get3A_1628, %get3A_1629] {strides = array<i32>} : memref<20x128xi32, #tpu.memory_space<vmem>>, vector<16xi32>,
    %gather3A_1631 = tpu.vector_load_idx %arg13[%get3A_1630] : memref<1000xf32, #tpu.memory_space<vmem>>[vector<16xi32>], vector<16xf32>,
    %lt3A_1632 = arith.constant 6.000000e+00 : f32
    %lt3A_1633 = vector.broadcast %lt3A_1632 : f32 to vector<16xf32>
    %lt3A_1634 = arith.cmpf olt, %lt3A_1633, %convert_element_type3A_1554 : vector<16xf32>
    %jit3A_1635 = arith.constant 0.000000e+00 : f32
    %broadcast_in_dim3A_1636 = vector.broadcast %jit3A_1635 : f32 to vector<16xf32>
    %select_n3A_1637 = arith.select %lt3A_1634, %gather3A_1631, %broadcast_in_dim3A_1636 : vector<16xi1>, vector<16xf32>
    %add3A_1638 = arith.addf %add3A_1626, %select_n3A_1637 : vector<16xf32>
    %get3A_1639 = arith.constant 7 : i32
    %get3A_1640 = arith.index_cast %get3A_1639 : i32 to index
    %get3A_1641 = arith.constant 96 : index
    %get3A_1642 = tpu.vector_load %arg10[%get3A_1640, %get3A_1641] {strides = array<i32>} : memref<20x128xi32, #tpu.memory_space<vmem>>, vector<16xi32>,
    %gather3A_1643 = tpu.vector_load_idx %arg13[%get3A_1642] : memref<1000xf32, #tpu.memory_space<vmem>>[vector<16xi32>], vector<16xf32>,
    %lt3A_1644 = arith.constant 7.000000e+00 : f32
    %lt3A_1645 = vector.broadcast %lt3A_1644 : f32 to vector<16xf32>
    %lt3A_1646 = arith.cmpf olt, %lt3A_1645, %convert_element_type3A_1554 : vector<16xf32>
    %jit3A_1647 = arith.constant 0.000000e+00 : f32
    %broadcast_in_dim3A_1648 = vector.broadcast %jit3A_1647 : f32 to vector<16xf32>
    %select_n3A_1649 = arith.select %lt3A_1646, %gather3A_1643, %broadcast_in_dim3A_1648 : vector<16xi1>, vector<16xf32>
    %add3A_1650 = arith.addf %add3A_1638, %select_n3A_1649 : vector<16xf32>
    %get3A_1651 = arith.constant 8 : i32
    %get3A_1652 = arith.index_cast %get3A_1651 : i32 to index
    %get3A_1653 = arith.constant 96 : index
    %get3A_1654 = tpu.vector_load %arg10[%get3A_1652, %get3A_1653] {strides = array<i32>} : memref<20x128xi32, #tpu.memory_space<vmem>>, vector<16xi32>,
    %gather3A_1655 = tpu.vector_load_idx %arg13[%get3A_1654] : memref<1000xf32, #tpu.memory_space<vmem>>[vector<16xi32>], vector<16xf32>,
    %lt3A_1656 = arith.constant 8.000000e+00 : f32
    %lt3A_1657 = vector.broadcast %lt3A_1656 : f32 to vector<16xf32>
    %lt3A_1658 = arith.cmpf olt, %lt3A_1657, %convert_element_type3A_1554 : vector<16xf32>
    %jit3A_1659 = arith.constant 0.000000e+00 : f32
    %broadcast_in_dim3A_1660 = vector.broadcast %jit3A_1659 : f32 to vector<16xf32>
    %select_n3A_1661 = arith.select %lt3A_1658, %gather3A_1655, %broadcast_in_dim3A_1660 : vector<16xi1>, vector<16xf32>
    %add3A_1662 = arith.addf %add3A_1650, %select_n3A_1661 : vector<16xf32>
    %get3A_1663 = arith.constant 9 : i32
    %get3A_1664 = arith.index_cast %get3A_1663 : i32 to index
    %get3A_1665 = arith.constant 96 : index
    %get3A_1666 = tpu.vector_load %arg10[%get3A_1664, %get3A_1665] {strides = array<i32>} : memref<20x128xi32, #tpu.memory_space<vmem>>, vector<16xi32>,
    %gather3A_1667 = tpu.vector_load_idx %arg13[%get3A_1666] : memref<1000xf32, #tpu.memory_space<vmem>>[vector<16xi32>], vector<16xf32>,
    %lt3A_1668 = arith.constant 9.000000e+00 : f32
    %lt3A_1669 = vector.broadcast %lt3A_1668 : f32 to vector<16xf32>
    %lt3A_1670 = arith.cmpf olt, %lt3A_1669, %convert_element_type3A_1554 : vector<16xf32>
    %jit3A_1671 = arith.constant 0.000000e+00 : f32
    %broadcast_in_dim3A_1672 = vector.broadcast %jit3A_1671 : f32 to vector<16xf32>
    %select_n3A_1673 = arith.select %lt3A_1670, %gather3A_1667, %broadcast_in_dim3A_1672 : vector<16xi1>, vector<16xf32>
    %add3A_1674 = arith.addf %add3A_1662, %select_n3A_1673 : vector<16xf32>
    %get3A_1675 = arith.constant 10 : i32
    %get3A_1676 = arith.index_cast %get3A_1675 : i32 to index
    %get3A_1677 = arith.constant 96 : index
    %get3A_1678 = tpu.vector_load %arg10[%get3A_1676, %get3A_1677] {strides = array<i32>} : memref<20x128xi32, #tpu.memory_space<vmem>>, vector<16xi32>,
    %gather3A_1679 = tpu.vector_load_idx %arg13[%get3A_1678] : memref<1000xf32, #tpu.memory_space<vmem>>[vector<16xi32>], vector<16xf32>,
    %lt3A_1680 = arith.constant 1.000000e+01 : f32
    %lt3A_1681 = vector.broadcast %lt3A_1680 : f32 to vector<16xf32>
    %lt3A_1682 = arith.cmpf olt, %lt3A_1681, %convert_element_type3A_1554 : vector<16xf32>
    %jit3A_1683 = arith.constant 0.000000e+00 : f32
    %broadcast_in_dim3A_1684 = vector.broadcast %jit3A_1683 : f32 to vector<16xf32>
    %select_n3A_1685 = arith.select %lt3A_1682, %gather3A_1679, %broadcast_in_dim3A_1684 : vector<16xi1>, vector<16xf32>
    %add3A_1686 = arith.addf %add3A_1674, %select_n3A_1685 : vector<16xf32>
    %get3A_1687 = arith.constant 11 : i32
    %get3A_1688 = arith.index_cast %get3A_1687 : i32 to index
    %get3A_1689 = arith.constant 96 : index
    %get3A_1690 = tpu.vector_load %arg10[%get3A_1688, %get3A_1689] {strides = array<i32>} : memref<20x128xi32, #tpu.memory_space<vmem>>, vector<16xi32>,
    %gather3A_1691 = tpu.vector_load_idx %arg13[%get3A_1690] : memref<1000xf32, #tpu.memory_space<vmem>>[vector<16xi32>], vector<16xf32>,
    %lt3A_1692 = arith.constant 1.100000e+01 : f32
    %lt3A_1693 = vector.broadcast %lt3A_1692 : f32 to vector<16xf32>
    %lt3A_1694 = arith.cmpf olt, %lt3A_1693, %convert_element_type3A_1554 : vector<16xf32>
    %jit3A_1695 = arith.constant 0.000000e+00 : f32
    %broadcast_in_dim3A_1696 = vector.broadcast %jit3A_1695 : f32 to vector<16xf32>
    %select_n3A_1697 = arith.select %lt3A_1694, %gather3A_1691, %broadcast_in_dim3A_1696 : vector<16xi1>, vector<16xf32>
    %add3A_1698 = arith.addf %add3A_1686, %select_n3A_1697 : vector<16xf32>
    %get3A_1699 = arith.constant 12 : i32
    %get3A_1700 = arith.index_cast %get3A_1699 : i32 to index
    %get3A_1701 = arith.constant 96 : index
    %get3A_1702 = tpu.vector_load %arg10[%get3A_1700, %get3A_1701] {strides = array<i32>} : memref<20x128xi32, #tpu.memory_space<vmem>>, vector<16xi32>,
    %gather3A_1703 = tpu.vector_load_idx %arg13[%get3A_1702] : memref<1000xf32, #tpu.memory_space<vmem>>[vector<16xi32>], vector<16xf32>,
    %lt3A_1704 = arith.constant 1.200000e+01 : f32
    %lt3A_1705 = vector.broadcast %lt3A_1704 : f32 to vector<16xf32>
    %lt3A_1706 = arith.cmpf olt, %lt3A_1705, %convert_element_type3A_1554 : vector<16xf32>
    %jit3A_1707 = arith.constant 0.000000e+00 : f32
    %broadcast_in_dim3A_1708 = vector.broadcast %jit3A_1707 : f32 to vector<16xf32>
    %select_n3A_1709 = arith.select %lt3A_1706, %gather3A_1703, %broadcast_in_dim3A_1708 : vector<16xi1>, vector<16xf32>
    %add3A_1710 = arith.addf %add3A_1698, %select_n3A_1709 : vector<16xf32>
    %get3A_1711 = arith.constant 13 : i32
    %get3A_1712 = arith.index_cast %get3A_1711 : i32 to index
    %get3A_1713 = arith.constant 96 : index
    %get3A_1714 = tpu.vector_load %arg10[%get3A_1712, %get3A_1713] {strides = array<i32>} : memref<20x128xi32, #tpu.memory_space<vmem>>, vector<16xi32>,
    %gather3A_1715 = tpu.vector_load_idx %arg13[%get3A_1714] : memref<1000xf32, #tpu.memory_space<vmem>>[vector<16xi32>], vector<16xf32>,
    %lt3A_1716 = arith.constant 1.300000e+01 : f32
    %lt3A_1717 = vector.broadcast %lt3A_1716 : f32 to vector<16xf32>
    %lt3A_1718 = arith.cmpf olt, %lt3A_1717, %convert_element_type3A_1554 : vector<16xf32>
    %jit3A_1719 = arith.constant 0.000000e+00 : f32
    %broadcast_in_dim3A_1720 = vector.broadcast %jit3A_1719 : f32 to vector<16xf32>
    %select_n3A_1721 = arith.select %lt3A_1718, %gather3A_1715, %broadcast_in_dim3A_1720 : vector<16xi1>, vector<16xf32>
    %add3A_1722 = arith.addf %add3A_1710, %select_n3A_1721 : vector<16xf32>
    %get3A_1723 = arith.constant 14 : i32
    %get3A_1724 = arith.index_cast %get3A_1723 : i32 to index
    %get3A_1725 = arith.constant 96 : index
    %get3A_1726 = tpu.vector_load %arg10[%get3A_1724, %get3A_1725] {strides = array<i32>} : memref<20x128xi32, #tpu.memory_space<vmem>>, vector<16xi32>,
    %gather3A_1727 = tpu.vector_load_idx %arg13[%get3A_1726] : memref<1000xf32, #tpu.memory_space<vmem>>[vector<16xi32>], vector<16xf32>,
    %lt3A_1728 = arith.constant 1.400000e+01 : f32
    %lt3A_1729 = vector.broadcast %lt3A_1728 : f32 to vector<16xf32>
    %lt3A_1730 = arith.cmpf olt, %lt3A_1729, %convert_element_type3A_1554 : vector<16xf32>
    %jit3A_1731 = arith.constant 0.000000e+00 : f32
    %broadcast_in_dim3A_1732 = vector.broadcast %jit3A_1731 : f32 to vector<16xf32>
    %select_n3A_1733 = arith.select %lt3A_1730, %gather3A_1727, %broadcast_in_dim3A_1732 : vector<16xi1>, vector<16xf32>
    %add3A_1734 = arith.addf %add3A_1722, %select_n3A_1733 : vector<16xf32>
    %get3A_1735 = arith.constant 15 : i32
    %get3A_1736 = arith.index_cast %get3A_1735 : i32 to index
    %get3A_1737 = arith.constant 96 : index
    %get3A_1738 = tpu.vector_load %arg10[%get3A_1736, %get3A_1737] {strides = array<i32>} : memref<20x128xi32, #tpu.memory_space<vmem>>, vector<16xi32>,
    %gather3A_1739 = tpu.vector_load_idx %arg13[%get3A_1738] : memref<1000xf32, #tpu.memory_space<vmem>>[vector<16xi32>], vector<16xf32>,
    %lt3A_1740 = arith.constant 1.500000e+01 : f32
    %lt3A_1741 = vector.broadcast %lt3A_1740 : f32 to vector<16xf32>
    %lt3A_1742 = arith.cmpf olt, %lt3A_1741, %convert_element_type3A_1554 : vector<16xf32>
    %jit3A_1743 = arith.constant 0.000000e+00 : f32
    %broadcast_in_dim3A_1744 = vector.broadcast %jit3A_1743 : f32 to vector<16xf32>
    %select_n3A_1745 = arith.select %lt3A_1742, %gather3A_1739, %broadcast_in_dim3A_1744 : vector<16xi1>, vector<16xf32>
    %add3A_1746 = arith.addf %add3A_1734, %select_n3A_1745 : vector<16xf32>
    %get3A_1747 = arith.constant 16 : i32
    %get3A_1748 = arith.index_cast %get3A_1747 : i32 to index
    %get3A_1749 = arith.constant 96 : index
    %get3A_1750 = tpu.vector_load %arg10[%get3A_1748, %get3A_1749] {strides = array<i32>} : memref<20x128xi32, #tpu.memory_space<vmem>>, vector<16xi32>,
    %gather3A_1751 = tpu.vector_load_idx %arg13[%get3A_1750] : memref<1000xf32, #tpu.memory_space<vmem>>[vector<16xi32>], vector<16xf32>,
    %lt3A_1752 = arith.constant 1.600000e+01 : f32
    %lt3A_1753 = vector.broadcast %lt3A_1752 : f32 to vector<16xf32>
    %lt3A_1754 = arith.cmpf olt, %lt3A_1753, %convert_element_type3A_1554 : vector<16xf32>
    %jit3A_1755 = arith.constant 0.000000e+00 : f32
    %broadcast_in_dim3A_1756 = vector.broadcast %jit3A_1755 : f32 to vector<16xf32>
    %select_n3A_1757 = arith.select %lt3A_1754, %gather3A_1751, %broadcast_in_dim3A_1756 : vector<16xi1>, vector<16xf32>
    %add3A_1758 = arith.addf %add3A_1746, %select_n3A_1757 : vector<16xf32>
    %get3A_1759 = arith.constant 17 : i32
    %get3A_1760 = arith.index_cast %get3A_1759 : i32 to index
    %get3A_1761 = arith.constant 96 : index
    %get3A_1762 = tpu.vector_load %arg10[%get3A_1760, %get3A_1761] {strides = array<i32>} : memref<20x128xi32, #tpu.memory_space<vmem>>, vector<16xi32>,
    %gather3A_1763 = tpu.vector_load_idx %arg13[%get3A_1762] : memref<1000xf32, #tpu.memory_space<vmem>>[vector<16xi32>], vector<16xf32>,
    %lt3A_1764 = arith.constant 1.700000e+01 : f32
    %lt3A_1765 = vector.broadcast %lt3A_1764 : f32 to vector<16xf32>
    %lt3A_1766 = arith.cmpf olt, %lt3A_1765, %convert_element_type3A_1554 : vector<16xf32>
    %jit3A_1767 = arith.constant 0.000000e+00 : f32
    %broadcast_in_dim3A_1768 = vector.broadcast %jit3A_1767 : f32 to vector<16xf32>
    %select_n3A_1769 = arith.select %lt3A_1766, %gather3A_1763, %broadcast_in_dim3A_1768 : vector<16xi1>, vector<16xf32>
    %add3A_1770 = arith.addf %add3A_1758, %select_n3A_1769 : vector<16xf32>
    %get3A_1771 = arith.constant 18 : i32
    %get3A_1772 = arith.index_cast %get3A_1771 : i32 to index
    %get3A_1773 = arith.constant 96 : index
    %get3A_1774 = tpu.vector_load %arg10[%get3A_1772, %get3A_1773] {strides = array<i32>} : memref<20x128xi32, #tpu.memory_space<vmem>>, vector<16xi32>,
    %gather3A_1775 = tpu.vector_load_idx %arg13[%get3A_1774] : memref<1000xf32, #tpu.memory_space<vmem>>[vector<16xi32>], vector<16xf32>,
    %lt3A_1776 = arith.constant 1.800000e+01 : f32
    %lt3A_1777 = vector.broadcast %lt3A_1776 : f32 to vector<16xf32>
    %lt3A_1778 = arith.cmpf olt, %lt3A_1777, %convert_element_type3A_1554 : vector<16xf32>
    %jit3A_1779 = arith.constant 0.000000e+00 : f32
    %broadcast_in_dim3A_1780 = vector.broadcast %jit3A_1779 : f32 to vector<16xf32>
    %select_n3A_1781 = arith.select %lt3A_1778, %gather3A_1775, %broadcast_in_dim3A_1780 : vector<16xi1>, vector<16xf32>
    %add3A_1782 = arith.addf %add3A_1770, %select_n3A_1781 : vector<16xf32>
    %get3A_1783 = arith.constant 19 : i32
    %get3A_1784 = arith.index_cast %get3A_1783 : i32 to index
    %get3A_1785 = arith.constant 96 : index
    %get3A_1786 = tpu.vector_load %arg10[%get3A_1784, %get3A_1785] {strides = array<i32>} : memref<20x128xi32, #tpu.memory_space<vmem>>, vector<16xi32>,
    %gather3A_1787 = tpu.vector_load_idx %arg13[%get3A_1786] : memref<1000xf32, #tpu.memory_space<vmem>>[vector<16xi32>], vector<16xf32>,
    %lt3A_1788 = arith.constant 1.900000e+01 : f32
    %lt3A_1789 = vector.broadcast %lt3A_1788 : f32 to vector<16xf32>
    %lt3A_1790 = arith.cmpf olt, %lt3A_1789, %convert_element_type3A_1554 : vector<16xf32>
    %jit3A_1791 = arith.constant 0.000000e+00 : f32
    %broadcast_in_dim3A_1792 = vector.broadcast %jit3A_1791 : f32 to vector<16xf32>
    %select_n3A_1793 = arith.select %lt3A_1790, %gather3A_1787, %broadcast_in_dim3A_1792 : vector<16xi1>, vector<16xf32>
    %add3A_1794 = arith.addf %add3A_1782, %select_n3A_1793 : vector<16xf32>
    %div3A_1795 = arith.divf %add3A_1794, %convert_element_type3A_1554 : vector<16xf32>
    %swap3A_1796 = arith.constant 96 : index
    %swap3A_1797 = tpu.vector_load %arg15[%swap3A_1796] {strides = array<i32>} : memref<128xf32, #tpu.memory_space<vmem>>, vector<16xf32>,
    tpu.vector_store %arg15[%swap3A_1796], %div3A_1795 {strides = array<i32>} : memref<128xf32, #tpu.memory_space<vmem>>, vector<16xf32>,
    %broadcast_in_dim3A_1798 = arith.constant 0.000000e+00 : f32
    %broadcast_in_dim3A_1799 = vector.broadcast %broadcast_in_dim3A_1798 : f32 to vector<16xf32>
    %get3A_1800 = arith.constant 112 : index
    %get3A_1801 = tpu.vector_load %arg11[%get3A_1800] {strides = array<i32>} : memref<128xi32, #tpu.memory_space<vmem>>, vector<16xi32>,
    %convert_element_type3A_1802 = arith.sitofp %get3A_1801 : vector<16xi32> to vector<16xf32>
    %get3A_1803 = arith.constant 0 : i32
    %get3A_1804 = arith.index_cast %get3A_1803 : i32 to index
    %get3A_1805 = arith.constant 112 : index
    %get3A_1806 = tpu.vector_load %arg10[%get3A_1804, %get3A_1805] {strides = array<i32>} : memref<20x128xi32, #tpu.memory_space<vmem>>, vector<16xi32>,
    %gather3A_1807 = tpu.vector_load_idx %arg13[%get3A_1806] : memref<1000xf32, #tpu.memory_space<vmem>>[vector<16xi32>], vector<16xf32>,
    %lt3A_1808 = arith.constant 0.000000e+00 : f32
    %lt3A_1809 = vector.broadcast %lt3A_1808 : f32 to vector<16xf32>
    %lt3A_1810 = arith.cmpf olt, %lt3A_1809, %convert_element_type3A_1802 : vector<16xf32>
    %jit3A_1811 = arith.constant 0.000000e+00 : f32
    %broadcast_in_dim3A_1812 = vector.broadcast %jit3A_1811 : f32 to vector<16xf32>
    %select_n3A_1813 = arith.select %lt3A_1810, %gather3A_1807, %broadcast_in_dim3A_1812 : vector<16xi1>, vector<16xf32>
    %add3A_1814 = arith.addf %broadcast_in_dim3A_1799, %select_n3A_1813 : vector<16xf32>
    %get3A_1815 = arith.constant 1 : i32
    %get3A_1816 = arith.index_cast %get3A_1815 : i32 to index
    %get3A_1817 = arith.constant 112 : index
    %get3A_1818 = tpu.vector_load %arg10[%get3A_1816, %get3A_1817] {strides = array<i32>} : memref<20x128xi32, #tpu.memory_space<vmem>>, vector<16xi32>,
    %gather3A_1819 = tpu.vector_load_idx %arg13[%get3A_1818] : memref<1000xf32, #tpu.memory_space<vmem>>[vector<16xi32>], vector<16xf32>,
    %lt3A_1820 = arith.constant 1.000000e+00 : f32
    %lt3A_1821 = vector.broadcast %lt3A_1820 : f32 to vector<16xf32>
    %lt3A_1822 = arith.cmpf olt, %lt3A_1821, %convert_element_type3A_1802 : vector<16xf32>
    %jit3A_1823 = arith.constant 0.000000e+00 : f32
    %broadcast_in_dim3A_1824 = vector.broadcast %jit3A_1823 : f32 to vector<16xf32>
    %select_n3A_1825 = arith.select %lt3A_1822, %gather3A_1819, %broadcast_in_dim3A_1824 : vector<16xi1>, vector<16xf32>
    %add3A_1826 = arith.addf %add3A_1814, %select_n3A_1825 : vector<16xf32>
    %get3A_1827 = arith.constant 2 : i32
    %get3A_1828 = arith.index_cast %get3A_1827 : i32 to index
    %get3A_1829 = arith.constant 112 : index
    %get3A_1830 = tpu.vector_load %arg10[%get3A_1828, %get3A_1829] {strides = array<i32>} : memref<20x128xi32, #tpu.memory_space<vmem>>, vector<16xi32>,
    %gather3A_1831 = tpu.vector_load_idx %arg13[%get3A_1830] : memref<1000xf32, #tpu.memory_space<vmem>>[vector<16xi32>], vector<16xf32>,
    %lt3A_1832 = arith.constant 2.000000e+00 : f32
    %lt3A_1833 = vector.broadcast %lt3A_1832 : f32 to vector<16xf32>
    %lt3A_1834 = arith.cmpf olt, %lt3A_1833, %convert_element_type3A_1802 : vector<16xf32>
    %jit3A_1835 = arith.constant 0.000000e+00 : f32
    %broadcast_in_dim3A_1836 = vector.broadcast %jit3A_1835 : f32 to vector<16xf32>
    %select_n3A_1837 = arith.select %lt3A_1834, %gather3A_1831, %broadcast_in_dim3A_1836 : vector<16xi1>, vector<16xf32>
    %add3A_1838 = arith.addf %add3A_1826, %select_n3A_1837 : vector<16xf32>
    %get3A_1839 = arith.constant 3 : i32
    %get3A_1840 = arith.index_cast %get3A_1839 : i32 to index
    %get3A_1841 = arith.constant 112 : index
    %get3A_1842 = tpu.vector_load %arg10[%get3A_1840, %get3A_1841] {strides = array<i32>} : memref<20x128xi32, #tpu.memory_space<vmem>>, vector<16xi32>,
    %gather3A_1843 = tpu.vector_load_idx %arg13[%get3A_1842] : memref<1000xf32, #tpu.memory_space<vmem>>[vector<16xi32>], vector<16xf32>,
    %lt3A_1844 = arith.constant 3.000000e+00 : f32
    %lt3A_1845 = vector.broadcast %lt3A_1844 : f32 to vector<16xf32>
    %lt3A_1846 = arith.cmpf olt, %lt3A_1845, %convert_element_type3A_1802 : vector<16xf32>
    %jit3A_1847 = arith.constant 0.000000e+00 : f32
    %broadcast_in_dim3A_1848 = vector.broadcast %jit3A_1847 : f32 to vector<16xf32>
    %select_n3A_1849 = arith.select %lt3A_1846, %gather3A_1843, %broadcast_in_dim3A_1848 : vector<16xi1>, vector<16xf32>
    %add3A_1850 = arith.addf %add3A_1838, %select_n3A_1849 : vector<16xf32>
    %get3A_1851 = arith.constant 4 : i32
    %get3A_1852 = arith.index_cast %get3A_1851 : i32 to index
    %get3A_1853 = arith.constant 112 : index
    %get3A_1854 = tpu.vector_load %arg10[%get3A_1852, %get3A_1853] {strides = array<i32>} : memref<20x128xi32, #tpu.memory_space<vmem>>, vector<16xi32>,
    %gather3A_1855 = tpu.vector_load_idx %arg13[%get3A_1854] : memref<1000xf32, #tpu.memory_space<vmem>>[vector<16xi32>], vector<16xf32>,
    %lt3A_1856 = arith.constant 4.000000e+00 : f32
    %lt3A_1857 = vector.broadcast %lt3A_1856 : f32 to vector<16xf32>
    %lt3A_1858 = arith.cmpf olt, %lt3A_1857, %convert_element_type3A_1802 : vector<16xf32>
    %jit3A_1859 = arith.constant 0.000000e+00 : f32
    %broadcast_in_dim3A_1860 = vector.broadcast %jit3A_1859 : f32 to vector<16xf32>
    %select_n3A_1861 = arith.select %lt3A_1858, %gather3A_1855, %broadcast_in_dim3A_1860 : vector<16xi1>, vector<16xf32>
    %add3A_1862 = arith.addf %add3A_1850, %select_n3A_1861 : vector<16xf32>
    %get3A_1863 = arith.constant 5 : i32
    %get3A_1864 = arith.index_cast %get3A_1863 : i32 to index
    %get3A_1865 = arith.constant 112 : index
    %get3A_1866 = tpu.vector_load %arg10[%get3A_1864, %get3A_1865] {strides = array<i32>} : memref<20x128xi32, #tpu.memory_space<vmem>>, vector<16xi32>,
    %gather3A_1867 = tpu.vector_load_idx %arg13[%get3A_1866] : memref<1000xf32, #tpu.memory_space<vmem>>[vector<16xi32>], vector<16xf32>,
    %lt3A_1868 = arith.constant 5.000000e+00 : f32
    %lt3A_1869 = vector.broadcast %lt3A_1868 : f32 to vector<16xf32>
    %lt3A_1870 = arith.cmpf olt, %lt3A_1869, %convert_element_type3A_1802 : vector<16xf32>
    %jit3A_1871 = arith.constant 0.000000e+00 : f32
    %broadcast_in_dim3A_1872 = vector.broadcast %jit3A_1871 : f32 to vector<16xf32>
    %select_n3A_1873 = arith.select %lt3A_1870, %gather3A_1867, %broadcast_in_dim3A_1872 : vector<16xi1>, vector<16xf32>
    %add3A_1874 = arith.addf %add3A_1862, %select_n3A_1873 : vector<16xf32>
    %get3A_1875 = arith.constant 6 : i32
    %get3A_1876 = arith.index_cast %get3A_1875 : i32 to index
    %get3A_1877 = arith.constant 112 : index
    %get3A_1878 = tpu.vector_load %arg10[%get3A_1876, %get3A_1877] {strides = array<i32>} : memref<20x128xi32, #tpu.memory_space<vmem>>, vector<16xi32>,
    %gather3A_1879 = tpu.vector_load_idx %arg13[%get3A_1878] : memref<1000xf32, #tpu.memory_space<vmem>>[vector<16xi32>], vector<16xf32>,
    %lt3A_1880 = arith.constant 6.000000e+00 : f32
    %lt3A_1881 = vector.broadcast %lt3A_1880 : f32 to vector<16xf32>
    %lt3A_1882 = arith.cmpf olt, %lt3A_1881, %convert_element_type3A_1802 : vector<16xf32>
    %jit3A_1883 = arith.constant 0.000000e+00 : f32
    %broadcast_in_dim3A_1884 = vector.broadcast %jit3A_1883 : f32 to vector<16xf32>
    %select_n3A_1885 = arith.select %lt3A_1882, %gather3A_1879, %broadcast_in_dim3A_1884 : vector<16xi1>, vector<16xf32>
    %add3A_1886 = arith.addf %add3A_1874, %select_n3A_1885 : vector<16xf32>
    %get3A_1887 = arith.constant 7 : i32
    %get3A_1888 = arith.index_cast %get3A_1887 : i32 to index
    %get3A_1889 = arith.constant 112 : index
    %get3A_1890 = tpu.vector_load %arg10[%get3A_1888, %get3A_1889] {strides = array<i32>} : memref<20x128xi32, #tpu.memory_space<vmem>>, vector<16xi32>,
    %gather3A_1891 = tpu.vector_load_idx %arg13[%get3A_1890] : memref<1000xf32, #tpu.memory_space<vmem>>[vector<16xi32>], vector<16xf32>,
    %lt3A_1892 = arith.constant 7.000000e+00 : f32
    %lt3A_1893 = vector.broadcast %lt3A_1892 : f32 to vector<16xf32>
    %lt3A_1894 = arith.cmpf olt, %lt3A_1893, %convert_element_type3A_1802 : vector<16xf32>
    %jit3A_1895 = arith.constant 0.000000e+00 : f32
    %broadcast_in_dim3A_1896 = vector.broadcast %jit3A_1895 : f32 to vector<16xf32>
    %select_n3A_1897 = arith.select %lt3A_1894, %gather3A_1891, %broadcast_in_dim3A_1896 : vector<16xi1>, vector<16xf32>
    %add3A_1898 = arith.addf %add3A_1886, %select_n3A_1897 : vector<16xf32>
    %get3A_1899 = arith.constant 8 : i32
    %get3A_1900 = arith.index_cast %get3A_1899 : i32 to index
    %get3A_1901 = arith.constant 112 : index
    %get3A_1902 = tpu.vector_load %arg10[%get3A_1900, %get3A_1901] {strides = array<i32>} : memref<20x128xi32, #tpu.memory_space<vmem>>, vector<16xi32>,
    %gather3A_1903 = tpu.vector_load_idx %arg13[%get3A_1902] : memref<1000xf32, #tpu.memory_space<vmem>>[vector<16xi32>], vector<16xf32>,
    %lt3A_1904 = arith.constant 8.000000e+00 : f32
    %lt3A_1905 = vector.broadcast %lt3A_1904 : f32 to vector<16xf32>
    %lt3A_1906 = arith.cmpf olt, %lt3A_1905, %convert_element_type3A_1802 : vector<16xf32>
    %jit3A_1907 = arith.constant 0.000000e+00 : f32
    %broadcast_in_dim3A_1908 = vector.broadcast %jit3A_1907 : f32 to vector<16xf32>
    %select_n3A_1909 = arith.select %lt3A_1906, %gather3A_1903, %broadcast_in_dim3A_1908 : vector<16xi1>, vector<16xf32>
    %add3A_1910 = arith.addf %add3A_1898, %select_n3A_1909 : vector<16xf32>
    %get3A_1911 = arith.constant 9 : i32
    %get3A_1912 = arith.index_cast %get3A_1911 : i32 to index
    %get3A_1913 = arith.constant 112 : index
    %get3A_1914 = tpu.vector_load %arg10[%get3A_1912, %get3A_1913] {strides = array<i32>} : memref<20x128xi32, #tpu.memory_space<vmem>>, vector<16xi32>,
    %gather3A_1915 = tpu.vector_load_idx %arg13[%get3A_1914] : memref<1000xf32, #tpu.memory_space<vmem>>[vector<16xi32>], vector<16xf32>,
    %lt3A_1916 = arith.constant 9.000000e+00 : f32
    %lt3A_1917 = vector.broadcast %lt3A_1916 : f32 to vector<16xf32>
    %lt3A_1918 = arith.cmpf olt, %lt3A_1917, %convert_element_type3A_1802 : vector<16xf32>
    %jit3A_1919 = arith.constant 0.000000e+00 : f32
    %broadcast_in_dim3A_1920 = vector.broadcast %jit3A_1919 : f32 to vector<16xf32>
    %select_n3A_1921 = arith.select %lt3A_1918, %gather3A_1915, %broadcast_in_dim3A_1920 : vector<16xi1>, vector<16xf32>
    %add3A_1922 = arith.addf %add3A_1910, %select_n3A_1921 : vector<16xf32>
    %get3A_1923 = arith.constant 10 : i32
    %get3A_1924 = arith.index_cast %get3A_1923 : i32 to index
    %get3A_1925 = arith.constant 112 : index
    %get3A_1926 = tpu.vector_load %arg10[%get3A_1924, %get3A_1925] {strides = array<i32>} : memref<20x128xi32, #tpu.memory_space<vmem>>, vector<16xi32>,
    %gather3A_1927 = tpu.vector_load_idx %arg13[%get3A_1926] : memref<1000xf32, #tpu.memory_space<vmem>>[vector<16xi32>], vector<16xf32>,
    %lt3A_1928 = arith.constant 1.000000e+01 : f32
    %lt3A_1929 = vector.broadcast %lt3A_1928 : f32 to vector<16xf32>
    %lt3A_1930 = arith.cmpf olt, %lt3A_1929, %convert_element_type3A_1802 : vector<16xf32>
    %jit3A_1931 = arith.constant 0.000000e+00 : f32
    %broadcast_in_dim3A_1932 = vector.broadcast %jit3A_1931 : f32 to vector<16xf32>
    %select_n3A_1933 = arith.select %lt3A_1930, %gather3A_1927, %broadcast_in_dim3A_1932 : vector<16xi1>, vector<16xf32>
    %add3A_1934 = arith.addf %add3A_1922, %select_n3A_1933 : vector<16xf32>
    %get3A_1935 = arith.constant 11 : i32
    %get3A_1936 = arith.index_cast %get3A_1935 : i32 to index
    %get3A_1937 = arith.constant 112 : index
    %get3A_1938 = tpu.vector_load %arg10[%get3A_1936, %get3A_1937] {strides = array<i32>} : memref<20x128xi32, #tpu.memory_space<vmem>>, vector<16xi32>,
    %gather3A_1939 = tpu.vector_load_idx %arg13[%get3A_1938] : memref<1000xf32, #tpu.memory_space<vmem>>[vector<16xi32>], vector<16xf32>,
    %lt3A_1940 = arith.constant 1.100000e+01 : f32
    %lt3A_1941 = vector.broadcast %lt3A_1940 : f32 to vector<16xf32>
    %lt3A_1942 = arith.cmpf olt, %lt3A_1941, %convert_element_type3A_1802 : vector<16xf32>
    %jit3A_1943 = arith.constant 0.000000e+00 : f32
    %broadcast_in_dim3A_1944 = vector.broadcast %jit3A_1943 : f32 to vector<16xf32>
    %select_n3A_1945 = arith.select %lt3A_1942, %gather3A_1939, %broadcast_in_dim3A_1944 : vector<16xi1>, vector<16xf32>
    %add3A_1946 = arith.addf %add3A_1934, %select_n3A_1945 : vector<16xf32>
    %get3A_1947 = arith.constant 12 : i32
    %get3A_1948 = arith.index_cast %get3A_1947 : i32 to index
    %get3A_1949 = arith.constant 112 : index
    %get3A_1950 = tpu.vector_load %arg10[%get3A_1948, %get3A_1949] {strides = array<i32>} : memref<20x128xi32, #tpu.memory_space<vmem>>, vector<16xi32>,
    %gather3A_1951 = tpu.vector_load_idx %arg13[%get3A_1950] : memref<1000xf32, #tpu.memory_space<vmem>>[vector<16xi32>], vector<16xf32>,
    %lt3A_1952 = arith.constant 1.200000e+01 : f32
    %lt3A_1953 = vector.broadcast %lt3A_1952 : f32 to vector<16xf32>
    %lt3A_1954 = arith.cmpf olt, %lt3A_1953, %convert_element_type3A_1802 : vector<16xf32>
    %jit3A_1955 = arith.constant 0.000000e+00 : f32
    %broadcast_in_dim3A_1956 = vector.broadcast %jit3A_1955 : f32 to vector<16xf32>
    %select_n3A_1957 = arith.select %lt3A_1954, %gather3A_1951, %broadcast_in_dim3A_1956 : vector<16xi1>, vector<16xf32>
    %add3A_1958 = arith.addf %add3A_1946, %select_n3A_1957 : vector<16xf32>
    %get3A_1959 = arith.constant 13 : i32
    %get3A_1960 = arith.index_cast %get3A_1959 : i32 to index
    %get3A_1961 = arith.constant 112 : index
    %get3A_1962 = tpu.vector_load %arg10[%get3A_1960, %get3A_1961] {strides = array<i32>} : memref<20x128xi32, #tpu.memory_space<vmem>>, vector<16xi32>,
    %gather3A_1963 = tpu.vector_load_idx %arg13[%get3A_1962] : memref<1000xf32, #tpu.memory_space<vmem>>[vector<16xi32>], vector<16xf32>,
    %lt3A_1964 = arith.constant 1.300000e+01 : f32
    %lt3A_1965 = vector.broadcast %lt3A_1964 : f32 to vector<16xf32>
    %lt3A_1966 = arith.cmpf olt, %lt3A_1965, %convert_element_type3A_1802 : vector<16xf32>
    %jit3A_1967 = arith.constant 0.000000e+00 : f32
    %broadcast_in_dim3A_1968 = vector.broadcast %jit3A_1967 : f32 to vector<16xf32>
    %select_n3A_1969 = arith.select %lt3A_1966, %gather3A_1963, %broadcast_in_dim3A_1968 : vector<16xi1>, vector<16xf32>
    %add3A_1970 = arith.addf %add3A_1958, %select_n3A_1969 : vector<16xf32>
    %get3A_1971 = arith.constant 14 : i32
    %get3A_1972 = arith.index_cast %get3A_1971 : i32 to index
    %get3A_1973 = arith.constant 112 : index
    %get3A_1974 = tpu.vector_load %arg10[%get3A_1972, %get3A_1973] {strides = array<i32>} : memref<20x128xi32, #tpu.memory_space<vmem>>, vector<16xi32>,
    %gather3A_1975 = tpu.vector_load_idx %arg13[%get3A_1974] : memref<1000xf32, #tpu.memory_space<vmem>>[vector<16xi32>], vector<16xf32>,
    %lt3A_1976 = arith.constant 1.400000e+01 : f32
    %lt3A_1977 = vector.broadcast %lt3A_1976 : f32 to vector<16xf32>
    %lt3A_1978 = arith.cmpf olt, %lt3A_1977, %convert_element_type3A_1802 : vector<16xf32>
    %jit3A_1979 = arith.constant 0.000000e+00 : f32
    %broadcast_in_dim3A_1980 = vector.broadcast %jit3A_1979 : f32 to vector<16xf32>
    %select_n3A_1981 = arith.select %lt3A_1978, %gather3A_1975, %broadcast_in_dim3A_1980 : vector<16xi1>, vector<16xf32>
    %add3A_1982 = arith.addf %add3A_1970, %select_n3A_1981 : vector<16xf32>
    %get3A_1983 = arith.constant 15 : i32
    %get3A_1984 = arith.index_cast %get3A_1983 : i32 to index
    %get3A_1985 = arith.constant 112 : index
    %get3A_1986 = tpu.vector_load %arg10[%get3A_1984, %get3A_1985] {strides = array<i32>} : memref<20x128xi32, #tpu.memory_space<vmem>>, vector<16xi32>,
    %gather3A_1987 = tpu.vector_load_idx %arg13[%get3A_1986] : memref<1000xf32, #tpu.memory_space<vmem>>[vector<16xi32>], vector<16xf32>,
    %lt3A_1988 = arith.constant 1.500000e+01 : f32
    %lt3A_1989 = vector.broadcast %lt3A_1988 : f32 to vector<16xf32>
    %lt3A_1990 = arith.cmpf olt, %lt3A_1989, %convert_element_type3A_1802 : vector<16xf32>
    %jit3A_1991 = arith.constant 0.000000e+00 : f32
    %broadcast_in_dim3A_1992 = vector.broadcast %jit3A_1991 : f32 to vector<16xf32>
    %select_n3A_1993 = arith.select %lt3A_1990, %gather3A_1987, %broadcast_in_dim3A_1992 : vector<16xi1>, vector<16xf32>
    %add3A_1994 = arith.addf %add3A_1982, %select_n3A_1993 : vector<16xf32>
    %get3A_1995 = arith.constant 16 : i32
    %get3A_1996 = arith.index_cast %get3A_1995 : i32 to index
    %get3A_1997 = arith.constant 112 : index
    %get3A_1998 = tpu.vector_load %arg10[%get3A_1996, %get3A_1997] {strides = array<i32>} : memref<20x128xi32, #tpu.memory_space<vmem>>, vector<16xi32>,
    %gather3A_1999 = tpu.vector_load_idx %arg13[%get3A_1998] : memref<1000xf32, #tpu.memory_space<vmem>>[vector<16xi32>], vector<16xf32>,
    %lt3A_2000 = arith.constant 1.600000e+01 : f32
    %lt3A_2001 = vector.broadcast %lt3A_2000 : f32 to vector<16xf32>
    %lt3A_2002 = arith.cmpf olt, %lt3A_2001, %convert_element_type3A_1802 : vector<16xf32>
    %jit3A_2003 = arith.constant 0.000000e+00 : f32
    %broadcast_in_dim3A_2004 = vector.broadcast %jit3A_2003 : f32 to vector<16xf32>
    %select_n3A_2005 = arith.select %lt3A_2002, %gather3A_1999, %broadcast_in_dim3A_2004 : vector<16xi1>, vector<16xf32>
    %add3A_2006 = arith.addf %add3A_1994, %select_n3A_2005 : vector<16xf32>
    %get3A_2007 = arith.constant 17 : i32
    %get3A_2008 = arith.index_cast %get3A_2007 : i32 to index
    %get3A_2009 = arith.constant 112 : index
    %get3A_2010 = tpu.vector_load %arg10[%get3A_2008, %get3A_2009] {strides = array<i32>} : memref<20x128xi32, #tpu.memory_space<vmem>>, vector<16xi32>,
    %gather3A_2011 = tpu.vector_load_idx %arg13[%get3A_2010] : memref<1000xf32, #tpu.memory_space<vmem>>[vector<16xi32>], vector<16xf32>,
    %lt3A_2012 = arith.constant 1.700000e+01 : f32
    %lt3A_2013 = vector.broadcast %lt3A_2012 : f32 to vector<16xf32>
    %lt3A_2014 = arith.cmpf olt, %lt3A_2013, %convert_element_type3A_1802 : vector<16xf32>
    %jit3A_2015 = arith.constant 0.000000e+00 : f32
    %broadcast_in_dim3A_2016 = vector.broadcast %jit3A_2015 : f32 to vector<16xf32>
    %select_n3A_2017 = arith.select %lt3A_2014, %gather3A_2011, %broadcast_in_dim3A_2016 : vector<16xi1>, vector<16xf32>
    %add3A_2018 = arith.addf %add3A_2006, %select_n3A_2017 : vector<16xf32>
    %get3A_2019 = arith.constant 18 : i32
    %get3A_2020 = arith.index_cast %get3A_2019 : i32 to index
    %get3A_2021 = arith.constant 112 : index
    %get3A_2022 = tpu.vector_load %arg10[%get3A_2020, %get3A_2021] {strides = array<i32>} : memref<20x128xi32, #tpu.memory_space<vmem>>, vector<16xi32>,
    %gather3A_2023 = tpu.vector_load_idx %arg13[%get3A_2022] : memref<1000xf32, #tpu.memory_space<vmem>>[vector<16xi32>], vector<16xf32>,
    %lt3A_2024 = arith.constant 1.800000e+01 : f32
    %lt3A_2025 = vector.broadcast %lt3A_2024 : f32 to vector<16xf32>
    %lt3A_2026 = arith.cmpf olt, %lt3A_2025, %convert_element_type3A_1802 : vector<16xf32>
    %jit3A_2027 = arith.constant 0.000000e+00 : f32
    %broadcast_in_dim3A_2028 = vector.broadcast %jit3A_2027 : f32 to vector<16xf32>
    %select_n3A_2029 = arith.select %lt3A_2026, %gather3A_2023, %broadcast_in_dim3A_2028 : vector<16xi1>, vector<16xf32>
    %add3A_2030 = arith.addf %add3A_2018, %select_n3A_2029 : vector<16xf32>
    %get3A_2031 = arith.constant 19 : i32
    %get3A_2032 = arith.index_cast %get3A_2031 : i32 to index
    %get3A_2033 = arith.constant 112 : index
    %get3A_2034 = tpu.vector_load %arg10[%get3A_2032, %get3A_2033] {strides = array<i32>} : memref<20x128xi32, #tpu.memory_space<vmem>>, vector<16xi32>,
    %gather3A_2035 = tpu.vector_load_idx %arg13[%get3A_2034] : memref<1000xf32, #tpu.memory_space<vmem>>[vector<16xi32>], vector<16xf32>,
    %lt3A_2036 = arith.constant 1.900000e+01 : f32
    %lt3A_2037 = vector.broadcast %lt3A_2036 : f32 to vector<16xf32>
    %lt3A_2038 = arith.cmpf olt, %lt3A_2037, %convert_element_type3A_1802 : vector<16xf32>
    %jit3A_2039 = arith.constant 0.000000e+00 : f32
    %broadcast_in_dim3A_2040 = vector.broadcast %jit3A_2039 : f32 to vector<16xf32>
    %select_n3A_2041 = arith.select %lt3A_2038, %gather3A_2035, %broadcast_in_dim3A_2040 : vector<16xi1>, vector<16xf32>
    %add3A_2042 = arith.addf %add3A_2030, %select_n3A_2041 : vector<16xf32>
    %div3A_2043 = arith.divf %add3A_2042, %convert_element_type3A_1802 : vector<16xf32>
    %swap3A_2044 = arith.constant 112 : index
    %swap3A_2045 = tpu.vector_load %arg15[%swap3A_2044] {strides = array<i32>} : memref<128xf32, #tpu.memory_space<vmem>>, vector<16xf32>,
    tpu.vector_store %arg15[%swap3A_2044], %div3A_2043 {strides = array<i32>} : memref<128xf32, #tpu.memory_space<vmem>>, vector<16xf32>,
    %dma_wait3A_2046 = arith.constant 0 : i32
    %dma_wait3A_2047 = arith.constant 0 : i32
    %dma_wait3A_2048 = tpu.memref_slice %arg12[%dma_wait3A_2046, %dma_wait3A_2047] : memref<128x128xf32, #tpu.memory_space<vmem>> -> memref<32x128xf32, #tpu.memory_space<vmem>>
    %dma_wait3A_2049 = arith.constant 0 : i32
    %dma_wait3A_2050 = tpu.memref_slice %arg9[%dma_wait3A_2049] : memref<128xi32, #tpu.memory_space<vmem>> -> memref<32xi32, #tpu.memory_space<vmem>>
    %dma_wait3A_2051 = arith.constant 0 : i32
    %dma_wait3A_2052 = arith.constant 0 : i32
    %dma_wait3A_2053 = tpu.memref_slice %arg5[%dma_wait3A_2051, %dma_wait3A_2052] : memref<100000x128xf32, #tpu.memory_space<hbm>> -> memref<100000x128xf32, #tpu.memory_space<hbm>>
    tpu.wait_indirect_dma semaphore(%arg21 : memref<!tpu.dma_semaphore, #tpu.memory_space<semaphore_mem>>) src(%dma_wait3A_2053 : memref<100000x128xf32, #tpu.memory_space<hbm>>) dst(%dma_wait3A_2048 : memref<32x128xf32, #tpu.memory_space<vmem>>)
    %dma_wait3A_2054 = arith.constant 32 : i32
    %dma_wait3A_2055 = arith.constant 0 : i32
    %dma_wait3A_2056 = tpu.memref_slice %arg12[%dma_wait3A_2054, %dma_wait3A_2055] : memref<128x128xf32, #tpu.memory_space<vmem>> -> memref<32x128xf32, #tpu.memory_space<vmem>>
    %dma_wait3A_2057 = arith.constant 32 : i32
    %dma_wait3A_2058 = tpu.memref_slice %arg9[%dma_wait3A_2057] : memref<128xi32, #tpu.memory_space<vmem>> -> memref<32xi32, #tpu.memory_space<vmem>>
    %dma_wait3A_2059 = arith.constant 0 : i32
    %dma_wait3A_2060 = arith.constant 0 : i32
    %dma_wait3A_2061 = tpu.memref_slice %arg5[%dma_wait3A_2059, %dma_wait3A_2060] : memref<100000x128xf32, #tpu.memory_space<hbm>> -> memref<100000x128xf32, #tpu.memory_space<hbm>>
    tpu.wait_indirect_dma semaphore(%arg22 : memref<!tpu.dma_semaphore, #tpu.memory_space<semaphore_mem>>) src(%dma_wait3A_2061 : memref<100000x128xf32, #tpu.memory_space<hbm>>) dst(%dma_wait3A_2056 : memref<32x128xf32, #tpu.memory_space<vmem>>)
    %dma_wait3A_2062 = arith.constant 64 : i32
    %dma_wait3A_2063 = arith.constant 0 : i32
    %dma_wait3A_2064 = tpu.memref_slice %arg12[%dma_wait3A_2062, %dma_wait3A_2063] : memref<128x128xf32, #tpu.memory_space<vmem>> -> memref<32x128xf32, #tpu.memory_space<vmem>>
    %dma_wait3A_2065 = arith.constant 64 : i32
    %dma_wait3A_2066 = tpu.memref_slice %arg9[%dma_wait3A_2065] : memref<128xi32, #tpu.memory_space<vmem>> -> memref<32xi32, #tpu.memory_space<vmem>>
    %dma_wait3A_2067 = arith.constant 0 : i32
    %dma_wait3A_2068 = arith.constant 0 : i32
    %dma_wait3A_2069 = tpu.memref_slice %arg5[%dma_wait3A_2067, %dma_wait3A_2068] : memref<100000x128xf32, #tpu.memory_space<hbm>> -> memref<100000x128xf32, #tpu.memory_space<hbm>>
    tpu.wait_indirect_dma semaphore(%arg23 : memref<!tpu.dma_semaphore, #tpu.memory_space<semaphore_mem>>) src(%dma_wait3A_2069 : memref<100000x128xf32, #tpu.memory_space<hbm>>) dst(%dma_wait3A_2064 : memref<32x128xf32, #tpu.memory_space<vmem>>)
    %dma_wait3A_2070 = arith.constant 96 : i32
    %dma_wait3A_2071 = arith.constant 0 : i32
    %dma_wait3A_2072 = tpu.memref_slice %arg12[%dma_wait3A_2070, %dma_wait3A_2071] : memref<128x128xf32, #tpu.memory_space<vmem>> -> memref<32x128xf32, #tpu.memory_space<vmem>>
    %dma_wait3A_2073 = arith.constant 96 : i32
    %dma_wait3A_2074 = tpu.memref_slice %arg9[%dma_wait3A_2073] : memref<128xi32, #tpu.memory_space<vmem>> -> memref<32xi32, #tpu.memory_space<vmem>>
    %dma_wait3A_2075 = arith.constant 0 : i32
    %dma_wait3A_2076 = arith.constant 0 : i32
    %dma_wait3A_2077 = tpu.memref_slice %arg5[%dma_wait3A_2075, %dma_wait3A_2076] : memref<100000x128xf32, #tpu.memory_space<hbm>> -> memref<100000x128xf32, #tpu.memory_space<hbm>>
    tpu.wait_indirect_dma semaphore(%arg24 : memref<!tpu.dma_semaphore, #tpu.memory_space<semaphore_mem>>) src(%dma_wait3A_2077 : memref<100000x128xf32, #tpu.memory_space<hbm>>) dst(%dma_wait3A_2072 : memref<32x128xf32, #tpu.memory_space<vmem>>)
    %iota3A = tpu.iota {dimensions = array<i32: 0>} : vector<16xi32>
    %add3A_2078 = arith.constant 0 : i32
    %add3A_2079 = vector.broadcast %add3A_2078 : i32 to vector<16xi32>
    %add3A_2080 = arith.addi %add3A_2079, %iota3A : vector<16xi32>
    %add3A_2081 = arith.constant 16 : i32
    %add3A_2082 = vector.broadcast %add3A_2081 : i32 to vector<16xi32>
    %add3A_2083 = arith.addi %add3A_2082, %iota3A : vector<16xi32>
    %add3A_2084 = arith.constant 32 : i32
    %add3A_2085 = vector.broadcast %add3A_2084 : i32 to vector<16xi32>
    %add3A_2086 = arith.addi %add3A_2085, %iota3A : vector<16xi32>
    %add3A_2087 = arith.constant 48 : i32
    %add3A_2088 = vector.broadcast %add3A_2087 : i32 to vector<16xi32>
    %add3A_2089 = arith.addi %add3A_2088, %iota3A : vector<16xi32>
    %add3A_2090 = arith.constant 64 : i32
    %add3A_2091 = vector.broadcast %add3A_2090 : i32 to vector<16xi32>
    %add3A_2092 = arith.addi %add3A_2091, %iota3A : vector<16xi32>
    %add3A_2093 = arith.constant 80 : i32
    %add3A_2094 = vector.broadcast %add3A_2093 : i32 to vector<16xi32>
    %add3A_2095 = arith.addi %add3A_2094, %iota3A : vector<16xi32>
    %add3A_2096 = arith.constant 96 : i32
    %add3A_2097 = vector.broadcast %add3A_2096 : i32 to vector<16xi32>
    %add3A_2098 = arith.addi %add3A_2097, %iota3A : vector<16xi32>
    %add3A_2099 = arith.constant 112 : i32
    %add3A_2100 = vector.broadcast %add3A_2099 : i32 to vector<16xi32>
    %add3A_2101 = arith.addi %add3A_2100, %iota3A : vector<16xi32>
    %get3A_2102 = arith.constant 0 : index
    %get3A_2103 = tpu.vector_load %arg15[%get3A_2102] {strides = array<i32>} : memref<128xf32, #tpu.memory_space<vmem>>, vector<16xf32>,
    %get3A_2104 = arith.constant 16 : index
    %get3A_2105 = tpu.vector_load %arg15[%get3A_2104] {strides = array<i32>} : memref<128xf32, #tpu.memory_space<vmem>>, vector<16xf32>,
    %get3A_2106 = arith.constant 32 : index
    %get3A_2107 = tpu.vector_load %arg15[%get3A_2106] {strides = array<i32>} : memref<128xf32, #tpu.memory_space<vmem>>, vector<16xf32>,
    %get3A_2108 = arith.constant 48 : index
    %get3A_2109 = tpu.vector_load %arg15[%get3A_2108] {strides = array<i32>} : memref<128xf32, #tpu.memory_space<vmem>>, vector<16xf32>,
    %get3A_2110 = arith.constant 64 : index
    %get3A_2111 = tpu.vector_load %arg15[%get3A_2110] {strides = array<i32>} : memref<128xf32, #tpu.memory_space<vmem>>, vector<16xf32>,
    %get3A_2112 = arith.constant 80 : index
    %get3A_2113 = tpu.vector_load %arg15[%get3A_2112] {strides = array<i32>} : memref<128xf32, #tpu.memory_space<vmem>>, vector<16xf32>,
    %get3A_2114 = arith.constant 96 : index
    %get3A_2115 = tpu.vector_load %arg15[%get3A_2114] {strides = array<i32>} : memref<128xf32, #tpu.memory_space<vmem>>, vector<16xf32>,
    %get3A_2116 = arith.constant 112 : index
    %get3A_2117 = tpu.vector_load %arg15[%get3A_2116] {strides = array<i32>} : memref<128xf32, #tpu.memory_space<vmem>>, vector<16xf32>,
    %broadcast_in_dim3A_2118 = arith.constant 0 : i32
    %broadcast_in_dim3A_2119 = vector.broadcast %broadcast_in_dim3A_2118 : i32 to vector<16xi32>
    %scan3A = arith.constant 0 : i32
    %scan3A_2120 = arith.constant 128 : i32
    %scan3A_2121 = arith.addi %scan3A, %scan3A_2120 : i32
    %scan3A_2122 = arith.constant 4 : i32
    %scan3A_2123:9 = scf.for %scan3A_2141 = %scan3A to %scan3A_2121 step %scan3A_2122 iter_args(%scan3A_2142 = %broadcast_in_dim3A_2119, %scan3A_2143 = %get3A_2103, %scan3A_2144 = %get3A_2105, %scan3A_2145 = %get3A_2107, %scan3A_2146 = %get3A_2109, %scan3A_2147 = %get3A_2111, %scan3A_2148 = %get3A_2113, %scan3A_2149 = %get3A_2115, %scan3A_2150 = %get3A_2117) -> (vector<16xi32>, vector<16xf32>, vector<16xf32>, vector<16xf32>, vector<16xf32>, vector<16xf32>, vector<16xf32>, vector<16xf32>, vector<16xf32>)  : i32 {
      %gather3A_2151 = tpu.vector_load_idx %arg14[%scan3A_2142] : memref<144xf32, #tpu.memory_space<vmem>>[vector<16xi32>], vector<16xf32>,
      %gather3A_2152 = tpu.vector_load_idx %arg12[%add3A_2080, %scan3A_2142] : memref<128x128xf32, #tpu.memory_space<vmem>>[vector<16xi32>, vector<16xi32>], vector<16xf32>,
      %mul3A_2153 = arith.mulf %gather3A_2152, %gather3A_2151 : vector<16xf32>
      %add3A_2154 = arith.addf %scan3A_2143, %mul3A_2153 : vector<16xf32>
      %gather3A_2155 = tpu.vector_load_idx %arg12[%add3A_2083, %scan3A_2142] : memref<128x128xf32, #tpu.memory_space<vmem>>[vector<16xi32>, vector<16xi32>], vector<16xf32>,
      %mul3A_2156 = arith.mulf %gather3A_2155, %gather3A_2151 : vector<16xf32>
      %add3A_2157 = arith.addf %scan3A_2144, %mul3A_2156 : vector<16xf32>
      %gather3A_2158 = tpu.vector_load_idx %arg12[%add3A_2086, %scan3A_2142] : memref<128x128xf32, #tpu.memory_space<vmem>>[vector<16xi32>, vector<16xi32>], vector<16xf32>,
      %mul3A_2159 = arith.mulf %gather3A_2158, %gather3A_2151 : vector<16xf32>
      %add3A_2160 = arith.addf %scan3A_2145, %mul3A_2159 : vector<16xf32>
      %gather3A_2161 = tpu.vector_load_idx %arg12[%add3A_2089, %scan3A_2142] : memref<128x128xf32, #tpu.memory_space<vmem>>[vector<16xi32>, vector<16xi32>], vector<16xf32>,
      %mul3A_2162 = arith.mulf %gather3A_2161, %gather3A_2151 : vector<16xf32>
      %add3A_2163 = arith.addf %scan3A_2146, %mul3A_2162 : vector<16xf32>
      %gather3A_2164 = tpu.vector_load_idx %arg12[%add3A_2092, %scan3A_2142] : memref<128x128xf32, #tpu.memory_space<vmem>>[vector<16xi32>, vector<16xi32>], vector<16xf32>,
      %mul3A_2165 = arith.mulf %gather3A_2164, %gather3A_2151 : vector<16xf32>
      %add3A_2166 = arith.addf %scan3A_2147, %mul3A_2165 : vector<16xf32>
      %gather3A_2167 = tpu.vector_load_idx %arg12[%add3A_2095, %scan3A_2142] : memref<128x128xf32, #tpu.memory_space<vmem>>[vector<16xi32>, vector<16xi32>], vector<16xf32>,
      %mul3A_2168 = arith.mulf %gather3A_2167, %gather3A_2151 : vector<16xf32>
      %add3A_2169 = arith.addf %scan3A_2148, %mul3A_2168 : vector<16xf32>
      %gather3A_2170 = tpu.vector_load_idx %arg12[%add3A_2098, %scan3A_2142] : memref<128x128xf32, #tpu.memory_space<vmem>>[vector<16xi32>, vector<16xi32>], vector<16xf32>,
      %mul3A_2171 = arith.mulf %gather3A_2170, %gather3A_2151 : vector<16xf32>
      %add3A_2172 = arith.addf %scan3A_2149, %mul3A_2171 : vector<16xf32>
      %gather3A_2173 = tpu.vector_load_idx %arg12[%add3A_2101, %scan3A_2142] : memref<128x128xf32, #tpu.memory_space<vmem>>[vector<16xi32>, vector<16xi32>], vector<16xf32>,
      %mul3A_2174 = arith.mulf %gather3A_2173, %gather3A_2151 : vector<16xf32>
      %add3A_2175 = arith.addf %scan3A_2150, %mul3A_2174 : vector<16xf32>
      %add3A_2176 = arith.constant 1 : i32
      %add3A_2177 = vector.broadcast %add3A_2176 : i32 to vector<16xi32>
      %add3A_2178 = arith.addi %scan3A_2142, %add3A_2177 : vector<16xi32>
      %scan3A_2179 = arith.constant 1 : i32
      %scan3A_2180 = arith.addi %scan3A_2141, %scan3A_2179 : i32
      %gather3A_2181 = tpu.vector_load_idx %arg14[%add3A_2178] : memref<144xf32, #tpu.memory_space<vmem>>[vector<16xi32>], vector<16xf32>,
      %gather3A_2182 = tpu.vector_load_idx %arg12[%add3A_2080, %add3A_2178] : memref<128x128xf32, #tpu.memory_space<vmem>>[vector<16xi32>, vector<16xi32>], vector<16xf32>,
      %mul3A_2183 = arith.mulf %gather3A_2182, %gather3A_2181 : vector<16xf32>
      %add3A_2184 = arith.addf %add3A_2154, %mul3A_2183 : vector<16xf32>
      %gather3A_2185 = tpu.vector_load_idx %arg12[%add3A_2083, %add3A_2178] : memref<128x128xf32, #tpu.memory_space<vmem>>[vector<16xi32>, vector<16xi32>], vector<16xf32>,
      %mul3A_2186 = arith.mulf %gather3A_2185, %gather3A_2181 : vector<16xf32>
      %add3A_2187 = arith.addf %add3A_2157, %mul3A_2186 : vector<16xf32>
      %gather3A_2188 = tpu.vector_load_idx %arg12[%add3A_2086, %add3A_2178] : memref<128x128xf32, #tpu.memory_space<vmem>>[vector<16xi32>, vector<16xi32>], vector<16xf32>,
      %mul3A_2189 = arith.mulf %gather3A_2188, %gather3A_2181 : vector<16xf32>
      %add3A_2190 = arith.addf %add3A_2160, %mul3A_2189 : vector<16xf32>
      %gather3A_2191 = tpu.vector_load_idx %arg12[%add3A_2089, %add3A_2178] : memref<128x128xf32, #tpu.memory_space<vmem>>[vector<16xi32>, vector<16xi32>], vector<16xf32>,
      %mul3A_2192 = arith.mulf %gather3A_2191, %gather3A_2181 : vector<16xf32>
      %add3A_2193 = arith.addf %add3A_2163, %mul3A_2192 : vector<16xf32>
      %gather3A_2194 = tpu.vector_load_idx %arg12[%add3A_2092, %add3A_2178] : memref<128x128xf32, #tpu.memory_space<vmem>>[vector<16xi32>, vector<16xi32>], vector<16xf32>,
      %mul3A_2195 = arith.mulf %gather3A_2194, %gather3A_2181 : vector<16xf32>
      %add3A_2196 = arith.addf %add3A_2166, %mul3A_2195 : vector<16xf32>
      %gather3A_2197 = tpu.vector_load_idx %arg12[%add3A_2095, %add3A_2178] : memref<128x128xf32, #tpu.memory_space<vmem>>[vector<16xi32>, vector<16xi32>], vector<16xf32>,
      %mul3A_2198 = arith.mulf %gather3A_2197, %gather3A_2181 : vector<16xf32>
      %add3A_2199 = arith.addf %add3A_2169, %mul3A_2198 : vector<16xf32>
      %gather3A_2200 = tpu.vector_load_idx %arg12[%add3A_2098, %add3A_2178] : memref<128x128xf32, #tpu.memory_space<vmem>>[vector<16xi32>, vector<16xi32>], vector<16xf32>,
      %mul3A_2201 = arith.mulf %gather3A_2200, %gather3A_2181 : vector<16xf32>
      %add3A_2202 = arith.addf %add3A_2172, %mul3A_2201 : vector<16xf32>
      %gather3A_2203 = tpu.vector_load_idx %arg12[%add3A_2101, %add3A_2178] : memref<128x128xf32, #tpu.memory_space<vmem>>[vector<16xi32>, vector<16xi32>], vector<16xf32>,
      %mul3A_2204 = arith.mulf %gather3A_2203, %gather3A_2181 : vector<16xf32>
      %add3A_2205 = arith.addf %add3A_2175, %mul3A_2204 : vector<16xf32>
      %add3A_2206 = arith.constant 1 : i32
      %add3A_2207 = vector.broadcast %add3A_2206 : i32 to vector<16xi32>
      %add3A_2208 = arith.addi %add3A_2178, %add3A_2207 : vector<16xi32>
      %scan3A_2209 = arith.constant 2 : i32
      %scan3A_2210 = arith.addi %scan3A_2141, %scan3A_2209 : i32
      %gather3A_2211 = tpu.vector_load_idx %arg14[%add3A_2208] : memref<144xf32, #tpu.memory_space<vmem>>[vector<16xi32>], vector<16xf32>,
      %gather3A_2212 = tpu.vector_load_idx %arg12[%add3A_2080, %add3A_2208] : memref<128x128xf32, #tpu.memory_space<vmem>>[vector<16xi32>, vector<16xi32>], vector<16xf32>,
      %mul3A_2213 = arith.mulf %gather3A_2212, %gather3A_2211 : vector<16xf32>
      %add3A_2214 = arith.addf %add3A_2184, %mul3A_2213 : vector<16xf32>
      %gather3A_2215 = tpu.vector_load_idx %arg12[%add3A_2083, %add3A_2208] : memref<128x128xf32, #tpu.memory_space<vmem>>[vector<16xi32>, vector<16xi32>], vector<16xf32>,
      %mul3A_2216 = arith.mulf %gather3A_2215, %gather3A_2211 : vector<16xf32>
      %add3A_2217 = arith.addf %add3A_2187, %mul3A_2216 : vector<16xf32>
      %gather3A_2218 = tpu.vector_load_idx %arg12[%add3A_2086, %add3A_2208] : memref<128x128xf32, #tpu.memory_space<vmem>>[vector<16xi32>, vector<16xi32>], vector<16xf32>,
      %mul3A_2219 = arith.mulf %gather3A_2218, %gather3A_2211 : vector<16xf32>
      %add3A_2220 = arith.addf %add3A_2190, %mul3A_2219 : vector<16xf32>
      %gather3A_2221 = tpu.vector_load_idx %arg12[%add3A_2089, %add3A_2208] : memref<128x128xf32, #tpu.memory_space<vmem>>[vector<16xi32>, vector<16xi32>], vector<16xf32>,
      %mul3A_2222 = arith.mulf %gather3A_2221, %gather3A_2211 : vector<16xf32>
      %add3A_2223 = arith.addf %add3A_2193, %mul3A_2222 : vector<16xf32>
      %gather3A_2224 = tpu.vector_load_idx %arg12[%add3A_2092, %add3A_2208] : memref<128x128xf32, #tpu.memory_space<vmem>>[vector<16xi32>, vector<16xi32>], vector<16xf32>,
      %mul3A_2225 = arith.mulf %gather3A_2224, %gather3A_2211 : vector<16xf32>
      %add3A_2226 = arith.addf %add3A_2196, %mul3A_2225 : vector<16xf32>
      %gather3A_2227 = tpu.vector_load_idx %arg12[%add3A_2095, %add3A_2208] : memref<128x128xf32, #tpu.memory_space<vmem>>[vector<16xi32>, vector<16xi32>], vector<16xf32>,
      %mul3A_2228 = arith.mulf %gather3A_2227, %gather3A_2211 : vector<16xf32>
      %add3A_2229 = arith.addf %add3A_2199, %mul3A_2228 : vector<16xf32>
      %gather3A_2230 = tpu.vector_load_idx %arg12[%add3A_2098, %add3A_2208] : memref<128x128xf32, #tpu.memory_space<vmem>>[vector<16xi32>, vector<16xi32>], vector<16xf32>,
      %mul3A_2231 = arith.mulf %gather3A_2230, %gather3A_2211 : vector<16xf32>
      %add3A_2232 = arith.addf %add3A_2202, %mul3A_2231 : vector<16xf32>
      %gather3A_2233 = tpu.vector_load_idx %arg12[%add3A_2101, %add3A_2208] : memref<128x128xf32, #tpu.memory_space<vmem>>[vector<16xi32>, vector<16xi32>], vector<16xf32>,
      %mul3A_2234 = arith.mulf %gather3A_2233, %gather3A_2211 : vector<16xf32>
      %add3A_2235 = arith.addf %add3A_2205, %mul3A_2234 : vector<16xf32>
      %add3A_2236 = arith.constant 1 : i32
      %add3A_2237 = vector.broadcast %add3A_2236 : i32 to vector<16xi32>
      %add3A_2238 = arith.addi %add3A_2208, %add3A_2237 : vector<16xi32>
      %scan3A_2239 = arith.constant 3 : i32
      %scan3A_2240 = arith.addi %scan3A_2141, %scan3A_2239 : i32
      %gather3A_2241 = tpu.vector_load_idx %arg14[%add3A_2238] : memref<144xf32, #tpu.memory_space<vmem>>[vector<16xi32>], vector<16xf32>,
      %gather3A_2242 = tpu.vector_load_idx %arg12[%add3A_2080, %add3A_2238] : memref<128x128xf32, #tpu.memory_space<vmem>>[vector<16xi32>, vector<16xi32>], vector<16xf32>,
      %mul3A_2243 = arith.mulf %gather3A_2242, %gather3A_2241 : vector<16xf32>
      %add3A_2244 = arith.addf %add3A_2214, %mul3A_2243 : vector<16xf32>
      %gather3A_2245 = tpu.vector_load_idx %arg12[%add3A_2083, %add3A_2238] : memref<128x128xf32, #tpu.memory_space<vmem>>[vector<16xi32>, vector<16xi32>], vector<16xf32>,
      %mul3A_2246 = arith.mulf %gather3A_2245, %gather3A_2241 : vector<16xf32>
      %add3A_2247 = arith.addf %add3A_2217, %mul3A_2246 : vector<16xf32>
      %gather3A_2248 = tpu.vector_load_idx %arg12[%add3A_2086, %add3A_2238] : memref<128x128xf32, #tpu.memory_space<vmem>>[vector<16xi32>, vector<16xi32>], vector<16xf32>,
      %mul3A_2249 = arith.mulf %gather3A_2248, %gather3A_2241 : vector<16xf32>
      %add3A_2250 = arith.addf %add3A_2220, %mul3A_2249 : vector<16xf32>
      %gather3A_2251 = tpu.vector_load_idx %arg12[%add3A_2089, %add3A_2238] : memref<128x128xf32, #tpu.memory_space<vmem>>[vector<16xi32>, vector<16xi32>], vector<16xf32>,
      %mul3A_2252 = arith.mulf %gather3A_2251, %gather3A_2241 : vector<16xf32>
      %add3A_2253 = arith.addf %add3A_2223, %mul3A_2252 : vector<16xf32>
      %gather3A_2254 = tpu.vector_load_idx %arg12[%add3A_2092, %add3A_2238] : memref<128x128xf32, #tpu.memory_space<vmem>>[vector<16xi32>, vector<16xi32>], vector<16xf32>,
      %mul3A_2255 = arith.mulf %gather3A_2254, %gather3A_2241 : vector<16xf32>
      %add3A_2256 = arith.addf %add3A_2226, %mul3A_2255 : vector<16xf32>
      %gather3A_2257 = tpu.vector_load_idx %arg12[%add3A_2095, %add3A_2238] : memref<128x128xf32, #tpu.memory_space<vmem>>[vector<16xi32>, vector<16xi32>], vector<16xf32>,
      %mul3A_2258 = arith.mulf %gather3A_2257, %gather3A_2241 : vector<16xf32>
      %add3A_2259 = arith.addf %add3A_2229, %mul3A_2258 : vector<16xf32>
      %gather3A_2260 = tpu.vector_load_idx %arg12[%add3A_2098, %add3A_2238] : memref<128x128xf32, #tpu.memory_space<vmem>>[vector<16xi32>, vector<16xi32>], vector<16xf32>,
      %mul3A_2261 = arith.mulf %gather3A_2260, %gather3A_2241 : vector<16xf32>
      %add3A_2262 = arith.addf %add3A_2232, %mul3A_2261 : vector<16xf32>
      %gather3A_2263 = tpu.vector_load_idx %arg12[%add3A_2101, %add3A_2238] : memref<128x128xf32, #tpu.memory_space<vmem>>[vector<16xi32>, vector<16xi32>], vector<16xf32>,
      %mul3A_2264 = arith.mulf %gather3A_2263, %gather3A_2241 : vector<16xf32>
      %add3A_2265 = arith.addf %add3A_2235, %mul3A_2264 : vector<16xf32>
      %add3A_2266 = arith.constant 1 : i32
      %add3A_2267 = vector.broadcast %add3A_2266 : i32 to vector<16xi32>
      %add3A_2268 = arith.addi %add3A_2238, %add3A_2267 : vector<16xi32>
      scf.yield %add3A_2268, %add3A_2244, %add3A_2247, %add3A_2250, %add3A_2253, %add3A_2256, %add3A_2259, %add3A_2262, %add3A_2265 : vector<16xi32>, vector<16xf32>, vector<16xf32>, vector<16xf32>, vector<16xf32>, vector<16xf32>, vector<16xf32>, vector<16xf32>, vector<16xf32>
    }
    %scan3A_2124 = arith.constant 128 : i32
    %swap3A_2125 = arith.constant 0 : index
    %swap3A_2126 = tpu.vector_load %arg15[%swap3A_2125] {strides = array<i32>} : memref<128xf32, #tpu.memory_space<vmem>>, vector<16xf32>,
    tpu.vector_store %arg15[%swap3A_2125], %scan3A_2123#1 {strides = array<i32>} : memref<128xf32, #tpu.memory_space<vmem>>, vector<16xf32>,
    %swap3A_2127 = arith.constant 16 : index
    %swap3A_2128 = tpu.vector_load %arg15[%swap3A_2127] {strides = array<i32>} : memref<128xf32, #tpu.memory_space<vmem>>, vector<16xf32>,
    tpu.vector_store %arg15[%swap3A_2127], %scan3A_2123#2 {strides = array<i32>} : memref<128xf32, #tpu.memory_space<vmem>>, vector<16xf32>,
    %swap3A_2129 = arith.constant 32 : index
    %swap3A_2130 = tpu.vector_load %arg15[%swap3A_2129] {strides = array<i32>} : memref<128xf32, #tpu.memory_space<vmem>>, vector<16xf32>,
    tpu.vector_store %arg15[%swap3A_2129], %scan3A_2123#3 {strides = array<i32>} : memref<128xf32, #tpu.memory_space<vmem>>, vector<16xf32>,
    %swap3A_2131 = arith.constant 48 : index
    %swap3A_2132 = tpu.vector_load %arg15[%swap3A_2131] {strides = array<i32>} : memref<128xf32, #tpu.memory_space<vmem>>, vector<16xf32>,
    tpu.vector_store %arg15[%swap3A_2131], %scan3A_2123#4 {strides = array<i32>} : memref<128xf32, #tpu.memory_space<vmem>>, vector<16xf32>,
    %swap3A_2133 = arith.constant 64 : index
    %swap3A_2134 = tpu.vector_load %arg15[%swap3A_2133] {strides = array<i32>} : memref<128xf32, #tpu.memory_space<vmem>>, vector<16xf32>,
    tpu.vector_store %arg15[%swap3A_2133], %scan3A_2123#5 {strides = array<i32>} : memref<128xf32, #tpu.memory_space<vmem>>, vector<16xf32>,
    %swap3A_2135 = arith.constant 80 : index
    %swap3A_2136 = tpu.vector_load %arg15[%swap3A_2135] {strides = array<i32>} : memref<128xf32, #tpu.memory_space<vmem>>, vector<16xf32>,
    tpu.vector_store %arg15[%swap3A_2135], %scan3A_2123#6 {strides = array<i32>} : memref<128xf32, #tpu.memory_space<vmem>>, vector<16xf32>,
    %swap3A_2137 = arith.constant 96 : index
    %swap3A_2138 = tpu.vector_load %arg15[%swap3A_2137] {strides = array<i32>} : memref<128xf32, #tpu.memory_space<vmem>>, vector<16xf32>,
    tpu.vector_store %arg15[%swap3A_2137], %scan3A_2123#7 {strides = array<i32>} : memref<128xf32, #tpu.memory_space<vmem>>, vector<16xf32>,
    %swap3A_2139 = arith.constant 112 : index
    %swap3A_2140 = tpu.vector_load %arg15[%swap3A_2139] {strides = array<i32>} : memref<128xf32, #tpu.memory_space<vmem>>, vector<16xf32>,
    tpu.vector_store %arg15[%swap3A_2139], %scan3A_2123#8 {strides = array<i32>} : memref<128xf32, #tpu.memory_space<vmem>>, vector<16xf32>,
    "tpu.region"() ({
      %run_scoped3A = tpu.sem_alloc : memref<!tpu.dma_semaphore, #tpu.memory_space<semaphore_mem>>
      %dma_start3A_2141 = tpu.memref_slice %arg8[%mul3A_2] : memref<4096xf32, #tpu.memory_space<hbm>> -> memref<128xf32, #tpu.memory_space<hbm>>
      %dma_start3A_2142 = tpu.memref_slice %arg8[%mul3A_2] : memref<4096xf32, #tpu.memory_space<hbm>> -> memref<128xf32, #tpu.memory_space<hbm>>
      tpu.enqueue_dma source(%arg15 : memref<128xf32, #tpu.memory_space<vmem>>) target(%dma_start3A_2142 : memref<128xf32, #tpu.memory_space<hbm>>) target_semaphore(%run_scoped3A : memref<!tpu.dma_semaphore, #tpu.memory_space<semaphore_mem>>)
      %dma_wait3A_2143 = tpu.memref_slice %arg8[%mul3A_2] : memref<4096xf32, #tpu.memory_space<hbm>> -> memref<128xf32, #tpu.memory_space<hbm>>
      %dma_wait3A_2144 = tpu.memref_slice %arg8[%mul3A_2] : memref<4096xf32, #tpu.memory_space<hbm>> -> memref<128xf32, #tpu.memory_space<hbm>>
      tpu.wait_dma2 semaphore(%run_scoped3A : memref<!tpu.dma_semaphore, #tpu.memory_space<semaphore_mem>>) src(%arg15 : memref<128xf32, #tpu.memory_space<vmem>>) dst(%dma_wait3A_2144 : memref<128xf32, #tpu.memory_space<hbm>>)
      tpu.yield
    }) : () -> ()
    return
  }
}

#map = affine_map<(d0, d1) -> (0)>
module attributes {stable_mosaic.version = 14 : i64} {
  func.func @sc2(%arg0: i32, %arg1: i32, %arg2: memref<4096xi32, #tpu.memory_space<hbm>>, %arg3: memref<4096xi32, #tpu.memory_space<hbm>>, %arg4: memref<4096xf32, #tpu.memory_space<hbm>>, %arg5: memref<100000xf32, #tpu.memory_space<hbm>>, %arg6: memref<100000xf32, #tpu.memory_space<hbm>>, %arg7: memref<1xf32, #tpu.memory_space<hbm>>, %arg8: memref<4096xf32, #tpu.memory_space<hbm>>, %arg9: memref<128xi32, #tpu.memory_space<vmem>>, %arg10: memref<128xi32, #tpu.memory_space<vmem>>, %arg11: memref<128xf32, #tpu.memory_space<vmem>>, %arg12: memref<128xf32, #tpu.memory_space<vmem>>, %arg13: memref<128xf32, #tpu.memory_space<vmem>>, %arg14: memref<16xf32, #tpu.memory_space<vmem>>, %arg15: memref<!tpu.dma_semaphore, #tpu.memory_space<semaphore_mem>>, %arg16: memref<!tpu.dma_semaphore, #tpu.memory_space<semaphore_mem>>, %arg17: memref<!tpu.dma_semaphore, #tpu.memory_space<semaphore_mem>>, %arg18: memref<!tpu.dma_semaphore, #tpu.memory_space<semaphore_mem>>, %arg19: memref<!tpu.dma_semaphore, #tpu.memory_space<semaphore_mem>>, %arg20: memref<!tpu.dma_semaphore, #tpu.memory_space<semaphore_mem>>) attributes {dimension_semantics = [#tpu.dimension_semantics<core_parallel>, #tpu.dimension_semantics<subcore_parallel>], iteration_bounds = array<i64: 2, 16>, scalar_prefetch = 0 : i64, scratch_operands = 12 : i64, tpu.core_type = #tpu.core_type<sc_vector_subcore>, window_params = [{transform_indices = #map}, {transform_indices = #map}, {transform_indices = #map}, {transform_indices = #map}, {transform_indices = #map}, {transform_indices = #map}, {transform_indices = #map}]} {
    %mul3A = arith.constant 2 : i32
    %mul3A_0 = arith.muli %arg1, %mul3A : i32
    %add3A = arith.addi %mul3A_0, %arg0 : i32
    %mul3A_1 = arith.constant 128 : i32
    %mul3A_2 = arith.muli %add3A, %mul3A_1 : i32
    %dma_start3A = tpu.memref_slice %arg2[%mul3A_2] : memref<4096xi32, #tpu.memory_space<hbm>> -> memref<128xi32, #tpu.memory_space<hbm>>
    %dma_start3A_3 = tpu.memref_slice %arg2[%mul3A_2] : memref<4096xi32, #tpu.memory_space<hbm>> -> memref<128xi32, #tpu.memory_space<hbm>>
    tpu.enqueue_dma source(%dma_start3A_3 : memref<128xi32, #tpu.memory_space<hbm>>) target(%arg9 : memref<128xi32, #tpu.memory_space<vmem>>) target_semaphore(%arg15 : memref<!tpu.dma_semaphore, #tpu.memory_space<semaphore_mem>>)
    %dma_start3A_4 = tpu.memref_slice %arg3[%mul3A_2] : memref<4096xi32, #tpu.memory_space<hbm>> -> memref<128xi32, #tpu.memory_space<hbm>>
    %dma_start3A_5 = tpu.memref_slice %arg3[%mul3A_2] : memref<4096xi32, #tpu.memory_space<hbm>> -> memref<128xi32, #tpu.memory_space<hbm>>
    tpu.enqueue_dma source(%dma_start3A_5 : memref<128xi32, #tpu.memory_space<hbm>>) target(%arg10 : memref<128xi32, #tpu.memory_space<vmem>>) target_semaphore(%arg16 : memref<!tpu.dma_semaphore, #tpu.memory_space<semaphore_mem>>)
    %dma_start3A_6 = tpu.memref_slice %arg4[%mul3A_2] : memref<4096xf32, #tpu.memory_space<hbm>> -> memref<128xf32, #tpu.memory_space<hbm>>
    %dma_start3A_7 = tpu.memref_slice %arg4[%mul3A_2] : memref<4096xf32, #tpu.memory_space<hbm>> -> memref<128xf32, #tpu.memory_space<hbm>>
    tpu.enqueue_dma source(%dma_start3A_7 : memref<128xf32, #tpu.memory_space<hbm>>) target(%arg11 : memref<128xf32, #tpu.memory_space<vmem>>) target_semaphore(%arg17 : memref<!tpu.dma_semaphore, #tpu.memory_space<semaphore_mem>>)
    %dma_start3A_8 = arith.constant 0 : i32
    %dma_start3A_9 = tpu.memref_slice %arg14[%dma_start3A_8] : memref<16xf32, #tpu.memory_space<vmem>> -> memref<1xf32, #tpu.memory_space<vmem>>
    %dma_start3A_10 = arith.constant 0 : i32
    %dma_start3A_11 = tpu.memref_slice %arg7[%dma_start3A_10] : memref<1xf32, #tpu.memory_space<hbm>> -> memref<1xf32, #tpu.memory_space<hbm>>
    %dma_start3A_12 = arith.constant 0 : i32
    %dma_start3A_13 = tpu.memref_slice %arg14[%dma_start3A_12] : memref<16xf32, #tpu.memory_space<vmem>> -> memref<1xf32, #tpu.memory_space<vmem>>
    %dma_start3A_14 = arith.constant 0 : i32
    %dma_start3A_15 = tpu.memref_slice %arg7[%dma_start3A_14] : memref<1xf32, #tpu.memory_space<hbm>> -> memref<1xf32, #tpu.memory_space<hbm>>
    tpu.enqueue_dma source(%dma_start3A_15 : memref<1xf32, #tpu.memory_space<hbm>>) target(%dma_start3A_13 : memref<1xf32, #tpu.memory_space<vmem>>) target_semaphore(%arg20 : memref<!tpu.dma_semaphore, #tpu.memory_space<semaphore_mem>>)
    %dma_wait3A = tpu.memref_slice %arg2[%mul3A_2] : memref<4096xi32, #tpu.memory_space<hbm>> -> memref<128xi32, #tpu.memory_space<hbm>>
    %dma_wait3A_16 = tpu.memref_slice %arg2[%mul3A_2] : memref<4096xi32, #tpu.memory_space<hbm>> -> memref<128xi32, #tpu.memory_space<hbm>>
    tpu.wait_dma2 semaphore(%arg15 : memref<!tpu.dma_semaphore, #tpu.memory_space<semaphore_mem>>) src(%dma_wait3A_16 : memref<128xi32, #tpu.memory_space<hbm>>) dst(%arg9 : memref<128xi32, #tpu.memory_space<vmem>>)
    %dma_start3A_17 = arith.constant 0 : i32
    %dma_start3A_18 = tpu.memref_slice %arg5[%dma_start3A_17] : memref<100000xf32, #tpu.memory_space<hbm>> -> memref<100000xf32, #tpu.memory_space<hbm>>
    tpu.enqueue_indirect_dma source(%dma_start3A_18 : memref<100000xf32, #tpu.memory_space<hbm>>) target(%arg12 : memref<128xf32, #tpu.memory_space<vmem>>) offsets(%arg9 : memref<128xi32, #tpu.memory_space<vmem>>) semaphore(%arg18 : memref<!tpu.dma_semaphore, #tpu.memory_space<semaphore_mem>>)
    %dma_wait3A_19 = tpu.memref_slice %arg3[%mul3A_2] : memref<4096xi32, #tpu.memory_space<hbm>> -> memref<128xi32, #tpu.memory_space<hbm>>
    %dma_wait3A_20 = tpu.memref_slice %arg3[%mul3A_2] : memref<4096xi32, #tpu.memory_space<hbm>> -> memref<128xi32, #tpu.memory_space<hbm>>
    tpu.wait_dma2 semaphore(%arg16 : memref<!tpu.dma_semaphore, #tpu.memory_space<semaphore_mem>>) src(%dma_wait3A_20 : memref<128xi32, #tpu.memory_space<hbm>>) dst(%arg10 : memref<128xi32, #tpu.memory_space<vmem>>)
    %dma_start3A_21 = arith.constant 0 : i32
    %dma_start3A_22 = tpu.memref_slice %arg6[%dma_start3A_21] : memref<100000xf32, #tpu.memory_space<hbm>> -> memref<100000xf32, #tpu.memory_space<hbm>>
    tpu.enqueue_indirect_dma source(%dma_start3A_22 : memref<100000xf32, #tpu.memory_space<hbm>>) target(%arg13 : memref<128xf32, #tpu.memory_space<vmem>>) offsets(%arg10 : memref<128xi32, #tpu.memory_space<vmem>>) semaphore(%arg19 : memref<!tpu.dma_semaphore, #tpu.memory_space<semaphore_mem>>)
    %dma_wait3A_23 = tpu.memref_slice %arg4[%mul3A_2] : memref<4096xf32, #tpu.memory_space<hbm>> -> memref<128xf32, #tpu.memory_space<hbm>>
    %dma_wait3A_24 = tpu.memref_slice %arg4[%mul3A_2] : memref<4096xf32, #tpu.memory_space<hbm>> -> memref<128xf32, #tpu.memory_space<hbm>>
    tpu.wait_dma2 semaphore(%arg17 : memref<!tpu.dma_semaphore, #tpu.memory_space<semaphore_mem>>) src(%dma_wait3A_24 : memref<128xf32, #tpu.memory_space<hbm>>) dst(%arg11 : memref<128xf32, #tpu.memory_space<vmem>>)
    %dma_wait3A_25 = arith.constant 0 : i32
    %dma_wait3A_26 = tpu.memref_slice %arg5[%dma_wait3A_25] : memref<100000xf32, #tpu.memory_space<hbm>> -> memref<100000xf32, #tpu.memory_space<hbm>>
    tpu.wait_indirect_dma semaphore(%arg18 : memref<!tpu.dma_semaphore, #tpu.memory_space<semaphore_mem>>) src(%dma_wait3A_26 : memref<100000xf32, #tpu.memory_space<hbm>>) dst(%arg12 : memref<128xf32, #tpu.memory_space<vmem>>)
    %dma_wait3A_27 = arith.constant 0 : i32
    %dma_wait3A_28 = tpu.memref_slice %arg6[%dma_wait3A_27] : memref<100000xf32, #tpu.memory_space<hbm>> -> memref<100000xf32, #tpu.memory_space<hbm>>
    tpu.wait_indirect_dma semaphore(%arg19 : memref<!tpu.dma_semaphore, #tpu.memory_space<semaphore_mem>>) src(%dma_wait3A_28 : memref<100000xf32, #tpu.memory_space<hbm>>) dst(%arg13 : memref<128xf32, #tpu.memory_space<vmem>>)
    %dma_wait3A_29 = arith.constant 0 : i32
    %dma_wait3A_30 = tpu.memref_slice %arg14[%dma_wait3A_29] : memref<16xf32, #tpu.memory_space<vmem>> -> memref<1xf32, #tpu.memory_space<vmem>>
    %dma_wait3A_31 = arith.constant 0 : i32
    %dma_wait3A_32 = tpu.memref_slice %arg7[%dma_wait3A_31] : memref<1xf32, #tpu.memory_space<hbm>> -> memref<1xf32, #tpu.memory_space<hbm>>
    %dma_wait3A_33 = arith.constant 0 : i32
    %dma_wait3A_34 = tpu.memref_slice %arg14[%dma_wait3A_33] : memref<16xf32, #tpu.memory_space<vmem>> -> memref<1xf32, #tpu.memory_space<vmem>>
    %dma_wait3A_35 = arith.constant 0 : i32
    %dma_wait3A_36 = tpu.memref_slice %arg7[%dma_wait3A_35] : memref<1xf32, #tpu.memory_space<hbm>> -> memref<1xf32, #tpu.memory_space<hbm>>
    tpu.wait_dma2 semaphore(%arg20 : memref<!tpu.dma_semaphore, #tpu.memory_space<semaphore_mem>>) src(%dma_wait3A_36 : memref<1xf32, #tpu.memory_space<hbm>>) dst(%dma_wait3A_34 : memref<1xf32, #tpu.memory_space<vmem>>)
    %broadcast_in_dim3A = arith.constant 0 : i32
    %broadcast_in_dim3A_37 = vector.broadcast %broadcast_in_dim3A : i32 to vector<16xi32>
    %gather3A = tpu.vector_load_idx %arg14[%broadcast_in_dim3A_37] : memref<16xf32, #tpu.memory_space<vmem>>[vector<16xi32>], vector<16xf32>,
    %get3A = arith.constant 0 : index
    %get3A_38 = tpu.vector_load %arg11[%get3A] {strides = array<i32>} : memref<128xf32, #tpu.memory_space<vmem>>, vector<16xf32>,
    %get3A_39 = arith.constant 0 : index
    %get3A_40 = tpu.vector_load %arg12[%get3A_39] {strides = array<i32>} : memref<128xf32, #tpu.memory_space<vmem>>, vector<16xf32>,
    %add3A_41 = arith.addf %get3A_38, %get3A_40 : vector<16xf32>
    %get3A_42 = arith.constant 0 : index
    %get3A_43 = tpu.vector_load %arg13[%get3A_42] {strides = array<i32>} : memref<128xf32, #tpu.memory_space<vmem>>, vector<16xf32>,
    %add3A_44 = arith.addf %add3A_41, %get3A_43 : vector<16xf32>
    %add3A_45 = arith.addf %add3A_44, %gather3A : vector<16xf32>
    %swap3A = arith.constant 0 : index
    %swap3A_46 = tpu.vector_load %arg11[%swap3A] {strides = array<i32>} : memref<128xf32, #tpu.memory_space<vmem>>, vector<16xf32>,
    tpu.vector_store %arg11[%swap3A], %add3A_45 {strides = array<i32>} : memref<128xf32, #tpu.memory_space<vmem>>, vector<16xf32>,
    %get3A_47 = arith.constant 16 : index
    %get3A_48 = tpu.vector_load %arg11[%get3A_47] {strides = array<i32>} : memref<128xf32, #tpu.memory_space<vmem>>, vector<16xf32>,
    %get3A_49 = arith.constant 16 : index
    %get3A_50 = tpu.vector_load %arg12[%get3A_49] {strides = array<i32>} : memref<128xf32, #tpu.memory_space<vmem>>, vector<16xf32>,
    %add3A_51 = arith.addf %get3A_48, %get3A_50 : vector<16xf32>
    %get3A_52 = arith.constant 16 : index
    %get3A_53 = tpu.vector_load %arg13[%get3A_52] {strides = array<i32>} : memref<128xf32, #tpu.memory_space<vmem>>, vector<16xf32>,
    %add3A_54 = arith.addf %add3A_51, %get3A_53 : vector<16xf32>
    %add3A_55 = arith.addf %add3A_54, %gather3A : vector<16xf32>
    %swap3A_56 = arith.constant 16 : index
    %swap3A_57 = tpu.vector_load %arg11[%swap3A_56] {strides = array<i32>} : memref<128xf32, #tpu.memory_space<vmem>>, vector<16xf32>,
    tpu.vector_store %arg11[%swap3A_56], %add3A_55 {strides = array<i32>} : memref<128xf32, #tpu.memory_space<vmem>>, vector<16xf32>,
    %get3A_58 = arith.constant 32 : index
    %get3A_59 = tpu.vector_load %arg11[%get3A_58] {strides = array<i32>} : memref<128xf32, #tpu.memory_space<vmem>>, vector<16xf32>,
    %get3A_60 = arith.constant 32 : index
    %get3A_61 = tpu.vector_load %arg12[%get3A_60] {strides = array<i32>} : memref<128xf32, #tpu.memory_space<vmem>>, vector<16xf32>,
    %add3A_62 = arith.addf %get3A_59, %get3A_61 : vector<16xf32>
    %get3A_63 = arith.constant 32 : index
    %get3A_64 = tpu.vector_load %arg13[%get3A_63] {strides = array<i32>} : memref<128xf32, #tpu.memory_space<vmem>>, vector<16xf32>,
    %add3A_65 = arith.addf %add3A_62, %get3A_64 : vector<16xf32>
    %add3A_66 = arith.addf %add3A_65, %gather3A : vector<16xf32>
    %swap3A_67 = arith.constant 32 : index
    %swap3A_68 = tpu.vector_load %arg11[%swap3A_67] {strides = array<i32>} : memref<128xf32, #tpu.memory_space<vmem>>, vector<16xf32>,
    tpu.vector_store %arg11[%swap3A_67], %add3A_66 {strides = array<i32>} : memref<128xf32, #tpu.memory_space<vmem>>, vector<16xf32>,
    %get3A_69 = arith.constant 48 : index
    %get3A_70 = tpu.vector_load %arg11[%get3A_69] {strides = array<i32>} : memref<128xf32, #tpu.memory_space<vmem>>, vector<16xf32>,
    %get3A_71 = arith.constant 48 : index
    %get3A_72 = tpu.vector_load %arg12[%get3A_71] {strides = array<i32>} : memref<128xf32, #tpu.memory_space<vmem>>, vector<16xf32>,
    %add3A_73 = arith.addf %get3A_70, %get3A_72 : vector<16xf32>
    %get3A_74 = arith.constant 48 : index
    %get3A_75 = tpu.vector_load %arg13[%get3A_74] {strides = array<i32>} : memref<128xf32, #tpu.memory_space<vmem>>, vector<16xf32>,
    %add3A_76 = arith.addf %add3A_73, %get3A_75 : vector<16xf32>
    %add3A_77 = arith.addf %add3A_76, %gather3A : vector<16xf32>
    %swap3A_78 = arith.constant 48 : index
    %swap3A_79 = tpu.vector_load %arg11[%swap3A_78] {strides = array<i32>} : memref<128xf32, #tpu.memory_space<vmem>>, vector<16xf32>,
    tpu.vector_store %arg11[%swap3A_78], %add3A_77 {strides = array<i32>} : memref<128xf32, #tpu.memory_space<vmem>>, vector<16xf32>,
    %get3A_80 = arith.constant 64 : index
    %get3A_81 = tpu.vector_load %arg11[%get3A_80] {strides = array<i32>} : memref<128xf32, #tpu.memory_space<vmem>>, vector<16xf32>,
    %get3A_82 = arith.constant 64 : index
    %get3A_83 = tpu.vector_load %arg12[%get3A_82] {strides = array<i32>} : memref<128xf32, #tpu.memory_space<vmem>>, vector<16xf32>,
    %add3A_84 = arith.addf %get3A_81, %get3A_83 : vector<16xf32>
    %get3A_85 = arith.constant 64 : index
    %get3A_86 = tpu.vector_load %arg13[%get3A_85] {strides = array<i32>} : memref<128xf32, #tpu.memory_space<vmem>>, vector<16xf32>,
    %add3A_87 = arith.addf %add3A_84, %get3A_86 : vector<16xf32>
    %add3A_88 = arith.addf %add3A_87, %gather3A : vector<16xf32>
    %swap3A_89 = arith.constant 64 : index
    %swap3A_90 = tpu.vector_load %arg11[%swap3A_89] {strides = array<i32>} : memref<128xf32, #tpu.memory_space<vmem>>, vector<16xf32>,
    tpu.vector_store %arg11[%swap3A_89], %add3A_88 {strides = array<i32>} : memref<128xf32, #tpu.memory_space<vmem>>, vector<16xf32>,
    %get3A_91 = arith.constant 80 : index
    %get3A_92 = tpu.vector_load %arg11[%get3A_91] {strides = array<i32>} : memref<128xf32, #tpu.memory_space<vmem>>, vector<16xf32>,
    %get3A_93 = arith.constant 80 : index
    %get3A_94 = tpu.vector_load %arg12[%get3A_93] {strides = array<i32>} : memref<128xf32, #tpu.memory_space<vmem>>, vector<16xf32>,
    %add3A_95 = arith.addf %get3A_92, %get3A_94 : vector<16xf32>
    %get3A_96 = arith.constant 80 : index
    %get3A_97 = tpu.vector_load %arg13[%get3A_96] {strides = array<i32>} : memref<128xf32, #tpu.memory_space<vmem>>, vector<16xf32>,
    %add3A_98 = arith.addf %add3A_95, %get3A_97 : vector<16xf32>
    %add3A_99 = arith.addf %add3A_98, %gather3A : vector<16xf32>
    %swap3A_100 = arith.constant 80 : index
    %swap3A_101 = tpu.vector_load %arg11[%swap3A_100] {strides = array<i32>} : memref<128xf32, #tpu.memory_space<vmem>>, vector<16xf32>,
    tpu.vector_store %arg11[%swap3A_100], %add3A_99 {strides = array<i32>} : memref<128xf32, #tpu.memory_space<vmem>>, vector<16xf32>,
    %get3A_102 = arith.constant 96 : index
    %get3A_103 = tpu.vector_load %arg11[%get3A_102] {strides = array<i32>} : memref<128xf32, #tpu.memory_space<vmem>>, vector<16xf32>,
    %get3A_104 = arith.constant 96 : index
    %get3A_105 = tpu.vector_load %arg12[%get3A_104] {strides = array<i32>} : memref<128xf32, #tpu.memory_space<vmem>>, vector<16xf32>,
    %add3A_106 = arith.addf %get3A_103, %get3A_105 : vector<16xf32>
    %get3A_107 = arith.constant 96 : index
    %get3A_108 = tpu.vector_load %arg13[%get3A_107] {strides = array<i32>} : memref<128xf32, #tpu.memory_space<vmem>>, vector<16xf32>,
    %add3A_109 = arith.addf %add3A_106, %get3A_108 : vector<16xf32>
    %add3A_110 = arith.addf %add3A_109, %gather3A : vector<16xf32>
    %swap3A_111 = arith.constant 96 : index
    %swap3A_112 = tpu.vector_load %arg11[%swap3A_111] {strides = array<i32>} : memref<128xf32, #tpu.memory_space<vmem>>, vector<16xf32>,
    tpu.vector_store %arg11[%swap3A_111], %add3A_110 {strides = array<i32>} : memref<128xf32, #tpu.memory_space<vmem>>, vector<16xf32>,
    %get3A_113 = arith.constant 112 : index
    %get3A_114 = tpu.vector_load %arg11[%get3A_113] {strides = array<i32>} : memref<128xf32, #tpu.memory_space<vmem>>, vector<16xf32>,
    %get3A_115 = arith.constant 112 : index
    %get3A_116 = tpu.vector_load %arg12[%get3A_115] {strides = array<i32>} : memref<128xf32, #tpu.memory_space<vmem>>, vector<16xf32>,
    %add3A_117 = arith.addf %get3A_114, %get3A_116 : vector<16xf32>
    %get3A_118 = arith.constant 112 : index
    %get3A_119 = tpu.vector_load %arg13[%get3A_118] {strides = array<i32>} : memref<128xf32, #tpu.memory_space<vmem>>, vector<16xf32>,
    %add3A_120 = arith.addf %add3A_117, %get3A_119 : vector<16xf32>
    %add3A_121 = arith.addf %add3A_120, %gather3A : vector<16xf32>
    %swap3A_122 = arith.constant 112 : index
    %swap3A_123 = tpu.vector_load %arg11[%swap3A_122] {strides = array<i32>} : memref<128xf32, #tpu.memory_space<vmem>>, vector<16xf32>,
    tpu.vector_store %arg11[%swap3A_122], %add3A_121 {strides = array<i32>} : memref<128xf32, #tpu.memory_space<vmem>>, vector<16xf32>,
    "tpu.region"() ({
      %run_scoped3A = tpu.sem_alloc : memref<!tpu.dma_semaphore, #tpu.memory_space<semaphore_mem>>
      %dma_start3A_124 = tpu.memref_slice %arg8[%mul3A_2] : memref<4096xf32, #tpu.memory_space<hbm>> -> memref<128xf32, #tpu.memory_space<hbm>>
      %dma_start3A_125 = tpu.memref_slice %arg8[%mul3A_2] : memref<4096xf32, #tpu.memory_space<hbm>> -> memref<128xf32, #tpu.memory_space<hbm>>
      tpu.enqueue_dma source(%arg11 : memref<128xf32, #tpu.memory_space<vmem>>) target(%dma_start3A_125 : memref<128xf32, #tpu.memory_space<hbm>>) target_semaphore(%run_scoped3A : memref<!tpu.dma_semaphore, #tpu.memory_space<semaphore_mem>>)
      %dma_wait3A_126 = tpu.memref_slice %arg8[%mul3A_2] : memref<4096xf32, #tpu.memory_space<hbm>> -> memref<128xf32, #tpu.memory_space<hbm>>
      %dma_wait3A_127 = tpu.memref_slice %arg8[%mul3A_2] : memref<4096xf32, #tpu.memory_space<hbm>> -> memref<128xf32, #tpu.memory_space<hbm>>
      tpu.wait_dma2 semaphore(%run_scoped3A : memref<!tpu.dma_semaphore, #tpu.memory_space<semaphore_mem>>) src(%arg11 : memref<128xf32, #tpu.memory_space<vmem>>) dst(%dma_wait3A_127 : memref<128xf32, #tpu.memory_space<hbm>>)
      tpu.yield
    }) : () -> ()
    return
  }
}

module attributes {stable_mosaic.version = 14 : i64} {
  func.func @_proj_body(%arg0: i32, %arg1: memref<64x25600xf32, #tpu.memory_space<vmem>>, %arg2: memref<64x25600xf32, #tpu.memory_space<vmem>>, %arg3: memref<1x320xf32, #tpu.memory_space<vmem>>, %arg4: memref<25600xf32, #tpu.memory_space<vmem>>, %arg5: memref<25600xf32, #tpu.memory_space<vmem>>) attributes {dimension_semantics = [#tpu.dimension_semantics<arbitrary>], iteration_bounds = array<i64: 4>, scalar_prefetch = 0 : i64, scratch_operands = 0 : i64, tpu.core_type = #tpu.core_type<tc>, window_params = [{transform_indices = @transform_0, window_bounds = array<i64: 64, 25600>}, {transform_indices = @transform_1, window_bounds = array<i64: 64, 25600>}, {pipeline_mode = #tpu.pipeline_mode<synchronous>, transform_indices = @transform_2, window_bounds = array<i64: 1, 320>}, {transform_indices = @transform_3, window_bounds = array<i64: 25600>}, {transform_indices = @transform_4, window_bounds = array<i64: 25600>}]} {
    %get3A = arith.constant 0 : index
    %get3A_0 = arith.constant 0 : index
    %get3A_1 = vector.load %arg3[%get3A, %get3A_0] : memref<1x320xf32, #tpu.memory_space<vmem>>, vector<1x64xf32>
    %get3A_2 = arith.constant 0 : index
    %get3A_3 = arith.constant 64 : index
    %get3A_4 = vector.load %arg3[%get3A_2, %get3A_3] : memref<1x320xf32, #tpu.memory_space<vmem>>, vector<1x64xf32>
    %get3A_5 = arith.constant 0 : index
    %get3A_6 = arith.constant 0 : index
    %get3A_7 = vector.load %arg1[%get3A_5, %get3A_6] : memref<64x25600xf32, #tpu.memory_space<vmem>>, vector<64x25600xf32>
    %dot_general3A = arith.constant dense<0.000000e+00> : vector<1x25600xf32>
    %dot_general3A_8 = tpu.matmul %get3A_1, %get3A_7, %dot_general3A {dimension_numbers = #tpu.dot_dimension_numbers<[1], [0], [0], [1], [0, 0, 1, 1], [], []>, transpose_lhs_hint = false} : vector<1x64xf32>, vector<64x25600xf32>, vector<1x25600xf32> -> vector<1x25600xf32>
    %squeeze3A = vector.shape_cast %dot_general3A_8 : vector<1x25600xf32> to vector<25600xf32>
    %swap3A = arith.constant 0 : index
    %swap3A_9 = vector.load %arg4[%swap3A] : memref<25600xf32, #tpu.memory_space<vmem>>, vector<25600xf32>
    tpu.vector_store %arg4[%swap3A], %squeeze3A {strides = array<i32>} : memref<25600xf32, #tpu.memory_space<vmem>>, vector<25600xf32>,
    %get3A_10 = arith.constant 0 : index
    %get3A_11 = arith.constant 0 : index
    %get3A_12 = vector.load %arg2[%get3A_10, %get3A_11] : memref<64x25600xf32, #tpu.memory_space<vmem>>, vector<64x25600xf32>
    %dot_general3A_13 = arith.constant dense<0.000000e+00> : vector<1x25600xf32>
    %dot_general3A_14 = tpu.matmul %get3A_4, %get3A_12, %dot_general3A_13 {dimension_numbers = #tpu.dot_dimension_numbers<[1], [0], [0], [1], [0, 0, 1, 1], [], []>, transpose_lhs_hint = false} : vector<1x64xf32>, vector<64x25600xf32>, vector<1x25600xf32> -> vector<1x25600xf32>
    %squeeze3A_15 = vector.shape_cast %dot_general3A_14 : vector<1x25600xf32> to vector<25600xf32>
    %swap3A_16 = arith.constant 0 : index
    %swap3A_17 = vector.load %arg5[%swap3A_16] : memref<25600xf32, #tpu.memory_space<vmem>>, vector<25600xf32>
    tpu.vector_store %arg5[%swap3A_16], %squeeze3A_15 {strides = array<i32>} : memref<25600xf32, #tpu.memory_space<vmem>>, vector<25600xf32>,
    return
  }
  func.func @transform_0(%arg0: i32) -> (i32, i32) {
    %c0_i32 = arith.constant 0 : i32
    %c0_i32_0 = arith.constant 0 : i32
    return %c0_i32, %arg0 : i32, i32
  }
  func.func @transform_1(%arg0: i32) -> (i32, i32) {
    %c0_i32 = arith.constant 0 : i32
    %c0_i32_0 = arith.constant 0 : i32
    return %c0_i32, %arg0 : i32, i32
  }
  func.func @transform_2(%arg0: i32) -> (i32, i32) {
    %c0_i32 = arith.constant 0 : i32
    %c0_i32_0 = arith.constant 0 : i32
    %c0_i32_1 = arith.constant 0 : i32
    return %c0_i32, %c0_i32_0 : i32, i32
  }
  func.func @transform_3(%arg0: i32) -> i32 {
    %c0_i32 = arith.constant 0 : i32
    return %arg0 : i32
  }
  func.func @transform_4(%arg0: i32) -> i32 {
    %c0_i32 = arith.constant 0 : i32
    return %arg0 : i32
  }
}

module attributes {stable_mosaic.version = 14 : i64} {
  func.func @_pf_body(%arg0: memref<64x1000xf32, #tpu.memory_space<vmem>>, %arg1: memref<1x320xf32, #tpu.memory_space<vmem>>, %arg2: memref<1000xf32, #tpu.memory_space<vmem>>) attributes {dimension_semantics = [], scalar_prefetch = 0 : i64, scratch_operands = 0 : i64, tpu.core_type = #tpu.core_type<tc>} {
    %get3A = arith.constant 0 : index
    %get3A_0 = arith.constant 256 : index
    %get3A_1 = vector.load %arg1[%get3A, %get3A_0] : memref<1x320xf32, #tpu.memory_space<vmem>>, vector<1x64xf32>
    %get3A_2 = arith.constant 0 : index
    %get3A_3 = arith.constant 0 : index
    %get3A_4 = vector.load %arg0[%get3A_2, %get3A_3] : memref<64x1000xf32, #tpu.memory_space<vmem>>, vector<64x1000xf32>
    %dot_general3A = arith.constant dense<0.000000e+00> : vector<1x1000xf32>
    %dot_general3A_5 = tpu.matmul %get3A_1, %get3A_4, %dot_general3A {dimension_numbers = #tpu.dot_dimension_numbers<[1], [0], [0], [1], [0, 0, 1, 1], [], []>, transpose_lhs_hint = false} : vector<1x64xf32>, vector<64x1000xf32>, vector<1x1000xf32> -> vector<1x1000xf32>
    %squeeze3A = vector.shape_cast %dot_general3A_5 : vector<1x1000xf32> to vector<1000xf32>
    %swap3A = arith.constant 0 : index
    %swap3A_6 = vector.load %arg2[%swap3A] : memref<1000xf32, #tpu.memory_space<vmem>>, vector<1000xf32>
    tpu.vector_store %arg2[%swap3A], %squeeze3A {strides = array<i32>} : memref<1000xf32, #tpu.memory_space<vmem>>, vector<1000xf32>,
    return
  }
}

</mosaic_0001>

<sc_bundles>
// kernel: kernel.6.cloned.1.call-start
scs
__scs_entry_jumppad:
0x0: {  	(pc) =	sbr.rel $0x88, $3  }
0x1: {  	(tag) =	ssettag $0x0;
	lr =	simm.s32 $0x1  }
0x2: {  	[smem:$0x3F96] =	sst lr;
	_ =	strace $0xD0000000  }
0x3: {  	_ = 	snop  }
0x4: {  	_ = 	snop  }
0x5: {  	_ = 	snop  }
0x6: {  	_ = 	snop  }
0x7: {  	_ = 	snop  }
__scs_overlays_trampoline_lowered:
0x8: {  	[smem:$0x3FA5] =	sst s0  }
0x9: {  	[smem:$0x3FA6] =	sst s1  }
0xa: {  	[smem:$0x3FA7] =	sst s2  }
0xb: {  	[smem:$0x3FA8] =	sst s3  }
0xc: {  	[smem:$0x3FA9] =	sst s4  }
0xd: {  	[smem:$0x3FAA] =	sst s5  }
0xe: {  	[smem:$0x3FAB] =	sst s6  }
0xf: {  	[smem:$0x3FAC] =	sst s7  }
0x10: {  	[smem:$0x3FAD] =	sst s8  }
0x11: {  	[smem:$0x3FAE] =	sst s9;
	s0 =	simm.s32 @!p0 $0x0  }
0x12: {  	s1 =	sld [smem:$0x3F94];
	s0 =	simm.s32 @p0 $0x1  }
0x13: {  	[smem:$0x3FAF] =	sst s0;
	s0 =	simm.s32 @!p1 $0x0  }
0x14: {  	s2 =	sld [smem:$0x3F93];
	s0 =	simm.s32 @p1 $0x1  }
0x15: {  	[smem:$0x3FB0] =	sst s0;
	s0 =	simm.s32 @!p2 $0x0  }
0x16: {  	s3 =	sld [smem:$0x3FDB];
	s0 =	simm.s32 @p2 $0x1  }
0x17: {  	s4 =	simm.s32 $0x1BF5;
	[smem:$0x3FB2] =	sst s0  }
0x18: {  	s0 =	sld [smem:$0x3F95];
	_ =	swait.ge [sflag:s4], $0x0  }
0x19: {  	s7 =	sld [smem:$0x3F96]  }
0x1a: {  	s8 =	sadd.s32 $0xFFFFE003, lr  }
0x1b: {  	s9 =	sadd.s32 $0xFFFFFEF7, lr;
	s5 =	simm.s32 $0xFFFFFFFF;
	p2 =	slt.u32 s8, $0xFFFFF086  }
0x1c: {  	p1 =	slt.u32 s9, $0xF7A;
	s5 =	simm.s32 @!p2 $0x0  }
0x1d: {  	s5 =	simm.s32 @p1 $0x1;
	p0 =	seq.s32 s7, s2  }
0x1e: {  	s7 =	smul.u32 @!p0 $0xF7A, s2;
	p2 =	seq.s32 @!p0 s5, $0x0  }
0x1f: {  	s9 =	smul.u32 $0xF7A, s1;
	s8 =	simm.s32 @!p0 $0x1BF5;
	p2 =	por !p2, p0  }
0x20: {  	[sflag:s8] =	ssyncset.s32 @!p0 $0xFFFFF086;
	s6 =	sadd.s32 @!p0 s3, s7;
	s7 =	simm.s32 @!p0 $0x108  }
0x21: {  	s3 =	sadd.s32 s3, s9;
	s6 =	sadd.s32 @!p0 $0x88, s6;
	s7 =	simm.s32 @p2 $0x1082  }
0x22: {  	[simem:s7], [sflag:s8] =	dma.local @!p0 [hbm:s6], $0xF7A  }
0x23: {  	s9 =	sor.u32 $0xD0000000, s2;
	s6 =	simm.s32 $0x108;
	_ =	swait.ge @!p0 [sflag:s8], $0x0  }
0x24: {  	s3 =	sadd.s32 $0x88, s3;
	s6 =	simm.s32 @!p1 $0x1082;
	[sflag:s4] =	ssyncset.s32 $0xFFFFF086  }
0x25: {  	[simem:s6], [sflag:s4] =	dma.local [hbm:s3], $0xF7A  }
0x26: {  	[smem:$0x3F96] =	sst s1;
	(tag) =	ssettag s2;
	_ =	strace s9  }
0x27: {  	s1 =	sld [smem:$0x3FA6]  }
0x28: {  	s2 =	sld [smem:$0x3FA7]  }
0x29: {  	s4 =	sld [smem:$0x3FA9]  }
0x2a: {  	p0 =	seq.s32 s5, $0x0;
	s5 =	sld [smem:$0x3FAA]  }
0x2b: {  	s6 =	sld [smem:$0x3FAB]  }
0x2c: {  	s7 =	sld [smem:$0x3FAC]  }
0x2d: {  	s3 =	simm.s32 $0x108;
	s8 =	sld [smem:$0x3FAD]  }
0x2e: {  	s3 =	simm.s32 @!p0 $0x1082;
	s9 =	sld [smem:$0x3FAE]  }
0x2f: {  	lr =	sadd.s32 s0, s3;
	s0 =	sld [smem:$0x3FA5]  }
0x30: {  	s3 =	sld [smem:$0x3FA8]  }
0x31: {  	[smem:$0x3FB1] =	sst s10  }
0x32: {  	s10 =	sld [smem:$0x3FAF];
	_ =	sdelay $0x3  }
0x33: {  	p0 =	seq.s32 s10, $0x1;
	s10 =	sld [smem:$0x3FB1];
	_ =	sdelay $0x3  }
0x34: {  	[smem:$0x3FB1] =	sst s10  }
0x35: {  	s10 =	sld [smem:$0x3FB0];
	_ =	sdelay $0x3  }
0x36: {  	p1 =	seq.s32 s10, $0x1;
	s10 =	sld [smem:$0x3FB1];
	_ =	sdelay $0x3  }
0x37: {  	[smem:$0x3FB1] =	sst s10  }
0x38: {  	s10 =	sld [smem:$0x3FB2]  }
0x39: {  	_ = 	snop;
	(pc) =	sbr.ind lr, $3  }
0x3a: {  	_ = 	snop  }
0x3b: {  	_ = 	snop  }
0x3c: {  	p2 =	seq.s32 s10, $0x1;
	s10 =	sld [smem:$0x3FB1]  }
0x3d: {  	_ =	shalt  }
0x3e: {  	_ =	shalt  }
0x3f: {  	_ =	shalt  }
0x40: {  	_ =	shalt  }
0x41: {  	_ =	shalt  }
0x42: {  	_ =	shalt  }
0x43: {  	_ =	shalt  }
0x44: {  	_ =	shalt  }
0x45: {  	_ =	shalt  }
0x46: {  	_ =	shalt  }
0x47: {  	_ =	shalt  }
0x48: {  	_ =	shalt  }
0x49: {  	_ =	shalt  }
0x4a: {  	_ =	shalt  }
0x4b: {  	_ =	shalt  }
0x4c: {  	_ =	shalt  }
0x4d: {  	_ =	shalt  }
0x4e: {  	_ =	shalt  }
0x4f: {  	_ =	shalt  }
0x50: {  	_ =	shalt  }
0x51: {  	_ =	shalt  }
0x52: {  	_ =	shalt  }
0x53: {  	_ =	shalt  }
0x54: {  	_ =	shalt  }
0x55: {  	_ =	shalt  }
0x56: {  	_ =	shalt  }
0x57: {  	_ =	shalt  }
0x58: {  	_ =	shalt  }
0x59: {  	_ =	shalt  }
0x5a: {  	_ =	shalt  }
0x5b: {  	_ =	shalt  }
0x5c: {  	_ =	shalt  }
0x5d: {  	_ =	shalt  }
0x5e: {  	_ =	shalt  }
0x5f: {  	_ =	shalt  }
0x60: {  	_ =	shalt  }
0x61: {  	_ =	shalt  }
0x62: {  	_ =	shalt  }
0x63: {  	_ =	shalt  }
0x64: {  	_ =	shalt  }
0x65: {  	_ =	shalt  }
0x66: {  	_ =	shalt  }
0x67: {  	_ =	shalt  }
0x68: {  	_ =	shalt  }
0x69: {  	_ =	shalt  }
0x6a: {  	_ =	shalt  }
0x6b: {  	_ =	shalt  }
0x6c: {  	_ =	shalt  }
0x6d: {  	_ =	shalt  }
0x6e: {  	_ =	shalt  }
0x6f: {  	_ =	shalt  }
0x70: {  	_ =	shalt  }
0x71: {  	_ =	shalt  }
0x72: {  	_ =	shalt  }
0x73: {  	_ =	shalt  }
0x74: {  	_ =	shalt  }
0x75: {  	_ =	shalt  }
0x76: {  	_ =	shalt  }
0x77: {  	_ =	shalt  }
0x78: {  	_ =	shalt  }
0x79: {  	_ =	shalt  }
0x7a: {  	_ =	shalt  }
0x7b: {  	_ =	shalt  }
0x7c: {  	_ =	shalt  }
0x7d: {  	_ =	shalt  }
0x7e: {  	_ =	shalt  }
0x7f: {  	_ =	shalt  }
0x80: {  	_ =	shalt  }
0x81: {  	_ =	shalt  }
0x82: {  	_ =	shalt  }
0x83: {  	_ =	shalt  }
0x84: {  	_ =	shalt  }
0x85: {  	_ =	shalt  }
0x86: {  	_ =	shalt  }
0x87: {  	_ =	shalt  }
.Lfunc_end0:
.L_simem_size_0:
called_computation_lowered:
.L_overlay_start_0:
0x88: {  	s2 =	sld [smem:$0x3FD9]  }
0x89: {  	s3 =	sld [smem:$0x3FFE];
	_ =	sdelay $0x1  }
0x8a: {  	s1 =	srdreg.scid  }
0x8b: {  	s0 =	sand.u32 $0x1, s1  }
0x8c: {  	s17 =	sshll.u32 s0, $0xA;
	s2 =	sadd.s32 s3, s2  }
0x8d: {  	s2 =	sadd.s32 s2, s17  }
0x8e: {  	[smem:$0x3FBD] =	sst s2  }
0x8f: {  	_ = 	snop  }
0x90: {  	s2 =	sld [smem:$0x3FC7]  }
0x91: {  	s18 =	sld [smem:$0x3FC5]  }
0x92: {  	s4 =	sld [smem:$0x3FC1]  }
0x93: {  	s5 =	sld [smem:$0x3FD0];
	(tm) =	ssettm $0x1  }
0x94: {  	s6 =	sld [smem:$0x3FFB];
	_ =	sdelay $0x3  }
0x95: {  	_ =	strace s6  }
0x96: {  	s6 =	sld [smem:$0x3FFC];
	_ =	sdelay $0x3  }
0x97: {  	_ =	strace s6  }
0x98: {  	s6 =	sld [smem:$0x3FFD];
	_ =	sdelay $0x3  }
0x99: {  	_ =	strace s6  }
0x9a: {  	_ =	strace $0x8FFFFFFF  }
0x9b: {  	s19 =	sld [smem:$0x3FDB];
	_ =	sdelay $0x1  }
0x9c: {  	s7 =	simm.s32 $_scs_section_size  }
0x9d: {  	s8 =	simm.s32 $_size__tile_overlayer_lowered;
	s9 =	simm.s32 $_tile_overlayer_lowered  }
0x9e: {  	s22 =	simm.s32 $0x1BFF;
	s21 =	sshll.u32 s9, $0x1;
	s6 =	sadd.s32 s7, s19  }
0x9f: {  	s10 =	simm.s32 $0x0;
	s20 =	sshll.u32 s8, $0x1;
	s8 =	sadd.s32 s21, s6  }
0xa0: {  	[timem:s10], [sflag:s22] =	dma.local [hbm:s8], s20  }
0xa1: {  	_ =	swait.ge [sflag:s22], s20  }
0xa2: {  	s7 =	ssub.s32 $0x0, s20;
	[sflag:s22] =	ssyncset.done $0x0  }
0xa3: {  	[sflag:s22] =	ssyncadd.s32 s7;
	_ =	sdelay $0x1  }
0xa4: {  	s23 =	simm.s32 $0x1B8B  }
0xa5: {  	_ =	swait.ge [sflag:s23], $0x1  }
0xa6: {  	[sflag:s23] =	ssyncset.done $0x0  }
0xa7: {  	s25 =	simm.s32 $0x1B8E;
	s24 =	sld [smem:$0x3FFE];
	[sflag:s23] =	ssyncadd.s32 $0xFFFFFFFF  }
0xa8: {  	s26 =	simm.s32 $execute0_lowered;
	[smem:$0x3FD2] =	sst s25  }
0xa9: {  	s8 =	sshll.u32 s26, $0x1;
	_ =	strace $0x80000046;
	[dreg:$0x1] =	wrdreg $0xFFFFFFFF  }
0xaa: {  	s28 =	simm.s32 $_size_execute0_lowered;
	s6 =	sadd.s32 s6, s8;
	[dreg:$0x0] =	wrdreg $0x0  }
0xab: {  	s8 =	sshll.u32 s28, $0x1;
	[dreg:$0x2] =	wrdreg s6  }
0xac: {  	[dreg:$0x3] =	wrdreg s8  }
0xad: {  	[dreg:$0x4] =	wrdreg $0xC0  }
0xae: {  	_ =	task [dreg:s10], $0x5FFFF  }
0xaf: {  	[dreg:$0x1] =	wrdreg $0xFFFFFFFF  }
0xb0: {  	[dreg:$0x0] =	wrdreg $0x60  }
0xb1: {  	[dreg:$0x2] =	wrdreg s2  }
0xb2: {  	[dreg:$0x3] =	wrdreg s24  }
0xb3: {  	[dreg:$0x4] =	wrdreg s18  }
0xb4: {  	[dreg:$0x5] =	wrdreg s4  }
0xb5: {  	[dreg:$0x6] =	wrdreg s5  }
0xb6: {  	[dreg:$0x7] =	wrdreg $0x9  }
0xb7: {  	_ =	task.clear_ibuf [dreg:s10], $0x8FFFF;
	_ =	strace $0x90000046  }
0xb8: {  	s29 =	simm.s32 $0x9;
	_ =	strace $0x80000048  }
0xb9: {  	_ =	swait.ge [sflag:s29], $0x1  }
0xba: {  	[sflag:s29] =	ssyncadd.s32 $0xFFFFFFFF  }
0xbb: {  	_ =	strace $0x90000048  }
0xbc: {  	_ =	sfence  }
0xbd: {  	s30 =	sld [smem:$0x0];
	_ =	sdelay $0x2  }
0xbe: {  	s31 =	sshll.u32 s1, $0xD;
	s1 =	sshrl.u32 s1, $0x2  }
0xbf: {  	s3 =	sand.u32 $0x4000, s31;
	s1 =	sadd.s32 s1, s30  }
0xc0: {  	s0 =	sor.u32 s3, s0;
	s1 =	sshll.u32 s1, $0x11  }
0xc1: {  	s0 =	sor.u32 s1, s0  }
0xc2: {  	s0 =	sadd.s32 $0x8F2B, s0  }
0xc3: {  	[sflag:s0] =	ssyncadd.remote.s32 $0x1  }
0xc4: {  	_ =	sfence.sel $0xFFFF  }
0xc5: {  	[dreg:$0x0] =	wrdreg $0xFFFFFFFF;
	(pc) =	sbr.abs _section_cstart, $3  }
0xc6: {  	[dreg:$0x1] =	wrdreg $0xFFFFFFFF  }
0xc7: {  	_ =	task.clear_ibuf [dreg:s10], $0x2FFFF;
	_ =	strace $0x9FFFFFFF  }
0xc8: {  	(tm) =	ssettm $0x7FFFFFFF  }
0xc9: {  	_ =	shalt  }
tec
execute0_lowered:
.L_overlay_start_1:
0x0: {  	(tag) =	ssettag $0x1  }
0x1: {  	s0 =	rddreg [dreg:$0x0]  }
0x2: {  	s2 =	rddreg [dreg:$0x1]  }
0x3: {  	s3 =	rddreg [dreg:$0x2]  }
0x4: {  	s1 =	rddreg [dreg:$0x3];
	s5 =	srdreg.scid;
	s4 =	simm.s32 $0x0  }
0x5: {  	s6 =	stileid.u32;
	s14 =	simm.s32 $0x4B00;
	s15 =	simm.s32 $0x4EE8  }
0x6: {  	s16 =	simm.s32 $0x1;
	s17 =	simm.s32 $0x20;
	s18 =	simm.s32 $0xB00  }
0x7: {  	s19 =	simm.s32 $0x1B00;
	v0 =	vlaneseq.u32;
	s20 =	simm.s32 $0x40;
	s21 =	simm.s32 $0x2B00  }
0x8: {  	s22 =	simm.s32 $0x60;
	s23 =	simm.s32 $0x3B00;
	s24 =	simm.s32 $0x2;
	v2 =	vmul.u32 $0x80, v0  }
0x9: {  	s25 =	simm.s32 $0x3;
	s28 =	simm.s32 $0x5;
	[smem:$0x7FF] =	sst s4  }
0xa: {  	s29 =	simm.s32 $0x6;
	s30 =	simm.s32 $0x7;
	_ =	strace $0x80000047;
	v37 =	vor.u32 $0x3000, v2;
	[tilespmem:$0x1FFA0] =	vst v2  }
0xb: {  	s31 =	simm.s32 $0x8;
	s11 =	simm.s32 $0x0;
	s5 =	sand.u32 $0x1, s5;
	v45 =	vor.u32 $0x3800, v2;
	[tilespmem:$0x1FF80] =	vst v37  }
0xc: {  	s6 =	sshll.u32 s6, $0x5;
	s7 =	sshll.u32 s5, $0x4;
	s5 =	ssub.s32 $0x2, s5;
	v3 =	vor.u32 $0x800, v2;
	[tilespmem:$0x1FF90] =	vst v45  }
0xd: {  	s13 =	simm.s32 $0x80;
	s7 =	sor.u32 s7, s6;
	s26 =	sshrl.u32 s5, $0x1;
	v4 =	vor.u32 $0x1000, v2;
	[tilespmem:$0x1FFB0] =	vst v3  }
0xe: {  	s8 =	sadd.s32 $0x1210, s2;
	v6 =	vor.u32 $0x1800, v2;
	s9 =	sadd.s32 s7, s2;
	s10 =	ssub.s32 s5, s26;
	[tilespmem:$0x1FFC0] =	vst v4  }
0xf: {  	v7 =	vor.u32 $0x2000, v2;
	s5 =	sadd.s32 s0, s7;
	s7 =	sadd.s32 s3, s7;
	s26 =	simm.s32 $0x4;
	[tilespmem:$0x1FFD0] =	vst v6  }
0x10: {  	v5 =	vor.u32 $0x2800, v2;
	s0 =	simm.s32 $0x9;
	s2 =	simm.s32 $0x4F78;
	s3 =	simm.s32 $0xA;
	[tilespmem:$0x1FFE0] =	vst v7  }
0x11: {  	[tilespmem:$0x1FFF0] =	vst v5;
	s6 =	sadd.s32 $0x1400, s9;
	s9 =	sadd.s32 $0x3C00, s9;
	s10 =	smax.u32 s10, $0x1  }
.LBB2_1:
0x12: {  	[tilespmem:s4], [sflag:$0x1] =	stream.linear.gather [hbm4b:s5+s4], $0x80, $0x38;
	[tilespmem:$0x4FF8] =	vst v63  }
0x13: {  	s12 =	simm.s32 $0x1000  }
0x14: {  	[tilespmem:s13], [sflag:$0x2] =	stream.strided.gather [hbm4b:s6+s13], $0xA00, s12, s13, $0x38;
	[tilespmem:$0x4FF8] =	vst v63  }
0x15: {  	s12 =	simm.s32 $0xA80  }
0x16: {  	[tilespmem:s12], [sflag:$0x3] =	stream.linear.gather [hbm4b:s7+s4], $0x80, $0x38;
	[tilespmem:$0x4FF8] =	vst v63  }
0x17: {  	s12 =	rddreg [dreg:$0x4]  }
0x18: {  	[tilespmem:s14], [sflag:$0x4] =	stream.linear.gather [hbm4b:s12+s4], $0x3E8, $0x38;
	[tilespmem:$0x4FF8] =	vst v63  }
0x19: {  	_ = 	snop  }
0x1a: {  	[tilespmem:s15], [sflag:$0x5] =	stream.linear.gather [hbm4b:s8+s4], $0x80, $0x38;
	[tilespmem:$0x4FF8] =	vst v63  }
0x1b: {  	_ =	swait.ge [sflag:s16], $0x80  }
0x1c: {  	[sflag:s16] =	ssyncset.done $0x0  }
0x1d: {  	[sflag:s16] =	ssyncadd.s32 $0xFFFFFF80  }
0x1e: {  	[tilespmem:s18], [sflag:$0x6] =	stream.indirect.gather [hbm4b:s1+s17], $0x80, s4, s17, $0xb8;
	[tilespmem:$0x4FF8] =	vst v63  }
0x1f: {  	_ = 	snop  }
0x20: {  	[tilespmem:s19], [sflag:$0x7] =	stream.indirect.gather [hbm4b:s1+s17], $0x80, s17, s17, $0xb8;
	[tilespmem:$0x4FF8] =	vst v63  }
0x21: {  	_ = 	snop  }
0x22: {  	[tilespmem:s21], [sflag:$0x8] =	stream.indirect.gather [hbm4b:s1+s17], $0x80, s20, s17, $0xb8;
	[tilespmem:$0x4FF8] =	vst v63  }
0x23: {  	_ = 	snop  }
0x24: {  	[tilespmem:s23], [sflag:$0x9] =	stream.indirect.gather [hbm4b:s1+s17], $0x80, s22, s17, $0xb8;
	[tilespmem:$0x4FF8] =	vst v63  }
0x25: {  	_ =	swait.ge [sflag:s24], $0xA00  }
0x26: {  	[sflag:s24] =	ssyncset.done $0x0  }
0x27: {  	[sflag:s24] =	ssyncadd.s32 $0xFFFFF600  }
0x28: {  	_ =	swait.ge [sflag:s25], $0x80  }
0x29: {  	[sflag:s25] =	ssyncset.done $0x0  }
0x2a: {  	[sflag:s25] =	ssyncadd.s32 $0xFFFFFF80  }
0x2b: {  	_ =	swait.ge [sflag:s26], $0x3E8  }
0x2c: {  	[sflag:s26] =	ssyncset.done $0x0  }
0x2d: {  	[sflag:s26] =	ssyncadd.s32 $0xFFFFFC18  }
0x2e: {  	_ =	swait.ge [sflag:s28], $0x80  }
0x2f: {  	[sflag:s28] =	ssyncset.done $0x0  }
0x30: {  	[sflag:s28] =	ssyncadd.s32 $0xFFFFFF80  }
0x31: {  	v0 =	vld [tilespmem:$0x80];
	_ =	sdelay $0x1  }
0x32: {  	v1 =	vld [tilespmem:$0x100];
	_ =	sdelay $0x1  }
0x33: {  	v8 =	vld [tilespmem:$0x180]  }
0x34: {  	v9 =	vld [tilespmem:$0xA80]  }
0x35: {  	v10 =	vld [tilespmem:$0x200]  }
0x36: {  	v11 =	vld [tilespmem:$0x280]  }
0x37: {  	v0 =	vld.idx.msk [tilespmem:v0+s14+$0x0], $0xffff  }
0x38: {  	v12 =	vld [tilespmem:$0x300]  }
0x39: {  	v1 =	vld.idx.msk [tilespmem:v1+s14+$0x0], $0xffff  }
0x3a: {  	v13 =	vld [tilespmem:$0x380]  }
0x3b: {  	v8 =	vld.idx.msk [tilespmem:v8+s14+$0x0], $0xffff  }
0x3c: {  	v14 =	vld [tilespmem:$0x400];
	v0 =	vadd.f32 $0.0e+00, v0  }
0x3d: {  	vm0 =	vgt.s32 v9, $0x0;
	vm1 =	vgt.s32 v9, $0x1;
	v10 =	vld.idx.msk [tilespmem:v10+s14+$0x0], $0xffff  }
0x3e: {  	v11 =	vld.idx.msk [tilespmem:v11+s14+$0x0], $0xffff;
	v1 =	vnsel vm1, $0x0, v1;
	v0 =	vnsel vm0, $0x0, v0  }
0x3f: {  	vm14 =	vgt.s32 v9, $0x2;
	v0 =	vadd.f32 v1, v0;
	v1 =	vld [tilespmem:$0x480]  }
0x40: {  	v12 =	vld.idx.msk [tilespmem:v12+s14+$0x0], $0xffff;
	v8 =	vnsel vm14, $0x0, v8  }
0x41: {  	vm15 =	vgt.s32 v9, $0x3;
	v0 =	vadd.f32 v8, v0;
	v8 =	vld [tilespmem:$0x500]  }
0x42: {  	v13 =	vld.idx.msk [tilespmem:v13+s14+$0x0], $0xffff;
	v10 =	vnsel vm15, $0x0, v10  }
0x43: {  	vm4 =	vgt.s32 v9, $0x4;
	v0 =	vadd.f32 v10, v0;
	v10 =	vld [tilespmem:$0x580]  }
0x44: {  	v14 =	vld.idx.msk [tilespmem:v14+s14+$0x0], $0xffff;
	v11 =	vnsel vm4, $0x0, v11  }
0x45: {  	vm5 =	vgt.s32 v9, $0x5;
	v0 =	vadd.f32 v11, v0;
	v11 =	vld [tilespmem:$0x600]  }
0x46: {  	v15 =	vld [tilespmem:$0x680];
	v12 =	vnsel vm5, $0x0, v12  }
0x47: {  	vm6 =	vgt.s32 v9, $0x6;
	v0 =	vadd.f32 v12, v0;
	v1 =	vld.idx.msk [tilespmem:v1+s14+$0x0], $0xffff  }
0x48: {  	v12 =	vnsel vm6, $0x0, v13;
	v13 =	vld [tilespmem:$0x700]  }
0x49: {  	vm7 =	vgt.s32 v9, $0x7;
	v0 =	vadd.f32 v12, v0;
	v8 =	vld.idx.msk [tilespmem:v8+s14+$0x0], $0xffff  }
0x4a: {  	v12 =	vnsel vm7, $0x0, v14;
	v14 =	vld [tilespmem:$0x780]  }
0x4b: {  	vm8 =	vgt.s32 v9, $0x8;
	v0 =	vadd.f32 v12, v0;
	v10 =	vld.idx.msk [tilespmem:v10+s14+$0x0], $0xffff  }
0x4c: {  	v12 =	vld [tilespmem:$0x800];
	v1 =	vnsel vm8, $0x0, v1  }
0x4d: {  	vm9 =	vgt.s32 v9, $0x9;
	v0 =	vadd.f32 v1, v0;
	v1 =	vld.idx.msk [tilespmem:v11+s14+$0x0], $0xffff  }
0x4e: {  	v11 =	vld.idx.msk [tilespmem:v15+s14+$0x0], $0xffff;
	v8 =	vnsel vm9, $0x0, v8  }
0x4f: {  	vm10 =	vgt.s32 v9, $0xA;
	v0 =	vadd.f32 v8, v0;
	v8 =	vld [tilespmem:$0x880]  }
0x50: {  	v13 =	vld.idx.msk [tilespmem:v13+s14+$0x0], $0xffff;
	v10 =	vnsel vm10, $0x0, v10  }
0x51: {  	vm11 =	vgt.s32 v9, $0xB;
	v0 =	vadd.f32 v10, v0;
	v10 =	vld [tilespmem:$0x900]  }
0x52: {  	v14 =	vld.idx.msk [tilespmem:v14+s14+$0x0], $0xffff;
	v1 =	vnsel vm11, $0x0, v1  }
0x53: {  	vm12 =	vgt.s32 v9, $0xC;
	v0 =	vadd.f32 v1, v0;
	v1 =	vld [tilespmem:$0x980]  }
0x54: {  	v11 =	vnsel vm12, $0x0, v11;
	v12 =	vld.idx.msk [tilespmem:v12+s14+$0x0], $0xffff  }
0x55: {  	vm13 =	vgt.s32 v9, $0xD;
	v0 =	vadd.f32 v11, v0;
	v11 =	vld [tilespmem:$0xA00]  }
0x56: {  	v13 =	vnsel vm13, $0x0, v13  }
0x57: {  	vm14 =	vgt.s32 v9, $0xE;
	v0 =	vadd.f32 v13, v0;
	v8 =	vld.idx.msk [tilespmem:v8+s14+$0x0], $0xffff  }
0x58: {  	v13 =	vnsel vm14, $0x0, v14  }
0x59: {  	vm15 =	vgt.s32 v9, $0xF;
	v0 =	vadd.f32 v13, v0  }
0x5a: {  	v14 =	vcvt.s32.f32 v9;
	v12 =	vnsel vm15, $0x0, v12;
	v10 =	vld.idx.msk [tilespmem:v10+s14+$0x0], $0xffff  }
0x5b: {  	vm4 =	vgt.s32 v9, $0x10;
	v0 =	vadd.f32 v12, v0  }
0x5c: {  	(erf) = vrcp.f32 v14;
	v1 =	vld.idx.msk [tilespmem:v1+s14+$0x0], $0xffff;
	v8 =	vnsel vm4, $0x0, v8  }
0x5d: {  	v0 =	vadd.f32 v8, v0;
	v8 =	vld.idx.msk [tilespmem:v11+s14+$0x0], $0xffff  }
0x5e: {  	vm5 =	vgt.s32 v9, $0x11  }
0x5f: {  	v10 =	vnsel vm5, $0x0, v10  }
0x60: {  	vm6 =	vgt.s32 v9, $0x12;
	v0 =	vadd.f32 v10, v0  }
0x61: {  	vm7 =	vgt.s32 v9, $0x13;
	v10 =	vld [tilespmem:$0x90];
	v1 =	vnsel vm6, $0x0, v1  }
0x62: {  	v0 =	vadd.f32 v1, v0;
	v1 =	vnsel vm7, $0x0, v8  }
0x63: {  	v9 =	vld [tilespmem:$0x110]  }
0x64: {  	v0 =	vadd.f32 v1, v0  }
0x65: {  	v11 =	vld [tilespmem:$0x190];
	v1 =	vpop (erf)  }
0x66: {  	v13 =	vld [tilespmem:$0x310];
	v8 =	vmul.f32 v0, v1  }
0x67: {  	v1 =	vld [tilespmem:$0x210]  }
0x68: {  	v12 =	vld [tilespmem:$0x290];
	[tilespmem:$0x4F78] =	vst v8  }
0x69: {  	v10 =	vld.idx.msk [tilespmem:v10+s14+$0x0], $0xffff  }
0x6a: {  	v0 =	vld [tilespmem:$0xA90]  }
0x6b: {  	v9 =	vld.idx.msk [tilespmem:v9+s14+$0x0], $0xffff  }
0x6c: {  	v14 =	vld [tilespmem:$0x390]  }
0x6d: {  	v11 =	vld.idx.msk [tilespmem:v11+s14+$0x0], $0xffff  }
0x6e: {  	v15 =	vld [tilespmem:$0x410];
	v10 =	vadd.f32 $0.0e+00, v10  }
0x6f: {  	vm8 =	vgt.s32 v0, $0x0;
	vm9 =	vgt.s32 v0, $0x1;
	v1 =	vld.idx.msk [tilespmem:v1+s14+$0x0], $0xffff  }
0x70: {  	v12 =	vld.idx.msk [tilespmem:v12+s14+$0x0], $0xffff;
	v9 =	vnsel vm9, $0x0, v9;
	v10 =	vnsel vm8, $0x0, v10  }
0x71: {  	vm10 =	vgt.s32 v0, $0x2;
	v9 =	vadd.f32 v9, v10;
	v10 =	vld [tilespmem:$0x490]  }
0x72: {  	v13 =	vld.idx.msk [tilespmem:v13+s14+$0x0], $0xffff;
	v11 =	vnsel vm10, $0x0, v11  }
0x73: {  	vm11 =	vgt.s32 v0, $0x3;
	v9 =	vadd.f32 v11, v9;
	v11 =	vld [tilespmem:$0x510]  }
0x74: {  	v14 =	vld.idx.msk [tilespmem:v14+s14+$0x0], $0xffff;
	v1 =	vnsel vm11, $0x0, v1  }
0x75: {  	vm12 =	vgt.s32 v0, $0x4;
	v1 =	vadd.f32 v1, v9;
	v9 =	vld [tilespmem:$0x590]  }
0x76: {  	v15 =	vld.idx.msk [tilespmem:v15+s14+$0x0], $0xffff;
	v12 =	vnsel vm12, $0x0, v12  }
0x77: {  	vm13 =	vgt.s32 v0, $0x5;
	v1 =	vadd.f32 v12, v1;
	v12 =	vld [tilespmem:$0x610]  }
0x78: {  	v16 =	vld [tilespmem:$0x690];
	v13 =	vnsel vm13, $0x0, v13  }
0x79: {  	vm14 =	vgt.s32 v0, $0x6;
	v1 =	vadd.f32 v13, v1;
	v10 =	vld.idx.msk [tilespmem:v10+s14+$0x0], $0xffff  }
0x7a: {  	v13 =	vnsel vm14, $0x0, v14;
	v14 =	vld [tilespmem:$0x710]  }
0x7b: {  	vm15 =	vgt.s32 v0, $0x7;
	v1 =	vadd.f32 v13, v1;
	v11 =	vld.idx.msk [tilespmem:v11+s14+$0x0], $0xffff  }
0x7c: {  	v13 =	vnsel vm15, $0x0, v15;
	v15 =	vld [tilespmem:$0x790]  }
0x7d: {  	vm4 =	vgt.s32 v0, $0x8;
	v1 =	vadd.f32 v13, v1;
	v9 =	vld.idx.msk [tilespmem:v9+s14+$0x0], $0xffff  }
0x7e: {  	v13 =	vld [tilespmem:$0x810];
	v10 =	vnsel vm4, $0x0, v10  }
0x7f: {  	vm5 =	vgt.s32 v0, $0x9;
	v1 =	vadd.f32 v10, v1;
	v10 =	vld.idx.msk [tilespmem:v12+s14+$0x0], $0xffff  }
0x80: {  	v12 =	vld.idx.msk [tilespmem:v16+s14+$0x0], $0xffff;
	v11 =	vnsel vm5, $0x0, v11  }
0x81: {  	vm6 =	vgt.s32 v0, $0xA;
	v1 =	vadd.f32 v11, v1;
	v11 =	vld [tilespmem:$0x890]  }
0x82: {  	v14 =	vld.idx.msk [tilespmem:v14+s14+$0x0], $0xffff;
	v9 =	vnsel vm6, $0x0, v9  }
0x83: {  	vm7 =	vgt.s32 v0, $0xB;
	v1 =	vadd.f32 v9, v1;
	v9 =	vld [tilespmem:$0x910]  }
0x84: {  	v15 =	vld.idx.msk [tilespmem:v15+s14+$0x0], $0xffff;
	v10 =	vnsel vm7, $0x0, v10  }
0x85: {  	vm8 =	vgt.s32 v0, $0xC;
	v1 =	vadd.f32 v10, v1;
	v10 =	vld [tilespmem:$0x990]  }
0x86: {  	v12 =	vnsel vm8, $0x0, v12  }
0x87: {  	vm9 =	vgt.s32 v0, $0xD;
	v13 =	vld.idx.msk [tilespmem:v13+s14+$0x0], $0xffff;
	v1 =	vadd.f32 v12, v1  }
0x88: {  	v14 =	vnsel vm9, $0x0, v14;
	v12 =	vld [tilespmem:$0xA10]  }
0x89: {  	vm10 =	vgt.s32 v0, $0xE;
	v1 =	vadd.f32 v14, v1;
	v11 =	vld.idx.msk [tilespmem:v11+s14+$0x0], $0xffff  }
0x8a: {  	v14 =	vnsel vm10, $0x0, v15  }
0x8b: {  	vm11 =	vgt.s32 v0, $0xF;
	v1 =	vadd.f32 v14, v1;
	v9 =	vld.idx.msk [tilespmem:v9+s14+$0x0], $0xffff  }
0x8c: {  	v15 =	vcvt.s32.f32 v0;
	v13 =	vnsel vm11, $0x0, v13  }
0x8d: {  	vm12 =	vgt.s32 v0, $0x10;
	v1 =	vadd.f32 v13, v1;
	v10 =	vld.idx.msk [tilespmem:v10+s14+$0x0], $0xffff  }
0x8e: {  	(erf) = vrcp.f32 v15;
	v11 =	vnsel vm12, $0x0, v11  }
0x8f: {  	vm13 =	vgt.s32 v0, $0x11;
	v1 =	vadd.f32 v11, v1  }
0x90: {  	v11 =	vld.idx.msk [tilespmem:v12+s14+$0x0], $0xffff;
	v9 =	vnsel vm13, $0x0, v9  }
0x91: {  	vm14 =	vgt.s32 v0, $0x12;
	v1 =	vadd.f32 v9, v1  }
0x92: {  	v9 =	vnsel vm14, $0x0, v10  }
0x93: {  	v10 =	vld [tilespmem:$0xA0];
	v1 =	vadd.f32 v9, v1  }
0x94: {  	vm15 =	vgt.s32 v0, $0x13  }
0x95: {  	v0 =	vnsel vm15, $0x0, v11;
	v11 =	vld [tilespmem:$0x120]  }
0x96: {  	v0 =	vadd.f32 v0, v1  }
0x97: {  	v12 =	vld [tilespmem:$0x1A0];
	v1 =	vpop (erf)  }
0x98: {  	v14 =	vld [tilespmem:$0x320];
	v9 =	vmul.f32 v0, v1  }
0x99: {  	v1 =	vld [tilespmem:$0x220]  }
0x9a: {  	v13 =	vld [tilespmem:$0x2A0];
	[tilespmem:$0x4F88] =	vst v9  }
0x9b: {  	v10 =	vld.idx.msk [tilespmem:v10+s14+$0x0], $0xffff  }
0x9c: {  	v0 =	vld [tilespmem:$0xAA0]  }
0x9d: {  	v11 =	vld.idx.msk [tilespmem:v11+s14+$0x0], $0xffff  }
0x9e: {  	v15 =	vld [tilespmem:$0x3A0]  }
0x9f: {  	v12 =	vld.idx.msk [tilespmem:v12+s14+$0x0], $0xffff  }
0xa0: {  	v16 =	vld [tilespmem:$0x420];
	v10 =	vadd.f32 $0.0e+00, v10  }
0xa1: {  	vm4 =	vgt.s32 v0, $0x0;
	vm5 =	vgt.s32 v0, $0x1;
	v1 =	vld.idx.msk [tilespmem:v1+s14+$0x0], $0xffff  }
0xa2: {  	v13 =	vld.idx.msk [tilespmem:v13+s14+$0x0], $0xffff;
	v11 =	vnsel vm5, $0x0, v11;
	v10 =	vnsel vm4, $0x0, v10  }
0xa3: {  	vm6 =	vgt.s32 v0, $0x2;
	v10 =	vadd.f32 v11, v10;
	v11 =	vld [tilespmem:$0x4A0]  }
0xa4: {  	v14 =	vld.idx.msk [tilespmem:v14+s14+$0x0], $0xffff;
	v12 =	vnsel vm6, $0x0, v12  }
0xa5: {  	vm7 =	vgt.s32 v0, $0x3;
	v10 =	vadd.f32 v12, v10;
	v12 =	vld [tilespmem:$0x520]  }
0xa6: {  	v15 =	vld.idx.msk [tilespmem:v15+s14+$0x0], $0xffff;
	v1 =	vnsel vm7, $0x0, v1  }
0xa7: {  	vm8 =	vgt.s32 v0, $0x4;
	v1 =	vadd.f32 v1, v10;
	v10 =	vld [tilespmem:$0x5A0]  }
0xa8: {  	v16 =	vld.idx.msk [tilespmem:v16+s14+$0x0], $0xffff;
	v13 =	vnsel vm8, $0x0, v13  }
0xa9: {  	vm9 =	vgt.s32 v0, $0x5;
	v1 =	vadd.f32 v13, v1;
	v13 =	vld [tilespmem:$0x620]  }
0xaa: {  	v17 =	vld [tilespmem:$0x6A0];
	v14 =	vnsel vm9, $0x0, v14  }
0xab: {  	vm10 =	vgt.s32 v0, $0x6;
	v1 =	vadd.f32 v14, v1;
	v11 =	vld.idx.msk [tilespmem:v11+s14+$0x0], $0xffff  }
0xac: {  	v14 =	vnsel vm10, $0x0, v15;
	v15 =	vld [tilespmem:$0x720]  }
0xad: {  	vm11 =	vgt.s32 v0, $0x7;
	v1 =	vadd.f32 v14, v1;
	v12 =	vld.idx.msk [tilespmem:v12+s14+$0x0], $0xffff  }
0xae: {  	v14 =	vnsel vm11, $0x0, v16;
	v16 =	vld [tilespmem:$0x7A0]  }
0xaf: {  	vm12 =	vgt.s32 v0, $0x8;
	v1 =	vadd.f32 v14, v1;
	v10 =	vld.idx.msk [tilespmem:v10+s14+$0x0], $0xffff  }
0xb0: {  	v14 =	vld [tilespmem:$0x820];
	v11 =	vnsel vm12, $0x0, v11  }
0xb1: {  	vm13 =	vgt.s32 v0, $0x9;
	v1 =	vadd.f32 v11, v1;
	v11 =	vld.idx.msk [tilespmem:v13+s14+$0x0], $0xffff  }
0xb2: {  	v13 =	vld.idx.msk [tilespmem:v17+s14+$0x0], $0xffff;
	v12 =	vnsel vm13, $0x0, v12  }
0xb3: {  	vm14 =	vgt.s32 v0, $0xA;
	v1 =	vadd.f32 v12, v1;
	v12 =	vld [tilespmem:$0x8A0]  }
0xb4: {  	v15 =	vld.idx.msk [tilespmem:v15+s14+$0x0], $0xffff;
	v10 =	vnsel vm14, $0x0, v10  }
0xb5: {  	vm15 =	vgt.s32 v0, $0xB;
	v1 =	vadd.f32 v10, v1;
	v10 =	vld [tilespmem:$0x920]  }
0xb6: {  	v16 =	vld.idx.msk [tilespmem:v16+s14+$0x0], $0xffff;
	v11 =	vnsel vm15, $0x0, v11  }
0xb7: {  	vm4 =	vgt.s32 v0, $0xC;
	v1 =	vadd.f32 v11, v1;
	v11 =	vld [tilespmem:$0x9A0]  }
0xb8: {  	v13 =	vnsel vm4, $0x0, v13  }
0xb9: {  	vm5 =	vgt.s32 v0, $0xD;
	v14 =	vld.idx.msk [tilespmem:v14+s14+$0x0], $0xffff;
	v1 =	vadd.f32 v13, v1  }
0xba: {  	v15 =	vnsel vm5, $0x0, v15;
	v13 =	vld [tilespmem:$0xA20]  }
0xbb: {  	vm6 =	vgt.s32 v0, $0xE;
	v1 =	vadd.f32 v15, v1;
	v12 =	vld.idx.msk [tilespmem:v12+s14+$0x0], $0xffff  }
0xbc: {  	v15 =	vnsel vm6, $0x0, v16  }
0xbd: {  	vm7 =	vgt.s32 v0, $0xF;
	v1 =	vadd.f32 v15, v1;
	v10 =	vld.idx.msk [tilespmem:v10+s14+$0x0], $0xffff  }
0xbe: {  	v16 =	vcvt.s32.f32 v0;
	v14 =	vnsel vm7, $0x0, v14  }
0xbf: {  	vm8 =	vgt.s32 v0, $0x10;
	v1 =	vadd.f32 v14, v1;
	v11 =	vld.idx.msk [tilespmem:v11+s14+$0x0], $0xffff  }
0xc0: {  	(erf) = vrcp.f32 v16;
	v12 =	vnsel vm8, $0x0, v12  }
0xc1: {  	vm9 =	vgt.s32 v0, $0x11;
	v1 =	vadd.f32 v12, v1  }
0xc2: {  	v12 =	vld.idx.msk [tilespmem:v13+s14+$0x0], $0xffff;
	v10 =	vnsel vm9, $0x0, v10  }
0xc3: {  	vm10 =	vgt.s32 v0, $0x12;
	v1 =	vadd.f32 v10, v1  }
0xc4: {  	v10 =	vnsel vm10, $0x0, v11  }
0xc5: {  	v11 =	vld [tilespmem:$0xB0];
	v1 =	vadd.f32 v10, v1  }
0xc6: {  	vm11 =	vgt.s32 v0, $0x13  }
0xc7: {  	v0 =	vnsel vm11, $0x0, v12;
	v12 =	vld [tilespmem:$0x130]  }
0xc8: {  	v0 =	vadd.f32 v0, v1  }
0xc9: {  	v13 =	vld [tilespmem:$0x1B0];
	v1 =	vpop (erf)  }
0xca: {  	v15 =	vld [tilespmem:$0x330];
	v10 =	vmul.f32 v0, v1  }
0xcb: {  	v1 =	vld [tilespmem:$0x230]  }
0xcc: {  	v14 =	vld [tilespmem:$0x2B0];
	[tilespmem:$0x4F98] =	vst v10  }
0xcd: {  	v11 =	vld.idx.msk [tilespmem:v11+s14+$0x0], $0xffff  }
0xce: {  	v0 =	vld [tilespmem:$0xAB0]  }
0xcf: {  	v12 =	vld.idx.msk [tilespmem:v12+s14+$0x0], $0xffff  }
0xd0: {  	v16 =	vld [tilespmem:$0x3B0]  }
0xd1: {  	v13 =	vld.idx.msk [tilespmem:v13+s14+$0x0], $0xffff  }
0xd2: {  	v17 =	vld [tilespmem:$0x430];
	v11 =	vadd.f32 $0.0e+00, v11  }
0xd3: {  	vm12 =	vgt.s32 v0, $0x0;
	vm13 =	vgt.s32 v0, $0x1;
	v1 =	vld.idx.msk [tilespmem:v1+s14+$0x0], $0xffff  }
0xd4: {  	v14 =	vld.idx.msk [tilespmem:v14+s14+$0x0], $0xffff;
	v12 =	vnsel vm13, $0x0, v12;
	v11 =	vnsel vm12, $0x0, v11  }
0xd5: {  	vm14 =	vgt.s32 v0, $0x2;
	v11 =	vadd.f32 v12, v11;
	v12 =	vld [tilespmem:$0x4B0]  }
0xd6: {  	v15 =	vld.idx.msk [tilespmem:v15+s14+$0x0], $0xffff;
	v13 =	vnsel vm14, $0x0, v13  }
0xd7: {  	vm15 =	vgt.s32 v0, $0x3;
	v11 =	vadd.f32 v13, v11;
	v13 =	vld [tilespmem:$0x530]  }
0xd8: {  	v16 =	vld.idx.msk [tilespmem:v16+s14+$0x0], $0xffff;
	v1 =	vnsel vm15, $0x0, v1  }
0xd9: {  	vm4 =	vgt.s32 v0, $0x4;
	v1 =	vadd.f32 v1, v11;
	v11 =	vld [tilespmem:$0x5B0]  }
0xda: {  	v17 =	vld.idx.msk [tilespmem:v17+s14+$0x0], $0xffff;
	v14 =	vnsel vm4, $0x0, v14  }
0xdb: {  	vm5 =	vgt.s32 v0, $0x5;
	v1 =	vadd.f32 v14, v1;
	v14 =	vld [tilespmem:$0x630]  }
0xdc: {  	v18 =	vld [tilespmem:$0x6B0];
	v15 =	vnsel vm5, $0x0, v15  }
0xdd: {  	vm6 =	vgt.s32 v0, $0x6;
	v1 =	vadd.f32 v15, v1;
	v12 =	vld.idx.msk [tilespmem:v12+s14+$0x0], $0xffff  }
0xde: {  	v15 =	vnsel vm6, $0x0, v16;
	v16 =	vld [tilespmem:$0x730]  }
0xdf: {  	vm7 =	vgt.s32 v0, $0x7;
	v1 =	vadd.f32 v15, v1;
	v13 =	vld.idx.msk [tilespmem:v13+s14+$0x0], $0xffff  }
0xe0: {  	v15 =	vnsel vm7, $0x0, v17;
	v17 =	vld [tilespmem:$0x7B0]  }
0xe1: {  	vm8 =	vgt.s32 v0, $0x8;
	v1 =	vadd.f32 v15, v1;
	v11 =	vld.idx.msk [tilespmem:v11+s14+$0x0], $0xffff  }
0xe2: {  	v15 =	vld [tilespmem:$0x830];
	v12 =	vnsel vm8, $0x0, v12  }
0xe3: {  	vm9 =	vgt.s32 v0, $0x9;
	v1 =	vadd.f32 v12, v1;
	v12 =	vld.idx.msk [tilespmem:v14+s14+$0x0], $0xffff  }
0xe4: {  	v14 =	vld.idx.msk [tilespmem:v18+s14+$0x0], $0xffff;
	v13 =	vnsel vm9, $0x0, v13  }
0xe5: {  	vm10 =	vgt.s32 v0, $0xA;
	v1 =	vadd.f32 v13, v1;
	v13 =	vld [tilespmem:$0x8B0]  }
0xe6: {  	v16 =	vld.idx.msk [tilespmem:v16+s14+$0x0], $0xffff;
	v11 =	vnsel vm10, $0x0, v11  }
0xe7: {  	vm11 =	vgt.s32 v0, $0xB;
	v1 =	vadd.f32 v11, v1;
	v11 =	vld [tilespmem:$0x930]  }
0xe8: {  	v17 =	vld.idx.msk [tilespmem:v17+s14+$0x0], $0xffff;
	v12 =	vnsel vm11, $0x0, v12  }
0xe9: {  	vm12 =	vgt.s32 v0, $0xC;
	v1 =	vadd.f32 v12, v1;
	v12 =	vld [tilespmem:$0x9B0]  }
0xea: {  	v14 =	vnsel vm12, $0x0, v14  }
0xeb: {  	vm13 =	vgt.s32 v0, $0xD;
	v15 =	vld.idx.msk [tilespmem:v15+s14+$0x0], $0xffff;
	v1 =	vadd.f32 v14, v1  }
0xec: {  	v16 =	vnsel vm13, $0x0, v16;
	v14 =	vld [tilespmem:$0xA30]  }
0xed: {  	vm14 =	vgt.s32 v0, $0xE;
	v1 =	vadd.f32 v16, v1;
	v13 =	vld.idx.msk [tilespmem:v13+s14+$0x0], $0xffff  }
0xee: {  	v16 =	vnsel vm14, $0x0, v17  }
0xef: {  	vm15 =	vgt.s32 v0, $0xF;
	v1 =	vadd.f32 v16, v1;
	v11 =	vld.idx.msk [tilespmem:v11+s14+$0x0], $0xffff  }
0xf0: {  	v17 =	vcvt.s32.f32 v0;
	v15 =	vnsel vm15, $0x0, v15  }
0xf1: {  	vm4 =	vgt.s32 v0, $0x10;
	v1 =	vadd.f32 v15, v1;
	v12 =	vld.idx.msk [tilespmem:v12+s14+$0x0], $0xffff  }
0xf2: {  	(erf) = vrcp.f32 v17;
	v13 =	vnsel vm4, $0x0, v13  }
0xf3: {  	vm5 =	vgt.s32 v0, $0x11;
	v1 =	vadd.f32 v13, v1  }
0xf4: {  	v13 =	vld.idx.msk [tilespmem:v14+s14+$0x0], $0xffff;
	v11 =	vnsel vm5, $0x0, v11  }
0xf5: {  	vm6 =	vgt.s32 v0, $0x12;
	v1 =	vadd.f32 v11, v1  }
0xf6: {  	v11 =	vnsel vm6, $0x0, v12  }
0xf7: {  	v12 =	vld [tilespmem:$0xC0];
	v1 =	vadd.f32 v11, v1  }
0xf8: {  	vm7 =	vgt.s32 v0, $0x13  }
0xf9: {  	v0 =	vnsel vm7, $0x0, v13;
	v13 =	vld [tilespmem:$0x140]  }
0xfa: {  	v0 =	vadd.f32 v0, v1  }
0xfb: {  	v14 =	vld [tilespmem:$0x1C0];
	v1 =	vpop (erf)  }
0xfc: {  	v16 =	vld [tilespmem:$0x340];
	v11 =	vmul.f32 v0, v1  }
0xfd: {  	v1 =	vld [tilespmem:$0x240]  }
0xfe: {  	v15 =	vld [tilespmem:$0x2C0];
	[tilespmem:$0x4FA8] =	vst v11  }
0xff: {  	v12 =	vld.idx.msk [tilespmem:v12+s14+$0x0], $0xffff  }
0x100: {  	v0 =	vld [tilespmem:$0xAC0]  }
0x101: {  	v13 =	vld.idx.msk [tilespmem:v13+s14+$0x0], $0xffff  }
0x102: {  	v17 =	vld [tilespmem:$0x3C0]  }
0x103: {  	v14 =	vld.idx.msk [tilespmem:v14+s14+$0x0], $0xffff  }
0x104: {  	v18 =	vld [tilespmem:$0x440];
	v12 =	vadd.f32 $0.0e+00, v12  }
0x105: {  	vm8 =	vgt.s32 v0, $0x0;
	vm9 =	vgt.s32 v0, $0x1;
	v1 =	vld.idx.msk [tilespmem:v1+s14+$0x0], $0xffff  }
0x106: {  	v15 =	vld.idx.msk [tilespmem:v15+s14+$0x0], $0xffff;
	v13 =	vnsel vm9, $0x0, v13;
	v12 =	vnsel vm8, $0x0, v12  }
0x107: {  	vm10 =	vgt.s32 v0, $0x2;
	v12 =	vadd.f32 v13, v12;
	v13 =	vld [tilespmem:$0x4C0]  }
0x108: {  	v16 =	vld.idx.msk [tilespmem:v16+s14+$0x0], $0xffff;
	v14 =	vnsel vm10, $0x0, v14  }
0x109: {  	vm11 =	vgt.s32 v0, $0x3;
	v12 =	vadd.f32 v14, v12;
	v14 =	vld [tilespmem:$0x540]  }
0x10a: {  	v17 =	vld.idx.msk [tilespmem:v17+s14+$0x0], $0xffff;
	v1 =	vnsel vm11, $0x0, v1  }
0x10b: {  	vm12 =	vgt.s32 v0, $0x4;
	v1 =	vadd.f32 v1, v12;
	v12 =	vld [tilespmem:$0x5C0]  }
0x10c: {  	v18 =	vld.idx.msk [tilespmem:v18+s14+$0x0], $0xffff;
	v15 =	vnsel vm12, $0x0, v15  }
0x10d: {  	vm13 =	vgt.s32 v0, $0x5;
	v1 =	vadd.f32 v15, v1;
	v15 =	vld [tilespmem:$0x640]  }
0x10e: {  	v19 =	vld [tilespmem:$0x6C0];
	v16 =	vnsel vm13, $0x0, v16  }
0x10f: {  	vm14 =	vgt.s32 v0, $0x6;
	v1 =	vadd.f32 v16, v1;
	v13 =	vld.idx.msk [tilespmem:v13+s14+$0x0], $0xffff  }
0x110: {  	v16 =	vnsel vm14, $0x0, v17;
	v17 =	vld [tilespmem:$0x740]  }
0x111: {  	vm15 =	vgt.s32 v0, $0x7;
	v1 =	vadd.f32 v16, v1;
	v14 =	vld.idx.msk [tilespmem:v14+s14+$0x0], $0xffff  }
0x112: {  	v16 =	vnsel vm15, $0x0, v18;
	v18 =	vld [tilespmem:$0x7C0]  }
0x113: {  	vm4 =	vgt.s32 v0, $0x8;
	v1 =	vadd.f32 v16, v1;
	v12 =	vld.idx.msk [tilespmem:v12+s14+$0x0], $0xffff  }
0x114: {  	v16 =	vld [tilespmem:$0x840];
	v13 =	vnsel vm4, $0x0, v13  }
0x115: {  	vm5 =	vgt.s32 v0, $0x9;
	v1 =	vadd.f32 v13, v1;
	v13 =	vld.idx.msk [tilespmem:v15+s14+$0x0], $0xffff  }
0x116: {  	v15 =	vld.idx.msk [tilespmem:v19+s14+$0x0], $0xffff;
	v14 =	vnsel vm5, $0x0, v14  }
0x117: {  	vm6 =	vgt.s32 v0, $0xA;
	v1 =	vadd.f32 v14, v1;
	v14 =	vld [tilespmem:$0x8C0]  }
0x118: {  	v17 =	vld.idx.msk [tilespmem:v17+s14+$0x0], $0xffff;
	v12 =	vnsel vm6, $0x0, v12  }
0x119: {  	vm7 =	vgt.s32 v0, $0xB;
	v1 =	vadd.f32 v12, v1;
	v12 =	vld [tilespmem:$0x940]  }
0x11a: {  	v18 =	vld.idx.msk [tilespmem:v18+s14+$0x0], $0xffff;
	v13 =	vnsel vm7, $0x0, v13  }
0x11b: {  	vm8 =	vgt.s32 v0, $0xC;
	v1 =	vadd.f32 v13, v1;
	v13 =	vld [tilespmem:$0x9C0]  }
0x11c: {  	v15 =	vnsel vm8, $0x0, v15  }
0x11d: {  	vm9 =	vgt.s32 v0, $0xD;
	v16 =	vld.idx.msk [tilespmem:v16+s14+$0x0], $0xffff;
	v1 =	vadd.f32 v15, v1  }
0x11e: {  	v17 =	vnsel vm9, $0x0, v17;
	v15 =	vld [tilespmem:$0xA40]  }
0x11f: {  	vm10 =	vgt.s32 v0, $0xE;
	v1 =	vadd.f32 v17, v1;
	v14 =	vld.idx.msk [tilespmem:v14+s14+$0x0], $0xffff  }
0x120: {  	v17 =	vnsel vm10, $0x0, v18  }
0x121: {  	vm11 =	vgt.s32 v0, $0xF;
	v1 =	vadd.f32 v17, v1;
	v12 =	vld.idx.msk [tilespmem:v12+s14+$0x0], $0xffff  }
0x122: {  	v18 =	vcvt.s32.f32 v0;
	v16 =	vnsel vm11, $0x0, v16  }
0x123: {  	vm12 =	vgt.s32 v0, $0x10;
	v1 =	vadd.f32 v16, v1;
	v13 =	vld.idx.msk [tilespmem:v13+s14+$0x0], $0xffff  }
0x124: {  	(erf) = vrcp.f32 v18;
	v14 =	vnsel vm12, $0x0, v14  }
0x125: {  	vm13 =	vgt.s32 v0, $0x11;
	v1 =	vadd.f32 v14, v1  }
0x126: {  	v14 =	vld.idx.msk [tilespmem:v15+s14+$0x0], $0xffff;
	v12 =	vnsel vm13, $0x0, v12  }
0x127: {  	vm14 =	vgt.s32 v0, $0x12;
	v1 =	vadd.f32 v12, v1  }
0x128: {  	v12 =	vnsel vm14, $0x0, v13  }
0x129: {  	v13 =	vld [tilespmem:$0xD0];
	v1 =	vadd.f32 v12, v1  }
0x12a: {  	vm15 =	vgt.s32 v0, $0x13  }
0x12b: {  	v0 =	vnsel vm15, $0x0, v14;
	v14 =	vld [tilespmem:$0x150]  }
0x12c: {  	v0 =	vadd.f32 v0, v1  }
0x12d: {  	v15 =	vld [tilespmem:$0x1D0];
	v1 =	vpop (erf)  }
0x12e: {  	v17 =	vld [tilespmem:$0x350];
	v12 =	vmul.f32 v0, v1  }
0x12f: {  	v1 =	vld [tilespmem:$0x250]  }
0x130: {  	v16 =	vld [tilespmem:$0x2D0];
	[tilespmem:$0x4FB8] =	vst v12  }
0x131: {  	v13 =	vld.idx.msk [tilespmem:v13+s14+$0x0], $0xffff  }
0x132: {  	v0 =	vld [tilespmem:$0xAD0]  }
0x133: {  	v14 =	vld.idx.msk [tilespmem:v14+s14+$0x0], $0xffff  }
0x134: {  	v18 =	vld [tilespmem:$0x3D0]  }
0x135: {  	v15 =	vld.idx.msk [tilespmem:v15+s14+$0x0], $0xffff  }
0x136: {  	v19 =	vld [tilespmem:$0x450];
	v13 =	vadd.f32 $0.0e+00, v13  }
0x137: {  	vm4 =	vgt.s32 v0, $0x0;
	vm5 =	vgt.s32 v0, $0x1;
	v1 =	vld.idx.msk [tilespmem:v1+s14+$0x0], $0xffff  }
0x138: {  	v16 =	vld.idx.msk [tilespmem:v16+s14+$0x0], $0xffff;
	v14 =	vnsel vm5, $0x0, v14;
	v13 =	vnsel vm4, $0x0, v13  }
0x139: {  	vm6 =	vgt.s32 v0, $0x2;
	v13 =	vadd.f32 v14, v13;
	v14 =	vld [tilespmem:$0x4D0]  }
0x13a: {  	v17 =	vld.idx.msk [tilespmem:v17+s14+$0x0], $0xffff;
	v15 =	vnsel vm6, $0x0, v15  }
0x13b: {  	vm7 =	vgt.s32 v0, $0x3;
	v13 =	vadd.f32 v15, v13;
	v15 =	vld [tilespmem:$0x550]  }
0x13c: {  	v18 =	vld.idx.msk [tilespmem:v18+s14+$0x0], $0xffff;
	v1 =	vnsel vm7, $0x0, v1  }
0x13d: {  	vm8 =	vgt.s32 v0, $0x4;
	v1 =	vadd.f32 v1, v13;
	v13 =	vld [tilespmem:$0x5D0]  }
0x13e: {  	v19 =	vld.idx.msk [tilespmem:v19+s14+$0x0], $0xffff;
	v16 =	vnsel vm8, $0x0, v16  }
0x13f: {  	vm9 =	vgt.s32 v0, $0x5;
	v1 =	vadd.f32 v16, v1;
	v16 =	vld [tilespmem:$0x650]  }
0x140: {  	v20 =	vld [tilespmem:$0x6D0];
	v17 =	vnsel vm9, $0x0, v17  }
0x141: {  	vm10 =	vgt.s32 v0, $0x6;
	v1 =	vadd.f32 v17, v1;
	v14 =	vld.idx.msk [tilespmem:v14+s14+$0x0], $0xffff  }
0x142: {  	v17 =	vnsel vm10, $0x0, v18;
	v18 =	vld [tilespmem:$0x750]  }
0x143: {  	vm11 =	vgt.s32 v0, $0x7;
	v1 =	vadd.f32 v17, v1;
	v15 =	vld.idx.msk [tilespmem:v15+s14+$0x0], $0xffff  }
0x144: {  	v17 =	vnsel vm11, $0x0, v19;
	v19 =	vld [tilespmem:$0x7D0]  }
0x145: {  	vm12 =	vgt.s32 v0, $0x8;
	v1 =	vadd.f32 v17, v1;
	v13 =	vld.idx.msk [tilespmem:v13+s14+$0x0], $0xffff  }
0x146: {  	v17 =	vld [tilespmem:$0x850];
	v14 =	vnsel vm12, $0x0, v14  }
0x147: {  	vm13 =	vgt.s32 v0, $0x9;
	v1 =	vadd.f32 v14, v1;
	v14 =	vld.idx.msk [tilespmem:v16+s14+$0x0], $0xffff  }
0x148: {  	v16 =	vld.idx.msk [tilespmem:v20+s14+$0x0], $0xffff;
	v15 =	vnsel vm13, $0x0, v15  }
0x149: {  	vm14 =	vgt.s32 v0, $0xA;
	v1 =	vadd.f32 v15, v1;
	v15 =	vld [tilespmem:$0x8D0]  }
0x14a: {  	v18 =	vld.idx.msk [tilespmem:v18+s14+$0x0], $0xffff;
	v13 =	vnsel vm14, $0x0, v13  }
0x14b: {  	vm15 =	vgt.s32 v0, $0xB;
	v1 =	vadd.f32 v13, v1;
	v13 =	vld [tilespmem:$0x950]  }
0x14c: {  	v19 =	vld.idx.msk [tilespmem:v19+s14+$0x0], $0xffff;
	v14 =	vnsel vm15, $0x0, v14  }
0x14d: {  	vm4 =	vgt.s32 v0, $0xC;
	v1 =	vadd.f32 v14, v1;
	v14 =	vld [tilespmem:$0x9D0]  }
0x14e: {  	v16 =	vnsel vm4, $0x0, v16  }
0x14f: {  	vm5 =	vgt.s32 v0, $0xD;
	v17 =	vld.idx.msk [tilespmem:v17+s14+$0x0], $0xffff;
	v1 =	vadd.f32 v16, v1  }
0x150: {  	v18 =	vnsel vm5, $0x0, v18;
	v16 =	vld [tilespmem:$0xA50]  }
0x151: {  	vm6 =	vgt.s32 v0, $0xE;
	v1 =	vadd.f32 v18, v1;
	v15 =	vld.idx.msk [tilespmem:v15+s14+$0x0], $0xffff  }
0x152: {  	v18 =	vnsel vm6, $0x0, v19  }
0x153: {  	vm7 =	vgt.s32 v0, $0xF;
	v1 =	vadd.f32 v18, v1;
	v13 =	vld.idx.msk [tilespmem:v13+s14+$0x0], $0xffff  }
0x154: {  	v19 =	vcvt.s32.f32 v0;
	v17 =	vnsel vm7, $0x0, v17  }
0x155: {  	vm8 =	vgt.s32 v0, $0x10;
	v1 =	vadd.f32 v17, v1;
	v14 =	vld.idx.msk [tilespmem:v14+s14+$0x0], $0xffff  }
0x156: {  	(erf) = vrcp.f32 v19;
	v15 =	vnsel vm8, $0x0, v15  }
0x157: {  	vm9 =	vgt.s32 v0, $0x11;
	v1 =	vadd.f32 v15, v1  }
0x158: {  	v15 =	vld.idx.msk [tilespmem:v16+s14+$0x0], $0xffff;
	v13 =	vnsel vm9, $0x0, v13  }
0x159: {  	vm10 =	vgt.s32 v0, $0x12;
	v1 =	vadd.f32 v13, v1  }
0x15a: {  	v13 =	vnsel vm10, $0x0, v14  }
0x15b: {  	v14 =	vld [tilespmem:$0xE0];
	v1 =	vadd.f32 v13, v1  }
0x15c: {  	vm11 =	vgt.s32 v0, $0x13  }
0x15d: {  	v13 =	vld [tilespmem:$0x160];
	v0 =	vnsel vm11, $0x0, v15  }
0x15e: {  	v0 =	vadd.f32 v0, v1  }
0x15f: {  	v15 =	vld [tilespmem:$0x1E0];
	v1 =	vpop (erf)  }
0x160: {  	[tilespmem:$0x1FF30] =	vst v11;
	v18 =	vld [tilespmem:$0x360];
	v11 =	vmul.f32 v0, v1  }
0x161: {  	v1 =	vld [tilespmem:$0x260]  }
0x162: {  	v16 =	vld [tilespmem:$0x2E0];
	[tilespmem:$0x4FC8] =	vst v11  }
0x163: {  	v14 =	vld.idx.msk [tilespmem:v14+s14+$0x0], $0xffff  }
0x164: {  	v0 =	vld [tilespmem:$0xAE0]  }
0x165: {  	v13 =	vld.idx.msk [tilespmem:v13+s14+$0x0], $0xffff  }
0x166: {  	v19 =	vld [tilespmem:$0x3E0]  }
0x167: {  	v15 =	vld.idx.msk [tilespmem:v15+s14+$0x0], $0xffff  }
0x168: {  	v20 =	vld [tilespmem:$0x460];
	v14 =	vadd.f32 $0.0e+00, v14  }
0x169: {  	vm12 =	vgt.s32 v0, $0x0;
	vm13 =	vgt.s32 v0, $0x1;
	v1 =	vld.idx.msk [tilespmem:v1+s14+$0x0], $0xffff  }
0x16a: {  	v16 =	vld.idx.msk [tilespmem:v16+s14+$0x0], $0xffff;
	v13 =	vnsel vm13, $0x0, v13;
	v14 =	vnsel vm12, $0x0, v14  }
0x16b: {  	vm14 =	vgt.s32 v0, $0x2;
	v13 =	vadd.f32 v13, v14;
	v14 =	vld [tilespmem:$0x4E0]  }
0x16c: {  	v18 =	vld.idx.msk [tilespmem:v18+s14+$0x0], $0xffff;
	v15 =	vnsel vm14, $0x0, v15  }
0x16d: {  	vm15 =	vgt.s32 v0, $0x3;
	v13 =	vadd.f32 v15, v13;
	v15 =	vld [tilespmem:$0x560]  }
0x16e: {  	v19 =	vld.idx.msk [tilespmem:v19+s14+$0x0], $0xffff;
	v1 =	vnsel vm15, $0x0, v1  }
0x16f: {  	vm4 =	vgt.s32 v0, $0x4;
	v1 =	vadd.f32 v1, v13;
	v13 =	vld [tilespmem:$0x5E0]  }
0x170: {  	v20 =	vld.idx.msk [tilespmem:v20+s14+$0x0], $0xffff;
	v16 =	vnsel vm4, $0x0, v16  }
0x171: {  	vm5 =	vgt.s32 v0, $0x5;
	v1 =	vadd.f32 v16, v1;
	v16 =	vld [tilespmem:$0x660]  }
0x172: {  	v21 =	vld [tilespmem:$0x6E0];
	v18 =	vnsel vm5, $0x0, v18  }
0x173: {  	vm6 =	vgt.s32 v0, $0x6;
	v1 =	vadd.f32 v18, v1;
	v14 =	vld.idx.msk [tilespmem:v14+s14+$0x0], $0xffff  }
0x174: {  	v18 =	vnsel vm6, $0x0, v19;
	v19 =	vld [tilespmem:$0x760]  }
0x175: {  	vm7 =	vgt.s32 v0, $0x7;
	v1 =	vadd.f32 v18, v1;
	v15 =	vld.idx.msk [tilespmem:v15+s14+$0x0], $0xffff  }
0x176: {  	v18 =	vnsel vm7, $0x0, v20;
	v20 =	vld [tilespmem:$0x7E0]  }
0x177: {  	vm8 =	vgt.s32 v0, $0x8;
	v1 =	vadd.f32 v18, v1;
	v13 =	vld.idx.msk [tilespmem:v13+s14+$0x0], $0xffff  }
0x178: {  	v18 =	vld [tilespmem:$0x860];
	v14 =	vnsel vm8, $0x0, v14  }
0x179: {  	vm9 =	vgt.s32 v0, $0x9;
	v1 =	vadd.f32 v14, v1;
	v14 =	vld.idx.msk [tilespmem:v16+s14+$0x0], $0xffff  }
0x17a: {  	v16 =	vld.idx.msk [tilespmem:v21+s14+$0x0], $0xffff;
	v15 =	vnsel vm9, $0x0, v15  }
0x17b: {  	vm10 =	vgt.s32 v0, $0xA;
	v1 =	vadd.f32 v15, v1;
	v15 =	vld [tilespmem:$0x8E0]  }
0x17c: {  	v19 =	vld.idx.msk [tilespmem:v19+s14+$0x0], $0xffff;
	v13 =	vnsel vm10, $0x0, v13  }
0x17d: {  	vm11 =	vgt.s32 v0, $0xB;
	v1 =	vadd.f32 v13, v1;
	v13 =	vld [tilespmem:$0x960]  }
0x17e: {  	v20 =	vld.idx.msk [tilespmem:v20+s14+$0x0], $0xffff;
	v14 =	vnsel vm11, $0x0, v14  }
0x17f: {  	vm12 =	vgt.s32 v0, $0xC;
	v1 =	vadd.f32 v14, v1;
	v14 =	vld [tilespmem:$0x9E0]  }
0x180: {  	v16 =	vnsel vm12, $0x0, v16  }
0x181: {  	vm13 =	vgt.s32 v0, $0xD;
	v18 =	vld.idx.msk [tilespmem:v18+s14+$0x0], $0xffff;
	v1 =	vadd.f32 v16, v1  }
0x182: {  	v19 =	vnsel vm13, $0x0, v19;
	v16 =	vld [tilespmem:$0xA60]  }
0x183: {  	vm14 =	vgt.s32 v0, $0xE;
	v1 =	vadd.f32 v19, v1;
	v15 =	vld.idx.msk [tilespmem:v15+s14+$0x0], $0xffff  }
0x184: {  	v19 =	vnsel vm14, $0x0, v20  }
0x185: {  	vm15 =	vgt.s32 v0, $0xF;
	v1 =	vadd.f32 v19, v1;
	v13 =	vld.idx.msk [tilespmem:v13+s14+$0x0], $0xffff  }
0x186: {  	v20 =	vcvt.s32.f32 v0;
	v18 =	vnsel vm15, $0x0, v18  }
0x187: {  	vm4 =	vgt.s32 v0, $0x10;
	v1 =	vadd.f32 v18, v1;
	v14 =	vld.idx.msk [tilespmem:v14+s14+$0x0], $0xffff  }
0x188: {  	(erf) = vrcp.f32 v20;
	v15 =	vnsel vm4, $0x0, v15  }
0x189: {  	vm5 =	vgt.s32 v0, $0x11;
	v1 =	vadd.f32 v15, v1  }
0x18a: {  	v15 =	vld.idx.msk [tilespmem:v16+s14+$0x0], $0xffff;
	v13 =	vnsel vm5, $0x0, v13  }
0x18b: {  	vm6 =	vgt.s32 v0, $0x12;
	v1 =	vadd.f32 v13, v1  }
0x18c: {  	v13 =	vnsel vm6, $0x0, v14  }
0x18d: {  	v14 =	vld [tilespmem:$0xF0];
	v1 =	vadd.f32 v13, v1  }
0x18e: {  	vm7 =	vgt.s32 v0, $0x13  }
0x18f: {  	v13 =	vld [tilespmem:$0x170];
	v0 =	vnsel vm7, $0x0, v15  }
0x190: {  	v0 =	vadd.f32 v0, v1  }
0x191: {  	v15 =	vld [tilespmem:$0x1F0];
	v1 =	vpop (erf)  }
0x192: {  	v18 =	vld [tilespmem:$0x370];
	v21 =	vmul.f32 v0, v1  }
0x193: {  	v1 =	vld [tilespmem:$0x270]  }
0x194: {  	v16 =	vld [tilespmem:$0x2F0];
	[tilespmem:$0x4FD8] =	vst v21  }
0x195: {  	v14 =	vld.idx.msk [tilespmem:v14+s14+$0x0], $0xffff  }
0x196: {  	v0 =	vld [tilespmem:$0xAF0]  }
0x197: {  	v13 =	vld.idx.msk [tilespmem:v13+s14+$0x0], $0xffff  }
0x198: {  	v19 =	vld [tilespmem:$0x3F0]  }
0x199: {  	v15 =	vld.idx.msk [tilespmem:v15+s14+$0x0], $0xffff  }
0x19a: {  	v20 =	vld [tilespmem:$0x470];
	v14 =	vadd.f32 $0.0e+00, v14  }
0x19b: {  	vm8 =	vgt.s32 v0, $0x0;
	vm9 =	vgt.s32 v0, $0x1;
	v1 =	vld.idx.msk [tilespmem:v1+s14+$0x0], $0xffff  }
0x19c: {  	v16 =	vld.idx.msk [tilespmem:v16+s14+$0x0], $0xffff;
	v13 =	vnsel vm9, $0x0, v13;
	v14 =	vnsel vm8, $0x0, v14  }
0x19d: {  	vm10 =	vgt.s32 v0, $0x2;
	v13 =	vadd.f32 v13, v14;
	v14 =	vld [tilespmem:$0x4F0]  }
0x19e: {  	v18 =	vld.idx.msk [tilespmem:v18+s14+$0x0], $0xffff;
	v15 =	vnsel vm10, $0x0, v15  }
0x19f: {  	vm11 =	vgt.s32 v0, $0x3;
	v13 =	vadd.f32 v15, v13;
	v15 =	vld [tilespmem:$0x570]  }
0x1a0: {  	v19 =	vld.idx.msk [tilespmem:v19+s14+$0x0], $0xffff;
	v1 =	vnsel vm11, $0x0, v1  }
0x1a1: {  	vm12 =	vgt.s32 v0, $0x4;
	v1 =	vadd.f32 v1, v13;
	v13 =	vld [tilespmem:$0x5F0]  }
0x1a2: {  	v20 =	vld.idx.msk [tilespmem:v20+s14+$0x0], $0xffff;
	v16 =	vnsel vm12, $0x0, v16  }
0x1a3: {  	vm13 =	vgt.s32 v0, $0x5;
	v1 =	vadd.f32 v16, v1;
	v16 =	vld [tilespmem:$0x670]  }
0x1a4: {  	v22 =	vld [tilespmem:$0x6F0];
	v18 =	vnsel vm13, $0x0, v18  }
0x1a5: {  	vm14 =	vgt.s32 v0, $0x6;
	v1 =	vadd.f32 v18, v1;
	v14 =	vld.idx.msk [tilespmem:v14+s14+$0x0], $0xffff  }
0x1a6: {  	v18 =	vnsel vm14, $0x0, v19;
	v19 =	vld [tilespmem:$0x770]  }
0x1a7: {  	vm15 =	vgt.s32 v0, $0x7;
	v1 =	vadd.f32 v18, v1;
	v15 =	vld.idx.msk [tilespmem:v15+s14+$0x0], $0xffff  }
0x1a8: {  	v18 =	vnsel vm15, $0x0, v20;
	v20 =	vld [tilespmem:$0x7F0]  }
0x1a9: {  	vm4 =	vgt.s32 v0, $0x8;
	v1 =	vadd.f32 v18, v1;
	v13 =	vld.idx.msk [tilespmem:v13+s14+$0x0], $0xffff  }
0x1aa: {  	v18 =	vld [tilespmem:$0x870];
	v14 =	vnsel vm4, $0x0, v14  }
0x1ab: {  	vm5 =	vgt.s32 v0, $0x9;
	v1 =	vadd.f32 v14, v1;
	v14 =	vld.idx.msk [tilespmem:v16+s14+$0x0], $0xffff  }
0x1ac: {  	v16 =	vld.idx.msk [tilespmem:v22+s14+$0x0], $0xffff;
	v15 =	vnsel vm5, $0x0, v15  }
0x1ad: {  	vm6 =	vgt.s32 v0, $0xA;
	v1 =	vadd.f32 v15, v1;
	v15 =	vld [tilespmem:$0x8F0]  }
0x1ae: {  	v19 =	vld.idx.msk [tilespmem:v19+s14+$0x0], $0xffff;
	v13 =	vnsel vm6, $0x0, v13  }
0x1af: {  	vm7 =	vgt.s32 v0, $0xB;
	v1 =	vadd.f32 v13, v1;
	v13 =	vld [tilespmem:$0x970]  }
0x1b0: {  	v20 =	vld.idx.msk [tilespmem:v20+s14+$0x0], $0xffff;
	v14 =	vnsel vm7, $0x0, v14  }
0x1b1: {  	vm8 =	vgt.s32 v0, $0xC;
	v1 =	vadd.f32 v14, v1;
	v14 =	vld [tilespmem:$0x9F0]  }
0x1b2: {  	v16 =	vnsel vm8, $0x0, v16  }
0x1b3: {  	vm9 =	vgt.s32 v0, $0xD;
	v18 =	vld.idx.msk [tilespmem:v18+s14+$0x0], $0xffff;
	v1 =	vadd.f32 v16, v1  }
0x1b4: {  	v19 =	vnsel vm9, $0x0, v19;
	v16 =	vld [tilespmem:$0xA70]  }
0x1b5: {  	vm10 =	vgt.s32 v0, $0xE;
	v1 =	vadd.f32 v19, v1;
	v15 =	vld.idx.msk [tilespmem:v15+s14+$0x0], $0xffff  }
0x1b6: {  	v19 =	vnsel vm10, $0x0, v20  }
0x1b7: {  	vm11 =	vgt.s32 v0, $0xF;
	v1 =	vadd.f32 v19, v1;
	v13 =	vld.idx.msk [tilespmem:v13+s14+$0x0], $0xffff  }
0x1b8: {  	v20 =	vcvt.s32.f32 v0;
	v18 =	vnsel vm11, $0x0, v18  }
0x1b9: {  	vm12 =	vgt.s32 v0, $0x10;
	v1 =	vadd.f32 v18, v1;
	v14 =	vld.idx.msk [tilespmem:v14+s14+$0x0], $0xffff  }
0x1ba: {  	(erf) = vrcp.f32 v20;
	v15 =	vnsel vm12, $0x0, v15  }
0x1bb: {  	vm13 =	vgt.s32 v0, $0x11;
	v1 =	vadd.f32 v15, v1  }
0x1bc: {  	v15 =	vld.idx.msk [tilespmem:v16+s14+$0x0], $0xffff;
	v13 =	vnsel vm13, $0x0, v13  }
0x1bd: {  	vm14 =	vgt.s32 v0, $0x12;
	v1 =	vadd.f32 v13, v1  }
0x1be: {  	v13 =	vnsel vm14, $0x0, v14  }
0x1bf: {  	v1 =	vadd.f32 v13, v1  }
0x1c0: {  	vm15 =	vgt.s32 v0, $0x13  }
0x1c1: {  	v0 =	vnsel vm15, $0x0, v15  }
0x1c2: {  	v0 =	vadd.f32 v0, v1  }
0x1c3: {  	v1 =	vpop (erf)  }
0x1c4: {  	v23 =	vmul.f32 v0, v1;
	_ =	sdelay $0x1  }
0x1c5: {  	[tilespmem:$0x4FE8] =	vst v23  }
0x1c6: {  	_ =	swait.ge [sflag:s29], $0x1000  }
0x1c7: {  	[sflag:s29] =	ssyncset.done $0x0  }
0x1c8: {  	[sflag:s29] =	ssyncadd.s32 $0xFFFFF000  }
0x1c9: {  	_ =	swait.ge [sflag:s30], $0x1000  }
0x1ca: {  	[sflag:s30] =	ssyncset.done $0x0  }
0x1cb: {  	[sflag:s30] =	ssyncadd.s32 $0xFFFFF000  }
0x1cc: {  	_ =	swait.ge [sflag:s31], $0x1000  }
0x1cd: {  	v0 =	vimm.s32 $0x0;
	[sflag:s31] =	ssyncset.done $0x0  }
0x1ce: {  	v1 =	vor.u32 $0x1, v0;
	v14 =	vand.u32 $0xFFFFFFF8, v0;
	[sflag:s31] =	ssyncadd.s32 $0xFFFFF000  }
0x1cf: {  	v13 =	vor.u32 $0x2, v0;
	v15 =	vand.u32 $0x4, v0;
	v16 =	vadd.s32 v2, v14;
	_ =	swait.ge [sflag:s0], $0x1000  }
0x1d0: {  	v18 =	vadd.s32 v3, v14;
	v19 =	vor.u32 v15, v16;
	[sflag:s0] =	ssyncset.done $0x0  }
0x1d1: {  	v20 =	vand.u32 $0x6, v13;
	v22 =	vor.u32 v15, v18;
	[sflag:s0] =	ssyncadd.s32 $0xFFFFF000  }
0x1d2: {  	v24 =	vor.u32 v20, v18;
	v25 =	vld.idx.msk [tilespmem:v0+s15+$0x0], $0xffff  }
0x1d3: {  	v26 =	vor.u32 $0x3, v0;
	v27 =	vadd.s32 v5, v14;
	v28 =	vld.idx.msk [tilespmem:v1+s15+$0x0], $0xffff  }
0x1d4: {  	v29 =	vor.u32 v15, v27;
	v30 =	vld.idx.msk [tilespmem:v13+s15+$0x0], $0xffff  }
0x1d5: {  	v32 =	vand.u32 $0x7, v26;
	v33 =	vor.u32 v20, v27;
	v19 =	vld.idx.msk [tilespmem:v19+s18+$0x0], $0xffff  }
0x1d6: {  	v34 =	vadd.s32 v4, v14;
	v35 =	vor.u32 v32, v16;
	v22 =	vld.idx.msk [tilespmem:v22+s18+$0x0], $0xffff  }
0x1d7: {  	v38 =	vor.u32 v32, v34;
	v24 =	vld.idx.msk [tilespmem:v24+s18+$0x0], $0xffff  }
0x1d8: {  	v59 =	vadd.s32 v37, v14;
	v40 =	vor.u32 v15, v34;
	v13 =	vld.idx.msk [tilespmem:v26+s15+$0x0], $0xffff  }
0x1d9: {  	v39 =	vadd.s32 v6, v14;
	v44 =	vor.u32 v20, v59;
	v29 =	vld.idx.msk [tilespmem:v29+s18+$0x0], $0xffff  }
0x1da: {  	v43 =	vadd.s32 v7, v14;
	v42 =	vor.u32 v15, v39;
	v33 =	vld.idx.msk [tilespmem:v33+s18+$0x0], $0xffff  }
0x1db: {  	v14 =	vadd.s32 v45, v14;
	v49 =	vor.u32 v32, v43;
	v35 =	vld.idx.msk [tilespmem:v35+s18+$0x0], $0xffff  }
0x1dc: {  	v52 =	vor.u32 v20, v14;
	v38 =	vld.idx.msk [tilespmem:v38+s18+$0x0], $0xffff  }
0x1dd: {  	v17 =	vmov v5;
	v61 =	vor.u32 v32, v39;
	v26 =	vor.u32 v32, v59;
	v40 =	vld.idx.msk [tilespmem:v40+s18+$0x0], $0xffff  }
0x1de: {  	v5 =	vmovc v4;
	v47 =	vor.u32 v15, v59;
	v56 =	vor.u32 v20, v43;
	v1 =	vand.u32 $0x5, v1;
	v44 =	vld.idx.msk [tilespmem:v44+s18+$0x0], $0xffff  }
0x1df: {  	v55 =	vor.u32 v20, v16;
	v62 =	vld.idx.msk [tilespmem:v42+s18+$0x0], $0xffff;
	v31 =	vor.u32 v1, v27;
	v36 =	vor.u32 v1, v34  }
0x1e0: {  	v41 =	vor.u32 v1, v39;
	v34 =	vor.u32 v20, v34;
	v39 =	vor.u32 v20, v39;
	v20 =	vld.idx.msk [tilespmem:v49+s18+$0x0], $0xffff  }
0x1e1: {  	v4 =	vmovc v3;
	v3 =	vmov v37;
	v50 =	vor.u32 v32, v18;
	v27 =	vor.u32 v32, v27;
	v49 =	vld.idx.msk [tilespmem:v52+s18+$0x0], $0xffff  }
0x1e2: {  	v48 =	vor.u32 v1, v43;
	v37 =	vor.u32 v1, v59;
	v53 =	vor.u32 v1, v18;
	v26 =	vld.idx.msk [tilespmem:v26+s18+$0x0], $0xffff  }
0x1e3: {  	v54 =	vor.u32 v1, v16;
	v1 =	vor.u32 v1, v14;
	v18 =	vmul.f32 v24, v30;
	v24 =	vld.idx.msk [tilespmem:v47+s18+$0x0], $0xffff  }
0x1e4: {  	v31 =	vld.idx.msk [tilespmem:v31+s18+$0x0], $0xffff  }
0x1e5: {  	v46 =	vor.u32 v15, v43;
	v60 =	vmul.f32 v19, v25;
	v36 =	vld.idx.msk [tilespmem:v36+s18+$0x0], $0xffff  }
0x1e6: {  	v29 =	vmul.f32 v29, v25;
	v27 =	vld.idx.msk [tilespmem:v27+s18+$0x0], $0xffff  }
0x1e7: {  	v51 =	vor.u32 v15, v14;
	v48 =	vld.idx.msk [tilespmem:v48+s18+$0x0], $0xffff;
	v58 =	vadd.f32 v60, v8;
	v8 =	vmul.f32 v35, v13  }
0x1e8: {  	v32 =	vor.u32 v32, v14;
	v1 =	vld.idx.msk [tilespmem:v1+s18+$0x0], $0xffff;
	v57 =	vadd.f32 v29, v11;
	v11 =	vmul.f32 v26, v13  }
0x1e9: {  	v0 =	vadd.s32 $0x4, v0;
	v22 =	vmul.f32 v22, v25;
	v19 =	vmul.f32 v40, v25;
	v29 =	vld.idx.msk [tilespmem:v37+s18+$0x0], $0xffff;
	[tilespmem:$0x1FF60] =	vst v8  }
0x1ea: {  	v15 =	vadd.s32 $0x4, v0;
	v42 =	vmul.f32 v62, v25;
	v8 =	vld.idx.msk [tilespmem:v46+s18+$0x0], $0xffff;
	[tilespmem:$0x1FF00] =	vst v11;
	v11 =	vmul.f32 v33, v30  }
0x1eb: {  	v62 =	vand.u32 $0x4, v0;
	v24 =	vmul.f32 v24, v25;
	v14 =	vmul.f32 v27, v13;
	v27 =	vld.idx.msk [tilespmem:v34+s18+$0x0], $0xffff  }
0x1ec: {  	v63 =	vadd.f32 v19, v10;
	v19 =	vmul.f32 v44, v30;
	[tilespmem:$0x1FF50] =	vst v11;
	v11 =	vmul.f32 v20, v13  }
0x1ed: {  	v41 =	vld.idx.msk [tilespmem:v41+s18+$0x0], $0xffff;
	v37 =	vor.u32 $0x2, v0;
	v35 =	vor.u32 $0x1, v0;
	v21 =	vadd.f32 v24, v21  }
0x1ee: {  	v60 =	vand.u32 $0xFFFFFFF8, v0;
	[tilespmem:$0x1FF40] =	vst v11;
	v11 =	vld.idx.msk [tilespmem:v32+s18+$0x0], $0xffff;
	v32 =	vadd.f32 v22, v9;
	v9 =	vmul.f32 v29, v28  }
0x1ef: {  	v26 =	vld.idx.msk [tilespmem:v51+s18+$0x0], $0xffff;
	v51 =	vadd.s32 v4, v60;
	v36 =	vmul.f32 v36, v28;
	v8 =	vmul.f32 v8, v25  }
0x1f0: {  	v59 =	vmul.f32 v1, v28;
	v40 =	vmul.f32 v27, v30;
	v27 =	vadd.f32 v9, v21;
	v9 =	vld.idx.msk [tilespmem:v39+s18+$0x0], $0xffff  }
0x1f1: {  	v44 =	vld.idx.msk [tilespmem:v54+s18+$0x0], $0xffff;
	v4 =	vor.u32 v62, v51;
	v33 =	vmul.f32 v48, v28;
	v8 =	vadd.f32 v8, v12  }
0x1f2: {  	v10 =	vand.u32 $0x6, v37;
	[tilespmem:$0x1FEE0] =	vst v14;
	v14 =	vmul.f32 v38, v13;
	v36 =	vadd.f32 v36, v63;
	v38 =	vld.idx.msk [tilespmem:v53+s18+$0x0], $0xffff  }
0x1f3: {  	v53 =	vor.u32 $0x3, v0;
	v63 =	vadd.s32 v5, v60;
	v33 =	vadd.f32 v33, v8;
	v8 =	vld.idx.msk [tilespmem:v0+s15+$0x0], $0xffff  }
0x1f4: {  	v5 =	vor.u32 v10, v51;
	v20 =	vand.u32 $0x5, v35;
	v0 =	vadd.s32 v17, v60;
	[tilespmem:$0x1FF70] =	vst v11;
	v11 =	vld.idx.msk [tilespmem:v55+s18+$0x0], $0xffff  }
0x1f5: {  	v1 =	vadd.f32 v40, v36;
	v36 =	vmul.f32 v9, v30;
	v9 =	vld.idx.msk [tilespmem:v37+s15+$0x0], $0xffff;
	v37 =	vor.u32 v20, v0  }
0x1f6: {  	v34 =	vmul.f32 v31, v28;
	v24 =	vmul.f32 v41, v28;
	v48 =	vld.idx.msk [tilespmem:v56+s18+$0x0], $0xffff  }
0x1f7: {  	v12 =	vld.idx.msk [tilespmem:v35+s15+$0x0], $0xffff;
	v38 =	vmul.f32 v38, v28;
	v28 =	vmul.f32 v44, v28  }
0x1f8: {  	v47 =	vmul.f32 v26, v25;
	v46 =	vld.idx.msk [tilespmem:v4+s18+$0x0], $0xffff  }
0x1f9: {  	v35 =	vadd.s32 v3, v60;
	v3 =	vld.idx.msk [tilespmem:v5+s18+$0x0], $0xffff;
	v4 =	vadd.f32 v28, v58;
	v5 =	vmul.f32 v11, v30  }
0x1fa: {  	v43 =	vand.u32 $0x7, v53;
	v31 =	vadd.f32 v47, v23;
	v39 =	vor.u32 v10, v0;
	v28 =	vld.idx.msk [tilespmem:v37+s18+$0x0], $0xffff  }
0x1fb: {  	v23 =	vor.u32 v62, v0;
	v37 =	vadd.f32 v5, v4;
	v4 =	vor.u32 v43, v0;
	v0 =	vld [tilespmem:$0x1FF40]  }
0x1fc: {  	v50 =	vld.idx.msk [tilespmem:v50+s18+$0x0], $0xffff;
	v34 =	vadd.f32 v34, v57;
	v29 =	vadd.s32 v2, v60;
	v57 =	vmul.f32 v48, v30  }
0x1fd: {  	[tilespmem:$0x1FEF0] =	vst v14;
	v14 =	vld [tilespmem:$0x1FF30];
	v52 =	vor.u32 v43, v29  }
0x1fe: {  	v40 =	vor.u32 v62, v29;
	v11 =	vld.idx.msk [tilespmem:v53+s15+$0x0], $0xffff;
	v53 =	vadd.f32 v57, v33  }
0x1ff: {  	v49 =	vmul.f32 v49, v30;
	v41 =	vor.u32 v62, v63;
	v54 =	vor.u32 v10, v63;
	v2 =	vld [tilespmem:$0x1FF60]  }
0x200: {  	v16 =	vmovc v45;
	v25 =	vadd.s32 v6, v60;
	v45 =	vor.u32 v20, v63;
	v30 =	vadd.f32 v0, v53;
	v0 =	vld [tilespmem:$0x1FF50]  }
0x201: {  	v26 =	vor.u32 v62, v25;
	v47 =	vld.idx.msk [tilespmem:v61+s18+$0x0], $0xffff;
	v44 =	vmul.f32 v50, v13;
	v59 =	vadd.f32 v59, v31  }
0x202: {  	v31 =	vor.u32 v43, v35;
	[tilespmem:$0x1FF10] =	vst v1;
	v1 =	vor.u32 v43, v25;
	v52 =	vld.idx.msk [tilespmem:v52+s18+$0x0], $0xffff  }
0x203: {  	[tilespmem:$0x1FF20] =	vst v1;
	v1 =	vadd.s32 v7, v60;
	v40 =	vld.idx.msk [tilespmem:v40+s18+$0x0], $0xffff;
	v57 =	vor.u32 v43, v63  }
0x204: {  	v55 =	vadd.f32 v38, v32;
	v32 =	vor.u32 v62, v1;
	v48 =	vor.u32 v20, v1;
	v50 =	vld.idx.msk [tilespmem:v23+s18+$0x0], $0xffff  }
0x205: {  	v33 =	vor.u32 v43, v1;
	v53 =	vadd.f32 v0, v34;
	v34 =	vor.u32 v10, v1;
	v1 =	vld [tilespmem:$0x1FF70]  }
0x206: {  	v56 =	vor.u32 v20, v25;
	v61 =	vadd.f32 v42, v14;
	v58 =	vor.u32 v10, v35;
	v42 =	vld.idx.msk [tilespmem:v39+s18+$0x0], $0xffff  }
0x207: {  	v38 =	vor.u32 v20, v35;
	v60 =	vadd.s32 v16, v60;
	v63 =	vor.u32 v62, v35;
	v35 =	vld.idx.msk [tilespmem:v31+s18+$0x0], $0xffff  }
0x208: {  	v23 =	vor.u32 v43, v51;
	v39 =	vmul.f32 v46, v8;
	v51 =	vor.u32 v20, v51;
	v57 =	vld.idx.msk [tilespmem:v57+s18+$0x0], $0xffff  }
0x209: {  	v31 =	vor.u32 v10, v60;
	v46 =	vadd.f32 v2, v37;
	v37 =	vor.u32 v43, v60;
	v0 =	vld.idx.msk [tilespmem:v45+s18+$0x0], $0xffff  }
0x20a: {  	s12 =	simm.s32 $0x4;
	v43 =	vmul.f32 v3, v9;
	v45 =	vor.u32 v62, v60;
	v62 =	vmul.f32 v1, v13;
	v1 =	vld.idx.msk [tilespmem:v4+s18+$0x0], $0xffff  }
.LBB2_2:
0x20b: {  	v3 =	vld [tilespmem:$0x1FEE0];
	_ =	sdelay $0x4  }
0x20c: {  	v53 =	vadd.f32 v3, v53;
	v3 =	vld [tilespmem:$0x1FF00];
	_ =	sdelay $0x1  }
0x20d: {  	v1 =	vmul.f32 v1, v11  }
0x20e: {  	v19 =	vadd.f32 v19, v27  }
0x20f: {  	[tilespmem:$0x1FEE0] =	vst v1;
	v1 =	vld [tilespmem:$0x1FEF0]  }
0x210: {  	v13 =	vmul.f32 v47, v13;
	v47 =	vadd.f32 v3, v19;
	v3 =	vld [tilespmem:$0x1FF10];
	_ =	sdelay $0x4  }
0x211: {  	v1 =	vadd.f32 v1, v3;
	v3 =	vmul.f32 v57, v11  }
0x212: {  	v2 =	vor.u32 v20, v29;
	v20 =	vor.u32 v20, v60;
	v60 =	vld.idx.msk [tilespmem:v58+s18+$0x0], $0xffff  }
0x213: {  	[tilespmem:$0x1FEF0] =	vst v3;
	v3 =	vld [tilespmem:$0x1FF20];
	_ =	sdelay $0x2  }
0x214: {  	v24 =	vadd.f32 v24, v61  }
0x215: {  	v29 =	vor.u32 v10, v29;
	v25 =	vor.u32 v10, v25  }
0x216: {  	v10 =	vadd.f32 v36, v24;
	v24 =	vld.idx.msk [tilespmem:v54+s18+$0x0], $0xffff;
	v54 =	vmov v3;
	v3 =	vmul.f32 v60, v9  }
0x217: {  	v18 =	vadd.f32 v18, v55;
	v49 =	vadd.f32 v49, v59  }
0x218: {  	[tilespmem:$0x1FEB0] =	vst v3;
	v3 =	vmul.f32 v52, v11  }
0x219: {  	v44 =	vadd.f32 v44, v18;
	v18 =	vld.idx.msk [tilespmem:v33+s18+$0x0], $0xffff  }
0x21a: {  	[tilespmem:$0x1FED0] =	vst v3;
	v3 =	vmul.f32 v35, v11  }
0x21b: {  	v41 =	vld.idx.msk [tilespmem:v41+s18+$0x0], $0xffff;
	v33 =	vadd.f32 v62, v49;
	v49 =	vmov v9  }
0x21c: {  	[tilespmem:$0x1FF00] =	vst v3;
	v3 =	vmul.f32 v42, v49  }
0x21d: {  	v57 =	vadd.f32 v13, v10;
	v13 =	vmov v11  }
0x21e: {  	[tilespmem:$0x1FEC0] =	vst v3;
	v3 =	vmul.f32 v18, v13;
	_ =	sdelay $0x1  }
0x21f: {  	v19 =	vmul.f32 v41, v8;
	[tilespmem:$0x1FEA0] =	vst v3;
	v3 =	vld [tilespmem:$0x1FFA0];
	_ =	sdelay $0x1  }
0x220: {  	v0 =	vmul.f32 v0, v12;
	v1 =	vadd.f32 v19, v1  }
0x221: {  	v61 =	vld.idx.msk [tilespmem:v45+s18+$0x0], $0xffff;
	v36 =	vmov v15  }
0x222: {  	v45 =	vand.u32 $0xFFFFFFF8, v36;
	v0 =	vadd.f32 v0, v1;
	v1 =	vadd.f32 v39, v44;
	v39 =	vld.idx.msk [tilespmem:v29+s18+$0x0], $0xffff  }
0x223: {  	v29 =	vadd.s32 v3, v45;
	v3 =	vld [tilespmem:$0x1FFB0];
	_ =	sdelay $0x3  }
0x224: {  	v26 =	vld.idx.msk [tilespmem:v26+s18+$0x0], $0xffff  }
0x225: {  	v7 =	vadd.s32 v3, v45;
	v3 =	vld [tilespmem:$0x1FFD0]  }
0x226: {  	v21 =	vld.idx.msk [tilespmem:v32+s18+$0x0], $0xffff  }
0x227: {  	v23 =	vld.idx.msk [tilespmem:v23+s18+$0x0], $0xffff  }
0x228: {  	v17 =	vmul.f32 v40, v8;
	v40 =	vld.idx.msk [tilespmem:v48+s18+$0x0], $0xffff  }
0x229: {  	v48 =	vld.idx.msk [tilespmem:v25+s18+$0x0], $0xffff  }
0x22a: {  	v25 =	vadd.s32 v3, v45;
	v3 =	vld [tilespmem:$0x1FFC0]  }
0x22b: {  	v27 =	vld.idx.msk [tilespmem:v56+s18+$0x0], $0xffff  }
0x22c: {  	v22 =	vmul.f32 v50, v8;
	v56 =	vld.idx.msk [tilespmem:v63+s18+$0x0], $0xffff  }
0x22d: {  	v50 =	vmov v12;
	v12 =	vld.idx.msk [tilespmem:v38+s18+$0x0], $0xffff  }
0x22e: {  	v59 =	vadd.f32 v22, v53;
	v22 =	vld.idx.msk [tilespmem:v20+s18+$0x0], $0xffff  }
0x22f: {  	v21 =	vmul.f32 v21, v8;
	v32 =	vmul.f32 v61, v8;
	v52 =	vadd.s32 v3, v45;
	v3 =	vld [tilespmem:$0x1FFF0]  }
0x230: {  	v38 =	vor.u32 $0x2, v36;
	v62 =	vadd.f32 v17, v46;
	v46 =	vmovc v43;
	v43 =	vld.idx.msk [tilespmem:v31+s18+$0x0], $0xffff;
	v63 =	vmul.f32 v24, v49  }
0x231: {  	v31 =	vor.u32 $0x3, v36;
	v53 =	vld.idx.msk [tilespmem:v37+s18+$0x0], $0xffff;
	v37 =	vmul.f32 v26, v8;
	v24 =	vmul.f32 v27, v50  }
0x232: {  	v6 =	vand.u32 $0x7, v31;
	v12 =	vmul.f32 v12, v50;
	v9 =	vmul.f32 v56, v8;
	v42 =	vld.idx.msk [tilespmem:v51+s18+$0x0], $0xffff  }
0x233: {  	v2 =	vld.idx.msk [tilespmem:v2+s18+$0x0], $0xffff;
	v5 =	vmul.f32 v22, v50;
	v0 =	vadd.f32 v63, v0;
	v11 =	vor.u32 $0x1, v36  }
0x234: {  	v8 =	vld.idx.msk [tilespmem:v36+s15+$0x0], $0xffff;
	v9 =	vadd.f32 v9, v47;
	v55 =	vadd.s32 v3, v45;
	v3 =	vor.u32 v6, v25  }
0x235: {  	v10 =	vand.u32 $0x6, v38;
	v44 =	vmul.f32 v23, v13;
	v56 =	vmul.f32 v40, v50;
	[tilespmem:$0x1FF20] =	vst v3;
	v3 =	vld [tilespmem:$0x1FF80]  }
0x236: {  	[tilespmem:$0x1FF10] =	vst v0;
	v0 =	vld.idx.msk [tilespmem:v34+s18+$0x0], $0xffff;
	v27 =	vadd.f32 v12, v9;
	v9 =	vadd.f32 v21, v30;
	v51 =	vand.u32 $0x4, v36  }
0x237: {  	v20 =	vand.u32 $0x5, v11;
	v47 =	vld.idx.msk [tilespmem:v54+s18+$0x0], $0xffff;
	v23 =	vmul.f32 v42, v50;
	v58 =	vor.u32 v51, v29  }
0x238: {  	v12 =	vld.idx.msk [tilespmem:v11+s15+$0x0], $0xffff;
	v30 =	vor.u32 v51, v7;
	v61 =	vor.u32 v20, v55;
	v17 =	vor.u32 v10, v55  }
0x239: {  	v60 =	vor.u32 v51, v55;
	v22 =	vor.u32 v6, v55;
	v55 =	vadd.f32 v23, v1;
	v1 =	vld [tilespmem:$0x1FF90]  }
0x23a: {  	v11 =	vor.u32 v10, v7;
	v16 =	vadd.s32 v3, v45;
	v3 =	vld [tilespmem:$0x1FFE0]  }
0x23b: {  	v35 =	vadd.f32 v56, v9;
	v9 =	vld.idx.msk [tilespmem:v38+s15+$0x0], $0xffff  }
0x23c: {  	v2 =	vmul.f32 v2, v50;
	v40 =	vld.idx.msk [tilespmem:v58+s18+$0x0], $0xffff  }
0x23d: {  	v30 =	vld.idx.msk [tilespmem:v30+s18+$0x0], $0xffff  }
0x23e: {  	v28 =	vmul.f32 v28, v50;
	v2 =	vadd.f32 v2, v62;
	v50 =	vld.idx.msk [tilespmem:v60+s18+$0x0], $0xffff;
	v60 =	vadd.s32 v1, v45  }
0x23f: {  	v19 =	vld.idx.msk [tilespmem:v11+s18+$0x0], $0xffff;
	v1 =	vor.u32 v6, v52;
	v34 =	vadd.s32 v3, v45;
	v3 =	vmul.f32 v39, v49  }
0x240: {  	v15 =	vadd.s32 $0x4, v15;
	v4 =	vadd.f32 v28, v59;
	v11 =	vld.idx.msk [tilespmem:v31+s15+$0x0], $0xffff  }
0x241: {  	v62 =	vmul.f32 v53, v13;
	v18 =	vadd.f32 v32, v33;
	v2 =	vadd.f32 v3, v2;
	v3 =	vld [tilespmem:$0x1FEC0]  }
0x242: {  	v36 =	vmul.f32 v48, v49;
	v0 =	vmul.f32 v0, v49;
	v63 =	vor.u32 v6, v29;
	v28 =	vld.idx.msk [tilespmem:v61+s18+$0x0], $0xffff  }
0x243: {  	v59 =	vadd.f32 v5, v18;
	v26 =	vor.u32 v51, v25;
	v14 =	vor.u32 v20, v52;
	v42 =	vld.idx.msk [tilespmem:v17+s18+$0x0], $0xffff  }
0x244: {  	v56 =	vor.u32 v20, v25;
	v41 =	vor.u32 v51, v52;
	v61 =	vadd.f32 v37, v57;
	v57 =	vld.idx.msk [tilespmem:v1+s18+$0x0], $0xffff  }
0x245: {  	s12 =	sadd.s32 $0x4, s12;
	v54 =	vor.u32 v10, v52;
	v23 =	vor.u32 v6, v7;
	v21 =	vor.u32 v6, v16;
	v1 =	vld [tilespmem:$0x1FEA0]  }
0x246: {  	p0 =	slt.u32 s12, $0x7C;
	v17 =	vadd.f32 v0, v35;
	v38 =	vor.u32 v20, v16;
	v53 =	vadd.f32 v3, v4;
	v3 =	vld [tilespmem:$0x1FED0]  }
.Ltmp0:
0x247: {  	v52 =	vld.idx.msk [tilespmem:v63+s18+$0x0], $0xffff;
	v58 =	vor.u32 v10, v16;
	v31 =	vor.u32 v10, v60;
	v63 =	vor.u32 v51, v16;
	(pc) =	sbr.rel @p0 .LBB2_2-.Ltmp0, $4  }
0x248: {  	v0 =	vld.idx.msk [tilespmem:v14+s18+$0x0], $0xffff;
	v37 =	vor.u32 v6, v60;
	v45 =	vor.u32 v51, v60;
	v39 =	vmul.f32 v30, v8  }
0x249: {  	v18 =	vmovc v46;
	v49 =	vmul.f32 v43, v49;
	v43 =	vmul.f32 v19, v9;
	v19 =	vld [tilespmem:$0x1FEB0];
	v32 =	vor.u32 v51, v34  }
0x24a: {  	v48 =	vor.u32 v20, v34;
	v33 =	vor.u32 v6, v34;
	v34 =	vor.u32 v10, v34;
	v35 =	vld.idx.msk [tilespmem:v21+s18+$0x0], $0xffff  }
0x24b: {  	v51 =	vor.u32 v20, v7;
	v30 =	vadd.f32 v1, v17;
	v1 =	vld.idx.msk [tilespmem:v22+s18+$0x0], $0xffff;
	v46 =	vadd.f32 v3, v2  }
0x24c: {  	_ =	sdelay $0x3  }
0x24d: {  	v2 =	vld.idx.msk [tilespmem:v41+s18+$0x0], $0xffff  }
0x24e: {  	v4 =	vld.idx.msk [tilespmem:v56+s18+$0x0], $0xffff  }
0x24f: {  	v14 =	vld.idx.msk [tilespmem:v58+s18+$0x0], $0xffff  }
0x250: {  	v16 =	vld [tilespmem:$0x1FEE0]  }
0x251: {  	v17 =	vld.idx.msk [tilespmem:v63+s18+$0x0], $0xffff  }
0x252: {  	v58 =	vadd.f32 v49, v59;
	v59 =	vld.idx.msk [tilespmem:v48+s18+$0x0], $0xffff  }
0x253: {  	v21 =	vld [tilespmem:$0x1FF00]  }
0x254: {  	v63 =	vld.idx.msk [tilespmem:v26+s18+$0x0], $0xffff  }
0x255: {  	v3 =	vadd.f32 v24, v61;
	v5 =	vor.u32 v20, v29;
	v15 =	vor.u32 v10, v29;
	v29 =	vld [tilespmem:$0x1FEF0]  }
0x256: {  	v7 =	vadd.f32 v18, v55;
	v56 =	vor.u32 v20, v60;
	v60 =	vmul.f32 v40, v8;
	v40 =	vld.idx.msk [tilespmem:v32+s18+$0x0], $0xffff  }
0x257: {  	v13 =	vmul.f32 v47, v13;
	v61 =	vor.u32 v10, v25;
	v41 =	vmul.f32 v50, v8;
	v47 =	vld.idx.msk [tilespmem:v38+s18+$0x0], $0xffff  }
0x258: {  	v48 =	vmul.f32 v52, v11;
	v50 =	vmul.f32 v42, v9;
	v3 =	vadd.f32 v36, v3;
	v36 =	vld [tilespmem:$0x1FF10]  }
0x259: {  	v49 =	vld.idx.msk [tilespmem:v45+s18+$0x0], $0xffff;
	v0 =	vmul.f32 v0, v12;
	v6 =	vadd.f32 v19, v27;
	v7 =	vadd.f32 v44, v7  }
0x25a: {  	v51 =	vld.idx.msk [tilespmem:v51+s18+$0x0], $0xffff;
	v19 =	vadd.f32 v62, v58;
	v1 =	vmul.f32 v1, v11;
	v3 =	vadd.f32 v13, v3  }
0x25b: {  	v16 =	vadd.f32 v16, v53;
	v6 =	vadd.f32 v21, v6;
	v2 =	vmul.f32 v2, v8;
	v5 =	vld.idx.msk [tilespmem:v5+s18+$0x0], $0xffff  }
0x25c: {  	v17 =	vmul.f32 v17, v8;
	v21 =	vadd.f32 v60, v46;
	v52 =	vmul.f32 v40, v8;
	v18 =	vld.idx.msk [tilespmem:v56+s18+$0x0], $0xffff  }
0x25d: {  	v20 =	vmul.f32 v59, v12;
	v24 =	vmul.f32 v63, v8;
	v56 =	vld [tilespmem:$0x1FF20];
	v25 =	vadd.f32 v29, v36  }
0x25e: {  	v10 =	vld.idx.msk [tilespmem:v61+s18+$0x0], $0xffff;
	v4 =	vmul.f32 v4, v12;
	v6 =	vadd.f32 v17, v6;
	v17 =	vadd.f32 v52, v30  }
0x25f: {  	v15 =	vld.idx.msk [tilespmem:v15+s18+$0x0], $0xffff;
	v53 =	vmul.f32 v28, v12;
	v16 =	vadd.f32 v41, v16;
	v2 =	vadd.f32 v2, v25  }
0x260: {  	v22 =	vld.idx.msk [tilespmem:v54+s18+$0x0], $0xffff;
	v55 =	vmul.f32 v51, v12;
	v3 =	vadd.f32 v24, v3;
	v17 =	vadd.f32 v20, v17  }
0x261: {  	v0 =	vadd.f32 v0, v2;
	v2 =	vadd.f32 v39, v7;
	v7 =	vmul.f32 v47, v12  }
0x262: {  	v54 =	vld.idx.msk [tilespmem:v34+s18+$0x0], $0xffff;
	v13 =	vadd.f32 v53, v16;
	v3 =	vadd.f32 v4, v3;
	v5 =	vmul.f32 v5, v12  }
0x263: {  	v10 =	vmul.f32 v10, v9;
	v6 =	vadd.f32 v7, v6;
	v7 =	vmul.f32 v49, v8;
	v8 =	vld.idx.msk [tilespmem:v23+s18+$0x0], $0xffff  }
0x264: {  	v58 =	vld.idx.msk [tilespmem:v31+s18+$0x0], $0xffff;
	v15 =	vmul.f32 v15, v9;
	v63 =	vadd.f32 v50, v13;
	v5 =	vadd.f32 v5, v21  }
0x265: {  	v22 =	vmul.f32 v22, v9;
	v3 =	vadd.f32 v10, v3;
	v7 =	vadd.f32 v7, v19;
	v19 =	vld.idx.msk [tilespmem:v56+s18+$0x0], $0xffff  }
0x266: {  	v44 =	vmul.f32 v57, v11;
	v57 =	vld.idx.msk [tilespmem:v33+s18+$0x0], $0xffff;
	v2 =	vadd.f32 v55, v2;
	v5 =	vadd.f32 v15, v5  }
0x267: {  	v4 =	vld.idx.msk [tilespmem:v37+s18+$0x0], $0xffff;
	v60 =	vmul.f32 v18, v12;
	v0 =	vadd.f32 v22, v0;
	v1 =	vadd.f32 v1, v63  }
0x268: {  	v2 =	vadd.f32 v43, v2;
	v5 =	vadd.f32 v48, v5;
	v8 =	vmul.f32 v8, v11  }
0x269: {  	v59 =	vmul.f32 v54, v9;
	v0 =	vadd.f32 v44, v0;
	v7 =	vadd.f32 v60, v7  }
0x26a: {  	[tilespmem:$0x4F78] =	vst v5;
	v5 =	vmul.f32 v58, v9;
	v2 =	vadd.f32 v8, v2;
	v8 =	vmul.f32 v19, v11  }
0x26b: {  	v14 =	vmul.f32 v14, v9;
	v62 =	vmul.f32 v57, v11;
	v61 =	vadd.f32 v59, v17;
	[tilespmem:$0x4FC8] =	vst v1  }
0x26c: {  	[tilespmem:$0x4F98] =	vst v0;
	v0 =	vmul.f32 v4, v11;
	v4 =	vadd.f32 v5, v7;
	v3 =	vadd.f32 v8, v3  }
0x26d: {  	v6 =	vadd.f32 v14, v6;
	[tilespmem:$0x4F88] =	vst v2;
	v2 =	vmul.f32 v35, v11;
	v8 =	vadd.f32 v62, v61  }
0x26e: {  	v0 =	vadd.f32 v0, v4;
	[tilespmem:$0x4FA8] =	vst v3  }
0x26f: {  	v2 =	vadd.f32 v2, v6;
	[tilespmem:$0x4FB8] =	vst v8  }
0x270: {  	[tilespmem:$0x4FE8] =	vst v0  }
0x271: {  	[tilespmem:$0x4FD8] =	vst v2  }
0x272: {  	[hbm4b:s9+s4] =	stream.linear.scatter [tilespmem:s2], [sflag:$0xA], $0x80, $0x38;
	[tilespmem:$0x4FF8] =	vst v63  }
0x273: {  	_ =	swait.ge [sflag:s3], $0x80  }
0x274: {  	v2 =	vld [tilespmem:$0x1FFA0]  }
0x275: {  	s11 =	sadd.s32 $0x1, s11;
	v3 =	vld [tilespmem:$0x1FFB0]  }
0x276: {  	p0 =	sne.s32 s11, s10;
	v4 =	vld [tilespmem:$0x1FFC0]  }
.Ltmp1:
0x277: {  	v6 =	vld [tilespmem:$0x1FFD0];
	(pc) =	sbr.rel @p0 .LBB2_1-.Ltmp1, $4  }
0x278: {  	v7 =	vld [tilespmem:$0x1FFE0]  }
0x279: {  	v5 =	vld [tilespmem:$0x1FFF0]  }
0x27a: {  	[sflag:s3] =	ssyncset.done $0x0;
	v37 =	vld [tilespmem:$0x1FF80]  }
0x27b: {  	v45 =	vld [tilespmem:$0x1FF90];
	[sflag:s3] =	ssyncadd.s32 $0xFFFFFF80  }
0x27c: {  	_ =	sfence.sel $0x180000  }
0x27d: {  	[bflag:$0x0] =	sbarrier.arrive $0xFFFF  }
0x27e: {  	_ =	strace $0x90000047  }
0x27f: {  	s0 =	stileid.u32;
	[bflag:$0x2] =	sbarrier.arrive $0xFFFF  }
0x280: {  	p0 =	sne.s32 s0, $0x0;
	s0 =	rddreg [dreg:$0x5]  }
0x281: {  	s0 =	sadd.s32 @!p0 $0x100000, s0  }
0x282: {  	[sflag:s0] =	ssyncadd.tile.s32 @!p0 $0x1;
	_ =	shalt  }
.Lfunc_end2:
_tile_overlayer_lowered:
.L_overlay_start_2:
0x283: {  	(tag) =	ssettag $0x2  }
0x284: {  	s0 =	rddreg [dreg:$0x0];
	s2 =	stileid.u32  }
0x285: {  	s1 =	rddreg [dreg:$0x1];
	p0 =	sne.s32 s2, $0x0  }
0x286: {  	s3 =	rddreg [dreg:$0x2];
	[bflag:$0x3] =	sbarrier.arrive $0xFFFF;
	s2 =	simm.s32 @!p0 $0x1C0A  }
0x287: {  	[timem:s3], [sflag:s2] =	dma.local @!p0 [hbm:s0], s1  }
0x288: {  	s0 =	simm.s32 @!p0 $0xA  }
0x289: {  	_ =	swait.ge @!p0 [sflag:s0], s1  }
0x28a: {  	s1 =	ssub.s32 @!p0 $0x0, s1;
	[sflag:s0] =	ssyncset.done @!p0 $0x0  }
0x28b: {  	[sflag:s0] =	ssyncadd.s32 @!p0 s1  }
0x28c: {  	[bflag:$0x3] =	sbarrier.arrive $0xFFFF  }
0x28d: {  	_ =	shalt  }

// kernel: kernel.9.cloned.1.call-start
scs
__scs_entry_jumppad:
0x0: {  	(pc) =	sbr.rel $0x88, $3  }
0x1: {  	(tag) =	ssettag $0x0;
	lr =	simm.s32 $0x1  }
0x2: {  	[smem:$0x3F96] =	sst lr;
	_ =	strace $0xD0000000  }
0x3: {  	_ = 	snop  }
0x4: {  	_ = 	snop  }
0x5: {  	_ = 	snop  }
0x6: {  	_ = 	snop  }
0x7: {  	_ = 	snop  }
__scs_overlays_trampoline_lowered:
0x8: {  	[smem:$0x3FA5] =	sst s0  }
0x9: {  	[smem:$0x3FA6] =	sst s1  }
0xa: {  	[smem:$0x3FA7] =	sst s2  }
0xb: {  	[smem:$0x3FA8] =	sst s3  }
0xc: {  	[smem:$0x3FA9] =	sst s4  }
0xd: {  	[smem:$0x3FAA] =	sst s5  }
0xe: {  	[smem:$0x3FAB] =	sst s6  }
0xf: {  	[smem:$0x3FAC] =	sst s7  }
0x10: {  	[smem:$0x3FAD] =	sst s8  }
0x11: {  	[smem:$0x3FAE] =	sst s9;
	s0 =	simm.s32 @!p0 $0x0  }
0x12: {  	s1 =	sld [smem:$0x3F94];
	s0 =	simm.s32 @p0 $0x1  }
0x13: {  	[smem:$0x3FAF] =	sst s0;
	s0 =	simm.s32 @!p1 $0x0  }
0x14: {  	s2 =	sld [smem:$0x3F93];
	s0 =	simm.s32 @p1 $0x1  }
0x15: {  	[smem:$0x3FB0] =	sst s0;
	s0 =	simm.s32 @!p2 $0x0  }
0x16: {  	s3 =	sld [smem:$0x3FDB];
	s0 =	simm.s32 @p2 $0x1  }
0x17: {  	s4 =	simm.s32 $0x1BF5;
	[smem:$0x3FB2] =	sst s0  }
0x18: {  	s0 =	sld [smem:$0x3F95];
	_ =	swait.ge [sflag:s4], $0x0  }
0x19: {  	s7 =	sld [smem:$0x3F96]  }
0x1a: {  	s8 =	sadd.s32 $0xFFFFE003, lr  }
0x1b: {  	s9 =	sadd.s32 $0xFFFFFEF7, lr;
	s5 =	simm.s32 $0xFFFFFFFF;
	p2 =	slt.u32 s8, $0xFFFFF086  }
0x1c: {  	p1 =	slt.u32 s9, $0xF7A;
	s5 =	simm.s32 @!p2 $0x0  }
0x1d: {  	s5 =	simm.s32 @p1 $0x1;
	p0 =	seq.s32 s7, s2  }
0x1e: {  	s7 =	smul.u32 @!p0 $0xF7A, s2;
	p2 =	seq.s32 @!p0 s5, $0x0  }
0x1f: {  	s9 =	smul.u32 $0xF7A, s1;
	s8 =	simm.s32 @!p0 $0x1BF5;
	p2 =	por !p2, p0  }
0x20: {  	[sflag:s8] =	ssyncset.s32 @!p0 $0xFFFFF086;
	s6 =	sadd.s32 @!p0 s3, s7;
	s7 =	simm.s32 @!p0 $0x108  }
0x21: {  	s3 =	sadd.s32 s3, s9;
	s6 =	sadd.s32 @!p0 $0x88, s6;
	s7 =	simm.s32 @p2 $0x1082  }
0x22: {  	[simem:s7], [sflag:s8] =	dma.local @!p0 [hbm:s6], $0xF7A  }
0x23: {  	s9 =	sor.u32 $0xD0000000, s2;
	s6 =	simm.s32 $0x108;
	_ =	swait.ge @!p0 [sflag:s8], $0x0  }
0x24: {  	s3 =	sadd.s32 $0x88, s3;
	s6 =	simm.s32 @!p1 $0x1082;
	[sflag:s4] =	ssyncset.s32 $0xFFFFF086  }
0x25: {  	[simem:s6], [sflag:s4] =	dma.local [hbm:s3], $0xF7A  }
0x26: {  	[smem:$0x3F96] =	sst s1;
	(tag) =	ssettag s2;
	_ =	strace s9  }
0x27: {  	s1 =	sld [smem:$0x3FA6]  }
0x28: {  	s2 =	sld [smem:$0x3FA7]  }
0x29: {  	s4 =	sld [smem:$0x3FA9]  }
0x2a: {  	p0 =	seq.s32 s5, $0x0;
	s5 =	sld [smem:$0x3FAA]  }
0x2b: {  	s6 =	sld [smem:$0x3FAB]  }
0x2c: {  	s7 =	sld [smem:$0x3FAC]  }
0x2d: {  	s3 =	simm.s32 $0x108;
	s8 =	sld [smem:$0x3FAD]  }
0x2e: {  	s3 =	simm.s32 @!p0 $0x1082;
	s9 =	sld [smem:$0x3FAE]  }
0x2f: {  	lr =	sadd.s32 s0, s3;
	s0 =	sld [smem:$0x3FA5]  }
0x30: {  	s3 =	sld [smem:$0x3FA8]  }
0x31: {  	[smem:$0x3FB1] =	sst s10  }
0x32: {  	s10 =	sld [smem:$0x3FAF];
	_ =	sdelay $0x3  }
0x33: {  	p0 =	seq.s32 s10, $0x1;
	s10 =	sld [smem:$0x3FB1];
	_ =	sdelay $0x3  }
0x34: {  	[smem:$0x3FB1] =	sst s10  }
0x35: {  	s10 =	sld [smem:$0x3FB0];
	_ =	sdelay $0x3  }
0x36: {  	p1 =	seq.s32 s10, $0x1;
	s10 =	sld [smem:$0x3FB1];
	_ =	sdelay $0x3  }
0x37: {  	[smem:$0x3FB1] =	sst s10  }
0x38: {  	s10 =	sld [smem:$0x3FB2]  }
0x39: {  	_ = 	snop;
	(pc) =	sbr.ind lr, $3  }
0x3a: {  	_ = 	snop  }
0x3b: {  	_ = 	snop  }
0x3c: {  	p2 =	seq.s32 s10, $0x1;
	s10 =	sld [smem:$0x3FB1]  }
0x3d: {  	_ =	shalt  }
0x3e: {  	_ =	shalt  }
0x3f: {  	_ =	shalt  }
0x40: {  	_ =	shalt  }
0x41: {  	_ =	shalt  }
0x42: {  	_ =	shalt  }
0x43: {  	_ =	shalt  }
0x44: {  	_ =	shalt  }
0x45: {  	_ =	shalt  }
0x46: {  	_ =	shalt  }
0x47: {  	_ =	shalt  }
0x48: {  	_ =	shalt  }
0x49: {  	_ =	shalt  }
0x4a: {  	_ =	shalt  }
0x4b: {  	_ =	shalt  }
0x4c: {  	_ =	shalt  }
0x4d: {  	_ =	shalt  }
0x4e: {  	_ =	shalt  }
0x4f: {  	_ =	shalt  }
0x50: {  	_ =	shalt  }
0x51: {  	_ =	shalt  }
0x52: {  	_ =	shalt  }
0x53: {  	_ =	shalt  }
0x54: {  	_ =	shalt  }
0x55: {  	_ =	shalt  }
0x56: {  	_ =	shalt  }
0x57: {  	_ =	shalt  }
0x58: {  	_ =	shalt  }
0x59: {  	_ =	shalt  }
0x5a: {  	_ =	shalt  }
0x5b: {  	_ =	shalt  }
0x5c: {  	_ =	shalt  }
0x5d: {  	_ =	shalt  }
0x5e: {  	_ =	shalt  }
0x5f: {  	_ =	shalt  }
0x60: {  	_ =	shalt  }
0x61: {  	_ =	shalt  }
0x62: {  	_ =	shalt  }
0x63: {  	_ =	shalt  }
0x64: {  	_ =	shalt  }
0x65: {  	_ =	shalt  }
0x66: {  	_ =	shalt  }
0x67: {  	_ =	shalt  }
0x68: {  	_ =	shalt  }
0x69: {  	_ =	shalt  }
0x6a: {  	_ =	shalt  }
0x6b: {  	_ =	shalt  }
0x6c: {  	_ =	shalt  }
0x6d: {  	_ =	shalt  }
0x6e: {  	_ =	shalt  }
0x6f: {  	_ =	shalt  }
0x70: {  	_ =	shalt  }
0x71: {  	_ =	shalt  }
0x72: {  	_ =	shalt  }
0x73: {  	_ =	shalt  }
0x74: {  	_ =	shalt  }
0x75: {  	_ =	shalt  }
0x76: {  	_ =	shalt  }
0x77: {  	_ =	shalt  }
0x78: {  	_ =	shalt  }
0x79: {  	_ =	shalt  }
0x7a: {  	_ =	shalt  }
0x7b: {  	_ =	shalt  }
0x7c: {  	_ =	shalt  }
0x7d: {  	_ =	shalt  }
0x7e: {  	_ =	shalt  }
0x7f: {  	_ =	shalt  }
0x80: {  	_ =	shalt  }
0x81: {  	_ =	shalt  }
0x82: {  	_ =	shalt  }
0x83: {  	_ =	shalt  }
0x84: {  	_ =	shalt  }
0x85: {  	_ =	shalt  }
0x86: {  	_ =	shalt  }
0x87: {  	_ =	shalt  }
.Lfunc_end0:
.L_simem_size_0:
called_computation.1_lowered:
.L_overlay_start_0:
0x88: {  	s2 =	sld [smem:$0x3FD9]  }
0x89: {  	s3 =	sld [smem:$0x3FFE];
	_ =	sdelay $0x1  }
0x8a: {  	s1 =	srdreg.scid  }
0x8b: {  	s0 =	sand.u32 $0x1, s1  }
0x8c: {  	s17 =	sshll.u32 s0, $0xA;
	s2 =	sadd.s32 s3, s2  }
0x8d: {  	s2 =	sadd.s32 s2, s17  }
0x8e: {  	[smem:$0x3FBD] =	sst s2  }
0x8f: {  	_ = 	snop  }
0x90: {  	s2 =	sld [smem:$0x3FC9]  }
0x91: {  	s18 =	sld [smem:$0x3FC8]  }
0x92: {  	s4 =	sld [smem:$0x3FBF]  }
0x93: {  	s5 =	sld [smem:$0x3FD0];
	(tm) =	ssettm $0x1  }
0x94: {  	s6 =	sld [smem:$0x3FFB];
	_ =	sdelay $0x3  }
0x95: {  	_ =	strace s6  }
0x96: {  	s6 =	sld [smem:$0x3FFC];
	_ =	sdelay $0x3  }
0x97: {  	_ =	strace s6  }
0x98: {  	s6 =	sld [smem:$0x3FFD];
	_ =	sdelay $0x3  }
0x99: {  	_ =	strace s6  }
0x9a: {  	_ =	strace $0x8FFFFFFF  }
0x9b: {  	s19 =	sld [smem:$0x3FDB];
	_ =	sdelay $0x1  }
0x9c: {  	s7 =	simm.s32 $_scs_section_size  }
0x9d: {  	s8 =	simm.s32 $_size__tile_overlayer_lowered;
	s9 =	simm.s32 $_tile_overlayer_lowered  }
0x9e: {  	s22 =	simm.s32 $0x1BFF;
	s21 =	sshll.u32 s9, $0x1;
	s6 =	sadd.s32 s7, s19  }
0x9f: {  	s10 =	simm.s32 $0x0;
	s20 =	sshll.u32 s8, $0x1;
	s8 =	sadd.s32 s21, s6  }
0xa0: {  	[timem:s10], [sflag:s22] =	dma.local [hbm:s8], s20  }
0xa1: {  	_ =	swait.ge [sflag:s22], s20  }
0xa2: {  	s7 =	ssub.s32 $0x0, s20;
	[sflag:s22] =	ssyncset.done $0x0  }
0xa3: {  	[sflag:s22] =	ssyncadd.s32 s7;
	_ =	sdelay $0x1  }
0xa4: {  	s23 =	simm.s32 $0x1B8B  }
0xa5: {  	_ =	swait.ge [sflag:s23], $0x1  }
0xa6: {  	[sflag:s23] =	ssyncset.done $0x0  }
0xa7: {  	s25 =	simm.s32 $0x1B8E;
	s24 =	sld [smem:$0x3FFE];
	[sflag:s23] =	ssyncadd.s32 $0xFFFFFFFF  }
0xa8: {  	s26 =	simm.s32 $execute0_lowered;
	[smem:$0x3FD2] =	sst s25  }
0xa9: {  	s8 =	sshll.u32 s26, $0x1;
	_ =	strace $0x80000049;
	[dreg:$0x1] =	wrdreg $0xFFFFFFFF  }
0xaa: {  	s28 =	simm.s32 $_size_execute0_lowered;
	s6 =	sadd.s32 s6, s8;
	[dreg:$0x0] =	wrdreg $0x0  }
0xab: {  	s8 =	sshll.u32 s28, $0x1;
	[dreg:$0x2] =	wrdreg s6  }
0xac: {  	[dreg:$0x3] =	wrdreg s8  }
0xad: {  	[dreg:$0x4] =	wrdreg $0xC0  }
0xae: {  	_ =	task [dreg:s10], $0x5FFFF  }
0xaf: {  	[dreg:$0x1] =	wrdreg $0xFFFFFFFF  }
0xb0: {  	[dreg:$0x0] =	wrdreg $0x60  }
0xb1: {  	[dreg:$0x2] =	wrdreg s2  }
0xb2: {  	[dreg:$0x3] =	wrdreg s18  }
0xb3: {  	[dreg:$0x4] =	wrdreg s24  }
0xb4: {  	[dreg:$0x5] =	wrdreg s4  }
0xb5: {  	[dreg:$0x6] =	wrdreg s5  }
0xb6: {  	[dreg:$0x7] =	wrdreg $0x9  }
0xb7: {  	_ =	task.clear_ibuf [dreg:s10], $0x8FFFF;
	_ =	strace $0x90000049  }
0xb8: {  	s29 =	simm.s32 $0x9;
	_ =	strace $0x8000004B  }
0xb9: {  	_ =	swait.ge [sflag:s29], $0x1  }
0xba: {  	[sflag:s29] =	ssyncadd.s32 $0xFFFFFFFF  }
0xbb: {  	_ =	strace $0x9000004B  }
0xbc: {  	_ =	sfence  }
0xbd: {  	s30 =	sld [smem:$0x0];
	_ =	sdelay $0x2  }
0xbe: {  	s31 =	sshll.u32 s1, $0xD;
	s1 =	sshrl.u32 s1, $0x2  }
0xbf: {  	s3 =	sand.u32 $0x4000, s31;
	s1 =	sadd.s32 s1, s30  }
0xc0: {  	s0 =	sor.u32 s3, s0;
	s1 =	sshll.u32 s1, $0x11  }
0xc1: {  	s0 =	sor.u32 s1, s0  }
0xc2: {  	s0 =	sadd.s32 $0x8F2B, s0  }
0xc3: {  	[sflag:s0] =	ssyncadd.remote.s32 $0x1  }
0xc4: {  	_ =	sfence.sel $0xFFFF  }
0xc5: {  	[dreg:$0x0] =	wrdreg $0xFFFFFFFF;
	(pc) =	sbr.abs _section_cstart, $3  }
0xc6: {  	[dreg:$0x1] =	wrdreg $0xFFFFFFFF  }
0xc7: {  	_ =	task.clear_ibuf [dreg:s10], $0x2FFFF;
	_ =	strace $0x9FFFFFFF  }
0xc8: {  	(tm) =	ssettm $0x7FFFFFFF  }
0xc9: {  	_ =	shalt  }
tec
execute0_lowered:
.L_overlay_start_1:
0x0: {  	(tag) =	ssettag $0x1  }
0x1: {  	s3 =	rddreg [dreg:$0x0]  }
0x2: {  	s6 =	rddreg [dreg:$0x1]  }
0x3: {  	s12 =	rddreg [dreg:$0x2]  }
0x4: {  	s4 =	rddreg [dreg:$0x3];
	s2 =	srdreg.scid  }
0x5: {  	s9 =	rddreg [dreg:$0x4];
	s1 =	stileid.u32;
	s22 =	sand.u32 $0x1, s2  }
0x6: {  	s2 =	simm.s32 $0x0;
	s5 =	sshll.u32 s1, $0x5;
	s7 =	sshll.u32 s22, $0x4  }
0x7: {  	[smem:$0x7FF] =	sst s2;
	s23 =	sor.u32 s7, s5  }
0x8: {  	s0 =	rddreg [dreg:$0x5];
	_ =	strace $0x8000004A;
	s5 =	sadd.s32 s3, s23  }
0x9: {  	[tilespmem:s2], [sflag:$0x1] =	stream.linear.gather [hbm4b:s5+s2], $0x80, $0x38;
	[tilespmem:$0x290] =	vst v63  }
0xa: {  	s7 =	simm.s32 $0x80;
	s30 =	sadd.s32 s23, s12;
	s6 =	sadd.s32 s6, s23  }
0xb: {  	[tilespmem:s7], [sflag:$0x2] =	stream.linear.gather [hbm4b:s6+s2], $0x80, $0x38;
	[tilespmem:$0x290] =	vst v63  }
0xc: {  	s3 =	simm.s32 $0x100;
	s8 =	sadd.s32 $0x3C00, s30  }
0xd: {  	[tilespmem:s3], [sflag:$0x3] =	stream.linear.gather [hbm4b:s8+s2], $0x80, $0x38;
	[tilespmem:$0x290] =	vst v63  }
0xe: {  	s10 =	simm.s32 $0x280;
	s11 =	simm.s32 $0x1  }
0xf: {  	[tilespmem:s10], [sflag:$0x6] =	stream.linear.gather [hbm4b:s4+s2], $0x1, $0x38;
	[tilespmem:$0x290] =	vst v63  }
0x10: {  	_ =	swait.ge [sflag:s11], $0x80  }
0x11: {  	s14 =	simm.s32 $0x180;
	[sflag:s11] =	ssyncset.done $0x0  }
0x12: {  	s15 =	simm.s32 $0x2;
	s13 =	sadd.s32 $0x3E00, s12;
	[sflag:s11] =	ssyncadd.s32 $0xFFFFFF80  }
0x13: {  	[tilespmem:s14], [sflag:$0x4] =	stream.indirect.gather [hbm4b:s13+s7], $0x1, s2, s7, $0xb8;
	[tilespmem:$0x290] =	vst v63  }
0x14: {  	_ =	swait.ge [sflag:s15], $0x80  }
0x15: {  	s17 =	simm.s32 $0x200;
	[sflag:s15] =	ssyncset.done $0x0  }
0x16: {  	s18 =	simm.s32 $0x3;
	s16 =	sadd.s32 $0x7000, s12;
	[sflag:s15] =	ssyncadd.s32 $0xFFFFFF80  }
0x17: {  	[tilespmem:s17], [sflag:$0x5] =	stream.indirect.gather [hbm4b:s16+s7], $0x1, s7, s7, $0xb8;
	[tilespmem:$0x290] =	vst v63  }
0x18: {  	_ =	swait.ge [sflag:s18], $0x80  }
0x19: {  	[sflag:s18] =	ssyncset.done $0x0  }
0x1a: {  	s19 =	simm.s32 $0x4;
	[sflag:s18] =	ssyncadd.s32 $0xFFFFFF80  }
0x1b: {  	_ =	swait.ge [sflag:s19], $0x80  }
0x1c: {  	[sflag:s19] =	ssyncset.done $0x0  }
0x1d: {  	s20 =	simm.s32 $0x5;
	[sflag:s19] =	ssyncadd.s32 $0xFFFFFF80  }
0x1e: {  	_ =	swait.ge [sflag:s20], $0x80  }
0x1f: {  	[sflag:s20] =	ssyncset.done $0x0  }
0x20: {  	s21 =	simm.s32 $0x6;
	[sflag:s20] =	ssyncadd.s32 $0xFFFFFF80  }
0x21: {  	_ =	swait.ge [sflag:s21], $0x1  }
0x22: {  	[sflag:s21] =	ssyncset.done $0x0  }
0x23: {  	[sflag:s21] =	ssyncadd.s32 $0xFFFFFFFF  }
0x24: {  	v1 =	vld [tilespmem:$0x240]  }
0x25: {  	v5 =	vld [tilespmem:$0x260]  }
0x26: {  	s31 =	ssub.s32 $0x2, s22;
	v2 =	vld [tilespmem:$0x1C0]  }
0x27: {  	s22 =	sshrl.u32 s31, $0x1;
	v4 =	vld [tilespmem:$0x230]  }
0x28: {  	s12 =	ssub.s32 s31, s22;
	v3 =	vld [tilespmem:$0x140]  }
0x29: {  	s22 =	smax.u32 s12, $0x1;
	v0 =	vld.msk [tilespmem:s10+$0x0], $0xffff  }
0x2a: {  	p0 =	sne.s32 s22, $0x1;
	v7 =	vld [tilespmem:$0x1F0]  }
.Ltmp0:
0x2b: {  	v8 =	vld [tilespmem:$0x170];
	(pc) =	sbr.rel @!p0 .LBB2_2-.Ltmp0, $4  }
0x2c: {  	v9 =	vld [tilespmem:$0x1D0]  }
0x2d: {  	v10 =	vld [tilespmem:$0x1E0]  }
0x2e: {  	v6 =	vld [tilespmem:$0x190]  }
0x2f: {  	s12 =	sadd.s32 s9, s23;
	s9 =	simm.s32 $0x7;
	s22 =	sadd.s32 $0xFFFFFFFF, s22;
	v11 =	vld [tilespmem:$0x150]  }
.LBB2_1:
0x30: {  	p0 =	sne.s32 s22, $0x1;
	s22 =	sadd.s32 $0xFFFFFFFF, s22;
	v12 =	vld [tilespmem:$0x1B0]  }
0x31: {  	v13 =	vld [tilespmem:$0x160]  }
0x32: {  	v14 =	vld [tilespmem:$0x130]  }
0x33: {  	v15 =	vld [tilespmem:$0x1A0]  }
0x34: {  	v16 =	vld [tilespmem:$0x100]  }
0x35: {  	v17 =	vld [tilespmem:$0x110]  }
0x36: {  	v9 =	vadd.f32 v9, v11;
	v18 =	vld [tilespmem:$0x180];
	v10 =	vadd.f32 v10, v13  }
0x37: {  	v11 =	vld [tilespmem:$0x120];
	v12 =	vadd.f32 v12, v14  }
0x38: {  	v7 =	vadd.f32 v7, v8;
	v13 =	vld [tilespmem:$0x250];
	v5 =	vadd.f32 v5, v10  }
0x39: {  	v8 =	vld [tilespmem:$0x200];
	v4 =	vadd.f32 v4, v12  }
0x3a: {  	v5 =	vadd.f32 v5, v0;
	v10 =	vld [tilespmem:$0x270]  }
0x3b: {  	v2 =	vadd.f32 v2, v3;
	v12 =	vadd.f32 v18, v16;
	v14 =	vld [tilespmem:$0x220]  }
0x3c: {  	v4 =	vadd.f32 v4, v0;
	v3 =	vadd.f32 v15, v11;
	[tilespmem:$0x160] =	vst v5  }
0x3d: {  	v5 =	vadd.f32 v6, v17;
	v6 =	vld [tilespmem:$0x210];
	v9 =	vadd.f32 v13, v9  }
0x3e: {  	v1 =	vadd.f32 v1, v2;
	v8 =	vadd.f32 v8, v12;
	[tilespmem:$0x130] =	vst v4  }
0x3f: {  	v2 =	vadd.f32 v9, v0;
	v4 =	vadd.f32 v10, v7  }
0x40: {  	v1 =	vadd.f32 v1, v0;
	v3 =	vadd.f32 v14, v3  }
0x41: {  	v7 =	vadd.f32 v8, v0;
	[tilespmem:$0x150] =	vst v2;
	v2 =	vadd.f32 v4, v0  }
0x42: {  	v4 =	vadd.f32 v6, v5;
	v3 =	vadd.f32 v3, v0;
	[tilespmem:$0x140] =	vst v1  }
0x43: {  	[tilespmem:$0x100] =	vst v7  }
0x44: {  	v0 =	vadd.f32 v4, v0;
	[tilespmem:$0x120] =	vst v3  }
0x45: {  	[tilespmem:$0x170] =	vst v2  }
0x46: {  	[tilespmem:$0x110] =	vst v0  }
0x47: {  	[hbm4b:s12+s2] =	stream.linear.scatter [tilespmem:s3], [sflag:$0x7], $0x80, $0x38;
	[tilespmem:$0x290] =	vst v63  }
0x48: {  	_ =	swait.ge [sflag:s9], $0x80  }
0x49: {  	[sflag:s9] =	ssyncset.done $0x0  }
0x4a: {  	[sflag:s9] =	ssyncadd.s32 $0xFFFFFF80  }
0x4b: {  	[tilespmem:s2], [sflag:$0x1] =	stream.linear.gather [hbm4b:s5+s2], $0x80, $0x38;
	[tilespmem:$0x290] =	vst v63  }
0x4c: {  	_ = 	snop  }
0x4d: {  	[tilespmem:s7], [sflag:$0x2] =	stream.linear.gather [hbm4b:s6+s2], $0x80, $0x38;
	[tilespmem:$0x290] =	vst v63  }
0x4e: {  	_ = 	snop  }
0x4f: {  	[tilespmem:s3], [sflag:$0x3] =	stream.linear.gather [hbm4b:s8+s2], $0x80, $0x38;
	[tilespmem:$0x290] =	vst v63  }
0x50: {  	_ = 	snop  }
0x51: {  	[tilespmem:s10], [sflag:$0x6] =	stream.linear.gather [hbm4b:s4+s2], $0x1, $0x38;
	[tilespmem:$0x290] =	vst v63  }
0x52: {  	_ =	swait.ge [sflag:s11], $0x80  }
0x53: {  	[sflag:s11] =	ssyncset.done $0x0  }
0x54: {  	[sflag:s11] =	ssyncadd.s32 $0xFFFFFF80  }
0x55: {  	[tilespmem:s14], [sflag:$0x4] =	stream.indirect.gather [hbm4b:s13+s7], $0x1, s2, s7, $0xb8;
	[tilespmem:$0x290] =	vst v63  }
0x56: {  	_ =	swait.ge [sflag:s15], $0x80  }
0x57: {  	[sflag:s15] =	ssyncset.done $0x0  }
0x58: {  	[sflag:s15] =	ssyncadd.s32 $0xFFFFFF80  }
0x59: {  	[tilespmem:s17], [sflag:$0x5] =	stream.indirect.gather [hbm4b:s16+s7], $0x1, s7, s7, $0xb8;
	[tilespmem:$0x290] =	vst v63  }
0x5a: {  	_ =	swait.ge [sflag:s18], $0x80  }
0x5b: {  	[sflag:s18] =	ssyncset.done $0x0  }
0x5c: {  	[sflag:s18] =	ssyncadd.s32 $0xFFFFFF80  }
0x5d: {  	_ =	swait.ge [sflag:s19], $0x80  }
0x5e: {  	[sflag:s19] =	ssyncset.done $0x0  }
0x5f: {  	[sflag:s19] =	ssyncadd.s32 $0xFFFFFF80  }
0x60: {  	_ =	swait.ge [sflag:s20], $0x80  }
0x61: {  	[sflag:s20] =	ssyncset.done $0x0  }
0x62: {  	[sflag:s20] =	ssyncadd.s32 $0xFFFFFF80  }
0x63: {  	_ =	swait.ge [sflag:s21], $0x1  }
0x64: {  	[sflag:s21] =	ssyncset.done $0x0  }
0x65: {  	[sflag:s21] =	ssyncadd.s32 $0xFFFFFFFF  }
0x66: {  	v1 =	vld [tilespmem:$0x240]  }
0x67: {  	v5 =	vld [tilespmem:$0x260]  }
0x68: {  	v2 =	vld [tilespmem:$0x1C0]  }
0x69: {  	v4 =	vld [tilespmem:$0x230]  }
0x6a: {  	v3 =	vld [tilespmem:$0x140]  }
0x6b: {  	v0 =	vld.msk [tilespmem:s10+$0x0], $0xffff  }
0x6c: {  	v7 =	vld [tilespmem:$0x1F0]  }
.Ltmp1:
0x6d: {  	v8 =	vld [tilespmem:$0x170];
	(pc) =	sbr.rel @p0 .LBB2_1-.Ltmp1, $4  }
0x6e: {  	v9 =	vld [tilespmem:$0x1D0]  }
0x6f: {  	v10 =	vld [tilespmem:$0x1E0]  }
0x70: {  	v6 =	vld [tilespmem:$0x190]  }
0x71: {  	v11 =	vld [tilespmem:$0x150]  }
.LBB2_2:
0x72: {  	v12 =	vld [tilespmem:$0x1B0]  }
0x73: {  	v13 =	vld [tilespmem:$0x160]  }
0x74: {  	v14 =	vld [tilespmem:$0x130]  }
0x75: {  	v15 =	vld [tilespmem:$0x1A0]  }
0x76: {  	v16 =	vld [tilespmem:$0x100]  }
0x77: {  	v17 =	vld [tilespmem:$0x180]  }
0x78: {  	v50 =	vld [tilespmem:$0x120]  }
0x79: {  	v51 =	vld [tilespmem:$0x250];
	v2 =	vadd.f32 v2, v3  }
0x7a: {  	v55 =	vld [tilespmem:$0x270]  }
0x7b: {  	v18 =	vld [tilespmem:$0x110];
	v1 =	vadd.f32 v1, v2  }
0x7c: {  	v7 =	vadd.f32 v7, v8;
	v9 =	vadd.f32 v9, v11  }
0x7d: {  	v1 =	vadd.f32 v1, v0;
	v10 =	vadd.f32 v10, v13  }
0x7e: {  	v52 =	vld [tilespmem:$0x200];
	v12 =	vadd.f32 v12, v14;
	v53 =	vadd.f32 v17, v16  }
0x7f: {  	v54 =	vld [tilespmem:$0x220];
	v56 =	vadd.f32 v15, v50;
	v60 =	vadd.f32 v55, v7  }
0x80: {  	v57 =	vld [tilespmem:$0x210];
	v6 =	vadd.f32 v6, v18;
	v9 =	vadd.f32 v51, v9  }
0x81: {  	v5 =	vadd.f32 v5, v10;
	v62 =	vadd.f32 v60, v0  }
0x82: {  	[tilespmem:$0x140] =	vst v1;
	v4 =	vadd.f32 v4, v12;
	v59 =	vadd.f32 v9, v0  }
0x83: {  	v58 =	vadd.f32 v52, v53;
	v5 =	vadd.f32 v5, v0;
	[tilespmem:$0x170] =	vst v62  }
0x84: {  	v3 =	vadd.f32 v54, v56;
	v4 =	vadd.f32 v4, v0;
	[tilespmem:$0x150] =	vst v59  }
0x85: {  	v61 =	vadd.f32 v57, v6;
	v2 =	vadd.f32 v58, v0;
	[tilespmem:$0x160] =	vst v5  }
0x86: {  	v3 =	vadd.f32 v3, v0;
	[tilespmem:$0x130] =	vst v4  }
0x87: {  	v63 =	vadd.f32 v61, v0;
	[tilespmem:$0x100] =	vst v2  }
0x88: {  	[tilespmem:$0x120] =	vst v3  }
0x89: {  	[tilespmem:$0x110] =	vst v63  }
0x8a: {  	[hbm4b:s12+s2] =	stream.linear.scatter [tilespmem:s3], [sflag:$0x7], $0x80, $0x38;
	[tilespmem:$0x290] =	vst v63  }
0x8b: {  	_ =	swait.ge [sflag:s9], $0x80  }
0x8c: {  	[sflag:s9] =	ssyncset.done $0x0  }
0x8d: {  	[sflag:s9] =	ssyncadd.s32 $0xFFFFFF80  }
0x8e: {  	_ =	sfence.sel $0x180000  }
0x8f: {  	[bflag:$0x0] =	sbarrier.arrive $0xFFFF  }
0x90: {  	p0 =	sne.s32 s1, $0x0;
	_ =	strace $0x9000004A  }
0x91: {  	s0 =	sadd.s32 @!p0 $0x100000, s0;
	[bflag:$0x2] =	sbarrier.arrive $0xFFFF  }
0x92: {  	[sflag:s0] =	ssyncadd.tile.s32 @!p0 $0x1;
	_ =	shalt  }
.Lfunc_end2:
_tile_overlayer_lowered:
.L_overlay_start_2:
0x93: {  	(tag) =	ssettag $0x2  }
0x94: {  	s0 =	rddreg [dreg:$0x0];
	s2 =	stileid.u32  }
0x95: {  	s1 =	rddreg [dreg:$0x1];
	p0 =	sne.s32 s2, $0x0  }
0x96: {  	s3 =	rddreg [dreg:$0x2];
	[bflag:$0x3] =	sbarrier.arrive $0xFFFF;
	s2 =	simm.s32 @!p0 $0x1C07  }
0x97: {  	[timem:s3], [sflag:s2] =	dma.local @!p0 [hbm:s0], s1  }
0x98: {  	s0 =	simm.s32 @!p0 $0x7  }
0x99: {  	_ =	swait.ge @!p0 [sflag:s0], s1  }
0x9a: {  	s1 =	ssub.s32 @!p0 $0x0, s1;
	[sflag:s0] =	ssyncset.done @!p0 $0x0  }
0x9b: {  	[sflag:s0] =	ssyncadd.s32 @!p0 s1  }
0x9c: {  	[bflag:$0x3] =	sbarrier.arrive $0xFFFF  }
0x9d: {  	_ =	shalt  }

</sc_bundles>
